<compile_context>
chip_gen: v7x
topology: tpu7x:2x2x1
jax: 0.10.2.dev20260603
libtpu: 0.0.44.dev20260713+nightly
codegen_flags: <defaults>
</compile_context>

<pallas_src>
import functools

import jax
import jax.numpy as jnp
from jax import lax
from jax.experimental import pallas as pl
from jax.experimental.pallas import tpu as pltpu
from jax.experimental.pallas import tpu_sc as plsc

N = 10000
NP = 10240
E = 320000
D = 128
NC = 2
NS = 16
NW = NC * NS
EPW = 10240
EPAD = NW * EPW
CH = 64
NCH = EPW // CH
IB = 8
NG = NCH // IB
RPT = NP // NS
ZR = 128

f32 = jnp.float32


def _sc_agg(h, z, src3, dst3):
    mesh = plsc.VectorSubcoreMesh(core_axis_name="c", subcore_axis_name="s",
                                  num_cores=NC, num_subcores=NS)

    @functools.partial(
        pl.kernel,
        out_type=jax.ShapeDtypeStruct((NC, NP, D), f32),
        mesh=mesh,
        scratch_types=[
            pltpu.VMEM((2, IB, CH), jnp.int32),
            pltpu.VMEM((2, IB, CH), jnp.int32),
            pltpu.VMEM((4 * CH, D), f32),
            pltpu.VMEM_SHARED((NP, D), f32),
            pltpu.SemaphoreType.DMA,
            pltpu.SemaphoreType.DMA,
            pltpu.SemaphoreType.DMA,
            pltpu.SemaphoreType.DMA,
            pltpu.SemaphoreType.DMA,
        ],
    )
    def run(h_hbm, z_hbm, src_hbm, dst_hbm, sums_hbm, src_v, dst_v, rows_v,
            acc, sem_g, sem_s0, sem_s1, sem_s2, sem_s3):
        bufs = tuple(rows_v.at[pl.ds(b * CH, CH)] for b in range(4))
        sem_s = (sem_s0, sem_s1, sem_s2, sem_s3)
        cid = lax.axis_index("c")
        sid = lax.axis_index("s")
        wid = cid * NS + sid
        base = sid * RPT

        pltpu.sync_copy(z_hbm.at[pl.ds(base, RPT)], acc.at[pl.ds(base, RPT)])
        plsc.subcore_barrier()

        def drain_scatter(par):
            pltpu.make_async_copy(
                z_hbm.at[pl.ds(0, CH)],
                rows_v.at[pl.ds(par * CH, CH)],
                sem_s[par]).wait()

        def drain_gather(par):
            pltpu.make_async_copy(
                z_hbm.at[pl.ds(0, CH)],
                rows_v.at[pl.ds(par * CH, CH)],
                sem_g).wait()

        pltpu.sync_copy(src_hbm.at[wid, pl.ds(0, IB)], src_v.at[0])
        pltpu.sync_copy(dst_hbm.at[wid, pl.ds(0, IB)], dst_v.at[0])
        pltpu.async_copy(h_hbm.at[src_v.at[0, 0]], bufs[0], sem_g)

        def group(g, carry):
            rp = lax.rem(g, 2)
            rn = lax.rem(g + 1, 2)

            @pl.when(g + 1 < NG)
            def _():
                pltpu.sync_copy(src_hbm.at[wid, pl.ds((g + 1) * IB, IB)],
                                src_v.at[rn])
                pltpu.sync_copy(dst_hbm.at[wid, pl.ds((g + 1) * IB, IB)],
                                dst_v.at[rn])
            for j in range(IB):
                par = j % 4
                nxt = (j + 1) % 4
                t = g * IB + j

                @pl.when(t >= 3)
                def _():
                    drain_scatter(nxt)

                @pl.when(t + 1 < NCH)
                def _():
                    if j == IB - 1:
                        pltpu.async_copy(h_hbm.at[src_v.at[rn, 0]],
                                         bufs[nxt], sem_g)
                    else:
                        pltpu.async_copy(h_hbm.at[src_v.at[rp, j + 1]],
                                         bufs[nxt], sem_g)

                drain_gather(par)
                pltpu.async_copy(bufs[par], acc.at[dst_v.at[rp, j]],
                                 sem_s[par], add=True)
            return carry
        lax.fori_loop(0, NG, group, 0)

        for c in range(NCH - 3, NCH):
            drain_scatter(c % 4)

        plsc.subcore_barrier()

        for k in range(RPT // ZR):
            r0 = base + k * ZR
            pltpu.sync_copy(acc.at[pl.ds(r0, ZR)], sums_hbm.at[cid, pl.ds(r0, ZR)])

    return run(h, z, src3, dst3)


def _sc_cnt(z, dst3):
    mesh = plsc.VectorSubcoreMesh(core_axis_name="c", subcore_axis_name="s",
                                  num_cores=NC, num_subcores=NS)

    @functools.partial(
        pl.kernel,
        out_type=jax.ShapeDtypeStruct((NC, NP, D), f32),
        mesh=mesh,
        scratch_types=[
            pltpu.VMEM((2, IB, CH), jnp.int32),
            pltpu.VMEM((CH, D), f32),
            pltpu.VMEM_SHARED((NP, D), f32),
            pltpu.SemaphoreType.DMA,
        ],
    )
    def run(z_hbm, dst_hbm, cnts_hbm, dst_v, ones_v, c_acc, sem_s):
        cid = lax.axis_index("c")
        sid = lax.axis_index("s")
        wid = cid * NS + sid
        base = sid * RPT

        def orow(i, carry):
            for k in range(D // 16):
                ones_v[i, pl.ds(k * 16, 16)] = jnp.ones((16,), f32)
            return carry
        lax.fori_loop(0, CH, orow, 0)

        pltpu.sync_copy(z_hbm.at[pl.ds(base, RPT)], c_acc.at[pl.ds(base, RPT)])
        plsc.subcore_barrier()

        pltpu.sync_copy(dst_hbm.at[wid, pl.ds(0, IB)], dst_v.at[0])

        def group(g, carry):
            rp = lax.rem(g, 2)
            rn = lax.rem(g + 1, 2)

            @pl.when(g >= 1)
            def _():
                for _j in range(IB):
                    pltpu.make_async_copy(z_hbm.at[pl.ds(0, CH)], ones_v,
                                          sem_s).wait()

            @pl.when(g + 1 < NG)
            def _():
                pltpu.sync_copy(dst_hbm.at[wid, pl.ds((g + 1) * IB, IB)],
                                dst_v.at[rn])
            for j in range(IB):
                pltpu.async_copy(ones_v, c_acc.at[dst_v.at[rp, j]], sem_s,
                                 add=True)
            return carry
        lax.fori_loop(0, NG, group, 0)
        for _j in range(IB):
            pltpu.make_async_copy(z_hbm.at[pl.ds(0, CH)], ones_v,
                                  sem_s).wait()

        plsc.subcore_barrier()
        for k in range(RPT // ZR):
            r0 = base + k * ZR
            pltpu.sync_copy(c_acc.at[pl.ds(r0, ZR)], cnts_hbm.at[cid, pl.ds(r0, ZR)])

    return run(z, dst3)


R = 1024
GRID = NP // R

_ROWB = pl.BlockSpec((R, D), lambda i: (i, 0))
_FULLW = pl.BlockSpec((D, D), lambda i: (0, 0))
_ROWV = pl.BlockSpec((1, D), lambda i: (0, 0))


def _proj_body(x_ref, w_ref, b_ref, o_ref):
    o_ref[...] = jnp.maximum(
        jnp.dot(x_ref[...], w_ref[...], preferred_element_type=f32) + b_ref[...],
        0.0)


def _proj(x, W, b):
    return pl.pallas_call(
        _proj_body,
        grid=(GRID,),
        in_specs=[_ROWB, _FULLW, _ROWV],
        out_specs=_ROWB,
        out_shape=jax.ShapeDtypeStruct((NP, D), f32),
    )(x, W, b.reshape(1, D))


def _sage_compute(s_ref, c_ref, h_ref, wl_ref, bl_ref, wr_ref, g_ref, be_ref):
    s = s_ref[0] + s_ref[1]
    cnt = (c_ref[0] + c_ref[1])[:, 0:1]
    agg = s / jnp.maximum(cnt, 1.0)
    out = (jnp.dot(agg, wl_ref[...], preferred_element_type=f32) + bl_ref[...]
           + jnp.dot(h_ref[...], wr_ref[...], preferred_element_type=f32))
    mu = jnp.mean(out, axis=1, keepdims=True)
    var = jnp.mean((out - mu) ** 2, axis=1, keepdims=True)
    out = (out - mu) / jnp.sqrt(var + 1e-5) * g_ref[...] + be_ref[...]
    return jnp.maximum(out, 0.0)


def _sage_body(s_ref, c_ref, h_ref, wl_ref, bl_ref, wr_ref, g_ref, be_ref,
               o_ref):
    o_ref[...] = _sage_compute(s_ref, c_ref, h_ref, wl_ref, bl_ref, wr_ref,
                               g_ref, be_ref)


_SAGE_SPECS = [pl.BlockSpec((NC, R, D), lambda i: (0, i, 0)),
               pl.BlockSpec((NC, R, D), lambda i: (0, i, 0)),
               _ROWB, _FULLW, _ROWV, _FULLW, _ROWV, _ROWV]


def _sage(sums, cnts, h, W_l, b_l, W_r, g, be):
    return pl.pallas_call(
        _sage_body,
        grid=(GRID,),
        in_specs=_SAGE_SPECS,
        out_specs=_ROWB,
        out_shape=jax.ShapeDtypeStruct((NP, D), f32),
    )(sums, cnts, h, W_l, b_l.reshape(1, D), W_r, g.reshape(1, D),
      be.reshape(1, D))


def _head_body(s_ref, c_ref, h_ref, wl_ref, bl_ref, wr_ref, g_ref, be_ref,
               h0_ref, w1_ref, b1_ref, w2_ref, b2_ref, o_ref):
    h2 = _sage_compute(s_ref, c_ref, h_ref, wl_ref, bl_ref, wr_ref, g_ref,
                       be_ref)
    hr = h2 + h0_ref[...]
    hid = jnp.maximum(
        jnp.dot(hr, w1_ref[...], preferred_element_type=f32) + b1_ref[...], 0.0)
    o_ref[...] = jnp.dot(hid, w2_ref[...], preferred_element_type=f32) + b2_ref[...]


def _head(sums, cnts, h, W_l, b_l, W_r, g, be, h0, W1, b1, W2, b2):
    HH = D // 2
    return pl.pallas_call(
        _head_body,
        grid=(GRID,),
        in_specs=_SAGE_SPECS + [
            _ROWB,
            pl.BlockSpec((D, HH), lambda i: (0, 0)),
            pl.BlockSpec((1, HH), lambda i: (0, 0)),
            pl.BlockSpec((HH, 1), lambda i: (0, 0)),
            pl.BlockSpec((1, 1), lambda i: (0, 0))],
        out_specs=pl.BlockSpec((R, 1), lambda i: (i, 0)),
        out_shape=jax.ShapeDtypeStruct((NP, 1), f32),
    )(sums, cnts, h, W_l, b_l.reshape(1, D), W_r, g.reshape(1, D),
      be.reshape(1, D), h0, W1, b1.reshape(1, HH), W2, b2.reshape(1, 1))


def kernel(x, edge_index, W_in, b_in, W_l0, b_l0, W_r0, g0, be0,
           W_l1, b_l1, W_r1, g1, be1, W_out1, b_out1, W_out2, b_out2):
    ei = edge_index.astype(jnp.int32)
    pad_n = EPAD - E
    src3 = jnp.concatenate(
        [ei[0], jnp.zeros((pad_n,), jnp.int32)]).reshape(NW, NCH, CH)
    dst3 = jnp.concatenate(
        [ei[1], jnp.full((pad_n,), NP - 1, jnp.int32)]).reshape(NW, NCH, CH)

    x_pad = jnp.pad(x, ((0, NP - N), (0, 0)))
    z = jnp.zeros((NP, D), f32)
    h0 = _proj(x_pad, W_in, b_in)
    cnts = _sc_cnt(z, dst3)
    sums0 = _sc_agg(h0, z, src3, dst3)
    h1 = _sage(sums0, cnts, h0, W_l0, b_l0, W_r0, g0, be0)
    sums1 = _sc_agg(h1, z, src3, dst3)
    pred = _head(sums1, cnts, h1, W_l1, b_l1, W_r1, g1, be1,
                 h0, W_out1, b_out1, W_out2, b_out2)
    return pred[:N]

# --- scband reference (transcript-rebuilt; emitter-appended) ---
"""Pipeline reference for scband-spatial-gnn-67233418051658 (READ-ONLY COPY).

The authoritative reference and input builder live on the scoring server;
editing this copy changes nothing except your own understanding.
"""

import jax, jax.numpy as jnp
import numpy as np

N_NODES = 10000
N_EDGES = 320000
D = 128


def _layernorm(h, gamma, beta, eps=1e-5):
    mu = jnp.mean(h, axis=-1, keepdims=True)
    var = jnp.var(h, axis=-1, keepdims=True)
    return (h - mu) / jnp.sqrt(var + eps) * gamma + beta


def _sage_layer(h, src, dst, W_l, b_l, W_r, gamma, beta, n_nodes):
    # mean aggregation of neighbor (source) features at destination nodes
    msg = jnp.take(h, src, axis=0)
    summed = jax.ops.segment_sum(msg, dst, num_segments=n_nodes)
    cnt = jax.ops.segment_sum(jnp.ones((src.shape[0], 1), dtype=h.dtype), dst, num_segments=n_nodes)
    agg = summed / jnp.clip(cnt, 1.0, None)
    out = agg @ W_l + b_l + h @ W_r
    out = _layernorm(out, gamma, beta)
    return jax.nn.relu(out)


def setup_inputs(seed: int = 0) -> dict:
    key = jax.random.key(seed)
    ks = jax.random.split(key, 16)
    x = jax.random.normal(ks[0], (N_NODES, D), dtype=jnp.float32)
    edge_index = jax.random.randint(ks[1], (2, N_EDGES), 0, N_NODES, dtype=jnp.int64)
    s = 1.0 / np.sqrt(D)
    W_in = jax.random.normal(ks[2], (D, D), dtype=jnp.float32) * s
    b_in = jnp.zeros((D,), dtype=jnp.float32)
    W_l0 = jax.random.normal(ks[3], (D, D), dtype=jnp.float32) * s
    b_l0 = jnp.zeros((D,), dtype=jnp.float32)
    W_r0 = jax.random.normal(ks[4], (D, D), dtype=jnp.float32) * s
    g0 = jnp.ones((D,), dtype=jnp.float32)
    be0 = jnp.zeros((D,), dtype=jnp.float32)
    W_l1 = jax.random.normal(ks[5], (D, D), dtype=jnp.float32) * s
    b_l1 = jnp.zeros((D,), dtype=jnp.float32)
    W_r1 = jax.random.normal(ks[6], (D, D), dtype=jnp.float32) * s
    g1 = jnp.ones((D,), dtype=jnp.float32)
    be1 = jnp.zeros((D,), dtype=jnp.float32)
    W_out1 = jax.random.normal(ks[7], (D, D // 2), dtype=jnp.float32) * s
    b_out1 = jnp.zeros((D // 2,), dtype=jnp.float32)
    W_out2 = jax.random.normal(ks[8], (D // 2, 1), dtype=jnp.float32) * (1.0 / np.sqrt(D // 2))
    b_out2 = jnp.zeros((1,), dtype=jnp.float32)
    return {"x": x, "edge_index": edge_index, "W_in": W_in, "b_in": b_in,
            "W_l0": W_l0, "b_l0": b_l0, "W_r0": W_r0, "g0": g0, "be0": be0,
            "W_l1": W_l1, "b_l1": b_l1, "W_r1": W_r1, "g1": g1, "be1": be1,
            "W_out1": W_out1, "b_out1": b_out1, "W_out2": W_out2, "b_out2": b_out2}


def reference(x, edge_index, W_in, b_in, W_l0, b_l0, W_r0, g0, be0,
              W_l1, b_l1, W_r1, g1, be1, W_out1, b_out1, W_out2, b_out2):
    src = edge_index[0]
    dst = edge_index[1]
    n_nodes = x.shape[0]
    # input projection (dropout is identity at eval)
    h = jax.nn.relu(x @ W_in + b_in)
    original = h
    # GraphSAGE: layer_dims = [128, 128, 128] -> 2 SAGE layers
    h = _sage_layer(h, src, dst, W_l0, b_l0, W_r0, g0, be0, n_nodes)
    h = _sage_layer(h, src, dst, W_l1, b_l1, W_r1, g1, be1, n_nodes)
    # residual: input_dim == output_dim -> identity transform
    h = h + original
    # output projection
    hid = jax.nn.relu(h @ W_out1 + b_out1)
    node_predictions = hid @ W_out2 + b_out2
    return node_predictions

if __name__ == "__main__":
    import jax
    _d = setup_inputs()
    print(jax.jit(kernel)(*tuple(_d.values())))

</pallas_src>

<mosaic_0001>
#map = affine_map<(d0, d1) -> (0, 0)>
#map1 = affine_map<(d0, d1) -> (0, 0, 0)>
module attributes {stable_mosaic.version = 14 : i64} {
  func.func @run(%arg0: i32, %arg1: i32, %arg2: memref<10240x128xf32, #tpu.memory_space<hbm>>, %arg3: memref<10240x128xf32, #tpu.memory_space<hbm>>, %arg4: memref<32x160x64xi32, #tpu.memory_space<hbm>>, %arg5: memref<32x160x64xi32, #tpu.memory_space<hbm>>, %arg6: memref<2x10240x128xf32, #tpu.memory_space<hbm>>, %arg7: memref<2x8x64xi32, #tpu.memory_space<vmem>>, %arg8: memref<2x8x64xi32, #tpu.memory_space<vmem>>, %arg9: memref<256x128xf32, #tpu.memory_space<vmem>>, %arg10: memref<10240x128xf32, #tpu.memory_space<vmem_shared>>, %arg11: memref<!tpu.dma_semaphore, #tpu.memory_space<semaphore_mem>>, %arg12: memref<!tpu.dma_semaphore, #tpu.memory_space<semaphore_mem>>, %arg13: memref<!tpu.dma_semaphore, #tpu.memory_space<semaphore_mem>>, %arg14: memref<!tpu.dma_semaphore, #tpu.memory_space<semaphore_mem>>, %arg15: memref<!tpu.dma_semaphore, #tpu.memory_space<semaphore_mem>>) attributes {dimension_semantics = [#tpu.dimension_semantics<core_parallel>, #tpu.dimension_semantics<subcore_parallel>], iteration_bounds = array<i64: 2, 16>, scalar_prefetch = 0 : i64, scratch_operands = 9 : i64, tpu.core_type = #tpu.core_type<sc_vector_subcore>, window_params = [{transform_indices = #map}, {transform_indices = #map}, {transform_indices = #map1}, {transform_indices = #map1}, {transform_indices = #map1}]} {
    %mul3A = arith.constant 16 : i32
    %mul3A_0 = arith.muli %arg0, %mul3A : i32
    %add3A = arith.addi %mul3A_0, %arg1 : i32
    %mul3A_1 = arith.constant 640 : i32
    %mul3A_2 = arith.muli %arg1, %mul3A_1 : i32
    "tpu.region"() ({
      %run_scoped3A_65 = tpu.sem_alloc : memref<!tpu.dma_semaphore, #tpu.memory_space<semaphore_mem>>
      %dma_start3A_66 = arith.constant 0 : i32
      %dma_start3A_67 = tpu.memref_slice %arg10[%mul3A_2, %dma_start3A_66] : memref<10240x128xf32, #tpu.memory_space<vmem_shared>> -> memref<640x128xf32, #tpu.memory_space<vmem_shared>>
      %dma_start3A_68 = arith.constant 0 : i32
      %dma_start3A_69 = tpu.memref_slice %arg3[%mul3A_2, %dma_start3A_68] : memref<10240x128xf32, #tpu.memory_space<hbm>> -> memref<640x128xf32, #tpu.memory_space<hbm>>
      tpu.enqueue_dma source(%dma_start3A_69 : memref<640x128xf32, #tpu.memory_space<hbm>>) target(%dma_start3A_67 : memref<640x128xf32, #tpu.memory_space<vmem_shared>>) target_semaphore(%run_scoped3A_65 : memref<!tpu.dma_semaphore, #tpu.memory_space<semaphore_mem>>)
      %dma_wait3A_70 = arith.constant 0 : i32
      %dma_wait3A_71 = tpu.memref_slice %arg10[%mul3A_2, %dma_wait3A_70] : memref<10240x128xf32, #tpu.memory_space<vmem_shared>> -> memref<640x128xf32, #tpu.memory_space<vmem_shared>>
      %dma_wait3A_72 = arith.constant 0 : i32
      %dma_wait3A_73 = tpu.memref_slice %arg3[%mul3A_2, %dma_wait3A_72] : memref<10240x128xf32, #tpu.memory_space<hbm>> -> memref<640x128xf32, #tpu.memory_space<hbm>>
      tpu.wait_dma2 semaphore(%run_scoped3A_65 : memref<!tpu.dma_semaphore, #tpu.memory_space<semaphore_mem>>) src(%dma_wait3A_73 : memref<640x128xf32, #tpu.memory_space<hbm>>) dst(%dma_wait3A_71 : memref<640x128xf32, #tpu.memory_space<vmem_shared>>)
      tpu.yield
    }) : () -> ()
    %barrier3A = arith.constant 0 : index
    tpu.barrier barrier_id(%barrier3A)
    %run_scoped3A = arith.constant 0 : i32
    "tpu.region"() ({
      %run_scoped3A_65 = tpu.sem_alloc : memref<!tpu.dma_semaphore, #tpu.memory_space<semaphore_mem>>
      %dma_start3A_66 = arith.constant 0 : i32
      %dma_start3A_67 = arith.constant 0 : i32
      %dma_start3A_68 = tpu.memref_slice %arg7[%run_scoped3A, %dma_start3A_66, %dma_start3A_67] : memref<2x8x64xi32, #tpu.memory_space<vmem>> -> memref<1x8x64xi32, #tpu.memory_space<vmem>>
      %dma_start3A_69 = tpu.memref_squeeze %dma_start3A_68 : memref<1x8x64xi32, #tpu.memory_space<vmem>> -> memref<8x64xi32, #tpu.memory_space<vmem>>
      %dma_start3A_70 = arith.constant 0 : i32
      %dma_start3A_71 = arith.constant 0 : i32
      %dma_start3A_72 = tpu.memref_slice %arg4[%add3A, %dma_start3A_70, %dma_start3A_71] : memref<32x160x64xi32, #tpu.memory_space<hbm>> -> memref<1x8x64xi32, #tpu.memory_space<hbm>>
      %dma_start3A_73 = tpu.memref_squeeze %dma_start3A_72 : memref<1x8x64xi32, #tpu.memory_space<hbm>> -> memref<8x64xi32, #tpu.memory_space<hbm>>
      %dma_start3A_74 = arith.constant 0 : i32
      %dma_start3A_75 = arith.constant 0 : i32
      %dma_start3A_76 = tpu.memref_slice %arg7[%run_scoped3A, %dma_start3A_74, %dma_start3A_75] : memref<2x8x64xi32, #tpu.memory_space<vmem>> -> memref<1x8x64xi32, #tpu.memory_space<vmem>>
      %dma_start3A_77 = tpu.memref_squeeze %dma_start3A_76 : memref<1x8x64xi32, #tpu.memory_space<vmem>> -> memref<8x64xi32, #tpu.memory_space<vmem>>
      %dma_start3A_78 = arith.constant 0 : i32
      %dma_start3A_79 = arith.constant 0 : i32
      %dma_start3A_80 = tpu.memref_slice %arg4[%add3A, %dma_start3A_78, %dma_start3A_79] : memref<32x160x64xi32, #tpu.memory_space<hbm>> -> memref<1x8x64xi32, #tpu.memory_space<hbm>>
      %dma_start3A_81 = tpu.memref_squeeze %dma_start3A_80 : memref<1x8x64xi32, #tpu.memory_space<hbm>> -> memref<8x64xi32, #tpu.memory_space<hbm>>
      tpu.enqueue_dma source(%dma_start3A_81 : memref<8x64xi32, #tpu.memory_space<hbm>>) target(%dma_start3A_77 : memref<8x64xi32, #tpu.memory_space<vmem>>) target_semaphore(%run_scoped3A_65 : memref<!tpu.dma_semaphore, #tpu.memory_space<semaphore_mem>>)
      %dma_wait3A_82 = arith.constant 0 : i32
      %dma_wait3A_83 = arith.constant 0 : i32
      %dma_wait3A_84 = tpu.memref_slice %arg7[%run_scoped3A, %dma_wait3A_82, %dma_wait3A_83] : memref<2x8x64xi32, #tpu.memory_space<vmem>> -> memref<1x8x64xi32, #tpu.memory_space<vmem>>
      %dma_wait3A_85 = tpu.memref_squeeze %dma_wait3A_84 : memref<1x8x64xi32, #tpu.memory_space<vmem>> -> memref<8x64xi32, #tpu.memory_space<vmem>>
      %dma_wait3A_86 = arith.constant 0 : i32
      %dma_wait3A_87 = arith.constant 0 : i32
      %dma_wait3A_88 = tpu.memref_slice %arg4[%add3A, %dma_wait3A_86, %dma_wait3A_87] : memref<32x160x64xi32, #tpu.memory_space<hbm>> -> memref<1x8x64xi32, #tpu.memory_space<hbm>>
      %dma_wait3A_89 = tpu.memref_squeeze %dma_wait3A_88 : memref<1x8x64xi32, #tpu.memory_space<hbm>> -> memref<8x64xi32, #tpu.memory_space<hbm>>
      %dma_wait3A_90 = arith.constant 0 : i32
      %dma_wait3A_91 = arith.constant 0 : i32
      %dma_wait3A_92 = tpu.memref_slice %arg7[%run_scoped3A, %dma_wait3A_90, %dma_wait3A_91] : memref<2x8x64xi32, #tpu.memory_space<vmem>> -> memref<1x8x64xi32, #tpu.memory_space<vmem>>
      %dma_wait3A_93 = tpu.memref_squeeze %dma_wait3A_92 : memref<1x8x64xi32, #tpu.memory_space<vmem>> -> memref<8x64xi32, #tpu.memory_space<vmem>>
      %dma_wait3A_94 = arith.constant 0 : i32
      %dma_wait3A_95 = arith.constant 0 : i32
      %dma_wait3A_96 = tpu.memref_slice %arg4[%add3A, %dma_wait3A_94, %dma_wait3A_95] : memref<32x160x64xi32, #tpu.memory_space<hbm>> -> memref<1x8x64xi32, #tpu.memory_space<hbm>>
      %dma_wait3A_97 = tpu.memref_squeeze %dma_wait3A_96 : memref<1x8x64xi32, #tpu.memory_space<hbm>> -> memref<8x64xi32, #tpu.memory_space<hbm>>
      tpu.wait_dma2 semaphore(%run_scoped3A_65 : memref<!tpu.dma_semaphore, #tpu.memory_space<semaphore_mem>>) src(%dma_wait3A_97 : memref<8x64xi32, #tpu.memory_space<hbm>>) dst(%dma_wait3A_93 : memref<8x64xi32, #tpu.memory_space<vmem>>)
      tpu.yield
    }) : () -> ()
    %run_scoped3A_3 = arith.constant 0 : i32
    "tpu.region"() ({
      %run_scoped3A_65 = tpu.sem_alloc : memref<!tpu.dma_semaphore, #tpu.memory_space<semaphore_mem>>
      %dma_start3A_66 = arith.constant 0 : i32
      %dma_start3A_67 = arith.constant 0 : i32
      %dma_start3A_68 = tpu.memref_slice %arg8[%run_scoped3A_3, %dma_start3A_66, %dma_start3A_67] : memref<2x8x64xi32, #tpu.memory_space<vmem>> -> memref<1x8x64xi32, #tpu.memory_space<vmem>>
      %dma_start3A_69 = tpu.memref_squeeze %dma_start3A_68 : memref<1x8x64xi32, #tpu.memory_space<vmem>> -> memref<8x64xi32, #tpu.memory_space<vmem>>
      %dma_start3A_70 = arith.constant 0 : i32
      %dma_start3A_71 = arith.constant 0 : i32
      %dma_start3A_72 = tpu.memref_slice %arg5[%add3A, %dma_start3A_70, %dma_start3A_71] : memref<32x160x64xi32, #tpu.memory_space<hbm>> -> memref<1x8x64xi32, #tpu.memory_space<hbm>>
      %dma_start3A_73 = tpu.memref_squeeze %dma_start3A_72 : memref<1x8x64xi32, #tpu.memory_space<hbm>> -> memref<8x64xi32, #tpu.memory_space<hbm>>
      %dma_start3A_74 = arith.constant 0 : i32
      %dma_start3A_75 = arith.constant 0 : i32
      %dma_start3A_76 = tpu.memref_slice %arg8[%run_scoped3A_3, %dma_start3A_74, %dma_start3A_75] : memref<2x8x64xi32, #tpu.memory_space<vmem>> -> memref<1x8x64xi32, #tpu.memory_space<vmem>>
      %dma_start3A_77 = tpu.memref_squeeze %dma_start3A_76 : memref<1x8x64xi32, #tpu.memory_space<vmem>> -> memref<8x64xi32, #tpu.memory_space<vmem>>
      %dma_start3A_78 = arith.constant 0 : i32
      %dma_start3A_79 = arith.constant 0 : i32
      %dma_start3A_80 = tpu.memref_slice %arg5[%add3A, %dma_start3A_78, %dma_start3A_79] : memref<32x160x64xi32, #tpu.memory_space<hbm>> -> memref<1x8x64xi32, #tpu.memory_space<hbm>>
      %dma_start3A_81 = tpu.memref_squeeze %dma_start3A_80 : memref<1x8x64xi32, #tpu.memory_space<hbm>> -> memref<8x64xi32, #tpu.memory_space<hbm>>
      tpu.enqueue_dma source(%dma_start3A_81 : memref<8x64xi32, #tpu.memory_space<hbm>>) target(%dma_start3A_77 : memref<8x64xi32, #tpu.memory_space<vmem>>) target_semaphore(%run_scoped3A_65 : memref<!tpu.dma_semaphore, #tpu.memory_space<semaphore_mem>>)
      %dma_wait3A_82 = arith.constant 0 : i32
      %dma_wait3A_83 = arith.constant 0 : i32
      %dma_wait3A_84 = tpu.memref_slice %arg8[%run_scoped3A_3, %dma_wait3A_82, %dma_wait3A_83] : memref<2x8x64xi32, #tpu.memory_space<vmem>> -> memref<1x8x64xi32, #tpu.memory_space<vmem>>
      %dma_wait3A_85 = tpu.memref_squeeze %dma_wait3A_84 : memref<1x8x64xi32, #tpu.memory_space<vmem>> -> memref<8x64xi32, #tpu.memory_space<vmem>>
      %dma_wait3A_86 = arith.constant 0 : i32
      %dma_wait3A_87 = arith.constant 0 : i32
      %dma_wait3A_88 = tpu.memref_slice %arg5[%add3A, %dma_wait3A_86, %dma_wait3A_87] : memref<32x160x64xi32, #tpu.memory_space<hbm>> -> memref<1x8x64xi32, #tpu.memory_space<hbm>>
      %dma_wait3A_89 = tpu.memref_squeeze %dma_wait3A_88 : memref<1x8x64xi32, #tpu.memory_space<hbm>> -> memref<8x64xi32, #tpu.memory_space<hbm>>
      %dma_wait3A_90 = arith.constant 0 : i32
      %dma_wait3A_91 = arith.constant 0 : i32
      %dma_wait3A_92 = tpu.memref_slice %arg8[%run_scoped3A_3, %dma_wait3A_90, %dma_wait3A_91] : memref<2x8x64xi32, #tpu.memory_space<vmem>> -> memref<1x8x64xi32, #tpu.memory_space<vmem>>
      %dma_wait3A_93 = tpu.memref_squeeze %dma_wait3A_92 : memref<1x8x64xi32, #tpu.memory_space<vmem>> -> memref<8x64xi32, #tpu.memory_space<vmem>>
      %dma_wait3A_94 = arith.constant 0 : i32
      %dma_wait3A_95 = arith.constant 0 : i32
      %dma_wait3A_96 = tpu.memref_slice %arg5[%add3A, %dma_wait3A_94, %dma_wait3A_95] : memref<32x160x64xi32, #tpu.memory_space<hbm>> -> memref<1x8x64xi32, #tpu.memory_space<hbm>>
      %dma_wait3A_97 = tpu.memref_squeeze %dma_wait3A_96 : memref<1x8x64xi32, #tpu.memory_space<hbm>> -> memref<8x64xi32, #tpu.memory_space<hbm>>
      tpu.wait_dma2 semaphore(%run_scoped3A_65 : memref<!tpu.dma_semaphore, #tpu.memory_space<semaphore_mem>>) src(%dma_wait3A_97 : memref<8x64xi32, #tpu.memory_space<hbm>>) dst(%dma_wait3A_93 : memref<8x64xi32, #tpu.memory_space<vmem>>)
      tpu.yield
    }) : () -> ()
    %dma_start3A = arith.constant 0 : i32
    %dma_start3A_4 = arith.constant 0 : i32
    %dma_start3A_5 = arith.constant 0 : i32
    %dma_start3A_6 = arith.constant 0 : i32
    %dma_start3A_7 = tpu.memref_slice %arg9[%dma_start3A_5, %dma_start3A_6] : memref<256x128xf32, #tpu.memory_space<vmem>> -> memref<64x128xf32, #tpu.memory_space<vmem>>
    %dma_start3A_8 = arith.constant 0 : i32
    %dma_start3A_9 = tpu.memref_slice %arg7[%dma_start3A, %dma_start3A_4, %dma_start3A_8] : memref<2x8x64xi32, #tpu.memory_space<vmem>> -> memref<1x1x64xi32, #tpu.memory_space<vmem>>
    %dma_start3A_10 = tpu.memref_squeeze %dma_start3A_9 : memref<1x1x64xi32, #tpu.memory_space<vmem>> -> memref<64xi32, #tpu.memory_space<vmem>>
    %dma_start3A_11 = arith.constant 0 : i32
    %dma_start3A_12 = arith.constant 0 : i32
    %dma_start3A_13 = tpu.memref_slice %arg2[%dma_start3A_11, %dma_start3A_12] : memref<10240x128xf32, #tpu.memory_space<hbm>> -> memref<10240x128xf32, #tpu.memory_space<hbm>>
    tpu.enqueue_indirect_dma source(%dma_start3A_13 : memref<10240x128xf32, #tpu.memory_space<hbm>>) target(%dma_start3A_7 : memref<64x128xf32, #tpu.memory_space<vmem>>) offsets(%dma_start3A_10 : memref<64xi32, #tpu.memory_space<vmem>>) semaphore(%arg11 : memref<!tpu.dma_semaphore, #tpu.memory_space<semaphore_mem>>)
    %scan3A = arith.constant 0 : i32
    %scan3A_14 = arith.constant 0 : i32
    %scan3A_15 = arith.constant 20 : i32
    %scan3A_16 = arith.addi %scan3A_14, %scan3A_15 : i32
    %scan3A_17 = arith.constant 1 : i32
    scf.for %scan3A_65 = %scan3A_14 to %scan3A_16 step %scan3A_17  : i32 {
      %rem3A = arith.constant 2 : i32
      %rem3A_66 = arith.remsi %scan3A_65, %rem3A : i32
      %add3A_67 = arith.constant 1 : i32
      %add3A_68 = arith.addi %scan3A_65, %add3A_67 : i32
      %rem3A_69 = arith.constant 2 : i32
      %rem3A_70 = arith.remsi %add3A_68, %rem3A_69 : i32
      %add3A_71 = arith.constant 1 : i32
      %add3A_72 = arith.addi %scan3A_65, %add3A_71 : i32
      %lt3A = arith.constant 20 : i32
      %lt3A_73 = arith.cmpi slt, %add3A_72, %lt3A : i32
      %convert_element_type3A = arith.extui %lt3A_73 : i1 to i32
      %cond3A = arith.constant 0 : i32
      %cond3A_74 = arith.cmpi ne, %convert_element_type3A, %cond3A : i32
      scf.if %cond3A_74 {
        %add3A_378 = arith.constant 1 : i32
        %add3A_379 = arith.addi %scan3A_65, %add3A_378 : i32
        %mul3A_380 = arith.constant 8 : i32
        %mul3A_381 = arith.muli %add3A_379, %mul3A_380 : i32
        "tpu.region"() ({
          %run_scoped3A_386 = tpu.sem_alloc : memref<!tpu.dma_semaphore, #tpu.memory_space<semaphore_mem>>
          %dma_start3A_387 = arith.constant 0 : i32
          %dma_start3A_388 = arith.constant 0 : i32
          %dma_start3A_389 = tpu.memref_slice %arg7[%rem3A_70, %dma_start3A_387, %dma_start3A_388] : memref<2x8x64xi32, #tpu.memory_space<vmem>> -> memref<1x8x64xi32, #tpu.memory_space<vmem>>
          %dma_start3A_390 = tpu.memref_squeeze %dma_start3A_389 : memref<1x8x64xi32, #tpu.memory_space<vmem>> -> memref<8x64xi32, #tpu.memory_space<vmem>>
          %dma_start3A_391 = arith.constant 0 : i32
          %dma_start3A_392 = tpu.memref_slice %arg4[%add3A, %mul3A_381, %dma_start3A_391] : memref<32x160x64xi32, #tpu.memory_space<hbm>> -> memref<1x8x64xi32, #tpu.memory_space<hbm>>
          %dma_start3A_393 = tpu.memref_squeeze %dma_start3A_392 : memref<1x8x64xi32, #tpu.memory_space<hbm>> -> memref<8x64xi32, #tpu.memory_space<hbm>>
          %dma_start3A_394 = arith.constant 0 : i32
          %dma_start3A_395 = arith.constant 0 : i32
          %dma_start3A_396 = tpu.memref_slice %arg7[%rem3A_70, %dma_start3A_394, %dma_start3A_395] : memref<2x8x64xi32, #tpu.memory_space<vmem>> -> memref<1x8x64xi32, #tpu.memory_space<vmem>>
          %dma_start3A_397 = tpu.memref_squeeze %dma_start3A_396 : memref<1x8x64xi32, #tpu.memory_space<vmem>> -> memref<8x64xi32, #tpu.memory_space<vmem>>
          %dma_start3A_398 = arith.constant 0 : i32
          %dma_start3A_399 = tpu.memref_slice %arg4[%add3A, %mul3A_381, %dma_start3A_398] : memref<32x160x64xi32, #tpu.memory_space<hbm>> -> memref<1x8x64xi32, #tpu.memory_space<hbm>>
          %dma_start3A_400 = tpu.memref_squeeze %dma_start3A_399 : memref<1x8x64xi32, #tpu.memory_space<hbm>> -> memref<8x64xi32, #tpu.memory_space<hbm>>
          tpu.enqueue_dma source(%dma_start3A_400 : memref<8x64xi32, #tpu.memory_space<hbm>>) target(%dma_start3A_397 : memref<8x64xi32, #tpu.memory_space<vmem>>) target_semaphore(%run_scoped3A_386 : memref<!tpu.dma_semaphore, #tpu.memory_space<semaphore_mem>>)
          %dma_wait3A_401 = arith.constant 0 : i32
          %dma_wait3A_402 = arith.constant 0 : i32
          %dma_wait3A_403 = tpu.memref_slice %arg7[%rem3A_70, %dma_wait3A_401, %dma_wait3A_402] : memref<2x8x64xi32, #tpu.memory_space<vmem>> -> memref<1x8x64xi32, #tpu.memory_space<vmem>>
          %dma_wait3A_404 = tpu.memref_squeeze %dma_wait3A_403 : memref<1x8x64xi32, #tpu.memory_space<vmem>> -> memref<8x64xi32, #tpu.memory_space<vmem>>
          %dma_wait3A_405 = arith.constant 0 : i32
          %dma_wait3A_406 = tpu.memref_slice %arg4[%add3A, %mul3A_381, %dma_wait3A_405] : memref<32x160x64xi32, #tpu.memory_space<hbm>> -> memref<1x8x64xi32, #tpu.memory_space<hbm>>
          %dma_wait3A_407 = tpu.memref_squeeze %dma_wait3A_406 : memref<1x8x64xi32, #tpu.memory_space<hbm>> -> memref<8x64xi32, #tpu.memory_space<hbm>>
          %dma_wait3A_408 = arith.constant 0 : i32
          %dma_wait3A_409 = arith.constant 0 : i32
          %dma_wait3A_410 = tpu.memref_slice %arg7[%rem3A_70, %dma_wait3A_408, %dma_wait3A_409] : memref<2x8x64xi32, #tpu.memory_space<vmem>> -> memref<1x8x64xi32, #tpu.memory_space<vmem>>
          %dma_wait3A_411 = tpu.memref_squeeze %dma_wait3A_410 : memref<1x8x64xi32, #tpu.memory_space<vmem>> -> memref<8x64xi32, #tpu.memory_space<vmem>>
          %dma_wait3A_412 = arith.constant 0 : i32
          %dma_wait3A_413 = tpu.memref_slice %arg4[%add3A, %mul3A_381, %dma_wait3A_412] : memref<32x160x64xi32, #tpu.memory_space<hbm>> -> memref<1x8x64xi32, #tpu.memory_space<hbm>>
          %dma_wait3A_414 = tpu.memref_squeeze %dma_wait3A_413 : memref<1x8x64xi32, #tpu.memory_space<hbm>> -> memref<8x64xi32, #tpu.memory_space<hbm>>
          tpu.wait_dma2 semaphore(%run_scoped3A_386 : memref<!tpu.dma_semaphore, #tpu.memory_space<semaphore_mem>>) src(%dma_wait3A_414 : memref<8x64xi32, #tpu.memory_space<hbm>>) dst(%dma_wait3A_411 : memref<8x64xi32, #tpu.memory_space<vmem>>)
          tpu.yield
        }) : () -> ()
        %add3A_382 = arith.constant 1 : i32
        %add3A_383 = arith.addi %scan3A_65, %add3A_382 : i32
        %mul3A_384 = arith.constant 8 : i32
        %mul3A_385 = arith.muli %add3A_383, %mul3A_384 : i32
        "tpu.region"() ({
          %run_scoped3A_386 = tpu.sem_alloc : memref<!tpu.dma_semaphore, #tpu.memory_space<semaphore_mem>>
          %dma_start3A_387 = arith.constant 0 : i32
          %dma_start3A_388 = arith.constant 0 : i32
          %dma_start3A_389 = tpu.memref_slice %arg8[%rem3A_70, %dma_start3A_387, %dma_start3A_388] : memref<2x8x64xi32, #tpu.memory_space<vmem>> -> memref<1x8x64xi32, #tpu.memory_space<vmem>>
          %dma_start3A_390 = tpu.memref_squeeze %dma_start3A_389 : memref<1x8x64xi32, #tpu.memory_space<vmem>> -> memref<8x64xi32, #tpu.memory_space<vmem>>
          %dma_start3A_391 = arith.constant 0 : i32
          %dma_start3A_392 = tpu.memref_slice %arg5[%add3A, %mul3A_385, %dma_start3A_391] : memref<32x160x64xi32, #tpu.memory_space<hbm>> -> memref<1x8x64xi32, #tpu.memory_space<hbm>>
          %dma_start3A_393 = tpu.memref_squeeze %dma_start3A_392 : memref<1x8x64xi32, #tpu.memory_space<hbm>> -> memref<8x64xi32, #tpu.memory_space<hbm>>
          %dma_start3A_394 = arith.constant 0 : i32
          %dma_start3A_395 = arith.constant 0 : i32
          %dma_start3A_396 = tpu.memref_slice %arg8[%rem3A_70, %dma_start3A_394, %dma_start3A_395] : memref<2x8x64xi32, #tpu.memory_space<vmem>> -> memref<1x8x64xi32, #tpu.memory_space<vmem>>
          %dma_start3A_397 = tpu.memref_squeeze %dma_start3A_396 : memref<1x8x64xi32, #tpu.memory_space<vmem>> -> memref<8x64xi32, #tpu.memory_space<vmem>>
          %dma_start3A_398 = arith.constant 0 : i32
          %dma_start3A_399 = tpu.memref_slice %arg5[%add3A, %mul3A_385, %dma_start3A_398] : memref<32x160x64xi32, #tpu.memory_space<hbm>> -> memref<1x8x64xi32, #tpu.memory_space<hbm>>
          %dma_start3A_400 = tpu.memref_squeeze %dma_start3A_399 : memref<1x8x64xi32, #tpu.memory_space<hbm>> -> memref<8x64xi32, #tpu.memory_space<hbm>>
          tpu.enqueue_dma source(%dma_start3A_400 : memref<8x64xi32, #tpu.memory_space<hbm>>) target(%dma_start3A_397 : memref<8x64xi32, #tpu.memory_space<vmem>>) target_semaphore(%run_scoped3A_386 : memref<!tpu.dma_semaphore, #tpu.memory_space<semaphore_mem>>)
          %dma_wait3A_401 = arith.constant 0 : i32
          %dma_wait3A_402 = arith.constant 0 : i32
          %dma_wait3A_403 = tpu.memref_slice %arg8[%rem3A_70, %dma_wait3A_401, %dma_wait3A_402] : memref<2x8x64xi32, #tpu.memory_space<vmem>> -> memref<1x8x64xi32, #tpu.memory_space<vmem>>
          %dma_wait3A_404 = tpu.memref_squeeze %dma_wait3A_403 : memref<1x8x64xi32, #tpu.memory_space<vmem>> -> memref<8x64xi32, #tpu.memory_space<vmem>>
          %dma_wait3A_405 = arith.constant 0 : i32
          %dma_wait3A_406 = tpu.memref_slice %arg5[%add3A, %mul3A_385, %dma_wait3A_405] : memref<32x160x64xi32, #tpu.memory_space<hbm>> -> memref<1x8x64xi32, #tpu.memory_space<hbm>>
          %dma_wait3A_407 = tpu.memref_squeeze %dma_wait3A_406 : memref<1x8x64xi32, #tpu.memory_space<hbm>> -> memref<8x64xi32, #tpu.memory_space<hbm>>
          %dma_wait3A_408 = arith.constant 0 : i32
          %dma_wait3A_409 = arith.constant 0 : i32
          %dma_wait3A_410 = tpu.memref_slice %arg8[%rem3A_70, %dma_wait3A_408, %dma_wait3A_409] : memref<2x8x64xi32, #tpu.memory_space<vmem>> -> memref<1x8x64xi32, #tpu.memory_space<vmem>>
          %dma_wait3A_411 = tpu.memref_squeeze %dma_wait3A_410 : memref<1x8x64xi32, #tpu.memory_space<vmem>> -> memref<8x64xi32, #tpu.memory_space<vmem>>
          %dma_wait3A_412 = arith.constant 0 : i32
          %dma_wait3A_413 = tpu.memref_slice %arg5[%add3A, %mul3A_385, %dma_wait3A_412] : memref<32x160x64xi32, #tpu.memory_space<hbm>> -> memref<1x8x64xi32, #tpu.memory_space<hbm>>
          %dma_wait3A_414 = tpu.memref_squeeze %dma_wait3A_413 : memref<1x8x64xi32, #tpu.memory_space<hbm>> -> memref<8x64xi32, #tpu.memory_space<hbm>>
          tpu.wait_dma2 semaphore(%run_scoped3A_386 : memref<!tpu.dma_semaphore, #tpu.memory_space<semaphore_mem>>) src(%dma_wait3A_414 : memref<8x64xi32, #tpu.memory_space<hbm>>) dst(%dma_wait3A_411 : memref<8x64xi32, #tpu.memory_space<vmem>>)
          tpu.yield
        }) : () -> ()
      } else {
      }
      %mul3A_75 = arith.constant 8 : i32
      %mul3A_76 = arith.muli %scan3A_65, %mul3A_75 : i32
      %add3A_77 = arith.constant 0 : i32
      %add3A_78 = arith.addi %mul3A_76, %add3A_77 : i32
      %ge3A = arith.constant 3 : i32
      %ge3A_79 = arith.cmpi sge, %add3A_78, %ge3A : i32
      %convert_element_type3A_80 = arith.extui %ge3A_79 : i1 to i32
      %cond3A_81 = arith.constant 0 : i32
      %cond3A_82 = arith.cmpi ne, %convert_element_type3A_80, %cond3A_81 : i32
      scf.if %cond3A_82 {
        %dma_wait3A_378 = arith.constant 64 : i32
        %dma_wait3A_379 = arith.constant 0 : i32
        %dma_wait3A_380 = tpu.memref_slice %arg9[%dma_wait3A_378, %dma_wait3A_379] : memref<256x128xf32, #tpu.memory_space<vmem>> -> memref<64x128xf32, #tpu.memory_space<vmem>>
        %dma_wait3A_381 = arith.constant 0 : i32
        %dma_wait3A_382 = arith.constant 0 : i32
        %dma_wait3A_383 = tpu.memref_slice %arg3[%dma_wait3A_381, %dma_wait3A_382] : memref<10240x128xf32, #tpu.memory_space<hbm>> -> memref<64x128xf32, #tpu.memory_space<hbm>>
        %dma_wait3A_384 = arith.constant 64 : i32
        %dma_wait3A_385 = arith.constant 0 : i32
        %dma_wait3A_386 = tpu.memref_slice %arg9[%dma_wait3A_384, %dma_wait3A_385] : memref<256x128xf32, #tpu.memory_space<vmem>> -> memref<64x128xf32, #tpu.memory_space<vmem>>
        %dma_wait3A_387 = arith.constant 0 : i32
        %dma_wait3A_388 = arith.constant 0 : i32
        %dma_wait3A_389 = tpu.memref_slice %arg3[%dma_wait3A_387, %dma_wait3A_388] : memref<10240x128xf32, #tpu.memory_space<hbm>> -> memref<64x128xf32, #tpu.memory_space<hbm>>
        tpu.wait_dma2 semaphore(%arg13 : memref<!tpu.dma_semaphore, #tpu.memory_space<semaphore_mem>>) src(%dma_wait3A_389 : memref<64x128xf32, #tpu.memory_space<hbm>>) dst(%dma_wait3A_386 : memref<64x128xf32, #tpu.memory_space<vmem>>)
      } else {
      }
      %add3A_83 = arith.constant 1 : i32
      %add3A_84 = arith.addi %add3A_78, %add3A_83 : i32
      %lt3A_85 = arith.constant 160 : i32
      %lt3A_86 = arith.cmpi slt, %add3A_84, %lt3A_85 : i32
      %convert_element_type3A_87 = arith.extui %lt3A_86 : i1 to i32
      %cond3A_88 = arith.constant 0 : i32
      %cond3A_89 = arith.cmpi ne, %convert_element_type3A_87, %cond3A_88 : i32
      scf.if %cond3A_89 {
        %dma_start3A_378 = arith.constant 1 : i32
        %dma_start3A_379 = arith.constant 64 : i32
        %dma_start3A_380 = arith.constant 0 : i32
        %dma_start3A_381 = tpu.memref_slice %arg9[%dma_start3A_379, %dma_start3A_380] : memref<256x128xf32, #tpu.memory_space<vmem>> -> memref<64x128xf32, #tpu.memory_space<vmem>>
        %dma_start3A_382 = arith.constant 0 : i32
        %dma_start3A_383 = tpu.memref_slice %arg7[%rem3A_66, %dma_start3A_378, %dma_start3A_382] : memref<2x8x64xi32, #tpu.memory_space<vmem>> -> memref<1x1x64xi32, #tpu.memory_space<vmem>>
        %dma_start3A_384 = tpu.memref_squeeze %dma_start3A_383 : memref<1x1x64xi32, #tpu.memory_space<vmem>> -> memref<64xi32, #tpu.memory_space<vmem>>
        %dma_start3A_385 = arith.constant 0 : i32
        %dma_start3A_386 = arith.constant 0 : i32
        %dma_start3A_387 = tpu.memref_slice %arg2[%dma_start3A_385, %dma_start3A_386] : memref<10240x128xf32, #tpu.memory_space<hbm>> -> memref<10240x128xf32, #tpu.memory_space<hbm>>
        tpu.enqueue_indirect_dma source(%dma_start3A_387 : memref<10240x128xf32, #tpu.memory_space<hbm>>) target(%dma_start3A_381 : memref<64x128xf32, #tpu.memory_space<vmem>>) offsets(%dma_start3A_384 : memref<64xi32, #tpu.memory_space<vmem>>) semaphore(%arg11 : memref<!tpu.dma_semaphore, #tpu.memory_space<semaphore_mem>>)
      } else {
      }
      %dma_wait3A_90 = arith.constant 0 : i32
      %dma_wait3A_91 = arith.constant 0 : i32
      %dma_wait3A_92 = tpu.memref_slice %arg9[%dma_wait3A_90, %dma_wait3A_91] : memref<256x128xf32, #tpu.memory_space<vmem>> -> memref<64x128xf32, #tpu.memory_space<vmem>>
      %dma_wait3A_93 = arith.constant 0 : i32
      %dma_wait3A_94 = arith.constant 0 : i32
      %dma_wait3A_95 = tpu.memref_slice %arg3[%dma_wait3A_93, %dma_wait3A_94] : memref<10240x128xf32, #tpu.memory_space<hbm>> -> memref<64x128xf32, #tpu.memory_space<hbm>>
      %dma_wait3A_96 = arith.constant 0 : i32
      %dma_wait3A_97 = arith.constant 0 : i32
      %dma_wait3A_98 = tpu.memref_slice %arg9[%dma_wait3A_96, %dma_wait3A_97] : memref<256x128xf32, #tpu.memory_space<vmem>> -> memref<64x128xf32, #tpu.memory_space<vmem>>
      %dma_wait3A_99 = arith.constant 0 : i32
      %dma_wait3A_100 = arith.constant 0 : i32
      %dma_wait3A_101 = tpu.memref_slice %arg3[%dma_wait3A_99, %dma_wait3A_100] : memref<10240x128xf32, #tpu.memory_space<hbm>> -> memref<64x128xf32, #tpu.memory_space<hbm>>
      tpu.wait_dma2 semaphore(%arg11 : memref<!tpu.dma_semaphore, #tpu.memory_space<semaphore_mem>>) src(%dma_wait3A_101 : memref<64x128xf32, #tpu.memory_space<hbm>>) dst(%dma_wait3A_98 : memref<64x128xf32, #tpu.memory_space<vmem>>)
      %dma_start3A_102 = arith.constant 0 : i32
      %dma_start3A_103 = arith.constant 0 : i32
      %dma_start3A_104 = arith.constant 0 : i32
      %dma_start3A_105 = tpu.memref_slice %arg9[%dma_start3A_103, %dma_start3A_104] : memref<256x128xf32, #tpu.memory_space<vmem>> -> memref<64x128xf32, #tpu.memory_space<vmem>>
      %dma_start3A_106 = arith.constant 0 : i32
      %dma_start3A_107 = tpu.memref_slice %arg8[%rem3A_66, %dma_start3A_102, %dma_start3A_106] : memref<2x8x64xi32, #tpu.memory_space<vmem>> -> memref<1x1x64xi32, #tpu.memory_space<vmem>>
      %dma_start3A_108 = tpu.memref_squeeze %dma_start3A_107 : memref<1x1x64xi32, #tpu.memory_space<vmem>> -> memref<64xi32, #tpu.memory_space<vmem>>
      %dma_start3A_109 = arith.constant 0 : i32
      %dma_start3A_110 = arith.constant 0 : i32
      %dma_start3A_111 = tpu.memref_slice %arg10[%dma_start3A_109, %dma_start3A_110] : memref<10240x128xf32, #tpu.memory_space<vmem_shared>> -> memref<10240x128xf32, #tpu.memory_space<vmem_shared>>
      tpu.enqueue_indirect_dma source(%dma_start3A_105 : memref<64x128xf32, #tpu.memory_space<vmem>>) target(%dma_start3A_111 : memref<10240x128xf32, #tpu.memory_space<vmem_shared>>) offsets(%dma_start3A_108 : memref<64xi32, #tpu.memory_space<vmem>>) semaphore(%arg12 : memref<!tpu.dma_semaphore, #tpu.memory_space<semaphore_mem>>) {add = true}
      %mul3A_112 = arith.constant 8 : i32
      %mul3A_113 = arith.muli %scan3A_65, %mul3A_112 : i32
      %add3A_114 = arith.constant 1 : i32
      %add3A_115 = arith.addi %mul3A_113, %add3A_114 : i32
      %ge3A_116 = arith.constant 3 : i32
      %ge3A_117 = arith.cmpi sge, %add3A_115, %ge3A_116 : i32
      %convert_element_type3A_118 = arith.extui %ge3A_117 : i1 to i32
      %cond3A_119 = arith.constant 0 : i32
      %cond3A_120 = arith.cmpi ne, %convert_element_type3A_118, %cond3A_119 : i32
      scf.if %cond3A_120 {
        %dma_wait3A_378 = arith.constant 128 : i32
        %dma_wait3A_379 = arith.constant 0 : i32
        %dma_wait3A_380 = tpu.memref_slice %arg9[%dma_wait3A_378, %dma_wait3A_379] : memref<256x128xf32, #tpu.memory_space<vmem>> -> memref<64x128xf32, #tpu.memory_space<vmem>>
        %dma_wait3A_381 = arith.constant 0 : i32
        %dma_wait3A_382 = arith.constant 0 : i32
        %dma_wait3A_383 = tpu.memref_slice %arg3[%dma_wait3A_381, %dma_wait3A_382] : memref<10240x128xf32, #tpu.memory_space<hbm>> -> memref<64x128xf32, #tpu.memory_space<hbm>>
        %dma_wait3A_384 = arith.constant 128 : i32
        %dma_wait3A_385 = arith.constant 0 : i32
        %dma_wait3A_386 = tpu.memref_slice %arg9[%dma_wait3A_384, %dma_wait3A_385] : memref<256x128xf32, #tpu.memory_space<vmem>> -> memref<64x128xf32, #tpu.memory_space<vmem>>
        %dma_wait3A_387 = arith.constant 0 : i32
        %dma_wait3A_388 = arith.constant 0 : i32
        %dma_wait3A_389 = tpu.memref_slice %arg3[%dma_wait3A_387, %dma_wait3A_388] : memref<10240x128xf32, #tpu.memory_space<hbm>> -> memref<64x128xf32, #tpu.memory_space<hbm>>
        tpu.wait_dma2 semaphore(%arg14 : memref<!tpu.dma_semaphore, #tpu.memory_space<semaphore_mem>>) src(%dma_wait3A_389 : memref<64x128xf32, #tpu.memory_space<hbm>>) dst(%dma_wait3A_386 : memref<64x128xf32, #tpu.memory_space<vmem>>)
      } else {
      }
      %add3A_121 = arith.constant 1 : i32
      %add3A_122 = arith.addi %add3A_115, %add3A_121 : i32
      %lt3A_123 = arith.constant 160 : i32
      %lt3A_124 = arith.cmpi slt, %add3A_122, %lt3A_123 : i32
      %convert_element_type3A_125 = arith.extui %lt3A_124 : i1 to i32
      %cond3A_126 = arith.constant 0 : i32
      %cond3A_127 = arith.cmpi ne, %convert_element_type3A_125, %cond3A_126 : i32
      scf.if %cond3A_127 {
        %dma_start3A_378 = arith.constant 2 : i32
        %dma_start3A_379 = arith.constant 128 : i32
        %dma_start3A_380 = arith.constant 0 : i32
        %dma_start3A_381 = tpu.memref_slice %arg9[%dma_start3A_379, %dma_start3A_380] : memref<256x128xf32, #tpu.memory_space<vmem>> -> memref<64x128xf32, #tpu.memory_space<vmem>>
        %dma_start3A_382 = arith.constant 0 : i32
        %dma_start3A_383 = tpu.memref_slice %arg7[%rem3A_66, %dma_start3A_378, %dma_start3A_382] : memref<2x8x64xi32, #tpu.memory_space<vmem>> -> memref<1x1x64xi32, #tpu.memory_space<vmem>>
        %dma_start3A_384 = tpu.memref_squeeze %dma_start3A_383 : memref<1x1x64xi32, #tpu.memory_space<vmem>> -> memref<64xi32, #tpu.memory_space<vmem>>
        %dma_start3A_385 = arith.constant 0 : i32
        %dma_start3A_386 = arith.constant 0 : i32
        %dma_start3A_387 = tpu.memref_slice %arg2[%dma_start3A_385, %dma_start3A_386] : memref<10240x128xf32, #tpu.memory_space<hbm>> -> memref<10240x128xf32, #tpu.memory_space<hbm>>
        tpu.enqueue_indirect_dma source(%dma_start3A_387 : memref<10240x128xf32, #tpu.memory_space<hbm>>) target(%dma_start3A_381 : memref<64x128xf32, #tpu.memory_space<vmem>>) offsets(%dma_start3A_384 : memref<64xi32, #tpu.memory_space<vmem>>) semaphore(%arg11 : memref<!tpu.dma_semaphore, #tpu.memory_space<semaphore_mem>>)
      } else {
      }
      %dma_wait3A_128 = arith.constant 64 : i32
      %dma_wait3A_129 = arith.constant 0 : i32
      %dma_wait3A_130 = tpu.memref_slice %arg9[%dma_wait3A_128, %dma_wait3A_129] : memref<256x128xf32, #tpu.memory_space<vmem>> -> memref<64x128xf32, #tpu.memory_space<vmem>>
      %dma_wait3A_131 = arith.constant 0 : i32
      %dma_wait3A_132 = arith.constant 0 : i32
      %dma_wait3A_133 = tpu.memref_slice %arg3[%dma_wait3A_131, %dma_wait3A_132] : memref<10240x128xf32, #tpu.memory_space<hbm>> -> memref<64x128xf32, #tpu.memory_space<hbm>>
      %dma_wait3A_134 = arith.constant 64 : i32
      %dma_wait3A_135 = arith.constant 0 : i32
      %dma_wait3A_136 = tpu.memref_slice %arg9[%dma_wait3A_134, %dma_wait3A_135] : memref<256x128xf32, #tpu.memory_space<vmem>> -> memref<64x128xf32, #tpu.memory_space<vmem>>
      %dma_wait3A_137 = arith.constant 0 : i32
      %dma_wait3A_138 = arith.constant 0 : i32
      %dma_wait3A_139 = tpu.memref_slice %arg3[%dma_wait3A_137, %dma_wait3A_138] : memref<10240x128xf32, #tpu.memory_space<hbm>> -> memref<64x128xf32, #tpu.memory_space<hbm>>
      tpu.wait_dma2 semaphore(%arg11 : memref<!tpu.dma_semaphore, #tpu.memory_space<semaphore_mem>>) src(%dma_wait3A_139 : memref<64x128xf32, #tpu.memory_space<hbm>>) dst(%dma_wait3A_136 : memref<64x128xf32, #tpu.memory_space<vmem>>)
      %dma_start3A_140 = arith.constant 1 : i32
      %dma_start3A_141 = arith.constant 64 : i32
      %dma_start3A_142 = arith.constant 0 : i32
      %dma_start3A_143 = tpu.memref_slice %arg9[%dma_start3A_141, %dma_start3A_142] : memref<256x128xf32, #tpu.memory_space<vmem>> -> memref<64x128xf32, #tpu.memory_space<vmem>>
      %dma_start3A_144 = arith.constant 0 : i32
      %dma_start3A_145 = tpu.memref_slice %arg8[%rem3A_66, %dma_start3A_140, %dma_start3A_144] : memref<2x8x64xi32, #tpu.memory_space<vmem>> -> memref<1x1x64xi32, #tpu.memory_space<vmem>>
      %dma_start3A_146 = tpu.memref_squeeze %dma_start3A_145 : memref<1x1x64xi32, #tpu.memory_space<vmem>> -> memref<64xi32, #tpu.memory_space<vmem>>
      %dma_start3A_147 = arith.constant 0 : i32
      %dma_start3A_148 = arith.constant 0 : i32
      %dma_start3A_149 = tpu.memref_slice %arg10[%dma_start3A_147, %dma_start3A_148] : memref<10240x128xf32, #tpu.memory_space<vmem_shared>> -> memref<10240x128xf32, #tpu.memory_space<vmem_shared>>
      tpu.enqueue_indirect_dma source(%dma_start3A_143 : memref<64x128xf32, #tpu.memory_space<vmem>>) target(%dma_start3A_149 : memref<10240x128xf32, #tpu.memory_space<vmem_shared>>) offsets(%dma_start3A_146 : memref<64xi32, #tpu.memory_space<vmem>>) semaphore(%arg13 : memref<!tpu.dma_semaphore, #tpu.memory_space<semaphore_mem>>) {add = true}
      %mul3A_150 = arith.constant 8 : i32
      %mul3A_151 = arith.muli %scan3A_65, %mul3A_150 : i32
      %add3A_152 = arith.constant 2 : i32
      %add3A_153 = arith.addi %mul3A_151, %add3A_152 : i32
      %ge3A_154 = arith.constant 3 : i32
      %ge3A_155 = arith.cmpi sge, %add3A_153, %ge3A_154 : i32
      %convert_element_type3A_156 = arith.extui %ge3A_155 : i1 to i32
      %cond3A_157 = arith.constant 0 : i32
      %cond3A_158 = arith.cmpi ne, %convert_element_type3A_156, %cond3A_157 : i32
      scf.if %cond3A_158 {
        %dma_wait3A_378 = arith.constant 192 : i32
        %dma_wait3A_379 = arith.constant 0 : i32
        %dma_wait3A_380 = tpu.memref_slice %arg9[%dma_wait3A_378, %dma_wait3A_379] : memref<256x128xf32, #tpu.memory_space<vmem>> -> memref<64x128xf32, #tpu.memory_space<vmem>>
        %dma_wait3A_381 = arith.constant 0 : i32
        %dma_wait3A_382 = arith.constant 0 : i32
        %dma_wait3A_383 = tpu.memref_slice %arg3[%dma_wait3A_381, %dma_wait3A_382] : memref<10240x128xf32, #tpu.memory_space<hbm>> -> memref<64x128xf32, #tpu.memory_space<hbm>>
        %dma_wait3A_384 = arith.constant 192 : i32
        %dma_wait3A_385 = arith.constant 0 : i32
        %dma_wait3A_386 = tpu.memref_slice %arg9[%dma_wait3A_384, %dma_wait3A_385] : memref<256x128xf32, #tpu.memory_space<vmem>> -> memref<64x128xf32, #tpu.memory_space<vmem>>
        %dma_wait3A_387 = arith.constant 0 : i32
        %dma_wait3A_388 = arith.constant 0 : i32
        %dma_wait3A_389 = tpu.memref_slice %arg3[%dma_wait3A_387, %dma_wait3A_388] : memref<10240x128xf32, #tpu.memory_space<hbm>> -> memref<64x128xf32, #tpu.memory_space<hbm>>
        tpu.wait_dma2 semaphore(%arg15 : memref<!tpu.dma_semaphore, #tpu.memory_space<semaphore_mem>>) src(%dma_wait3A_389 : memref<64x128xf32, #tpu.memory_space<hbm>>) dst(%dma_wait3A_386 : memref<64x128xf32, #tpu.memory_space<vmem>>)
      } else {
      }
      %add3A_159 = arith.constant 1 : i32
      %add3A_160 = arith.addi %add3A_153, %add3A_159 : i32
      %lt3A_161 = arith.constant 160 : i32
      %lt3A_162 = arith.cmpi slt, %add3A_160, %lt3A_161 : i32
      %convert_element_type3A_163 = arith.extui %lt3A_162 : i1 to i32
      %cond3A_164 = arith.constant 0 : i32
      %cond3A_165 = arith.cmpi ne, %convert_element_type3A_163, %cond3A_164 : i32
      scf.if %cond3A_165 {
        %dma_start3A_378 = arith.constant 3 : i32
        %dma_start3A_379 = arith.constant 192 : i32
        %dma_start3A_380 = arith.constant 0 : i32
        %dma_start3A_381 = tpu.memref_slice %arg9[%dma_start3A_379, %dma_start3A_380] : memref<256x128xf32, #tpu.memory_space<vmem>> -> memref<64x128xf32, #tpu.memory_space<vmem>>
        %dma_start3A_382 = arith.constant 0 : i32
        %dma_start3A_383 = tpu.memref_slice %arg7[%rem3A_66, %dma_start3A_378, %dma_start3A_382] : memref<2x8x64xi32, #tpu.memory_space<vmem>> -> memref<1x1x64xi32, #tpu.memory_space<vmem>>
        %dma_start3A_384 = tpu.memref_squeeze %dma_start3A_383 : memref<1x1x64xi32, #tpu.memory_space<vmem>> -> memref<64xi32, #tpu.memory_space<vmem>>
        %dma_start3A_385 = arith.constant 0 : i32
        %dma_start3A_386 = arith.constant 0 : i32
        %dma_start3A_387 = tpu.memref_slice %arg2[%dma_start3A_385, %dma_start3A_386] : memref<10240x128xf32, #tpu.memory_space<hbm>> -> memref<10240x128xf32, #tpu.memory_space<hbm>>
        tpu.enqueue_indirect_dma source(%dma_start3A_387 : memref<10240x128xf32, #tpu.memory_space<hbm>>) target(%dma_start3A_381 : memref<64x128xf32, #tpu.memory_space<vmem>>) offsets(%dma_start3A_384 : memref<64xi32, #tpu.memory_space<vmem>>) semaphore(%arg11 : memref<!tpu.dma_semaphore, #tpu.memory_space<semaphore_mem>>)
      } else {
      }
      %dma_wait3A_166 = arith.constant 128 : i32
      %dma_wait3A_167 = arith.constant 0 : i32
      %dma_wait3A_168 = tpu.memref_slice %arg9[%dma_wait3A_166, %dma_wait3A_167] : memref<256x128xf32, #tpu.memory_space<vmem>> -> memref<64x128xf32, #tpu.memory_space<vmem>>
      %dma_wait3A_169 = arith.constant 0 : i32
      %dma_wait3A_170 = arith.constant 0 : i32
      %dma_wait3A_171 = tpu.memref_slice %arg3[%dma_wait3A_169, %dma_wait3A_170] : memref<10240x128xf32, #tpu.memory_space<hbm>> -> memref<64x128xf32, #tpu.memory_space<hbm>>
      %dma_wait3A_172 = arith.constant 128 : i32
      %dma_wait3A_173 = arith.constant 0 : i32
      %dma_wait3A_174 = tpu.memref_slice %arg9[%dma_wait3A_172, %dma_wait3A_173] : memref<256x128xf32, #tpu.memory_space<vmem>> -> memref<64x128xf32, #tpu.memory_space<vmem>>
      %dma_wait3A_175 = arith.constant 0 : i32
      %dma_wait3A_176 = arith.constant 0 : i32
      %dma_wait3A_177 = tpu.memref_slice %arg3[%dma_wait3A_175, %dma_wait3A_176] : memref<10240x128xf32, #tpu.memory_space<hbm>> -> memref<64x128xf32, #tpu.memory_space<hbm>>
      tpu.wait_dma2 semaphore(%arg11 : memref<!tpu.dma_semaphore, #tpu.memory_space<semaphore_mem>>) src(%dma_wait3A_177 : memref<64x128xf32, #tpu.memory_space<hbm>>) dst(%dma_wait3A_174 : memref<64x128xf32, #tpu.memory_space<vmem>>)
      %dma_start3A_178 = arith.constant 2 : i32
      %dma_start3A_179 = arith.constant 128 : i32
      %dma_start3A_180 = arith.constant 0 : i32
      %dma_start3A_181 = tpu.memref_slice %arg9[%dma_start3A_179, %dma_start3A_180] : memref<256x128xf32, #tpu.memory_space<vmem>> -> memref<64x128xf32, #tpu.memory_space<vmem>>
      %dma_start3A_182 = arith.constant 0 : i32
      %dma_start3A_183 = tpu.memref_slice %arg8[%rem3A_66, %dma_start3A_178, %dma_start3A_182] : memref<2x8x64xi32, #tpu.memory_space<vmem>> -> memref<1x1x64xi32, #tpu.memory_space<vmem>>
      %dma_start3A_184 = tpu.memref_squeeze %dma_start3A_183 : memref<1x1x64xi32, #tpu.memory_space<vmem>> -> memref<64xi32, #tpu.memory_space<vmem>>
      %dma_start3A_185 = arith.constant 0 : i32
      %dma_start3A_186 = arith.constant 0 : i32
      %dma_start3A_187 = tpu.memref_slice %arg10[%dma_start3A_185, %dma_start3A_186] : memref<10240x128xf32, #tpu.memory_space<vmem_shared>> -> memref<10240x128xf32, #tpu.memory_space<vmem_shared>>
      tpu.enqueue_indirect_dma source(%dma_start3A_181 : memref<64x128xf32, #tpu.memory_space<vmem>>) target(%dma_start3A_187 : memref<10240x128xf32, #tpu.memory_space<vmem_shared>>) offsets(%dma_start3A_184 : memref<64xi32, #tpu.memory_space<vmem>>) semaphore(%arg14 : memref<!tpu.dma_semaphore, #tpu.memory_space<semaphore_mem>>) {add = true}
      %mul3A_188 = arith.constant 8 : i32
      %mul3A_189 = arith.muli %scan3A_65, %mul3A_188 : i32
      %add3A_190 = arith.constant 3 : i32
      %add3A_191 = arith.addi %mul3A_189, %add3A_190 : i32
      %ge3A_192 = arith.constant 3 : i32
      %ge3A_193 = arith.cmpi sge, %add3A_191, %ge3A_192 : i32
      %convert_element_type3A_194 = arith.extui %ge3A_193 : i1 to i32
      %cond3A_195 = arith.constant 0 : i32
      %cond3A_196 = arith.cmpi ne, %convert_element_type3A_194, %cond3A_195 : i32
      scf.if %cond3A_196 {
        %dma_wait3A_378 = arith.constant 0 : i32
        %dma_wait3A_379 = arith.constant 0 : i32
        %dma_wait3A_380 = tpu.memref_slice %arg9[%dma_wait3A_378, %dma_wait3A_379] : memref<256x128xf32, #tpu.memory_space<vmem>> -> memref<64x128xf32, #tpu.memory_space<vmem>>
        %dma_wait3A_381 = arith.constant 0 : i32
        %dma_wait3A_382 = arith.constant 0 : i32
        %dma_wait3A_383 = tpu.memref_slice %arg3[%dma_wait3A_381, %dma_wait3A_382] : memref<10240x128xf32, #tpu.memory_space<hbm>> -> memref<64x128xf32, #tpu.memory_space<hbm>>
        %dma_wait3A_384 = arith.constant 0 : i32
        %dma_wait3A_385 = arith.constant 0 : i32
        %dma_wait3A_386 = tpu.memref_slice %arg9[%dma_wait3A_384, %dma_wait3A_385] : memref<256x128xf32, #tpu.memory_space<vmem>> -> memref<64x128xf32, #tpu.memory_space<vmem>>
        %dma_wait3A_387 = arith.constant 0 : i32
        %dma_wait3A_388 = arith.constant 0 : i32
        %dma_wait3A_389 = tpu.memref_slice %arg3[%dma_wait3A_387, %dma_wait3A_388] : memref<10240x128xf32, #tpu.memory_space<hbm>> -> memref<64x128xf32, #tpu.memory_space<hbm>>
        tpu.wait_dma2 semaphore(%arg12 : memref<!tpu.dma_semaphore, #tpu.memory_space<semaphore_mem>>) src(%dma_wait3A_389 : memref<64x128xf32, #tpu.memory_space<hbm>>) dst(%dma_wait3A_386 : memref<64x128xf32, #tpu.memory_space<vmem>>)
      } else {
      }
      %add3A_197 = arith.constant 1 : i32
      %add3A_198 = arith.addi %add3A_191, %add3A_197 : i32
      %lt3A_199 = arith.constant 160 : i32
      %lt3A_200 = arith.cmpi slt, %add3A_198, %lt3A_199 : i32
      %convert_element_type3A_201 = arith.extui %lt3A_200 : i1 to i32
      %cond3A_202 = arith.constant 0 : i32
      %cond3A_203 = arith.cmpi ne, %convert_element_type3A_201, %cond3A_202 : i32
      scf.if %cond3A_203 {
        %dma_start3A_378 = arith.constant 4 : i32
        %dma_start3A_379 = arith.constant 0 : i32
        %dma_start3A_380 = arith.constant 0 : i32
        %dma_start3A_381 = tpu.memref_slice %arg9[%dma_start3A_379, %dma_start3A_380] : memref<256x128xf32, #tpu.memory_space<vmem>> -> memref<64x128xf32, #tpu.memory_space<vmem>>
        %dma_start3A_382 = arith.constant 0 : i32
        %dma_start3A_383 = tpu.memref_slice %arg7[%rem3A_66, %dma_start3A_378, %dma_start3A_382] : memref<2x8x64xi32, #tpu.memory_space<vmem>> -> memref<1x1x64xi32, #tpu.memory_space<vmem>>
        %dma_start3A_384 = tpu.memref_squeeze %dma_start3A_383 : memref<1x1x64xi32, #tpu.memory_space<vmem>> -> memref<64xi32, #tpu.memory_space<vmem>>
        %dma_start3A_385 = arith.constant 0 : i32
        %dma_start3A_386 = arith.constant 0 : i32
        %dma_start3A_387 = tpu.memref_slice %arg2[%dma_start3A_385, %dma_start3A_386] : memref<10240x128xf32, #tpu.memory_space<hbm>> -> memref<10240x128xf32, #tpu.memory_space<hbm>>
        tpu.enqueue_indirect_dma source(%dma_start3A_387 : memref<10240x128xf32, #tpu.memory_space<hbm>>) target(%dma_start3A_381 : memref<64x128xf32, #tpu.memory_space<vmem>>) offsets(%dma_start3A_384 : memref<64xi32, #tpu.memory_space<vmem>>) semaphore(%arg11 : memref<!tpu.dma_semaphore, #tpu.memory_space<semaphore_mem>>)
      } else {
      }
      %dma_wait3A_204 = arith.constant 192 : i32
      %dma_wait3A_205 = arith.constant 0 : i32
      %dma_wait3A_206 = tpu.memref_slice %arg9[%dma_wait3A_204, %dma_wait3A_205] : memref<256x128xf32, #tpu.memory_space<vmem>> -> memref<64x128xf32, #tpu.memory_space<vmem>>
      %dma_wait3A_207 = arith.constant 0 : i32
      %dma_wait3A_208 = arith.constant 0 : i32
      %dma_wait3A_209 = tpu.memref_slice %arg3[%dma_wait3A_207, %dma_wait3A_208] : memref<10240x128xf32, #tpu.memory_space<hbm>> -> memref<64x128xf32, #tpu.memory_space<hbm>>
      %dma_wait3A_210 = arith.constant 192 : i32
      %dma_wait3A_211 = arith.constant 0 : i32
      %dma_wait3A_212 = tpu.memref_slice %arg9[%dma_wait3A_210, %dma_wait3A_211] : memref<256x128xf32, #tpu.memory_space<vmem>> -> memref<64x128xf32, #tpu.memory_space<vmem>>
      %dma_wait3A_213 = arith.constant 0 : i32
      %dma_wait3A_214 = arith.constant 0 : i32
      %dma_wait3A_215 = tpu.memref_slice %arg3[%dma_wait3A_213, %dma_wait3A_214] : memref<10240x128xf32, #tpu.memory_space<hbm>> -> memref<64x128xf32, #tpu.memory_space<hbm>>
      tpu.wait_dma2 semaphore(%arg11 : memref<!tpu.dma_semaphore, #tpu.memory_space<semaphore_mem>>) src(%dma_wait3A_215 : memref<64x128xf32, #tpu.memory_space<hbm>>) dst(%dma_wait3A_212 : memref<64x128xf32, #tpu.memory_space<vmem>>)
      %dma_start3A_216 = arith.constant 3 : i32
      %dma_start3A_217 = arith.constant 192 : i32
      %dma_start3A_218 = arith.constant 0 : i32
      %dma_start3A_219 = tpu.memref_slice %arg9[%dma_start3A_217, %dma_start3A_218] : memref<256x128xf32, #tpu.memory_space<vmem>> -> memref<64x128xf32, #tpu.memory_space<vmem>>
      %dma_start3A_220 = arith.constant 0 : i32
      %dma_start3A_221 = tpu.memref_slice %arg8[%rem3A_66, %dma_start3A_216, %dma_start3A_220] : memref<2x8x64xi32, #tpu.memory_space<vmem>> -> memref<1x1x64xi32, #tpu.memory_space<vmem>>
      %dma_start3A_222 = tpu.memref_squeeze %dma_start3A_221 : memref<1x1x64xi32, #tpu.memory_space<vmem>> -> memref<64xi32, #tpu.memory_space<vmem>>
      %dma_start3A_223 = arith.constant 0 : i32
      %dma_start3A_224 = arith.constant 0 : i32
      %dma_start3A_225 = tpu.memref_slice %arg10[%dma_start3A_223, %dma_start3A_224] : memref<10240x128xf32, #tpu.memory_space<vmem_shared>> -> memref<10240x128xf32, #tpu.memory_space<vmem_shared>>
      tpu.enqueue_indirect_dma source(%dma_start3A_219 : memref<64x128xf32, #tpu.memory_space<vmem>>) target(%dma_start3A_225 : memref<10240x128xf32, #tpu.memory_space<vmem_shared>>) offsets(%dma_start3A_222 : memref<64xi32, #tpu.memory_space<vmem>>) semaphore(%arg15 : memref<!tpu.dma_semaphore, #tpu.memory_space<semaphore_mem>>) {add = true}
      %mul3A_226 = arith.constant 8 : i32
      %mul3A_227 = arith.muli %scan3A_65, %mul3A_226 : i32
      %add3A_228 = arith.constant 4 : i32
      %add3A_229 = arith.addi %mul3A_227, %add3A_228 : i32
      %ge3A_230 = arith.constant 3 : i32
      %ge3A_231 = arith.cmpi sge, %add3A_229, %ge3A_230 : i32
      %convert_element_type3A_232 = arith.extui %ge3A_231 : i1 to i32
      %cond3A_233 = arith.constant 0 : i32
      %cond3A_234 = arith.cmpi ne, %convert_element_type3A_232, %cond3A_233 : i32
      scf.if %cond3A_234 {
        %dma_wait3A_378 = arith.constant 64 : i32
        %dma_wait3A_379 = arith.constant 0 : i32
        %dma_wait3A_380 = tpu.memref_slice %arg9[%dma_wait3A_378, %dma_wait3A_379] : memref<256x128xf32, #tpu.memory_space<vmem>> -> memref<64x128xf32, #tpu.memory_space<vmem>>
        %dma_wait3A_381 = arith.constant 0 : i32
        %dma_wait3A_382 = arith.constant 0 : i32
        %dma_wait3A_383 = tpu.memref_slice %arg3[%dma_wait3A_381, %dma_wait3A_382] : memref<10240x128xf32, #tpu.memory_space<hbm>> -> memref<64x128xf32, #tpu.memory_space<hbm>>
        %dma_wait3A_384 = arith.constant 64 : i32
        %dma_wait3A_385 = arith.constant 0 : i32
        %dma_wait3A_386 = tpu.memref_slice %arg9[%dma_wait3A_384, %dma_wait3A_385] : memref<256x128xf32, #tpu.memory_space<vmem>> -> memref<64x128xf32, #tpu.memory_space<vmem>>
        %dma_wait3A_387 = arith.constant 0 : i32
        %dma_wait3A_388 = arith.constant 0 : i32
        %dma_wait3A_389 = tpu.memref_slice %arg3[%dma_wait3A_387, %dma_wait3A_388] : memref<10240x128xf32, #tpu.memory_space<hbm>> -> memref<64x128xf32, #tpu.memory_space<hbm>>
        tpu.wait_dma2 semaphore(%arg13 : memref<!tpu.dma_semaphore, #tpu.memory_space<semaphore_mem>>) src(%dma_wait3A_389 : memref<64x128xf32, #tpu.memory_space<hbm>>) dst(%dma_wait3A_386 : memref<64x128xf32, #tpu.memory_space<vmem>>)
      } else {
      }
      %add3A_235 = arith.constant 1 : i32
      %add3A_236 = arith.addi %add3A_229, %add3A_235 : i32
      %lt3A_237 = arith.constant 160 : i32
      %lt3A_238 = arith.cmpi slt, %add3A_236, %lt3A_237 : i32
      %convert_element_type3A_239 = arith.extui %lt3A_238 : i1 to i32
      %cond3A_240 = arith.constant 0 : i32
      %cond3A_241 = arith.cmpi ne, %convert_element_type3A_239, %cond3A_240 : i32
      scf.if %cond3A_241 {
        %dma_start3A_378 = arith.constant 5 : i32
        %dma_start3A_379 = arith.constant 64 : i32
        %dma_start3A_380 = arith.constant 0 : i32
        %dma_start3A_381 = tpu.memref_slice %arg9[%dma_start3A_379, %dma_start3A_380] : memref<256x128xf32, #tpu.memory_space<vmem>> -> memref<64x128xf32, #tpu.memory_space<vmem>>
        %dma_start3A_382 = arith.constant 0 : i32
        %dma_start3A_383 = tpu.memref_slice %arg7[%rem3A_66, %dma_start3A_378, %dma_start3A_382] : memref<2x8x64xi32, #tpu.memory_space<vmem>> -> memref<1x1x64xi32, #tpu.memory_space<vmem>>
        %dma_start3A_384 = tpu.memref_squeeze %dma_start3A_383 : memref<1x1x64xi32, #tpu.memory_space<vmem>> -> memref<64xi32, #tpu.memory_space<vmem>>
        %dma_start3A_385 = arith.constant 0 : i32
        %dma_start3A_386 = arith.constant 0 : i32
        %dma_start3A_387 = tpu.memref_slice %arg2[%dma_start3A_385, %dma_start3A_386] : memref<10240x128xf32, #tpu.memory_space<hbm>> -> memref<10240x128xf32, #tpu.memory_space<hbm>>
        tpu.enqueue_indirect_dma source(%dma_start3A_387 : memref<10240x128xf32, #tpu.memory_space<hbm>>) target(%dma_start3A_381 : memref<64x128xf32, #tpu.memory_space<vmem>>) offsets(%dma_start3A_384 : memref<64xi32, #tpu.memory_space<vmem>>) semaphore(%arg11 : memref<!tpu.dma_semaphore, #tpu.memory_space<semaphore_mem>>)
      } else {
      }
      %dma_wait3A_242 = arith.constant 0 : i32
      %dma_wait3A_243 = arith.constant 0 : i32
      %dma_wait3A_244 = tpu.memref_slice %arg9[%dma_wait3A_242, %dma_wait3A_243] : memref<256x128xf32, #tpu.memory_space<vmem>> -> memref<64x128xf32, #tpu.memory_space<vmem>>
      %dma_wait3A_245 = arith.constant 0 : i32
      %dma_wait3A_246 = arith.constant 0 : i32
      %dma_wait3A_247 = tpu.memref_slice %arg3[%dma_wait3A_245, %dma_wait3A_246] : memref<10240x128xf32, #tpu.memory_space<hbm>> -> memref<64x128xf32, #tpu.memory_space<hbm>>
      %dma_wait3A_248 = arith.constant 0 : i32
      %dma_wait3A_249 = arith.constant 0 : i32
      %dma_wait3A_250 = tpu.memref_slice %arg9[%dma_wait3A_248, %dma_wait3A_249] : memref<256x128xf32, #tpu.memory_space<vmem>> -> memref<64x128xf32, #tpu.memory_space<vmem>>
      %dma_wait3A_251 = arith.constant 0 : i32
      %dma_wait3A_252 = arith.constant 0 : i32
      %dma_wait3A_253 = tpu.memref_slice %arg3[%dma_wait3A_251, %dma_wait3A_252] : memref<10240x128xf32, #tpu.memory_space<hbm>> -> memref<64x128xf32, #tpu.memory_space<hbm>>
      tpu.wait_dma2 semaphore(%arg11 : memref<!tpu.dma_semaphore, #tpu.memory_space<semaphore_mem>>) src(%dma_wait3A_253 : memref<64x128xf32, #tpu.memory_space<hbm>>) dst(%dma_wait3A_250 : memref<64x128xf32, #tpu.memory_space<vmem>>)
      %dma_start3A_254 = arith.constant 4 : i32
      %dma_start3A_255 = arith.constant 0 : i32
      %dma_start3A_256 = arith.constant 0 : i32
      %dma_start3A_257 = tpu.memref_slice %arg9[%dma_start3A_255, %dma_start3A_256] : memref<256x128xf32, #tpu.memory_space<vmem>> -> memref<64x128xf32, #tpu.memory_space<vmem>>
      %dma_start3A_258 = arith.constant 0 : i32
      %dma_start3A_259 = tpu.memref_slice %arg8[%rem3A_66, %dma_start3A_254, %dma_start3A_258] : memref<2x8x64xi32, #tpu.memory_space<vmem>> -> memref<1x1x64xi32, #tpu.memory_space<vmem>>
      %dma_start3A_260 = tpu.memref_squeeze %dma_start3A_259 : memref<1x1x64xi32, #tpu.memory_space<vmem>> -> memref<64xi32, #tpu.memory_space<vmem>>
      %dma_start3A_261 = arith.constant 0 : i32
      %dma_start3A_262 = arith.constant 0 : i32
      %dma_start3A_263 = tpu.memref_slice %arg10[%dma_start3A_261, %dma_start3A_262] : memref<10240x128xf32, #tpu.memory_space<vmem_shared>> -> memref<10240x128xf32, #tpu.memory_space<vmem_shared>>
      tpu.enqueue_indirect_dma source(%dma_start3A_257 : memref<64x128xf32, #tpu.memory_space<vmem>>) target(%dma_start3A_263 : memref<10240x128xf32, #tpu.memory_space<vmem_shared>>) offsets(%dma_start3A_260 : memref<64xi32, #tpu.memory_space<vmem>>) semaphore(%arg12 : memref<!tpu.dma_semaphore, #tpu.memory_space<semaphore_mem>>) {add = true}
      %mul3A_264 = arith.constant 8 : i32
      %mul3A_265 = arith.muli %scan3A_65, %mul3A_264 : i32
      %add3A_266 = arith.constant 5 : i32
      %add3A_267 = arith.addi %mul3A_265, %add3A_266 : i32
      %ge3A_268 = arith.constant 3 : i32
      %ge3A_269 = arith.cmpi sge, %add3A_267, %ge3A_268 : i32
      %convert_element_type3A_270 = arith.extui %ge3A_269 : i1 to i32
      %cond3A_271 = arith.constant 0 : i32
      %cond3A_272 = arith.cmpi ne, %convert_element_type3A_270, %cond3A_271 : i32
      scf.if %cond3A_272 {
        %dma_wait3A_378 = arith.constant 128 : i32
        %dma_wait3A_379 = arith.constant 0 : i32
        %dma_wait3A_380 = tpu.memref_slice %arg9[%dma_wait3A_378, %dma_wait3A_379] : memref<256x128xf32, #tpu.memory_space<vmem>> -> memref<64x128xf32, #tpu.memory_space<vmem>>
        %dma_wait3A_381 = arith.constant 0 : i32
        %dma_wait3A_382 = arith.constant 0 : i32
        %dma_wait3A_383 = tpu.memref_slice %arg3[%dma_wait3A_381, %dma_wait3A_382] : memref<10240x128xf32, #tpu.memory_space<hbm>> -> memref<64x128xf32, #tpu.memory_space<hbm>>
        %dma_wait3A_384 = arith.constant 128 : i32
        %dma_wait3A_385 = arith.constant 0 : i32
        %dma_wait3A_386 = tpu.memref_slice %arg9[%dma_wait3A_384, %dma_wait3A_385] : memref<256x128xf32, #tpu.memory_space<vmem>> -> memref<64x128xf32, #tpu.memory_space<vmem>>
        %dma_wait3A_387 = arith.constant 0 : i32
        %dma_wait3A_388 = arith.constant 0 : i32
        %dma_wait3A_389 = tpu.memref_slice %arg3[%dma_wait3A_387, %dma_wait3A_388] : memref<10240x128xf32, #tpu.memory_space<hbm>> -> memref<64x128xf32, #tpu.memory_space<hbm>>
        tpu.wait_dma2 semaphore(%arg14 : memref<!tpu.dma_semaphore, #tpu.memory_space<semaphore_mem>>) src(%dma_wait3A_389 : memref<64x128xf32, #tpu.memory_space<hbm>>) dst(%dma_wait3A_386 : memref<64x128xf32, #tpu.memory_space<vmem>>)
      } else {
      }
      %add3A_273 = arith.constant 1 : i32
      %add3A_274 = arith.addi %add3A_267, %add3A_273 : i32
      %lt3A_275 = arith.constant 160 : i32
      %lt3A_276 = arith.cmpi slt, %add3A_274, %lt3A_275 : i32
      %convert_element_type3A_277 = arith.extui %lt3A_276 : i1 to i32
      %cond3A_278 = arith.constant 0 : i32
      %cond3A_279 = arith.cmpi ne, %convert_element_type3A_277, %cond3A_278 : i32
      scf.if %cond3A_279 {
        %dma_start3A_378 = arith.constant 6 : i32
        %dma_start3A_379 = arith.constant 128 : i32
        %dma_start3A_380 = arith.constant 0 : i32
        %dma_start3A_381 = tpu.memref_slice %arg9[%dma_start3A_379, %dma_start3A_380] : memref<256x128xf32, #tpu.memory_space<vmem>> -> memref<64x128xf32, #tpu.memory_space<vmem>>
        %dma_start3A_382 = arith.constant 0 : i32
        %dma_start3A_383 = tpu.memref_slice %arg7[%rem3A_66, %dma_start3A_378, %dma_start3A_382] : memref<2x8x64xi32, #tpu.memory_space<vmem>> -> memref<1x1x64xi32, #tpu.memory_space<vmem>>
        %dma_start3A_384 = tpu.memref_squeeze %dma_start3A_383 : memref<1x1x64xi32, #tpu.memory_space<vmem>> -> memref<64xi32, #tpu.memory_space<vmem>>
        %dma_start3A_385 = arith.constant 0 : i32
        %dma_start3A_386 = arith.constant 0 : i32
        %dma_start3A_387 = tpu.memref_slice %arg2[%dma_start3A_385, %dma_start3A_386] : memref<10240x128xf32, #tpu.memory_space<hbm>> -> memref<10240x128xf32, #tpu.memory_space<hbm>>
        tpu.enqueue_indirect_dma source(%dma_start3A_387 : memref<10240x128xf32, #tpu.memory_space<hbm>>) target(%dma_start3A_381 : memref<64x128xf32, #tpu.memory_space<vmem>>) offsets(%dma_start3A_384 : memref<64xi32, #tpu.memory_space<vmem>>) semaphore(%arg11 : memref<!tpu.dma_semaphore, #tpu.memory_space<semaphore_mem>>)
      } else {
      }
      %dma_wait3A_280 = arith.constant 64 : i32
      %dma_wait3A_281 = arith.constant 0 : i32
      %dma_wait3A_282 = tpu.memref_slice %arg9[%dma_wait3A_280, %dma_wait3A_281] : memref<256x128xf32, #tpu.memory_space<vmem>> -> memref<64x128xf32, #tpu.memory_space<vmem>>
      %dma_wait3A_283 = arith.constant 0 : i32
      %dma_wait3A_284 = arith.constant 0 : i32
      %dma_wait3A_285 = tpu.memref_slice %arg3[%dma_wait3A_283, %dma_wait3A_284] : memref<10240x128xf32, #tpu.memory_space<hbm>> -> memref<64x128xf32, #tpu.memory_space<hbm>>
      %dma_wait3A_286 = arith.constant 64 : i32
      %dma_wait3A_287 = arith.constant 0 : i32
      %dma_wait3A_288 = tpu.memref_slice %arg9[%dma_wait3A_286, %dma_wait3A_287] : memref<256x128xf32, #tpu.memory_space<vmem>> -> memref<64x128xf32, #tpu.memory_space<vmem>>
      %dma_wait3A_289 = arith.constant 0 : i32
      %dma_wait3A_290 = arith.constant 0 : i32
      %dma_wait3A_291 = tpu.memref_slice %arg3[%dma_wait3A_289, %dma_wait3A_290] : memref<10240x128xf32, #tpu.memory_space<hbm>> -> memref<64x128xf32, #tpu.memory_space<hbm>>
      tpu.wait_dma2 semaphore(%arg11 : memref<!tpu.dma_semaphore, #tpu.memory_space<semaphore_mem>>) src(%dma_wait3A_291 : memref<64x128xf32, #tpu.memory_space<hbm>>) dst(%dma_wait3A_288 : memref<64x128xf32, #tpu.memory_space<vmem>>)
      %dma_start3A_292 = arith.constant 5 : i32
      %dma_start3A_293 = arith.constant 64 : i32
      %dma_start3A_294 = arith.constant 0 : i32
      %dma_start3A_295 = tpu.memref_slice %arg9[%dma_start3A_293, %dma_start3A_294] : memref<256x128xf32, #tpu.memory_space<vmem>> -> memref<64x128xf32, #tpu.memory_space<vmem>>
      %dma_start3A_296 = arith.constant 0 : i32
      %dma_start3A_297 = tpu.memref_slice %arg8[%rem3A_66, %dma_start3A_292, %dma_start3A_296] : memref<2x8x64xi32, #tpu.memory_space<vmem>> -> memref<1x1x64xi32, #tpu.memory_space<vmem>>
      %dma_start3A_298 = tpu.memref_squeeze %dma_start3A_297 : memref<1x1x64xi32, #tpu.memory_space<vmem>> -> memref<64xi32, #tpu.memory_space<vmem>>
      %dma_start3A_299 = arith.constant 0 : i32
      %dma_start3A_300 = arith.constant 0 : i32
      %dma_start3A_301 = tpu.memref_slice %arg10[%dma_start3A_299, %dma_start3A_300] : memref<10240x128xf32, #tpu.memory_space<vmem_shared>> -> memref<10240x128xf32, #tpu.memory_space<vmem_shared>>
      tpu.enqueue_indirect_dma source(%dma_start3A_295 : memref<64x128xf32, #tpu.memory_space<vmem>>) target(%dma_start3A_301 : memref<10240x128xf32, #tpu.memory_space<vmem_shared>>) offsets(%dma_start3A_298 : memref<64xi32, #tpu.memory_space<vmem>>) semaphore(%arg13 : memref<!tpu.dma_semaphore, #tpu.memory_space<semaphore_mem>>) {add = true}
      %mul3A_302 = arith.constant 8 : i32
      %mul3A_303 = arith.muli %scan3A_65, %mul3A_302 : i32
      %add3A_304 = arith.constant 6 : i32
      %add3A_305 = arith.addi %mul3A_303, %add3A_304 : i32
      %ge3A_306 = arith.constant 3 : i32
      %ge3A_307 = arith.cmpi sge, %add3A_305, %ge3A_306 : i32
      %convert_element_type3A_308 = arith.extui %ge3A_307 : i1 to i32
      %cond3A_309 = arith.constant 0 : i32
      %cond3A_310 = arith.cmpi ne, %convert_element_type3A_308, %cond3A_309 : i32
      scf.if %cond3A_310 {
        %dma_wait3A_378 = arith.constant 192 : i32
        %dma_wait3A_379 = arith.constant 0 : i32
        %dma_wait3A_380 = tpu.memref_slice %arg9[%dma_wait3A_378, %dma_wait3A_379] : memref<256x128xf32, #tpu.memory_space<vmem>> -> memref<64x128xf32, #tpu.memory_space<vmem>>
        %dma_wait3A_381 = arith.constant 0 : i32
        %dma_wait3A_382 = arith.constant 0 : i32
        %dma_wait3A_383 = tpu.memref_slice %arg3[%dma_wait3A_381, %dma_wait3A_382] : memref<10240x128xf32, #tpu.memory_space<hbm>> -> memref<64x128xf32, #tpu.memory_space<hbm>>
        %dma_wait3A_384 = arith.constant 192 : i32
        %dma_wait3A_385 = arith.constant 0 : i32
        %dma_wait3A_386 = tpu.memref_slice %arg9[%dma_wait3A_384, %dma_wait3A_385] : memref<256x128xf32, #tpu.memory_space<vmem>> -> memref<64x128xf32, #tpu.memory_space<vmem>>
        %dma_wait3A_387 = arith.constant 0 : i32
        %dma_wait3A_388 = arith.constant 0 : i32
        %dma_wait3A_389 = tpu.memref_slice %arg3[%dma_wait3A_387, %dma_wait3A_388] : memref<10240x128xf32, #tpu.memory_space<hbm>> -> memref<64x128xf32, #tpu.memory_space<hbm>>
        tpu.wait_dma2 semaphore(%arg15 : memref<!tpu.dma_semaphore, #tpu.memory_space<semaphore_mem>>) src(%dma_wait3A_389 : memref<64x128xf32, #tpu.memory_space<hbm>>) dst(%dma_wait3A_386 : memref<64x128xf32, #tpu.memory_space<vmem>>)
      } else {
      }
      %add3A_311 = arith.constant 1 : i32
      %add3A_312 = arith.addi %add3A_305, %add3A_311 : i32
      %lt3A_313 = arith.constant 160 : i32
      %lt3A_314 = arith.cmpi slt, %add3A_312, %lt3A_313 : i32
      %convert_element_type3A_315 = arith.extui %lt3A_314 : i1 to i32
      %cond3A_316 = arith.constant 0 : i32
      %cond3A_317 = arith.cmpi ne, %convert_element_type3A_315, %cond3A_316 : i32
      scf.if %cond3A_317 {
        %dma_start3A_378 = arith.constant 7 : i32
        %dma_start3A_379 = arith.constant 192 : i32
        %dma_start3A_380 = arith.constant 0 : i32
        %dma_start3A_381 = tpu.memref_slice %arg9[%dma_start3A_379, %dma_start3A_380] : memref<256x128xf32, #tpu.memory_space<vmem>> -> memref<64x128xf32, #tpu.memory_space<vmem>>
        %dma_start3A_382 = arith.constant 0 : i32
        %dma_start3A_383 = tpu.memref_slice %arg7[%rem3A_66, %dma_start3A_378, %dma_start3A_382] : memref<2x8x64xi32, #tpu.memory_space<vmem>> -> memref<1x1x64xi32, #tpu.memory_space<vmem>>
        %dma_start3A_384 = tpu.memref_squeeze %dma_start3A_383 : memref<1x1x64xi32, #tpu.memory_space<vmem>> -> memref<64xi32, #tpu.memory_space<vmem>>
        %dma_start3A_385 = arith.constant 0 : i32
        %dma_start3A_386 = arith.constant 0 : i32
        %dma_start3A_387 = tpu.memref_slice %arg2[%dma_start3A_385, %dma_start3A_386] : memref<10240x128xf32, #tpu.memory_space<hbm>> -> memref<10240x128xf32, #tpu.memory_space<hbm>>
        tpu.enqueue_indirect_dma source(%dma_start3A_387 : memref<10240x128xf32, #tpu.memory_space<hbm>>) target(%dma_start3A_381 : memref<64x128xf32, #tpu.memory_space<vmem>>) offsets(%dma_start3A_384 : memref<64xi32, #tpu.memory_space<vmem>>) semaphore(%arg11 : memref<!tpu.dma_semaphore, #tpu.memory_space<semaphore_mem>>)
      } else {
      }
      %dma_wait3A_318 = arith.constant 128 : i32
      %dma_wait3A_319 = arith.constant 0 : i32
      %dma_wait3A_320 = tpu.memref_slice %arg9[%dma_wait3A_318, %dma_wait3A_319] : memref<256x128xf32, #tpu.memory_space<vmem>> -> memref<64x128xf32, #tpu.memory_space<vmem>>
      %dma_wait3A_321 = arith.constant 0 : i32
      %dma_wait3A_322 = arith.constant 0 : i32
      %dma_wait3A_323 = tpu.memref_slice %arg3[%dma_wait3A_321, %dma_wait3A_322] : memref<10240x128xf32, #tpu.memory_space<hbm>> -> memref<64x128xf32, #tpu.memory_space<hbm>>
      %dma_wait3A_324 = arith.constant 128 : i32
      %dma_wait3A_325 = arith.constant 0 : i32
      %dma_wait3A_326 = tpu.memref_slice %arg9[%dma_wait3A_324, %dma_wait3A_325] : memref<256x128xf32, #tpu.memory_space<vmem>> -> memref<64x128xf32, #tpu.memory_space<vmem>>
      %dma_wait3A_327 = arith.constant 0 : i32
      %dma_wait3A_328 = arith.constant 0 : i32
      %dma_wait3A_329 = tpu.memref_slice %arg3[%dma_wait3A_327, %dma_wait3A_328] : memref<10240x128xf32, #tpu.memory_space<hbm>> -> memref<64x128xf32, #tpu.memory_space<hbm>>
      tpu.wait_dma2 semaphore(%arg11 : memref<!tpu.dma_semaphore, #tpu.memory_space<semaphore_mem>>) src(%dma_wait3A_329 : memref<64x128xf32, #tpu.memory_space<hbm>>) dst(%dma_wait3A_326 : memref<64x128xf32, #tpu.memory_space<vmem>>)
      %dma_start3A_330 = arith.constant 6 : i32
      %dma_start3A_331 = arith.constant 128 : i32
      %dma_start3A_332 = arith.constant 0 : i32
      %dma_start3A_333 = tpu.memref_slice %arg9[%dma_start3A_331, %dma_start3A_332] : memref<256x128xf32, #tpu.memory_space<vmem>> -> memref<64x128xf32, #tpu.memory_space<vmem>>
      %dma_start3A_334 = arith.constant 0 : i32
      %dma_start3A_335 = tpu.memref_slice %arg8[%rem3A_66, %dma_start3A_330, %dma_start3A_334] : memref<2x8x64xi32, #tpu.memory_space<vmem>> -> memref<1x1x64xi32, #tpu.memory_space<vmem>>
      %dma_start3A_336 = tpu.memref_squeeze %dma_start3A_335 : memref<1x1x64xi32, #tpu.memory_space<vmem>> -> memref<64xi32, #tpu.memory_space<vmem>>
      %dma_start3A_337 = arith.constant 0 : i32
      %dma_start3A_338 = arith.constant 0 : i32
      %dma_start3A_339 = tpu.memref_slice %arg10[%dma_start3A_337, %dma_start3A_338] : memref<10240x128xf32, #tpu.memory_space<vmem_shared>> -> memref<10240x128xf32, #tpu.memory_space<vmem_shared>>
      tpu.enqueue_indirect_dma source(%dma_start3A_333 : memref<64x128xf32, #tpu.memory_space<vmem>>) target(%dma_start3A_339 : memref<10240x128xf32, #tpu.memory_space<vmem_shared>>) offsets(%dma_start3A_336 : memref<64xi32, #tpu.memory_space<vmem>>) semaphore(%arg14 : memref<!tpu.dma_semaphore, #tpu.memory_space<semaphore_mem>>) {add = true}
      %mul3A_340 = arith.constant 8 : i32
      %mul3A_341 = arith.muli %scan3A_65, %mul3A_340 : i32
      %add3A_342 = arith.constant 7 : i32
      %add3A_343 = arith.addi %mul3A_341, %add3A_342 : i32
      %ge3A_344 = arith.constant 3 : i32
      %ge3A_345 = arith.cmpi sge, %add3A_343, %ge3A_344 : i32
      %convert_element_type3A_346 = arith.extui %ge3A_345 : i1 to i32
      %cond3A_347 = arith.constant 0 : i32
      %cond3A_348 = arith.cmpi ne, %convert_element_type3A_346, %cond3A_347 : i32
      scf.if %cond3A_348 {
        %dma_wait3A_378 = arith.constant 0 : i32
        %dma_wait3A_379 = arith.constant 0 : i32
        %dma_wait3A_380 = tpu.memref_slice %arg9[%dma_wait3A_378, %dma_wait3A_379] : memref<256x128xf32, #tpu.memory_space<vmem>> -> memref<64x128xf32, #tpu.memory_space<vmem>>
        %dma_wait3A_381 = arith.constant 0 : i32
        %dma_wait3A_382 = arith.constant 0 : i32
        %dma_wait3A_383 = tpu.memref_slice %arg3[%dma_wait3A_381, %dma_wait3A_382] : memref<10240x128xf32, #tpu.memory_space<hbm>> -> memref<64x128xf32, #tpu.memory_space<hbm>>
        %dma_wait3A_384 = arith.constant 0 : i32
        %dma_wait3A_385 = arith.constant 0 : i32
        %dma_wait3A_386 = tpu.memref_slice %arg9[%dma_wait3A_384, %dma_wait3A_385] : memref<256x128xf32, #tpu.memory_space<vmem>> -> memref<64x128xf32, #tpu.memory_space<vmem>>
        %dma_wait3A_387 = arith.constant 0 : i32
        %dma_wait3A_388 = arith.constant 0 : i32
        %dma_wait3A_389 = tpu.memref_slice %arg3[%dma_wait3A_387, %dma_wait3A_388] : memref<10240x128xf32, #tpu.memory_space<hbm>> -> memref<64x128xf32, #tpu.memory_space<hbm>>
        tpu.wait_dma2 semaphore(%arg12 : memref<!tpu.dma_semaphore, #tpu.memory_space<semaphore_mem>>) src(%dma_wait3A_389 : memref<64x128xf32, #tpu.memory_space<hbm>>) dst(%dma_wait3A_386 : memref<64x128xf32, #tpu.memory_space<vmem>>)
      } else {
      }
      %add3A_349 = arith.constant 1 : i32
      %add3A_350 = arith.addi %add3A_343, %add3A_349 : i32
      %lt3A_351 = arith.constant 160 : i32
      %lt3A_352 = arith.cmpi slt, %add3A_350, %lt3A_351 : i32
      %convert_element_type3A_353 = arith.extui %lt3A_352 : i1 to i32
      %cond3A_354 = arith.constant 0 : i32
      %cond3A_355 = arith.cmpi ne, %convert_element_type3A_353, %cond3A_354 : i32
      scf.if %cond3A_355 {
        %dma_start3A_378 = arith.constant 0 : i32
        %dma_start3A_379 = arith.constant 0 : i32
        %dma_start3A_380 = arith.constant 0 : i32
        %dma_start3A_381 = tpu.memref_slice %arg9[%dma_start3A_379, %dma_start3A_380] : memref<256x128xf32, #tpu.memory_space<vmem>> -> memref<64x128xf32, #tpu.memory_space<vmem>>
        %dma_start3A_382 = arith.constant 0 : i32
        %dma_start3A_383 = tpu.memref_slice %arg7[%rem3A_70, %dma_start3A_378, %dma_start3A_382] : memref<2x8x64xi32, #tpu.memory_space<vmem>> -> memref<1x1x64xi32, #tpu.memory_space<vmem>>
        %dma_start3A_384 = tpu.memref_squeeze %dma_start3A_383 : memref<1x1x64xi32, #tpu.memory_space<vmem>> -> memref<64xi32, #tpu.memory_space<vmem>>
        %dma_start3A_385 = arith.constant 0 : i32
        %dma_start3A_386 = arith.constant 0 : i32
        %dma_start3A_387 = tpu.memref_slice %arg2[%dma_start3A_385, %dma_start3A_386] : memref<10240x128xf32, #tpu.memory_space<hbm>> -> memref<10240x128xf32, #tpu.memory_space<hbm>>
        tpu.enqueue_indirect_dma source(%dma_start3A_387 : memref<10240x128xf32, #tpu.memory_space<hbm>>) target(%dma_start3A_381 : memref<64x128xf32, #tpu.memory_space<vmem>>) offsets(%dma_start3A_384 : memref<64xi32, #tpu.memory_space<vmem>>) semaphore(%arg11 : memref<!tpu.dma_semaphore, #tpu.memory_space<semaphore_mem>>)
      } else {
      }
      %dma_wait3A_356 = arith.constant 192 : i32
      %dma_wait3A_357 = arith.constant 0 : i32
      %dma_wait3A_358 = tpu.memref_slice %arg9[%dma_wait3A_356, %dma_wait3A_357] : memref<256x128xf32, #tpu.memory_space<vmem>> -> memref<64x128xf32, #tpu.memory_space<vmem>>
      %dma_wait3A_359 = arith.constant 0 : i32
      %dma_wait3A_360 = arith.constant 0 : i32
      %dma_wait3A_361 = tpu.memref_slice %arg3[%dma_wait3A_359, %dma_wait3A_360] : memref<10240x128xf32, #tpu.memory_space<hbm>> -> memref<64x128xf32, #tpu.memory_space<hbm>>
      %dma_wait3A_362 = arith.constant 192 : i32
      %dma_wait3A_363 = arith.constant 0 : i32
      %dma_wait3A_364 = tpu.memref_slice %arg9[%dma_wait3A_362, %dma_wait3A_363] : memref<256x128xf32, #tpu.memory_space<vmem>> -> memref<64x128xf32, #tpu.memory_space<vmem>>
      %dma_wait3A_365 = arith.constant 0 : i32
      %dma_wait3A_366 = arith.constant 0 : i32
      %dma_wait3A_367 = tpu.memref_slice %arg3[%dma_wait3A_365, %dma_wait3A_366] : memref<10240x128xf32, #tpu.memory_space<hbm>> -> memref<64x128xf32, #tpu.memory_space<hbm>>
      tpu.wait_dma2 semaphore(%arg11 : memref<!tpu.dma_semaphore, #tpu.memory_space<semaphore_mem>>) src(%dma_wait3A_367 : memref<64x128xf32, #tpu.memory_space<hbm>>) dst(%dma_wait3A_364 : memref<64x128xf32, #tpu.memory_space<vmem>>)
      %dma_start3A_368 = arith.constant 7 : i32
      %dma_start3A_369 = arith.constant 192 : i32
      %dma_start3A_370 = arith.constant 0 : i32
      %dma_start3A_371 = tpu.memref_slice %arg9[%dma_start3A_369, %dma_start3A_370] : memref<256x128xf32, #tpu.memory_space<vmem>> -> memref<64x128xf32, #tpu.memory_space<vmem>>
      %dma_start3A_372 = arith.constant 0 : i32
      %dma_start3A_373 = tpu.memref_slice %arg8[%rem3A_66, %dma_start3A_368, %dma_start3A_372] : memref<2x8x64xi32, #tpu.memory_space<vmem>> -> memref<1x1x64xi32, #tpu.memory_space<vmem>>
      %dma_start3A_374 = tpu.memref_squeeze %dma_start3A_373 : memref<1x1x64xi32, #tpu.memory_space<vmem>> -> memref<64xi32, #tpu.memory_space<vmem>>
      %dma_start3A_375 = arith.constant 0 : i32
      %dma_start3A_376 = arith.constant 0 : i32
      %dma_start3A_377 = tpu.memref_slice %arg10[%dma_start3A_375, %dma_start3A_376] : memref<10240x128xf32, #tpu.memory_space<vmem_shared>> -> memref<10240x128xf32, #tpu.memory_space<vmem_shared>>
      tpu.enqueue_indirect_dma source(%dma_start3A_371 : memref<64x128xf32, #tpu.memory_space<vmem>>) target(%dma_start3A_377 : memref<10240x128xf32, #tpu.memory_space<vmem_shared>>) offsets(%dma_start3A_374 : memref<64xi32, #tpu.memory_space<vmem>>) semaphore(%arg15 : memref<!tpu.dma_semaphore, #tpu.memory_space<semaphore_mem>>) {add = true}
    }
    %scan3A_18 = arith.constant 20 : i32
    %dma_wait3A = arith.constant 64 : i32
    %dma_wait3A_19 = arith.constant 0 : i32
    %dma_wait3A_20 = tpu.memref_slice %arg9[%dma_wait3A, %dma_wait3A_19] : memref<256x128xf32, #tpu.memory_space<vmem>> -> memref<64x128xf32, #tpu.memory_space<vmem>>
    %dma_wait3A_21 = arith.constant 0 : i32
    %dma_wait3A_22 = arith.constant 0 : i32
    %dma_wait3A_23 = tpu.memref_slice %arg3[%dma_wait3A_21, %dma_wait3A_22] : memref<10240x128xf32, #tpu.memory_space<hbm>> -> memref<64x128xf32, #tpu.memory_space<hbm>>
    %dma_wait3A_24 = arith.constant 64 : i32
    %dma_wait3A_25 = arith.constant 0 : i32
    %dma_wait3A_26 = tpu.memref_slice %arg9[%dma_wait3A_24, %dma_wait3A_25] : memref<256x128xf32, #tpu.memory_space<vmem>> -> memref<64x128xf32, #tpu.memory_space<vmem>>
    %dma_wait3A_27 = arith.constant 0 : i32
    %dma_wait3A_28 = arith.constant 0 : i32
    %dma_wait3A_29 = tpu.memref_slice %arg3[%dma_wait3A_27, %dma_wait3A_28] : memref<10240x128xf32, #tpu.memory_space<hbm>> -> memref<64x128xf32, #tpu.memory_space<hbm>>
    tpu.wait_dma2 semaphore(%arg13 : memref<!tpu.dma_semaphore, #tpu.memory_space<semaphore_mem>>) src(%dma_wait3A_29 : memref<64x128xf32, #tpu.memory_space<hbm>>) dst(%dma_wait3A_26 : memref<64x128xf32, #tpu.memory_space<vmem>>)
    %dma_wait3A_30 = arith.constant 128 : i32
    %dma_wait3A_31 = arith.constant 0 : i32
    %dma_wait3A_32 = tpu.memref_slice %arg9[%dma_wait3A_30, %dma_wait3A_31] : memref<256x128xf32, #tpu.memory_space<vmem>> -> memref<64x128xf32, #tpu.memory_space<vmem>>
    %dma_wait3A_33 = arith.constant 0 : i32
    %dma_wait3A_34 = arith.constant 0 : i32
    %dma_wait3A_35 = tpu.memref_slice %arg3[%dma_wait3A_33, %dma_wait3A_34] : memref<10240x128xf32, #tpu.memory_space<hbm>> -> memref<64x128xf32, #tpu.memory_space<hbm>>
    %dma_wait3A_36 = arith.constant 128 : i32
    %dma_wait3A_37 = arith.constant 0 : i32
    %dma_wait3A_38 = tpu.memref_slice %arg9[%dma_wait3A_36, %dma_wait3A_37] : memref<256x128xf32, #tpu.memory_space<vmem>> -> memref<64x128xf32, #tpu.memory_space<vmem>>
    %dma_wait3A_39 = arith.constant 0 : i32
    %dma_wait3A_40 = arith.constant 0 : i32
    %dma_wait3A_41 = tpu.memref_slice %arg3[%dma_wait3A_39, %dma_wait3A_40] : memref<10240x128xf32, #tpu.memory_space<hbm>> -> memref<64x128xf32, #tpu.memory_space<hbm>>
    tpu.wait_dma2 semaphore(%arg14 : memref<!tpu.dma_semaphore, #tpu.memory_space<semaphore_mem>>) src(%dma_wait3A_41 : memref<64x128xf32, #tpu.memory_space<hbm>>) dst(%dma_wait3A_38 : memref<64x128xf32, #tpu.memory_space<vmem>>)
    %dma_wait3A_42 = arith.constant 192 : i32
    %dma_wait3A_43 = arith.constant 0 : i32
    %dma_wait3A_44 = tpu.memref_slice %arg9[%dma_wait3A_42, %dma_wait3A_43] : memref<256x128xf32, #tpu.memory_space<vmem>> -> memref<64x128xf32, #tpu.memory_space<vmem>>
    %dma_wait3A_45 = arith.constant 0 : i32
    %dma_wait3A_46 = arith.constant 0 : i32
    %dma_wait3A_47 = tpu.memref_slice %arg3[%dma_wait3A_45, %dma_wait3A_46] : memref<10240x128xf32, #tpu.memory_space<hbm>> -> memref<64x128xf32, #tpu.memory_space<hbm>>
    %dma_wait3A_48 = arith.constant 192 : i32
    %dma_wait3A_49 = arith.constant 0 : i32
    %dma_wait3A_50 = tpu.memref_slice %arg9[%dma_wait3A_48, %dma_wait3A_49] : memref<256x128xf32, #tpu.memory_space<vmem>> -> memref<64x128xf32, #tpu.memory_space<vmem>>
    %dma_wait3A_51 = arith.constant 0 : i32
    %dma_wait3A_52 = arith.constant 0 : i32
    %dma_wait3A_53 = tpu.memref_slice %arg3[%dma_wait3A_51, %dma_wait3A_52] : memref<10240x128xf32, #tpu.memory_space<hbm>> -> memref<64x128xf32, #tpu.memory_space<hbm>>
    tpu.wait_dma2 semaphore(%arg15 : memref<!tpu.dma_semaphore, #tpu.memory_space<semaphore_mem>>) src(%dma_wait3A_53 : memref<64x128xf32, #tpu.memory_space<hbm>>) dst(%dma_wait3A_50 : memref<64x128xf32, #tpu.memory_space<vmem>>)
    %barrier3A_54 = arith.constant 0 : index
    tpu.barrier barrier_id(%barrier3A_54)
    %add3A_55 = arith.constant 0 : i32
    %add3A_56 = arith.addi %mul3A_2, %add3A_55 : i32
    "tpu.region"() ({
      %run_scoped3A_65 = tpu.sem_alloc : memref<!tpu.dma_semaphore, #tpu.memory_space<semaphore_mem>>
      %dma_start3A_66 = arith.constant 0 : i32
      %dma_start3A_67 = tpu.memref_slice %arg6[%arg0, %add3A_56, %dma_start3A_66] : memref<2x10240x128xf32, #tpu.memory_space<hbm>> -> memref<1x128x128xf32, #tpu.memory_space<hbm>>
      %dma_start3A_68 = tpu.memref_squeeze %dma_start3A_67 : memref<1x128x128xf32, #tpu.memory_space<hbm>> -> memref<128x128xf32, #tpu.memory_space<hbm>>
      %dma_start3A_69 = arith.constant 0 : i32
      %dma_start3A_70 = tpu.memref_slice %arg10[%add3A_56, %dma_start3A_69] : memref<10240x128xf32, #tpu.memory_space<vmem_shared>> -> memref<128x128xf32, #tpu.memory_space<vmem_shared>>
      tpu.enqueue_dma source(%dma_start3A_70 : memref<128x128xf32, #tpu.memory_space<vmem_shared>>) target(%dma_start3A_68 : memref<128x128xf32, #tpu.memory_space<hbm>>) target_semaphore(%run_scoped3A_65 : memref<!tpu.dma_semaphore, #tpu.memory_space<semaphore_mem>>)
      %dma_wait3A_71 = arith.constant 0 : i32
      %dma_wait3A_72 = tpu.memref_slice %arg6[%arg0, %add3A_56, %dma_wait3A_71] : memref<2x10240x128xf32, #tpu.memory_space<hbm>> -> memref<1x128x128xf32, #tpu.memory_space<hbm>>
      %dma_wait3A_73 = tpu.memref_squeeze %dma_wait3A_72 : memref<1x128x128xf32, #tpu.memory_space<hbm>> -> memref<128x128xf32, #tpu.memory_space<hbm>>
      %dma_wait3A_74 = arith.constant 0 : i32
      %dma_wait3A_75 = tpu.memref_slice %arg10[%add3A_56, %dma_wait3A_74] : memref<10240x128xf32, #tpu.memory_space<vmem_shared>> -> memref<128x128xf32, #tpu.memory_space<vmem_shared>>
      tpu.wait_dma2 semaphore(%run_scoped3A_65 : memref<!tpu.dma_semaphore, #tpu.memory_space<semaphore_mem>>) src(%dma_wait3A_75 : memref<128x128xf32, #tpu.memory_space<vmem_shared>>) dst(%dma_wait3A_73 : memref<128x128xf32, #tpu.memory_space<hbm>>)
      tpu.yield
    }) : () -> ()
    %add3A_57 = arith.constant 128 : i32
    %add3A_58 = arith.addi %mul3A_2, %add3A_57 : i32
    "tpu.region"() ({
      %run_scoped3A_65 = tpu.sem_alloc : memref<!tpu.dma_semaphore, #tpu.memory_space<semaphore_mem>>
      %dma_start3A_66 = arith.constant 0 : i32
      %dma_start3A_67 = tpu.memref_slice %arg6[%arg0, %add3A_58, %dma_start3A_66] : memref<2x10240x128xf32, #tpu.memory_space<hbm>> -> memref<1x128x128xf32, #tpu.memory_space<hbm>>
      %dma_start3A_68 = tpu.memref_squeeze %dma_start3A_67 : memref<1x128x128xf32, #tpu.memory_space<hbm>> -> memref<128x128xf32, #tpu.memory_space<hbm>>
      %dma_start3A_69 = arith.constant 0 : i32
      %dma_start3A_70 = tpu.memref_slice %arg10[%add3A_58, %dma_start3A_69] : memref<10240x128xf32, #tpu.memory_space<vmem_shared>> -> memref<128x128xf32, #tpu.memory_space<vmem_shared>>
      tpu.enqueue_dma source(%dma_start3A_70 : memref<128x128xf32, #tpu.memory_space<vmem_shared>>) target(%dma_start3A_68 : memref<128x128xf32, #tpu.memory_space<hbm>>) target_semaphore(%run_scoped3A_65 : memref<!tpu.dma_semaphore, #tpu.memory_space<semaphore_mem>>)
      %dma_wait3A_71 = arith.constant 0 : i32
      %dma_wait3A_72 = tpu.memref_slice %arg6[%arg0, %add3A_58, %dma_wait3A_71] : memref<2x10240x128xf32, #tpu.memory_space<hbm>> -> memref<1x128x128xf32, #tpu.memory_space<hbm>>
      %dma_wait3A_73 = tpu.memref_squeeze %dma_wait3A_72 : memref<1x128x128xf32, #tpu.memory_space<hbm>> -> memref<128x128xf32, #tpu.memory_space<hbm>>
      %dma_wait3A_74 = arith.constant 0 : i32
      %dma_wait3A_75 = tpu.memref_slice %arg10[%add3A_58, %dma_wait3A_74] : memref<10240x128xf32, #tpu.memory_space<vmem_shared>> -> memref<128x128xf32, #tpu.memory_space<vmem_shared>>
      tpu.wait_dma2 semaphore(%run_scoped3A_65 : memref<!tpu.dma_semaphore, #tpu.memory_space<semaphore_mem>>) src(%dma_wait3A_75 : memref<128x128xf32, #tpu.memory_space<vmem_shared>>) dst(%dma_wait3A_73 : memref<128x128xf32, #tpu.memory_space<hbm>>)
      tpu.yield
    }) : () -> ()
    %add3A_59 = arith.constant 256 : i32
    %add3A_60 = arith.addi %mul3A_2, %add3A_59 : i32
    "tpu.region"() ({
      %run_scoped3A_65 = tpu.sem_alloc : memref<!tpu.dma_semaphore, #tpu.memory_space<semaphore_mem>>
      %dma_start3A_66 = arith.constant 0 : i32
      %dma_start3A_67 = tpu.memref_slice %arg6[%arg0, %add3A_60, %dma_start3A_66] : memref<2x10240x128xf32, #tpu.memory_space<hbm>> -> memref<1x128x128xf32, #tpu.memory_space<hbm>>
      %dma_start3A_68 = tpu.memref_squeeze %dma_start3A_67 : memref<1x128x128xf32, #tpu.memory_space<hbm>> -> memref<128x128xf32, #tpu.memory_space<hbm>>
      %dma_start3A_69 = arith.constant 0 : i32
      %dma_start3A_70 = tpu.memref_slice %arg10[%add3A_60, %dma_start3A_69] : memref<10240x128xf32, #tpu.memory_space<vmem_shared>> -> memref<128x128xf32, #tpu.memory_space<vmem_shared>>
      tpu.enqueue_dma source(%dma_start3A_70 : memref<128x128xf32, #tpu.memory_space<vmem_shared>>) target(%dma_start3A_68 : memref<128x128xf32, #tpu.memory_space<hbm>>) target_semaphore(%run_scoped3A_65 : memref<!tpu.dma_semaphore, #tpu.memory_space<semaphore_mem>>)
      %dma_wait3A_71 = arith.constant 0 : i32
      %dma_wait3A_72 = tpu.memref_slice %arg6[%arg0, %add3A_60, %dma_wait3A_71] : memref<2x10240x128xf32, #tpu.memory_space<hbm>> -> memref<1x128x128xf32, #tpu.memory_space<hbm>>
      %dma_wait3A_73 = tpu.memref_squeeze %dma_wait3A_72 : memref<1x128x128xf32, #tpu.memory_space<hbm>> -> memref<128x128xf32, #tpu.memory_space<hbm>>
      %dma_wait3A_74 = arith.constant 0 : i32
      %dma_wait3A_75 = tpu.memref_slice %arg10[%add3A_60, %dma_wait3A_74] : memref<10240x128xf32, #tpu.memory_space<vmem_shared>> -> memref<128x128xf32, #tpu.memory_space<vmem_shared>>
      tpu.wait_dma2 semaphore(%run_scoped3A_65 : memref<!tpu.dma_semaphore, #tpu.memory_space<semaphore_mem>>) src(%dma_wait3A_75 : memref<128x128xf32, #tpu.memory_space<vmem_shared>>) dst(%dma_wait3A_73 : memref<128x128xf32, #tpu.memory_space<hbm>>)
      tpu.yield
    }) : () -> ()
    %add3A_61 = arith.constant 384 : i32
    %add3A_62 = arith.addi %mul3A_2, %add3A_61 : i32
    "tpu.region"() ({
      %run_scoped3A_65 = tpu.sem_alloc : memref<!tpu.dma_semaphore, #tpu.memory_space<semaphore_mem>>
      %dma_start3A_66 = arith.constant 0 : i32
      %dma_start3A_67 = tpu.memref_slice %arg6[%arg0, %add3A_62, %dma_start3A_66] : memref<2x10240x128xf32, #tpu.memory_space<hbm>> -> memref<1x128x128xf32, #tpu.memory_space<hbm>>
      %dma_start3A_68 = tpu.memref_squeeze %dma_start3A_67 : memref<1x128x128xf32, #tpu.memory_space<hbm>> -> memref<128x128xf32, #tpu.memory_space<hbm>>
      %dma_start3A_69 = arith.constant 0 : i32
      %dma_start3A_70 = tpu.memref_slice %arg10[%add3A_62, %dma_start3A_69] : memref<10240x128xf32, #tpu.memory_space<vmem_shared>> -> memref<128x128xf32, #tpu.memory_space<vmem_shared>>
      tpu.enqueue_dma source(%dma_start3A_70 : memref<128x128xf32, #tpu.memory_space<vmem_shared>>) target(%dma_start3A_68 : memref<128x128xf32, #tpu.memory_space<hbm>>) target_semaphore(%run_scoped3A_65 : memref<!tpu.dma_semaphore, #tpu.memory_space<semaphore_mem>>)
      %dma_wait3A_71 = arith.constant 0 : i32
      %dma_wait3A_72 = tpu.memref_slice %arg6[%arg0, %add3A_62, %dma_wait3A_71] : memref<2x10240x128xf32, #tpu.memory_space<hbm>> -> memref<1x128x128xf32, #tpu.memory_space<hbm>>
      %dma_wait3A_73 = tpu.memref_squeeze %dma_wait3A_72 : memref<1x128x128xf32, #tpu.memory_space<hbm>> -> memref<128x128xf32, #tpu.memory_space<hbm>>
      %dma_wait3A_74 = arith.constant 0 : i32
      %dma_wait3A_75 = tpu.memref_slice %arg10[%add3A_62, %dma_wait3A_74] : memref<10240x128xf32, #tpu.memory_space<vmem_shared>> -> memref<128x128xf32, #tpu.memory_space<vmem_shared>>
      tpu.wait_dma2 semaphore(%run_scoped3A_65 : memref<!tpu.dma_semaphore, #tpu.memory_space<semaphore_mem>>) src(%dma_wait3A_75 : memref<128x128xf32, #tpu.memory_space<vmem_shared>>) dst(%dma_wait3A_73 : memref<128x128xf32, #tpu.memory_space<hbm>>)
      tpu.yield
    }) : () -> ()
    %add3A_63 = arith.constant 512 : i32
    %add3A_64 = arith.addi %mul3A_2, %add3A_63 : i32
    "tpu.region"() ({
      %run_scoped3A_65 = tpu.sem_alloc : memref<!tpu.dma_semaphore, #tpu.memory_space<semaphore_mem>>
      %dma_start3A_66 = arith.constant 0 : i32
      %dma_start3A_67 = tpu.memref_slice %arg6[%arg0, %add3A_64, %dma_start3A_66] : memref<2x10240x128xf32, #tpu.memory_space<hbm>> -> memref<1x128x128xf32, #tpu.memory_space<hbm>>
      %dma_start3A_68 = tpu.memref_squeeze %dma_start3A_67 : memref<1x128x128xf32, #tpu.memory_space<hbm>> -> memref<128x128xf32, #tpu.memory_space<hbm>>
      %dma_start3A_69 = arith.constant 0 : i32
      %dma_start3A_70 = tpu.memref_slice %arg10[%add3A_64, %dma_start3A_69] : memref<10240x128xf32, #tpu.memory_space<vmem_shared>> -> memref<128x128xf32, #tpu.memory_space<vmem_shared>>
      tpu.enqueue_dma source(%dma_start3A_70 : memref<128x128xf32, #tpu.memory_space<vmem_shared>>) target(%dma_start3A_68 : memref<128x128xf32, #tpu.memory_space<hbm>>) target_semaphore(%run_scoped3A_65 : memref<!tpu.dma_semaphore, #tpu.memory_space<semaphore_mem>>)
      %dma_wait3A_71 = arith.constant 0 : i32
      %dma_wait3A_72 = tpu.memref_slice %arg6[%arg0, %add3A_64, %dma_wait3A_71] : memref<2x10240x128xf32, #tpu.memory_space<hbm>> -> memref<1x128x128xf32, #tpu.memory_space<hbm>>
      %dma_wait3A_73 = tpu.memref_squeeze %dma_wait3A_72 : memref<1x128x128xf32, #tpu.memory_space<hbm>> -> memref<128x128xf32, #tpu.memory_space<hbm>>
      %dma_wait3A_74 = arith.constant 0 : i32
      %dma_wait3A_75 = tpu.memref_slice %arg10[%add3A_64, %dma_wait3A_74] : memref<10240x128xf32, #tpu.memory_space<vmem_shared>> -> memref<128x128xf32, #tpu.memory_space<vmem_shared>>
      tpu.wait_dma2 semaphore(%run_scoped3A_65 : memref<!tpu.dma_semaphore, #tpu.memory_space<semaphore_mem>>) src(%dma_wait3A_75 : memref<128x128xf32, #tpu.memory_space<vmem_shared>>) dst(%dma_wait3A_73 : memref<128x128xf32, #tpu.memory_space<hbm>>)
      tpu.yield
    }) : () -> ()
    return
  }
}

#map = affine_map<(d0, d1) -> (0, 0)>
#map1 = affine_map<(d0, d1) -> (0, 0, 0)>
module attributes {stable_mosaic.version = 14 : i64} {
  func.func @run(%arg0: i32, %arg1: i32, %arg2: memref<10240x128xf32, #tpu.memory_space<hbm>>, %arg3: memref<10240x128xf32, #tpu.memory_space<hbm>>, %arg4: memref<32x160x64xi32, #tpu.memory_space<hbm>>, %arg5: memref<32x160x64xi32, #tpu.memory_space<hbm>>, %arg6: memref<2x10240x128xf32, #tpu.memory_space<hbm>>, %arg7: memref<2x8x64xi32, #tpu.memory_space<vmem>>, %arg8: memref<2x8x64xi32, #tpu.memory_space<vmem>>, %arg9: memref<256x128xf32, #tpu.memory_space<vmem>>, %arg10: memref<10240x128xf32, #tpu.memory_space<vmem_shared>>, %arg11: memref<!tpu.dma_semaphore, #tpu.memory_space<semaphore_mem>>, %arg12: memref<!tpu.dma_semaphore, #tpu.memory_space<semaphore_mem>>, %arg13: memref<!tpu.dma_semaphore, #tpu.memory_space<semaphore_mem>>, %arg14: memref<!tpu.dma_semaphore, #tpu.memory_space<semaphore_mem>>, %arg15: memref<!tpu.dma_semaphore, #tpu.memory_space<semaphore_mem>>) attributes {dimension_semantics = [#tpu.dimension_semantics<core_parallel>, #tpu.dimension_semantics<subcore_parallel>], iteration_bounds = array<i64: 2, 16>, scalar_prefetch = 0 : i64, scratch_operands = 9 : i64, tpu.core_type = #tpu.core_type<sc_vector_subcore>, window_params = [{transform_indices = #map}, {transform_indices = #map}, {transform_indices = #map1}, {transform_indices = #map1}, {transform_indices = #map1}]} {
    %mul3A = arith.constant 16 : i32
    %mul3A_0 = arith.muli %arg0, %mul3A : i32
    %add3A = arith.addi %mul3A_0, %arg1 : i32
    %mul3A_1 = arith.constant 640 : i32
    %mul3A_2 = arith.muli %arg1, %mul3A_1 : i32
    "tpu.region"() ({
      %run_scoped3A_65 = tpu.sem_alloc : memref<!tpu.dma_semaphore, #tpu.memory_space<semaphore_mem>>
      %dma_start3A_66 = arith.constant 0 : i32
      %dma_start3A_67 = tpu.memref_slice %arg10[%mul3A_2, %dma_start3A_66] : memref<10240x128xf32, #tpu.memory_space<vmem_shared>> -> memref<640x128xf32, #tpu.memory_space<vmem_shared>>
      %dma_start3A_68 = arith.constant 0 : i32
      %dma_start3A_69 = tpu.memref_slice %arg3[%mul3A_2, %dma_start3A_68] : memref<10240x128xf32, #tpu.memory_space<hbm>> -> memref<640x128xf32, #tpu.memory_space<hbm>>
      tpu.enqueue_dma source(%dma_start3A_69 : memref<640x128xf32, #tpu.memory_space<hbm>>) target(%dma_start3A_67 : memref<640x128xf32, #tpu.memory_space<vmem_shared>>) target_semaphore(%run_scoped3A_65 : memref<!tpu.dma_semaphore, #tpu.memory_space<semaphore_mem>>)
      %dma_wait3A_70 = arith.constant 0 : i32
      %dma_wait3A_71 = tpu.memref_slice %arg10[%mul3A_2, %dma_wait3A_70] : memref<10240x128xf32, #tpu.memory_space<vmem_shared>> -> memref<640x128xf32, #tpu.memory_space<vmem_shared>>
      %dma_wait3A_72 = arith.constant 0 : i32
      %dma_wait3A_73 = tpu.memref_slice %arg3[%mul3A_2, %dma_wait3A_72] : memref<10240x128xf32, #tpu.memory_space<hbm>> -> memref<640x128xf32, #tpu.memory_space<hbm>>
      tpu.wait_dma2 semaphore(%run_scoped3A_65 : memref<!tpu.dma_semaphore, #tpu.memory_space<semaphore_mem>>) src(%dma_wait3A_73 : memref<640x128xf32, #tpu.memory_space<hbm>>) dst(%dma_wait3A_71 : memref<640x128xf32, #tpu.memory_space<vmem_shared>>)
      tpu.yield
    }) : () -> ()
    %barrier3A = arith.constant 0 : index
    tpu.barrier barrier_id(%barrier3A)
    %run_scoped3A = arith.constant 0 : i32
    "tpu.region"() ({
      %run_scoped3A_65 = tpu.sem_alloc : memref<!tpu.dma_semaphore, #tpu.memory_space<semaphore_mem>>
      %dma_start3A_66 = arith.constant 0 : i32
      %dma_start3A_67 = arith.constant 0 : i32
      %dma_start3A_68 = tpu.memref_slice %arg7[%run_scoped3A, %dma_start3A_66, %dma_start3A_67] : memref<2x8x64xi32, #tpu.memory_space<vmem>> -> memref<1x8x64xi32, #tpu.memory_space<vmem>>
      %dma_start3A_69 = tpu.memref_squeeze %dma_start3A_68 : memref<1x8x64xi32, #tpu.memory_space<vmem>> -> memref<8x64xi32, #tpu.memory_space<vmem>>
      %dma_start3A_70 = arith.constant 0 : i32
      %dma_start3A_71 = arith.constant 0 : i32
      %dma_start3A_72 = tpu.memref_slice %arg4[%add3A, %dma_start3A_70, %dma_start3A_71] : memref<32x160x64xi32, #tpu.memory_space<hbm>> -> memref<1x8x64xi32, #tpu.memory_space<hbm>>
      %dma_start3A_73 = tpu.memref_squeeze %dma_start3A_72 : memref<1x8x64xi32, #tpu.memory_space<hbm>> -> memref<8x64xi32, #tpu.memory_space<hbm>>
      %dma_start3A_74 = arith.constant 0 : i32
      %dma_start3A_75 = arith.constant 0 : i32
      %dma_start3A_76 = tpu.memref_slice %arg7[%run_scoped3A, %dma_start3A_74, %dma_start3A_75] : memref<2x8x64xi32, #tpu.memory_space<vmem>> -> memref<1x8x64xi32, #tpu.memory_space<vmem>>
      %dma_start3A_77 = tpu.memref_squeeze %dma_start3A_76 : memref<1x8x64xi32, #tpu.memory_space<vmem>> -> memref<8x64xi32, #tpu.memory_space<vmem>>
      %dma_start3A_78 = arith.constant 0 : i32
      %dma_start3A_79 = arith.constant 0 : i32
      %dma_start3A_80 = tpu.memref_slice %arg4[%add3A, %dma_start3A_78, %dma_start3A_79] : memref<32x160x64xi32, #tpu.memory_space<hbm>> -> memref<1x8x64xi32, #tpu.memory_space<hbm>>
      %dma_start3A_81 = tpu.memref_squeeze %dma_start3A_80 : memref<1x8x64xi32, #tpu.memory_space<hbm>> -> memref<8x64xi32, #tpu.memory_space<hbm>>
      tpu.enqueue_dma source(%dma_start3A_81 : memref<8x64xi32, #tpu.memory_space<hbm>>) target(%dma_start3A_77 : memref<8x64xi32, #tpu.memory_space<vmem>>) target_semaphore(%run_scoped3A_65 : memref<!tpu.dma_semaphore, #tpu.memory_space<semaphore_mem>>)
      %dma_wait3A_82 = arith.constant 0 : i32
      %dma_wait3A_83 = arith.constant 0 : i32
      %dma_wait3A_84 = tpu.memref_slice %arg7[%run_scoped3A, %dma_wait3A_82, %dma_wait3A_83] : memref<2x8x64xi32, #tpu.memory_space<vmem>> -> memref<1x8x64xi32, #tpu.memory_space<vmem>>
      %dma_wait3A_85 = tpu.memref_squeeze %dma_wait3A_84 : memref<1x8x64xi32, #tpu.memory_space<vmem>> -> memref<8x64xi32, #tpu.memory_space<vmem>>
      %dma_wait3A_86 = arith.constant 0 : i32
      %dma_wait3A_87 = arith.constant 0 : i32
      %dma_wait3A_88 = tpu.memref_slice %arg4[%add3A, %dma_wait3A_86, %dma_wait3A_87] : memref<32x160x64xi32, #tpu.memory_space<hbm>> -> memref<1x8x64xi32, #tpu.memory_space<hbm>>
      %dma_wait3A_89 = tpu.memref_squeeze %dma_wait3A_88 : memref<1x8x64xi32, #tpu.memory_space<hbm>> -> memref<8x64xi32, #tpu.memory_space<hbm>>
      %dma_wait3A_90 = arith.constant 0 : i32
      %dma_wait3A_91 = arith.constant 0 : i32
      %dma_wait3A_92 = tpu.memref_slice %arg7[%run_scoped3A, %dma_wait3A_90, %dma_wait3A_91] : memref<2x8x64xi32, #tpu.memory_space<vmem>> -> memref<1x8x64xi32, #tpu.memory_space<vmem>>
      %dma_wait3A_93 = tpu.memref_squeeze %dma_wait3A_92 : memref<1x8x64xi32, #tpu.memory_space<vmem>> -> memref<8x64xi32, #tpu.memory_space<vmem>>
      %dma_wait3A_94 = arith.constant 0 : i32
      %dma_wait3A_95 = arith.constant 0 : i32
      %dma_wait3A_96 = tpu.memref_slice %arg4[%add3A, %dma_wait3A_94, %dma_wait3A_95] : memref<32x160x64xi32, #tpu.memory_space<hbm>> -> memref<1x8x64xi32, #tpu.memory_space<hbm>>
      %dma_wait3A_97 = tpu.memref_squeeze %dma_wait3A_96 : memref<1x8x64xi32, #tpu.memory_space<hbm>> -> memref<8x64xi32, #tpu.memory_space<hbm>>
      tpu.wait_dma2 semaphore(%run_scoped3A_65 : memref<!tpu.dma_semaphore, #tpu.memory_space<semaphore_mem>>) src(%dma_wait3A_97 : memref<8x64xi32, #tpu.memory_space<hbm>>) dst(%dma_wait3A_93 : memref<8x64xi32, #tpu.memory_space<vmem>>)
      tpu.yield
    }) : () -> ()
    %run_scoped3A_3 = arith.constant 0 : i32
    "tpu.region"() ({
      %run_scoped3A_65 = tpu.sem_alloc : memref<!tpu.dma_semaphore, #tpu.memory_space<semaphore_mem>>
      %dma_start3A_66 = arith.constant 0 : i32
      %dma_start3A_67 = arith.constant 0 : i32
      %dma_start3A_68 = tpu.memref_slice %arg8[%run_scoped3A_3, %dma_start3A_66, %dma_start3A_67] : memref<2x8x64xi32, #tpu.memory_space<vmem>> -> memref<1x8x64xi32, #tpu.memory_space<vmem>>
      %dma_start3A_69 = tpu.memref_squeeze %dma_start3A_68 : memref<1x8x64xi32, #tpu.memory_space<vmem>> -> memref<8x64xi32, #tpu.memory_space<vmem>>
      %dma_start3A_70 = arith.constant 0 : i32
      %dma_start3A_71 = arith.constant 0 : i32
      %dma_start3A_72 = tpu.memref_slice %arg5[%add3A, %dma_start3A_70, %dma_start3A_71] : memref<32x160x64xi32, #tpu.memory_space<hbm>> -> memref<1x8x64xi32, #tpu.memory_space<hbm>>
      %dma_start3A_73 = tpu.memref_squeeze %dma_start3A_72 : memref<1x8x64xi32, #tpu.memory_space<hbm>> -> memref<8x64xi32, #tpu.memory_space<hbm>>
      %dma_start3A_74 = arith.constant 0 : i32
      %dma_start3A_75 = arith.constant 0 : i32
      %dma_start3A_76 = tpu.memref_slice %arg8[%run_scoped3A_3, %dma_start3A_74, %dma_start3A_75] : memref<2x8x64xi32, #tpu.memory_space<vmem>> -> memref<1x8x64xi32, #tpu.memory_space<vmem>>
      %dma_start3A_77 = tpu.memref_squeeze %dma_start3A_76 : memref<1x8x64xi32, #tpu.memory_space<vmem>> -> memref<8x64xi32, #tpu.memory_space<vmem>>
      %dma_start3A_78 = arith.constant 0 : i32
      %dma_start3A_79 = arith.constant 0 : i32
      %dma_start3A_80 = tpu.memref_slice %arg5[%add3A, %dma_start3A_78, %dma_start3A_79] : memref<32x160x64xi32, #tpu.memory_space<hbm>> -> memref<1x8x64xi32, #tpu.memory_space<hbm>>
      %dma_start3A_81 = tpu.memref_squeeze %dma_start3A_80 : memref<1x8x64xi32, #tpu.memory_space<hbm>> -> memref<8x64xi32, #tpu.memory_space<hbm>>
      tpu.enqueue_dma source(%dma_start3A_81 : memref<8x64xi32, #tpu.memory_space<hbm>>) target(%dma_start3A_77 : memref<8x64xi32, #tpu.memory_space<vmem>>) target_semaphore(%run_scoped3A_65 : memref<!tpu.dma_semaphore, #tpu.memory_space<semaphore_mem>>)
      %dma_wait3A_82 = arith.constant 0 : i32
      %dma_wait3A_83 = arith.constant 0 : i32
      %dma_wait3A_84 = tpu.memref_slice %arg8[%run_scoped3A_3, %dma_wait3A_82, %dma_wait3A_83] : memref<2x8x64xi32, #tpu.memory_space<vmem>> -> memref<1x8x64xi32, #tpu.memory_space<vmem>>
      %dma_wait3A_85 = tpu.memref_squeeze %dma_wait3A_84 : memref<1x8x64xi32, #tpu.memory_space<vmem>> -> memref<8x64xi32, #tpu.memory_space<vmem>>
      %dma_wait3A_86 = arith.constant 0 : i32
      %dma_wait3A_87 = arith.constant 0 : i32
      %dma_wait3A_88 = tpu.memref_slice %arg5[%add3A, %dma_wait3A_86, %dma_wait3A_87] : memref<32x160x64xi32, #tpu.memory_space<hbm>> -> memref<1x8x64xi32, #tpu.memory_space<hbm>>
      %dma_wait3A_89 = tpu.memref_squeeze %dma_wait3A_88 : memref<1x8x64xi32, #tpu.memory_space<hbm>> -> memref<8x64xi32, #tpu.memory_space<hbm>>
      %dma_wait3A_90 = arith.constant 0 : i32
      %dma_wait3A_91 = arith.constant 0 : i32
      %dma_wait3A_92 = tpu.memref_slice %arg8[%run_scoped3A_3, %dma_wait3A_90, %dma_wait3A_91] : memref<2x8x64xi32, #tpu.memory_space<vmem>> -> memref<1x8x64xi32, #tpu.memory_space<vmem>>
      %dma_wait3A_93 = tpu.memref_squeeze %dma_wait3A_92 : memref<1x8x64xi32, #tpu.memory_space<vmem>> -> memref<8x64xi32, #tpu.memory_space<vmem>>
      %dma_wait3A_94 = arith.constant 0 : i32
      %dma_wait3A_95 = arith.constant 0 : i32
      %dma_wait3A_96 = tpu.memref_slice %arg5[%add3A, %dma_wait3A_94, %dma_wait3A_95] : memref<32x160x64xi32, #tpu.memory_space<hbm>> -> memref<1x8x64xi32, #tpu.memory_space<hbm>>
      %dma_wait3A_97 = tpu.memref_squeeze %dma_wait3A_96 : memref<1x8x64xi32, #tpu.memory_space<hbm>> -> memref<8x64xi32, #tpu.memory_space<hbm>>
      tpu.wait_dma2 semaphore(%run_scoped3A_65 : memref<!tpu.dma_semaphore, #tpu.memory_space<semaphore_mem>>) src(%dma_wait3A_97 : memref<8x64xi32, #tpu.memory_space<hbm>>) dst(%dma_wait3A_93 : memref<8x64xi32, #tpu.memory_space<vmem>>)
      tpu.yield
    }) : () -> ()
    %dma_start3A = arith.constant 0 : i32
    %dma_start3A_4 = arith.constant 0 : i32
    %dma_start3A_5 = arith.constant 0 : i32
    %dma_start3A_6 = arith.constant 0 : i32
    %dma_start3A_7 = tpu.memref_slice %arg9[%dma_start3A_5, %dma_start3A_6] : memref<256x128xf32, #tpu.memory_space<vmem>> -> memref<64x128xf32, #tpu.memory_space<vmem>>
    %dma_start3A_8 = arith.constant 0 : i32
    %dma_start3A_9 = tpu.memref_slice %arg7[%dma_start3A, %dma_start3A_4, %dma_start3A_8] : memref<2x8x64xi32, #tpu.memory_space<vmem>> -> memref<1x1x64xi32, #tpu.memory_space<vmem>>
    %dma_start3A_10 = tpu.memref_squeeze %dma_start3A_9 : memref<1x1x64xi32, #tpu.memory_space<vmem>> -> memref<64xi32, #tpu.memory_space<vmem>>
    %dma_start3A_11 = arith.constant 0 : i32
    %dma_start3A_12 = arith.constant 0 : i32
    %dma_start3A_13 = tpu.memref_slice %arg2[%dma_start3A_11, %dma_start3A_12] : memref<10240x128xf32, #tpu.memory_space<hbm>> -> memref<10240x128xf32, #tpu.memory_space<hbm>>
    tpu.enqueue_indirect_dma source(%dma_start3A_13 : memref<10240x128xf32, #tpu.memory_space<hbm>>) target(%dma_start3A_7 : memref<64x128xf32, #tpu.memory_space<vmem>>) offsets(%dma_start3A_10 : memref<64xi32, #tpu.memory_space<vmem>>) semaphore(%arg11 : memref<!tpu.dma_semaphore, #tpu.memory_space<semaphore_mem>>)
    %scan3A = arith.constant 0 : i32
    %scan3A_14 = arith.constant 0 : i32
    %scan3A_15 = arith.constant 20 : i32
    %scan3A_16 = arith.addi %scan3A_14, %scan3A_15 : i32
    %scan3A_17 = arith.constant 1 : i32
    scf.for %scan3A_65 = %scan3A_14 to %scan3A_16 step %scan3A_17  : i32 {
      %rem3A = arith.constant 2 : i32
      %rem3A_66 = arith.remsi %scan3A_65, %rem3A : i32
      %add3A_67 = arith.constant 1 : i32
      %add3A_68 = arith.addi %scan3A_65, %add3A_67 : i32
      %rem3A_69 = arith.constant 2 : i32
      %rem3A_70 = arith.remsi %add3A_68, %rem3A_69 : i32
      %add3A_71 = arith.constant 1 : i32
      %add3A_72 = arith.addi %scan3A_65, %add3A_71 : i32
      %lt3A = arith.constant 20 : i32
      %lt3A_73 = arith.cmpi slt, %add3A_72, %lt3A : i32
      %convert_element_type3A = arith.extui %lt3A_73 : i1 to i32
      %cond3A = arith.constant 0 : i32
      %cond3A_74 = arith.cmpi ne, %convert_element_type3A, %cond3A : i32
      scf.if %cond3A_74 {
        %add3A_378 = arith.constant 1 : i32
        %add3A_379 = arith.addi %scan3A_65, %add3A_378 : i32
        %mul3A_380 = arith.constant 8 : i32
        %mul3A_381 = arith.muli %add3A_379, %mul3A_380 : i32
        "tpu.region"() ({
          %run_scoped3A_386 = tpu.sem_alloc : memref<!tpu.dma_semaphore, #tpu.memory_space<semaphore_mem>>
          %dma_start3A_387 = arith.constant 0 : i32
          %dma_start3A_388 = arith.constant 0 : i32
          %dma_start3A_389 = tpu.memref_slice %arg7[%rem3A_70, %dma_start3A_387, %dma_start3A_388] : memref<2x8x64xi32, #tpu.memory_space<vmem>> -> memref<1x8x64xi32, #tpu.memory_space<vmem>>
          %dma_start3A_390 = tpu.memref_squeeze %dma_start3A_389 : memref<1x8x64xi32, #tpu.memory_space<vmem>> -> memref<8x64xi32, #tpu.memory_space<vmem>>
          %dma_start3A_391 = arith.constant 0 : i32
          %dma_start3A_392 = tpu.memref_slice %arg4[%add3A, %mul3A_381, %dma_start3A_391] : memref<32x160x64xi32, #tpu.memory_space<hbm>> -> memref<1x8x64xi32, #tpu.memory_space<hbm>>
          %dma_start3A_393 = tpu.memref_squeeze %dma_start3A_392 : memref<1x8x64xi32, #tpu.memory_space<hbm>> -> memref<8x64xi32, #tpu.memory_space<hbm>>
          %dma_start3A_394 = arith.constant 0 : i32
          %dma_start3A_395 = arith.constant 0 : i32
          %dma_start3A_396 = tpu.memref_slice %arg7[%rem3A_70, %dma_start3A_394, %dma_start3A_395] : memref<2x8x64xi32, #tpu.memory_space<vmem>> -> memref<1x8x64xi32, #tpu.memory_space<vmem>>
          %dma_start3A_397 = tpu.memref_squeeze %dma_start3A_396 : memref<1x8x64xi32, #tpu.memory_space<vmem>> -> memref<8x64xi32, #tpu.memory_space<vmem>>
          %dma_start3A_398 = arith.constant 0 : i32
          %dma_start3A_399 = tpu.memref_slice %arg4[%add3A, %mul3A_381, %dma_start3A_398] : memref<32x160x64xi32, #tpu.memory_space<hbm>> -> memref<1x8x64xi32, #tpu.memory_space<hbm>>
          %dma_start3A_400 = tpu.memref_squeeze %dma_start3A_399 : memref<1x8x64xi32, #tpu.memory_space<hbm>> -> memref<8x64xi32, #tpu.memory_space<hbm>>
          tpu.enqueue_dma source(%dma_start3A_400 : memref<8x64xi32, #tpu.memory_space<hbm>>) target(%dma_start3A_397 : memref<8x64xi32, #tpu.memory_space<vmem>>) target_semaphore(%run_scoped3A_386 : memref<!tpu.dma_semaphore, #tpu.memory_space<semaphore_mem>>)
          %dma_wait3A_401 = arith.constant 0 : i32
          %dma_wait3A_402 = arith.constant 0 : i32
          %dma_wait3A_403 = tpu.memref_slice %arg7[%rem3A_70, %dma_wait3A_401, %dma_wait3A_402] : memref<2x8x64xi32, #tpu.memory_space<vmem>> -> memref<1x8x64xi32, #tpu.memory_space<vmem>>
          %dma_wait3A_404 = tpu.memref_squeeze %dma_wait3A_403 : memref<1x8x64xi32, #tpu.memory_space<vmem>> -> memref<8x64xi32, #tpu.memory_space<vmem>>
          %dma_wait3A_405 = arith.constant 0 : i32
          %dma_wait3A_406 = tpu.memref_slice %arg4[%add3A, %mul3A_381, %dma_wait3A_405] : memref<32x160x64xi32, #tpu.memory_space<hbm>> -> memref<1x8x64xi32, #tpu.memory_space<hbm>>
          %dma_wait3A_407 = tpu.memref_squeeze %dma_wait3A_406 : memref<1x8x64xi32, #tpu.memory_space<hbm>> -> memref<8x64xi32, #tpu.memory_space<hbm>>
          %dma_wait3A_408 = arith.constant 0 : i32
          %dma_wait3A_409 = arith.constant 0 : i32
          %dma_wait3A_410 = tpu.memref_slice %arg7[%rem3A_70, %dma_wait3A_408, %dma_wait3A_409] : memref<2x8x64xi32, #tpu.memory_space<vmem>> -> memref<1x8x64xi32, #tpu.memory_space<vmem>>
          %dma_wait3A_411 = tpu.memref_squeeze %dma_wait3A_410 : memref<1x8x64xi32, #tpu.memory_space<vmem>> -> memref<8x64xi32, #tpu.memory_space<vmem>>
          %dma_wait3A_412 = arith.constant 0 : i32
          %dma_wait3A_413 = tpu.memref_slice %arg4[%add3A, %mul3A_381, %dma_wait3A_412] : memref<32x160x64xi32, #tpu.memory_space<hbm>> -> memref<1x8x64xi32, #tpu.memory_space<hbm>>
          %dma_wait3A_414 = tpu.memref_squeeze %dma_wait3A_413 : memref<1x8x64xi32, #tpu.memory_space<hbm>> -> memref<8x64xi32, #tpu.memory_space<hbm>>
          tpu.wait_dma2 semaphore(%run_scoped3A_386 : memref<!tpu.dma_semaphore, #tpu.memory_space<semaphore_mem>>) src(%dma_wait3A_414 : memref<8x64xi32, #tpu.memory_space<hbm>>) dst(%dma_wait3A_411 : memref<8x64xi32, #tpu.memory_space<vmem>>)
          tpu.yield
        }) : () -> ()
        %add3A_382 = arith.constant 1 : i32
        %add3A_383 = arith.addi %scan3A_65, %add3A_382 : i32
        %mul3A_384 = arith.constant 8 : i32
        %mul3A_385 = arith.muli %add3A_383, %mul3A_384 : i32
        "tpu.region"() ({
          %run_scoped3A_386 = tpu.sem_alloc : memref<!tpu.dma_semaphore, #tpu.memory_space<semaphore_mem>>
          %dma_start3A_387 = arith.constant 0 : i32
          %dma_start3A_388 = arith.constant 0 : i32
          %dma_start3A_389 = tpu.memref_slice %arg8[%rem3A_70, %dma_start3A_387, %dma_start3A_388] : memref<2x8x64xi32, #tpu.memory_space<vmem>> -> memref<1x8x64xi32, #tpu.memory_space<vmem>>
          %dma_start3A_390 = tpu.memref_squeeze %dma_start3A_389 : memref<1x8x64xi32, #tpu.memory_space<vmem>> -> memref<8x64xi32, #tpu.memory_space<vmem>>
          %dma_start3A_391 = arith.constant 0 : i32
          %dma_start3A_392 = tpu.memref_slice %arg5[%add3A, %mul3A_385, %dma_start3A_391] : memref<32x160x64xi32, #tpu.memory_space<hbm>> -> memref<1x8x64xi32, #tpu.memory_space<hbm>>
          %dma_start3A_393 = tpu.memref_squeeze %dma_start3A_392 : memref<1x8x64xi32, #tpu.memory_space<hbm>> -> memref<8x64xi32, #tpu.memory_space<hbm>>
          %dma_start3A_394 = arith.constant 0 : i32
          %dma_start3A_395 = arith.constant 0 : i32
          %dma_start3A_396 = tpu.memref_slice %arg8[%rem3A_70, %dma_start3A_394, %dma_start3A_395] : memref<2x8x64xi32, #tpu.memory_space<vmem>> -> memref<1x8x64xi32, #tpu.memory_space<vmem>>
          %dma_start3A_397 = tpu.memref_squeeze %dma_start3A_396 : memref<1x8x64xi32, #tpu.memory_space<vmem>> -> memref<8x64xi32, #tpu.memory_space<vmem>>
          %dma_start3A_398 = arith.constant 0 : i32
          %dma_start3A_399 = tpu.memref_slice %arg5[%add3A, %mul3A_385, %dma_start3A_398] : memref<32x160x64xi32, #tpu.memory_space<hbm>> -> memref<1x8x64xi32, #tpu.memory_space<hbm>>
          %dma_start3A_400 = tpu.memref_squeeze %dma_start3A_399 : memref<1x8x64xi32, #tpu.memory_space<hbm>> -> memref<8x64xi32, #tpu.memory_space<hbm>>
          tpu.enqueue_dma source(%dma_start3A_400 : memref<8x64xi32, #tpu.memory_space<hbm>>) target(%dma_start3A_397 : memref<8x64xi32, #tpu.memory_space<vmem>>) target_semaphore(%run_scoped3A_386 : memref<!tpu.dma_semaphore, #tpu.memory_space<semaphore_mem>>)
          %dma_wait3A_401 = arith.constant 0 : i32
          %dma_wait3A_402 = arith.constant 0 : i32
          %dma_wait3A_403 = tpu.memref_slice %arg8[%rem3A_70, %dma_wait3A_401, %dma_wait3A_402] : memref<2x8x64xi32, #tpu.memory_space<vmem>> -> memref<1x8x64xi32, #tpu.memory_space<vmem>>
          %dma_wait3A_404 = tpu.memref_squeeze %dma_wait3A_403 : memref<1x8x64xi32, #tpu.memory_space<vmem>> -> memref<8x64xi32, #tpu.memory_space<vmem>>
          %dma_wait3A_405 = arith.constant 0 : i32
          %dma_wait3A_406 = tpu.memref_slice %arg5[%add3A, %mul3A_385, %dma_wait3A_405] : memref<32x160x64xi32, #tpu.memory_space<hbm>> -> memref<1x8x64xi32, #tpu.memory_space<hbm>>
          %dma_wait3A_407 = tpu.memref_squeeze %dma_wait3A_406 : memref<1x8x64xi32, #tpu.memory_space<hbm>> -> memref<8x64xi32, #tpu.memory_space<hbm>>
          %dma_wait3A_408 = arith.constant 0 : i32
          %dma_wait3A_409 = arith.constant 0 : i32
          %dma_wait3A_410 = tpu.memref_slice %arg8[%rem3A_70, %dma_wait3A_408, %dma_wait3A_409] : memref<2x8x64xi32, #tpu.memory_space<vmem>> -> memref<1x8x64xi32, #tpu.memory_space<vmem>>
          %dma_wait3A_411 = tpu.memref_squeeze %dma_wait3A_410 : memref<1x8x64xi32, #tpu.memory_space<vmem>> -> memref<8x64xi32, #tpu.memory_space<vmem>>
          %dma_wait3A_412 = arith.constant 0 : i32
          %dma_wait3A_413 = tpu.memref_slice %arg5[%add3A, %mul3A_385, %dma_wait3A_412] : memref<32x160x64xi32, #tpu.memory_space<hbm>> -> memref<1x8x64xi32, #tpu.memory_space<hbm>>
          %dma_wait3A_414 = tpu.memref_squeeze %dma_wait3A_413 : memref<1x8x64xi32, #tpu.memory_space<hbm>> -> memref<8x64xi32, #tpu.memory_space<hbm>>
          tpu.wait_dma2 semaphore(%run_scoped3A_386 : memref<!tpu.dma_semaphore, #tpu.memory_space<semaphore_mem>>) src(%dma_wait3A_414 : memref<8x64xi32, #tpu.memory_space<hbm>>) dst(%dma_wait3A_411 : memref<8x64xi32, #tpu.memory_space<vmem>>)
          tpu.yield
        }) : () -> ()
      } else {
      }
      %mul3A_75 = arith.constant 8 : i32
      %mul3A_76 = arith.muli %scan3A_65, %mul3A_75 : i32
      %add3A_77 = arith.constant 0 : i32
      %add3A_78 = arith.addi %mul3A_76, %add3A_77 : i32
      %ge3A = arith.constant 3 : i32
      %ge3A_79 = arith.cmpi sge, %add3A_78, %ge3A : i32
      %convert_element_type3A_80 = arith.extui %ge3A_79 : i1 to i32
      %cond3A_81 = arith.constant 0 : i32
      %cond3A_82 = arith.cmpi ne, %convert_element_type3A_80, %cond3A_81 : i32
      scf.if %cond3A_82 {
        %dma_wait3A_378 = arith.constant 64 : i32
        %dma_wait3A_379 = arith.constant 0 : i32
        %dma_wait3A_380 = tpu.memref_slice %arg9[%dma_wait3A_378, %dma_wait3A_379] : memref<256x128xf32, #tpu.memory_space<vmem>> -> memref<64x128xf32, #tpu.memory_space<vmem>>
        %dma_wait3A_381 = arith.constant 0 : i32
        %dma_wait3A_382 = arith.constant 0 : i32
        %dma_wait3A_383 = tpu.memref_slice %arg3[%dma_wait3A_381, %dma_wait3A_382] : memref<10240x128xf32, #tpu.memory_space<hbm>> -> memref<64x128xf32, #tpu.memory_space<hbm>>
        %dma_wait3A_384 = arith.constant 64 : i32
        %dma_wait3A_385 = arith.constant 0 : i32
        %dma_wait3A_386 = tpu.memref_slice %arg9[%dma_wait3A_384, %dma_wait3A_385] : memref<256x128xf32, #tpu.memory_space<vmem>> -> memref<64x128xf32, #tpu.memory_space<vmem>>
        %dma_wait3A_387 = arith.constant 0 : i32
        %dma_wait3A_388 = arith.constant 0 : i32
        %dma_wait3A_389 = tpu.memref_slice %arg3[%dma_wait3A_387, %dma_wait3A_388] : memref<10240x128xf32, #tpu.memory_space<hbm>> -> memref<64x128xf32, #tpu.memory_space<hbm>>
        tpu.wait_dma2 semaphore(%arg13 : memref<!tpu.dma_semaphore, #tpu.memory_space<semaphore_mem>>) src(%dma_wait3A_389 : memref<64x128xf32, #tpu.memory_space<hbm>>) dst(%dma_wait3A_386 : memref<64x128xf32, #tpu.memory_space<vmem>>)
      } else {
      }
      %add3A_83 = arith.constant 1 : i32
      %add3A_84 = arith.addi %add3A_78, %add3A_83 : i32
      %lt3A_85 = arith.constant 160 : i32
      %lt3A_86 = arith.cmpi slt, %add3A_84, %lt3A_85 : i32
      %convert_element_type3A_87 = arith.extui %lt3A_86 : i1 to i32
      %cond3A_88 = arith.constant 0 : i32
      %cond3A_89 = arith.cmpi ne, %convert_element_type3A_87, %cond3A_88 : i32
      scf.if %cond3A_89 {
        %dma_start3A_378 = arith.constant 1 : i32
        %dma_start3A_379 = arith.constant 64 : i32
        %dma_start3A_380 = arith.constant 0 : i32
        %dma_start3A_381 = tpu.memref_slice %arg9[%dma_start3A_379, %dma_start3A_380] : memref<256x128xf32, #tpu.memory_space<vmem>> -> memref<64x128xf32, #tpu.memory_space<vmem>>
        %dma_start3A_382 = arith.constant 0 : i32
        %dma_start3A_383 = tpu.memref_slice %arg7[%rem3A_66, %dma_start3A_378, %dma_start3A_382] : memref<2x8x64xi32, #tpu.memory_space<vmem>> -> memref<1x1x64xi32, #tpu.memory_space<vmem>>
        %dma_start3A_384 = tpu.memref_squeeze %dma_start3A_383 : memref<1x1x64xi32, #tpu.memory_space<vmem>> -> memref<64xi32, #tpu.memory_space<vmem>>
        %dma_start3A_385 = arith.constant 0 : i32
        %dma_start3A_386 = arith.constant 0 : i32
        %dma_start3A_387 = tpu.memref_slice %arg2[%dma_start3A_385, %dma_start3A_386] : memref<10240x128xf32, #tpu.memory_space<hbm>> -> memref<10240x128xf32, #tpu.memory_space<hbm>>
        tpu.enqueue_indirect_dma source(%dma_start3A_387 : memref<10240x128xf32, #tpu.memory_space<hbm>>) target(%dma_start3A_381 : memref<64x128xf32, #tpu.memory_space<vmem>>) offsets(%dma_start3A_384 : memref<64xi32, #tpu.memory_space<vmem>>) semaphore(%arg11 : memref<!tpu.dma_semaphore, #tpu.memory_space<semaphore_mem>>)
      } else {
      }
      %dma_wait3A_90 = arith.constant 0 : i32
      %dma_wait3A_91 = arith.constant 0 : i32
      %dma_wait3A_92 = tpu.memref_slice %arg9[%dma_wait3A_90, %dma_wait3A_91] : memref<256x128xf32, #tpu.memory_space<vmem>> -> memref<64x128xf32, #tpu.memory_space<vmem>>
      %dma_wait3A_93 = arith.constant 0 : i32
      %dma_wait3A_94 = arith.constant 0 : i32
      %dma_wait3A_95 = tpu.memref_slice %arg3[%dma_wait3A_93, %dma_wait3A_94] : memref<10240x128xf32, #tpu.memory_space<hbm>> -> memref<64x128xf32, #tpu.memory_space<hbm>>
      %dma_wait3A_96 = arith.constant 0 : i32
      %dma_wait3A_97 = arith.constant 0 : i32
      %dma_wait3A_98 = tpu.memref_slice %arg9[%dma_wait3A_96, %dma_wait3A_97] : memref<256x128xf32, #tpu.memory_space<vmem>> -> memref<64x128xf32, #tpu.memory_space<vmem>>
      %dma_wait3A_99 = arith.constant 0 : i32
      %dma_wait3A_100 = arith.constant 0 : i32
      %dma_wait3A_101 = tpu.memref_slice %arg3[%dma_wait3A_99, %dma_wait3A_100] : memref<10240x128xf32, #tpu.memory_space<hbm>> -> memref<64x128xf32, #tpu.memory_space<hbm>>
      tpu.wait_dma2 semaphore(%arg11 : memref<!tpu.dma_semaphore, #tpu.memory_space<semaphore_mem>>) src(%dma_wait3A_101 : memref<64x128xf32, #tpu.memory_space<hbm>>) dst(%dma_wait3A_98 : memref<64x128xf32, #tpu.memory_space<vmem>>)
      %dma_start3A_102 = arith.constant 0 : i32
      %dma_start3A_103 = arith.constant 0 : i32
      %dma_start3A_104 = arith.constant 0 : i32
      %dma_start3A_105 = tpu.memref_slice %arg9[%dma_start3A_103, %dma_start3A_104] : memref<256x128xf32, #tpu.memory_space<vmem>> -> memref<64x128xf32, #tpu.memory_space<vmem>>
      %dma_start3A_106 = arith.constant 0 : i32
      %dma_start3A_107 = tpu.memref_slice %arg8[%rem3A_66, %dma_start3A_102, %dma_start3A_106] : memref<2x8x64xi32, #tpu.memory_space<vmem>> -> memref<1x1x64xi32, #tpu.memory_space<vmem>>
      %dma_start3A_108 = tpu.memref_squeeze %dma_start3A_107 : memref<1x1x64xi32, #tpu.memory_space<vmem>> -> memref<64xi32, #tpu.memory_space<vmem>>
      %dma_start3A_109 = arith.constant 0 : i32
      %dma_start3A_110 = arith.constant 0 : i32
      %dma_start3A_111 = tpu.memref_slice %arg10[%dma_start3A_109, %dma_start3A_110] : memref<10240x128xf32, #tpu.memory_space<vmem_shared>> -> memref<10240x128xf32, #tpu.memory_space<vmem_shared>>
      tpu.enqueue_indirect_dma source(%dma_start3A_105 : memref<64x128xf32, #tpu.memory_space<vmem>>) target(%dma_start3A_111 : memref<10240x128xf32, #tpu.memory_space<vmem_shared>>) offsets(%dma_start3A_108 : memref<64xi32, #tpu.memory_space<vmem>>) semaphore(%arg12 : memref<!tpu.dma_semaphore, #tpu.memory_space<semaphore_mem>>) {add = true}
      %mul3A_112 = arith.constant 8 : i32
      %mul3A_113 = arith.muli %scan3A_65, %mul3A_112 : i32
      %add3A_114 = arith.constant 1 : i32
      %add3A_115 = arith.addi %mul3A_113, %add3A_114 : i32
      %ge3A_116 = arith.constant 3 : i32
      %ge3A_117 = arith.cmpi sge, %add3A_115, %ge3A_116 : i32
      %convert_element_type3A_118 = arith.extui %ge3A_117 : i1 to i32
      %cond3A_119 = arith.constant 0 : i32
      %cond3A_120 = arith.cmpi ne, %convert_element_type3A_118, %cond3A_119 : i32
      scf.if %cond3A_120 {
        %dma_wait3A_378 = arith.constant 128 : i32
        %dma_wait3A_379 = arith.constant 0 : i32
        %dma_wait3A_380 = tpu.memref_slice %arg9[%dma_wait3A_378, %dma_wait3A_379] : memref<256x128xf32, #tpu.memory_space<vmem>> -> memref<64x128xf32, #tpu.memory_space<vmem>>
        %dma_wait3A_381 = arith.constant 0 : i32
        %dma_wait3A_382 = arith.constant 0 : i32
        %dma_wait3A_383 = tpu.memref_slice %arg3[%dma_wait3A_381, %dma_wait3A_382] : memref<10240x128xf32, #tpu.memory_space<hbm>> -> memref<64x128xf32, #tpu.memory_space<hbm>>
        %dma_wait3A_384 = arith.constant 128 : i32
        %dma_wait3A_385 = arith.constant 0 : i32
        %dma_wait3A_386 = tpu.memref_slice %arg9[%dma_wait3A_384, %dma_wait3A_385] : memref<256x128xf32, #tpu.memory_space<vmem>> -> memref<64x128xf32, #tpu.memory_space<vmem>>
        %dma_wait3A_387 = arith.constant 0 : i32
        %dma_wait3A_388 = arith.constant 0 : i32
        %dma_wait3A_389 = tpu.memref_slice %arg3[%dma_wait3A_387, %dma_wait3A_388] : memref<10240x128xf32, #tpu.memory_space<hbm>> -> memref<64x128xf32, #tpu.memory_space<hbm>>
        tpu.wait_dma2 semaphore(%arg14 : memref<!tpu.dma_semaphore, #tpu.memory_space<semaphore_mem>>) src(%dma_wait3A_389 : memref<64x128xf32, #tpu.memory_space<hbm>>) dst(%dma_wait3A_386 : memref<64x128xf32, #tpu.memory_space<vmem>>)
      } else {
      }
      %add3A_121 = arith.constant 1 : i32
      %add3A_122 = arith.addi %add3A_115, %add3A_121 : i32
      %lt3A_123 = arith.constant 160 : i32
      %lt3A_124 = arith.cmpi slt, %add3A_122, %lt3A_123 : i32
      %convert_element_type3A_125 = arith.extui %lt3A_124 : i1 to i32
      %cond3A_126 = arith.constant 0 : i32
      %cond3A_127 = arith.cmpi ne, %convert_element_type3A_125, %cond3A_126 : i32
      scf.if %cond3A_127 {
        %dma_start3A_378 = arith.constant 2 : i32
        %dma_start3A_379 = arith.constant 128 : i32
        %dma_start3A_380 = arith.constant 0 : i32
        %dma_start3A_381 = tpu.memref_slice %arg9[%dma_start3A_379, %dma_start3A_380] : memref<256x128xf32, #tpu.memory_space<vmem>> -> memref<64x128xf32, #tpu.memory_space<vmem>>
        %dma_start3A_382 = arith.constant 0 : i32
        %dma_start3A_383 = tpu.memref_slice %arg7[%rem3A_66, %dma_start3A_378, %dma_start3A_382] : memref<2x8x64xi32, #tpu.memory_space<vmem>> -> memref<1x1x64xi32, #tpu.memory_space<vmem>>
        %dma_start3A_384 = tpu.memref_squeeze %dma_start3A_383 : memref<1x1x64xi32, #tpu.memory_space<vmem>> -> memref<64xi32, #tpu.memory_space<vmem>>
        %dma_start3A_385 = arith.constant 0 : i32
        %dma_start3A_386 = arith.constant 0 : i32
        %dma_start3A_387 = tpu.memref_slice %arg2[%dma_start3A_385, %dma_start3A_386] : memref<10240x128xf32, #tpu.memory_space<hbm>> -> memref<10240x128xf32, #tpu.memory_space<hbm>>
        tpu.enqueue_indirect_dma source(%dma_start3A_387 : memref<10240x128xf32, #tpu.memory_space<hbm>>) target(%dma_start3A_381 : memref<64x128xf32, #tpu.memory_space<vmem>>) offsets(%dma_start3A_384 : memref<64xi32, #tpu.memory_space<vmem>>) semaphore(%arg11 : memref<!tpu.dma_semaphore, #tpu.memory_space<semaphore_mem>>)
      } else {
      }
      %dma_wait3A_128 = arith.constant 64 : i32
      %dma_wait3A_129 = arith.constant 0 : i32
      %dma_wait3A_130 = tpu.memref_slice %arg9[%dma_wait3A_128, %dma_wait3A_129] : memref<256x128xf32, #tpu.memory_space<vmem>> -> memref<64x128xf32, #tpu.memory_space<vmem>>
      %dma_wait3A_131 = arith.constant 0 : i32
      %dma_wait3A_132 = arith.constant 0 : i32
      %dma_wait3A_133 = tpu.memref_slice %arg3[%dma_wait3A_131, %dma_wait3A_132] : memref<10240x128xf32, #tpu.memory_space<hbm>> -> memref<64x128xf32, #tpu.memory_space<hbm>>
      %dma_wait3A_134 = arith.constant 64 : i32
      %dma_wait3A_135 = arith.constant 0 : i32
      %dma_wait3A_136 = tpu.memref_slice %arg9[%dma_wait3A_134, %dma_wait3A_135] : memref<256x128xf32, #tpu.memory_space<vmem>> -> memref<64x128xf32, #tpu.memory_space<vmem>>
      %dma_wait3A_137 = arith.constant 0 : i32
      %dma_wait3A_138 = arith.constant 0 : i32
      %dma_wait3A_139 = tpu.memref_slice %arg3[%dma_wait3A_137, %dma_wait3A_138] : memref<10240x128xf32, #tpu.memory_space<hbm>> -> memref<64x128xf32, #tpu.memory_space<hbm>>
      tpu.wait_dma2 semaphore(%arg11 : memref<!tpu.dma_semaphore, #tpu.memory_space<semaphore_mem>>) src(%dma_wait3A_139 : memref<64x128xf32, #tpu.memory_space<hbm>>) dst(%dma_wait3A_136 : memref<64x128xf32, #tpu.memory_space<vmem>>)
      %dma_start3A_140 = arith.constant 1 : i32
      %dma_start3A_141 = arith.constant 64 : i32
      %dma_start3A_142 = arith.constant 0 : i32
      %dma_start3A_143 = tpu.memref_slice %arg9[%dma_start3A_141, %dma_start3A_142] : memref<256x128xf32, #tpu.memory_space<vmem>> -> memref<64x128xf32, #tpu.memory_space<vmem>>
      %dma_start3A_144 = arith.constant 0 : i32
      %dma_start3A_145 = tpu.memref_slice %arg8[%rem3A_66, %dma_start3A_140, %dma_start3A_144] : memref<2x8x64xi32, #tpu.memory_space<vmem>> -> memref<1x1x64xi32, #tpu.memory_space<vmem>>
      %dma_start3A_146 = tpu.memref_squeeze %dma_start3A_145 : memref<1x1x64xi32, #tpu.memory_space<vmem>> -> memref<64xi32, #tpu.memory_space<vmem>>
      %dma_start3A_147 = arith.constant 0 : i32
      %dma_start3A_148 = arith.constant 0 : i32
      %dma_start3A_149 = tpu.memref_slice %arg10[%dma_start3A_147, %dma_start3A_148] : memref<10240x128xf32, #tpu.memory_space<vmem_shared>> -> memref<10240x128xf32, #tpu.memory_space<vmem_shared>>
      tpu.enqueue_indirect_dma source(%dma_start3A_143 : memref<64x128xf32, #tpu.memory_space<vmem>>) target(%dma_start3A_149 : memref<10240x128xf32, #tpu.memory_space<vmem_shared>>) offsets(%dma_start3A_146 : memref<64xi32, #tpu.memory_space<vmem>>) semaphore(%arg13 : memref<!tpu.dma_semaphore, #tpu.memory_space<semaphore_mem>>) {add = true}
      %mul3A_150 = arith.constant 8 : i32
      %mul3A_151 = arith.muli %scan3A_65, %mul3A_150 : i32
      %add3A_152 = arith.constant 2 : i32
      %add3A_153 = arith.addi %mul3A_151, %add3A_152 : i32
      %ge3A_154 = arith.constant 3 : i32
      %ge3A_155 = arith.cmpi sge, %add3A_153, %ge3A_154 : i32
      %convert_element_type3A_156 = arith.extui %ge3A_155 : i1 to i32
      %cond3A_157 = arith.constant 0 : i32
      %cond3A_158 = arith.cmpi ne, %convert_element_type3A_156, %cond3A_157 : i32
      scf.if %cond3A_158 {
        %dma_wait3A_378 = arith.constant 192 : i32
        %dma_wait3A_379 = arith.constant 0 : i32
        %dma_wait3A_380 = tpu.memref_slice %arg9[%dma_wait3A_378, %dma_wait3A_379] : memref<256x128xf32, #tpu.memory_space<vmem>> -> memref<64x128xf32, #tpu.memory_space<vmem>>
        %dma_wait3A_381 = arith.constant 0 : i32
        %dma_wait3A_382 = arith.constant 0 : i32
        %dma_wait3A_383 = tpu.memref_slice %arg3[%dma_wait3A_381, %dma_wait3A_382] : memref<10240x128xf32, #tpu.memory_space<hbm>> -> memref<64x128xf32, #tpu.memory_space<hbm>>
        %dma_wait3A_384 = arith.constant 192 : i32
        %dma_wait3A_385 = arith.constant 0 : i32
        %dma_wait3A_386 = tpu.memref_slice %arg9[%dma_wait3A_384, %dma_wait3A_385] : memref<256x128xf32, #tpu.memory_space<vmem>> -> memref<64x128xf32, #tpu.memory_space<vmem>>
        %dma_wait3A_387 = arith.constant 0 : i32
        %dma_wait3A_388 = arith.constant 0 : i32
        %dma_wait3A_389 = tpu.memref_slice %arg3[%dma_wait3A_387, %dma_wait3A_388] : memref<10240x128xf32, #tpu.memory_space<hbm>> -> memref<64x128xf32, #tpu.memory_space<hbm>>
        tpu.wait_dma2 semaphore(%arg15 : memref<!tpu.dma_semaphore, #tpu.memory_space<semaphore_mem>>) src(%dma_wait3A_389 : memref<64x128xf32, #tpu.memory_space<hbm>>) dst(%dma_wait3A_386 : memref<64x128xf32, #tpu.memory_space<vmem>>)
      } else {
      }
      %add3A_159 = arith.constant 1 : i32
      %add3A_160 = arith.addi %add3A_153, %add3A_159 : i32
      %lt3A_161 = arith.constant 160 : i32
      %lt3A_162 = arith.cmpi slt, %add3A_160, %lt3A_161 : i32
      %convert_element_type3A_163 = arith.extui %lt3A_162 : i1 to i32
      %cond3A_164 = arith.constant 0 : i32
      %cond3A_165 = arith.cmpi ne, %convert_element_type3A_163, %cond3A_164 : i32
      scf.if %cond3A_165 {
        %dma_start3A_378 = arith.constant 3 : i32
        %dma_start3A_379 = arith.constant 192 : i32
        %dma_start3A_380 = arith.constant 0 : i32
        %dma_start3A_381 = tpu.memref_slice %arg9[%dma_start3A_379, %dma_start3A_380] : memref<256x128xf32, #tpu.memory_space<vmem>> -> memref<64x128xf32, #tpu.memory_space<vmem>>
        %dma_start3A_382 = arith.constant 0 : i32
        %dma_start3A_383 = tpu.memref_slice %arg7[%rem3A_66, %dma_start3A_378, %dma_start3A_382] : memref<2x8x64xi32, #tpu.memory_space<vmem>> -> memref<1x1x64xi32, #tpu.memory_space<vmem>>
        %dma_start3A_384 = tpu.memref_squeeze %dma_start3A_383 : memref<1x1x64xi32, #tpu.memory_space<vmem>> -> memref<64xi32, #tpu.memory_space<vmem>>
        %dma_start3A_385 = arith.constant 0 : i32
        %dma_start3A_386 = arith.constant 0 : i32
        %dma_start3A_387 = tpu.memref_slice %arg2[%dma_start3A_385, %dma_start3A_386] : memref<10240x128xf32, #tpu.memory_space<hbm>> -> memref<10240x128xf32, #tpu.memory_space<hbm>>
        tpu.enqueue_indirect_dma source(%dma_start3A_387 : memref<10240x128xf32, #tpu.memory_space<hbm>>) target(%dma_start3A_381 : memref<64x128xf32, #tpu.memory_space<vmem>>) offsets(%dma_start3A_384 : memref<64xi32, #tpu.memory_space<vmem>>) semaphore(%arg11 : memref<!tpu.dma_semaphore, #tpu.memory_space<semaphore_mem>>)
      } else {
      }
      %dma_wait3A_166 = arith.constant 128 : i32
      %dma_wait3A_167 = arith.constant 0 : i32
      %dma_wait3A_168 = tpu.memref_slice %arg9[%dma_wait3A_166, %dma_wait3A_167] : memref<256x128xf32, #tpu.memory_space<vmem>> -> memref<64x128xf32, #tpu.memory_space<vmem>>
      %dma_wait3A_169 = arith.constant 0 : i32
      %dma_wait3A_170 = arith.constant 0 : i32
      %dma_wait3A_171 = tpu.memref_slice %arg3[%dma_wait3A_169, %dma_wait3A_170] : memref<10240x128xf32, #tpu.memory_space<hbm>> -> memref<64x128xf32, #tpu.memory_space<hbm>>
      %dma_wait3A_172 = arith.constant 128 : i32
      %dma_wait3A_173 = arith.constant 0 : i32
      %dma_wait3A_174 = tpu.memref_slice %arg9[%dma_wait3A_172, %dma_wait3A_173] : memref<256x128xf32, #tpu.memory_space<vmem>> -> memref<64x128xf32, #tpu.memory_space<vmem>>
      %dma_wait3A_175 = arith.constant 0 : i32
      %dma_wait3A_176 = arith.constant 0 : i32
      %dma_wait3A_177 = tpu.memref_slice %arg3[%dma_wait3A_175, %dma_wait3A_176] : memref<10240x128xf32, #tpu.memory_space<hbm>> -> memref<64x128xf32, #tpu.memory_space<hbm>>
      tpu.wait_dma2 semaphore(%arg11 : memref<!tpu.dma_semaphore, #tpu.memory_space<semaphore_mem>>) src(%dma_wait3A_177 : memref<64x128xf32, #tpu.memory_space<hbm>>) dst(%dma_wait3A_174 : memref<64x128xf32, #tpu.memory_space<vmem>>)
      %dma_start3A_178 = arith.constant 2 : i32
      %dma_start3A_179 = arith.constant 128 : i32
      %dma_start3A_180 = arith.constant 0 : i32
      %dma_start3A_181 = tpu.memref_slice %arg9[%dma_start3A_179, %dma_start3A_180] : memref<256x128xf32, #tpu.memory_space<vmem>> -> memref<64x128xf32, #tpu.memory_space<vmem>>
      %dma_start3A_182 = arith.constant 0 : i32
      %dma_start3A_183 = tpu.memref_slice %arg8[%rem3A_66, %dma_start3A_178, %dma_start3A_182] : memref<2x8x64xi32, #tpu.memory_space<vmem>> -> memref<1x1x64xi32, #tpu.memory_space<vmem>>
      %dma_start3A_184 = tpu.memref_squeeze %dma_start3A_183 : memref<1x1x64xi32, #tpu.memory_space<vmem>> -> memref<64xi32, #tpu.memory_space<vmem>>
      %dma_start3A_185 = arith.constant 0 : i32
      %dma_start3A_186 = arith.constant 0 : i32
      %dma_start3A_187 = tpu.memref_slice %arg10[%dma_start3A_185, %dma_start3A_186] : memref<10240x128xf32, #tpu.memory_space<vmem_shared>> -> memref<10240x128xf32, #tpu.memory_space<vmem_shared>>
      tpu.enqueue_indirect_dma source(%dma_start3A_181 : memref<64x128xf32, #tpu.memory_space<vmem>>) target(%dma_start3A_187 : memref<10240x128xf32, #tpu.memory_space<vmem_shared>>) offsets(%dma_start3A_184 : memref<64xi32, #tpu.memory_space<vmem>>) semaphore(%arg14 : memref<!tpu.dma_semaphore, #tpu.memory_space<semaphore_mem>>) {add = true}
      %mul3A_188 = arith.constant 8 : i32
      %mul3A_189 = arith.muli %scan3A_65, %mul3A_188 : i32
      %add3A_190 = arith.constant 3 : i32
      %add3A_191 = arith.addi %mul3A_189, %add3A_190 : i32
      %ge3A_192 = arith.constant 3 : i32
      %ge3A_193 = arith.cmpi sge, %add3A_191, %ge3A_192 : i32
      %convert_element_type3A_194 = arith.extui %ge3A_193 : i1 to i32
      %cond3A_195 = arith.constant 0 : i32
      %cond3A_196 = arith.cmpi ne, %convert_element_type3A_194, %cond3A_195 : i32
      scf.if %cond3A_196 {
        %dma_wait3A_378 = arith.constant 0 : i32
        %dma_wait3A_379 = arith.constant 0 : i32
        %dma_wait3A_380 = tpu.memref_slice %arg9[%dma_wait3A_378, %dma_wait3A_379] : memref<256x128xf32, #tpu.memory_space<vmem>> -> memref<64x128xf32, #tpu.memory_space<vmem>>
        %dma_wait3A_381 = arith.constant 0 : i32
        %dma_wait3A_382 = arith.constant 0 : i32
        %dma_wait3A_383 = tpu.memref_slice %arg3[%dma_wait3A_381, %dma_wait3A_382] : memref<10240x128xf32, #tpu.memory_space<hbm>> -> memref<64x128xf32, #tpu.memory_space<hbm>>
        %dma_wait3A_384 = arith.constant 0 : i32
        %dma_wait3A_385 = arith.constant 0 : i32
        %dma_wait3A_386 = tpu.memref_slice %arg9[%dma_wait3A_384, %dma_wait3A_385] : memref<256x128xf32, #tpu.memory_space<vmem>> -> memref<64x128xf32, #tpu.memory_space<vmem>>
        %dma_wait3A_387 = arith.constant 0 : i32
        %dma_wait3A_388 = arith.constant 0 : i32
        %dma_wait3A_389 = tpu.memref_slice %arg3[%dma_wait3A_387, %dma_wait3A_388] : memref<10240x128xf32, #tpu.memory_space<hbm>> -> memref<64x128xf32, #tpu.memory_space<hbm>>
        tpu.wait_dma2 semaphore(%arg12 : memref<!tpu.dma_semaphore, #tpu.memory_space<semaphore_mem>>) src(%dma_wait3A_389 : memref<64x128xf32, #tpu.memory_space<hbm>>) dst(%dma_wait3A_386 : memref<64x128xf32, #tpu.memory_space<vmem>>)
      } else {
      }
      %add3A_197 = arith.constant 1 : i32
      %add3A_198 = arith.addi %add3A_191, %add3A_197 : i32
      %lt3A_199 = arith.constant 160 : i32
      %lt3A_200 = arith.cmpi slt, %add3A_198, %lt3A_199 : i32
      %convert_element_type3A_201 = arith.extui %lt3A_200 : i1 to i32
      %cond3A_202 = arith.constant 0 : i32
      %cond3A_203 = arith.cmpi ne, %convert_element_type3A_201, %cond3A_202 : i32
      scf.if %cond3A_203 {
        %dma_start3A_378 = arith.constant 4 : i32
        %dma_start3A_379 = arith.constant 0 : i32
        %dma_start3A_380 = arith.constant 0 : i32
        %dma_start3A_381 = tpu.memref_slice %arg9[%dma_start3A_379, %dma_start3A_380] : memref<256x128xf32, #tpu.memory_space<vmem>> -> memref<64x128xf32, #tpu.memory_space<vmem>>
        %dma_start3A_382 = arith.constant 0 : i32
        %dma_start3A_383 = tpu.memref_slice %arg7[%rem3A_66, %dma_start3A_378, %dma_start3A_382] : memref<2x8x64xi32, #tpu.memory_space<vmem>> -> memref<1x1x64xi32, #tpu.memory_space<vmem>>
        %dma_start3A_384 = tpu.memref_squeeze %dma_start3A_383 : memref<1x1x64xi32, #tpu.memory_space<vmem>> -> memref<64xi32, #tpu.memory_space<vmem>>
        %dma_start3A_385 = arith.constant 0 : i32
        %dma_start3A_386 = arith.constant 0 : i32
        %dma_start3A_387 = tpu.memref_slice %arg2[%dma_start3A_385, %dma_start3A_386] : memref<10240x128xf32, #tpu.memory_space<hbm>> -> memref<10240x128xf32, #tpu.memory_space<hbm>>
        tpu.enqueue_indirect_dma source(%dma_start3A_387 : memref<10240x128xf32, #tpu.memory_space<hbm>>) target(%dma_start3A_381 : memref<64x128xf32, #tpu.memory_space<vmem>>) offsets(%dma_start3A_384 : memref<64xi32, #tpu.memory_space<vmem>>) semaphore(%arg11 : memref<!tpu.dma_semaphore, #tpu.memory_space<semaphore_mem>>)
      } else {
      }
      %dma_wait3A_204 = arith.constant 192 : i32
      %dma_wait3A_205 = arith.constant 0 : i32
      %dma_wait3A_206 = tpu.memref_slice %arg9[%dma_wait3A_204, %dma_wait3A_205] : memref<256x128xf32, #tpu.memory_space<vmem>> -> memref<64x128xf32, #tpu.memory_space<vmem>>
      %dma_wait3A_207 = arith.constant 0 : i32
      %dma_wait3A_208 = arith.constant 0 : i32
      %dma_wait3A_209 = tpu.memref_slice %arg3[%dma_wait3A_207, %dma_wait3A_208] : memref<10240x128xf32, #tpu.memory_space<hbm>> -> memref<64x128xf32, #tpu.memory_space<hbm>>
      %dma_wait3A_210 = arith.constant 192 : i32
      %dma_wait3A_211 = arith.constant 0 : i32
      %dma_wait3A_212 = tpu.memref_slice %arg9[%dma_wait3A_210, %dma_wait3A_211] : memref<256x128xf32, #tpu.memory_space<vmem>> -> memref<64x128xf32, #tpu.memory_space<vmem>>
      %dma_wait3A_213 = arith.constant 0 : i32
      %dma_wait3A_214 = arith.constant 0 : i32
      %dma_wait3A_215 = tpu.memref_slice %arg3[%dma_wait3A_213, %dma_wait3A_214] : memref<10240x128xf32, #tpu.memory_space<hbm>> -> memref<64x128xf32, #tpu.memory_space<hbm>>
      tpu.wait_dma2 semaphore(%arg11 : memref<!tpu.dma_semaphore, #tpu.memory_space<semaphore_mem>>) src(%dma_wait3A_215 : memref<64x128xf32, #tpu.memory_space<hbm>>) dst(%dma_wait3A_212 : memref<64x128xf32, #tpu.memory_space<vmem>>)
      %dma_start3A_216 = arith.constant 3 : i32
      %dma_start3A_217 = arith.constant 192 : i32
      %dma_start3A_218 = arith.constant 0 : i32
      %dma_start3A_219 = tpu.memref_slice %arg9[%dma_start3A_217, %dma_start3A_218] : memref<256x128xf32, #tpu.memory_space<vmem>> -> memref<64x128xf32, #tpu.memory_space<vmem>>
      %dma_start3A_220 = arith.constant 0 : i32
      %dma_start3A_221 = tpu.memref_slice %arg8[%rem3A_66, %dma_start3A_216, %dma_start3A_220] : memref<2x8x64xi32, #tpu.memory_space<vmem>> -> memref<1x1x64xi32, #tpu.memory_space<vmem>>
      %dma_start3A_222 = tpu.memref_squeeze %dma_start3A_221 : memref<1x1x64xi32, #tpu.memory_space<vmem>> -> memref<64xi32, #tpu.memory_space<vmem>>
      %dma_start3A_223 = arith.constant 0 : i32
      %dma_start3A_224 = arith.constant 0 : i32
      %dma_start3A_225 = tpu.memref_slice %arg10[%dma_start3A_223, %dma_start3A_224] : memref<10240x128xf32, #tpu.memory_space<vmem_shared>> -> memref<10240x128xf32, #tpu.memory_space<vmem_shared>>
      tpu.enqueue_indirect_dma source(%dma_start3A_219 : memref<64x128xf32, #tpu.memory_space<vmem>>) target(%dma_start3A_225 : memref<10240x128xf32, #tpu.memory_space<vmem_shared>>) offsets(%dma_start3A_222 : memref<64xi32, #tpu.memory_space<vmem>>) semaphore(%arg15 : memref<!tpu.dma_semaphore, #tpu.memory_space<semaphore_mem>>) {add = true}
      %mul3A_226 = arith.constant 8 : i32
      %mul3A_227 = arith.muli %scan3A_65, %mul3A_226 : i32
      %add3A_228 = arith.constant 4 : i32
      %add3A_229 = arith.addi %mul3A_227, %add3A_228 : i32
      %ge3A_230 = arith.constant 3 : i32
      %ge3A_231 = arith.cmpi sge, %add3A_229, %ge3A_230 : i32
      %convert_element_type3A_232 = arith.extui %ge3A_231 : i1 to i32
      %cond3A_233 = arith.constant 0 : i32
      %cond3A_234 = arith.cmpi ne, %convert_element_type3A_232, %cond3A_233 : i32
      scf.if %cond3A_234 {
        %dma_wait3A_378 = arith.constant 64 : i32
        %dma_wait3A_379 = arith.constant 0 : i32
        %dma_wait3A_380 = tpu.memref_slice %arg9[%dma_wait3A_378, %dma_wait3A_379] : memref<256x128xf32, #tpu.memory_space<vmem>> -> memref<64x128xf32, #tpu.memory_space<vmem>>
        %dma_wait3A_381 = arith.constant 0 : i32
        %dma_wait3A_382 = arith.constant 0 : i32
        %dma_wait3A_383 = tpu.memref_slice %arg3[%dma_wait3A_381, %dma_wait3A_382] : memref<10240x128xf32, #tpu.memory_space<hbm>> -> memref<64x128xf32, #tpu.memory_space<hbm>>
        %dma_wait3A_384 = arith.constant 64 : i32
        %dma_wait3A_385 = arith.constant 0 : i32
        %dma_wait3A_386 = tpu.memref_slice %arg9[%dma_wait3A_384, %dma_wait3A_385] : memref<256x128xf32, #tpu.memory_space<vmem>> -> memref<64x128xf32, #tpu.memory_space<vmem>>
        %dma_wait3A_387 = arith.constant 0 : i32
        %dma_wait3A_388 = arith.constant 0 : i32
        %dma_wait3A_389 = tpu.memref_slice %arg3[%dma_wait3A_387, %dma_wait3A_388] : memref<10240x128xf32, #tpu.memory_space<hbm>> -> memref<64x128xf32, #tpu.memory_space<hbm>>
        tpu.wait_dma2 semaphore(%arg13 : memref<!tpu.dma_semaphore, #tpu.memory_space<semaphore_mem>>) src(%dma_wait3A_389 : memref<64x128xf32, #tpu.memory_space<hbm>>) dst(%dma_wait3A_386 : memref<64x128xf32, #tpu.memory_space<vmem>>)
      } else {
      }
      %add3A_235 = arith.constant 1 : i32
      %add3A_236 = arith.addi %add3A_229, %add3A_235 : i32
      %lt3A_237 = arith.constant 160 : i32
      %lt3A_238 = arith.cmpi slt, %add3A_236, %lt3A_237 : i32
      %convert_element_type3A_239 = arith.extui %lt3A_238 : i1 to i32
      %cond3A_240 = arith.constant 0 : i32
      %cond3A_241 = arith.cmpi ne, %convert_element_type3A_239, %cond3A_240 : i32
      scf.if %cond3A_241 {
        %dma_start3A_378 = arith.constant 5 : i32
        %dma_start3A_379 = arith.constant 64 : i32
        %dma_start3A_380 = arith.constant 0 : i32
        %dma_start3A_381 = tpu.memref_slice %arg9[%dma_start3A_379, %dma_start3A_380] : memref<256x128xf32, #tpu.memory_space<vmem>> -> memref<64x128xf32, #tpu.memory_space<vmem>>
        %dma_start3A_382 = arith.constant 0 : i32
        %dma_start3A_383 = tpu.memref_slice %arg7[%rem3A_66, %dma_start3A_378, %dma_start3A_382] : memref<2x8x64xi32, #tpu.memory_space<vmem>> -> memref<1x1x64xi32, #tpu.memory_space<vmem>>
        %dma_start3A_384 = tpu.memref_squeeze %dma_start3A_383 : memref<1x1x64xi32, #tpu.memory_space<vmem>> -> memref<64xi32, #tpu.memory_space<vmem>>
        %dma_start3A_385 = arith.constant 0 : i32
        %dma_start3A_386 = arith.constant 0 : i32
        %dma_start3A_387 = tpu.memref_slice %arg2[%dma_start3A_385, %dma_start3A_386] : memref<10240x128xf32, #tpu.memory_space<hbm>> -> memref<10240x128xf32, #tpu.memory_space<hbm>>
        tpu.enqueue_indirect_dma source(%dma_start3A_387 : memref<10240x128xf32, #tpu.memory_space<hbm>>) target(%dma_start3A_381 : memref<64x128xf32, #tpu.memory_space<vmem>>) offsets(%dma_start3A_384 : memref<64xi32, #tpu.memory_space<vmem>>) semaphore(%arg11 : memref<!tpu.dma_semaphore, #tpu.memory_space<semaphore_mem>>)
      } else {
      }
      %dma_wait3A_242 = arith.constant 0 : i32
      %dma_wait3A_243 = arith.constant 0 : i32
      %dma_wait3A_244 = tpu.memref_slice %arg9[%dma_wait3A_242, %dma_wait3A_243] : memref<256x128xf32, #tpu.memory_space<vmem>> -> memref<64x128xf32, #tpu.memory_space<vmem>>
      %dma_wait3A_245 = arith.constant 0 : i32
      %dma_wait3A_246 = arith.constant 0 : i32
      %dma_wait3A_247 = tpu.memref_slice %arg3[%dma_wait3A_245, %dma_wait3A_246] : memref<10240x128xf32, #tpu.memory_space<hbm>> -> memref<64x128xf32, #tpu.memory_space<hbm>>
      %dma_wait3A_248 = arith.constant 0 : i32
      %dma_wait3A_249 = arith.constant 0 : i32
      %dma_wait3A_250 = tpu.memref_slice %arg9[%dma_wait3A_248, %dma_wait3A_249] : memref<256x128xf32, #tpu.memory_space<vmem>> -> memref<64x128xf32, #tpu.memory_space<vmem>>
      %dma_wait3A_251 = arith.constant 0 : i32
      %dma_wait3A_252 = arith.constant 0 : i32
      %dma_wait3A_253 = tpu.memref_slice %arg3[%dma_wait3A_251, %dma_wait3A_252] : memref<10240x128xf32, #tpu.memory_space<hbm>> -> memref<64x128xf32, #tpu.memory_space<hbm>>
      tpu.wait_dma2 semaphore(%arg11 : memref<!tpu.dma_semaphore, #tpu.memory_space<semaphore_mem>>) src(%dma_wait3A_253 : memref<64x128xf32, #tpu.memory_space<hbm>>) dst(%dma_wait3A_250 : memref<64x128xf32, #tpu.memory_space<vmem>>)
      %dma_start3A_254 = arith.constant 4 : i32
      %dma_start3A_255 = arith.constant 0 : i32
      %dma_start3A_256 = arith.constant 0 : i32
      %dma_start3A_257 = tpu.memref_slice %arg9[%dma_start3A_255, %dma_start3A_256] : memref<256x128xf32, #tpu.memory_space<vmem>> -> memref<64x128xf32, #tpu.memory_space<vmem>>
      %dma_start3A_258 = arith.constant 0 : i32
      %dma_start3A_259 = tpu.memref_slice %arg8[%rem3A_66, %dma_start3A_254, %dma_start3A_258] : memref<2x8x64xi32, #tpu.memory_space<vmem>> -> memref<1x1x64xi32, #tpu.memory_space<vmem>>
      %dma_start3A_260 = tpu.memref_squeeze %dma_start3A_259 : memref<1x1x64xi32, #tpu.memory_space<vmem>> -> memref<64xi32, #tpu.memory_space<vmem>>
      %dma_start3A_261 = arith.constant 0 : i32
      %dma_start3A_262 = arith.constant 0 : i32
      %dma_start3A_263 = tpu.memref_slice %arg10[%dma_start3A_261, %dma_start3A_262] : memref<10240x128xf32, #tpu.memory_space<vmem_shared>> -> memref<10240x128xf32, #tpu.memory_space<vmem_shared>>
      tpu.enqueue_indirect_dma source(%dma_start3A_257 : memref<64x128xf32, #tpu.memory_space<vmem>>) target(%dma_start3A_263 : memref<10240x128xf32, #tpu.memory_space<vmem_shared>>) offsets(%dma_start3A_260 : memref<64xi32, #tpu.memory_space<vmem>>) semaphore(%arg12 : memref<!tpu.dma_semaphore, #tpu.memory_space<semaphore_mem>>) {add = true}
      %mul3A_264 = arith.constant 8 : i32
      %mul3A_265 = arith.muli %scan3A_65, %mul3A_264 : i32
      %add3A_266 = arith.constant 5 : i32
      %add3A_267 = arith.addi %mul3A_265, %add3A_266 : i32
      %ge3A_268 = arith.constant 3 : i32
      %ge3A_269 = arith.cmpi sge, %add3A_267, %ge3A_268 : i32
      %convert_element_type3A_270 = arith.extui %ge3A_269 : i1 to i32
      %cond3A_271 = arith.constant 0 : i32
      %cond3A_272 = arith.cmpi ne, %convert_element_type3A_270, %cond3A_271 : i32
      scf.if %cond3A_272 {
        %dma_wait3A_378 = arith.constant 128 : i32
        %dma_wait3A_379 = arith.constant 0 : i32
        %dma_wait3A_380 = tpu.memref_slice %arg9[%dma_wait3A_378, %dma_wait3A_379] : memref<256x128xf32, #tpu.memory_space<vmem>> -> memref<64x128xf32, #tpu.memory_space<vmem>>
        %dma_wait3A_381 = arith.constant 0 : i32
        %dma_wait3A_382 = arith.constant 0 : i32
        %dma_wait3A_383 = tpu.memref_slice %arg3[%dma_wait3A_381, %dma_wait3A_382] : memref<10240x128xf32, #tpu.memory_space<hbm>> -> memref<64x128xf32, #tpu.memory_space<hbm>>
        %dma_wait3A_384 = arith.constant 128 : i32
        %dma_wait3A_385 = arith.constant 0 : i32
        %dma_wait3A_386 = tpu.memref_slice %arg9[%dma_wait3A_384, %dma_wait3A_385] : memref<256x128xf32, #tpu.memory_space<vmem>> -> memref<64x128xf32, #tpu.memory_space<vmem>>
        %dma_wait3A_387 = arith.constant 0 : i32
        %dma_wait3A_388 = arith.constant 0 : i32
        %dma_wait3A_389 = tpu.memref_slice %arg3[%dma_wait3A_387, %dma_wait3A_388] : memref<10240x128xf32, #tpu.memory_space<hbm>> -> memref<64x128xf32, #tpu.memory_space<hbm>>
        tpu.wait_dma2 semaphore(%arg14 : memref<!tpu.dma_semaphore, #tpu.memory_space<semaphore_mem>>) src(%dma_wait3A_389 : memref<64x128xf32, #tpu.memory_space<hbm>>) dst(%dma_wait3A_386 : memref<64x128xf32, #tpu.memory_space<vmem>>)
      } else {
      }
      %add3A_273 = arith.constant 1 : i32
      %add3A_274 = arith.addi %add3A_267, %add3A_273 : i32
      %lt3A_275 = arith.constant 160 : i32
      %lt3A_276 = arith.cmpi slt, %add3A_274, %lt3A_275 : i32
      %convert_element_type3A_277 = arith.extui %lt3A_276 : i1 to i32
      %cond3A_278 = arith.constant 0 : i32
      %cond3A_279 = arith.cmpi ne, %convert_element_type3A_277, %cond3A_278 : i32
      scf.if %cond3A_279 {
        %dma_start3A_378 = arith.constant 6 : i32
        %dma_start3A_379 = arith.constant 128 : i32
        %dma_start3A_380 = arith.constant 0 : i32
        %dma_start3A_381 = tpu.memref_slice %arg9[%dma_start3A_379, %dma_start3A_380] : memref<256x128xf32, #tpu.memory_space<vmem>> -> memref<64x128xf32, #tpu.memory_space<vmem>>
        %dma_start3A_382 = arith.constant 0 : i32
        %dma_start3A_383 = tpu.memref_slice %arg7[%rem3A_66, %dma_start3A_378, %dma_start3A_382] : memref<2x8x64xi32, #tpu.memory_space<vmem>> -> memref<1x1x64xi32, #tpu.memory_space<vmem>>
        %dma_start3A_384 = tpu.memref_squeeze %dma_start3A_383 : memref<1x1x64xi32, #tpu.memory_space<vmem>> -> memref<64xi32, #tpu.memory_space<vmem>>
        %dma_start3A_385 = arith.constant 0 : i32
        %dma_start3A_386 = arith.constant 0 : i32
        %dma_start3A_387 = tpu.memref_slice %arg2[%dma_start3A_385, %dma_start3A_386] : memref<10240x128xf32, #tpu.memory_space<hbm>> -> memref<10240x128xf32, #tpu.memory_space<hbm>>
        tpu.enqueue_indirect_dma source(%dma_start3A_387 : memref<10240x128xf32, #tpu.memory_space<hbm>>) target(%dma_start3A_381 : memref<64x128xf32, #tpu.memory_space<vmem>>) offsets(%dma_start3A_384 : memref<64xi32, #tpu.memory_space<vmem>>) semaphore(%arg11 : memref<!tpu.dma_semaphore, #tpu.memory_space<semaphore_mem>>)
      } else {
      }
      %dma_wait3A_280 = arith.constant 64 : i32
      %dma_wait3A_281 = arith.constant 0 : i32
      %dma_wait3A_282 = tpu.memref_slice %arg9[%dma_wait3A_280, %dma_wait3A_281] : memref<256x128xf32, #tpu.memory_space<vmem>> -> memref<64x128xf32, #tpu.memory_space<vmem>>
      %dma_wait3A_283 = arith.constant 0 : i32
      %dma_wait3A_284 = arith.constant 0 : i32
      %dma_wait3A_285 = tpu.memref_slice %arg3[%dma_wait3A_283, %dma_wait3A_284] : memref<10240x128xf32, #tpu.memory_space<hbm>> -> memref<64x128xf32, #tpu.memory_space<hbm>>
      %dma_wait3A_286 = arith.constant 64 : i32
      %dma_wait3A_287 = arith.constant 0 : i32
      %dma_wait3A_288 = tpu.memref_slice %arg9[%dma_wait3A_286, %dma_wait3A_287] : memref<256x128xf32, #tpu.memory_space<vmem>> -> memref<64x128xf32, #tpu.memory_space<vmem>>
      %dma_wait3A_289 = arith.constant 0 : i32
      %dma_wait3A_290 = arith.constant 0 : i32
      %dma_wait3A_291 = tpu.memref_slice %arg3[%dma_wait3A_289, %dma_wait3A_290] : memref<10240x128xf32, #tpu.memory_space<hbm>> -> memref<64x128xf32, #tpu.memory_space<hbm>>
      tpu.wait_dma2 semaphore(%arg11 : memref<!tpu.dma_semaphore, #tpu.memory_space<semaphore_mem>>) src(%dma_wait3A_291 : memref<64x128xf32, #tpu.memory_space<hbm>>) dst(%dma_wait3A_288 : memref<64x128xf32, #tpu.memory_space<vmem>>)
      %dma_start3A_292 = arith.constant 5 : i32
      %dma_start3A_293 = arith.constant 64 : i32
      %dma_start3A_294 = arith.constant 0 : i32
      %dma_start3A_295 = tpu.memref_slice %arg9[%dma_start3A_293, %dma_start3A_294] : memref<256x128xf32, #tpu.memory_space<vmem>> -> memref<64x128xf32, #tpu.memory_space<vmem>>
      %dma_start3A_296 = arith.constant 0 : i32
      %dma_start3A_297 = tpu.memref_slice %arg8[%rem3A_66, %dma_start3A_292, %dma_start3A_296] : memref<2x8x64xi32, #tpu.memory_space<vmem>> -> memref<1x1x64xi32, #tpu.memory_space<vmem>>
      %dma_start3A_298 = tpu.memref_squeeze %dma_start3A_297 : memref<1x1x64xi32, #tpu.memory_space<vmem>> -> memref<64xi32, #tpu.memory_space<vmem>>
      %dma_start3A_299 = arith.constant 0 : i32
      %dma_start3A_300 = arith.constant 0 : i32
      %dma_start3A_301 = tpu.memref_slice %arg10[%dma_start3A_299, %dma_start3A_300] : memref<10240x128xf32, #tpu.memory_space<vmem_shared>> -> memref<10240x128xf32, #tpu.memory_space<vmem_shared>>
      tpu.enqueue_indirect_dma source(%dma_start3A_295 : memref<64x128xf32, #tpu.memory_space<vmem>>) target(%dma_start3A_301 : memref<10240x128xf32, #tpu.memory_space<vmem_shared>>) offsets(%dma_start3A_298 : memref<64xi32, #tpu.memory_space<vmem>>) semaphore(%arg13 : memref<!tpu.dma_semaphore, #tpu.memory_space<semaphore_mem>>) {add = true}
      %mul3A_302 = arith.constant 8 : i32
      %mul3A_303 = arith.muli %scan3A_65, %mul3A_302 : i32
      %add3A_304 = arith.constant 6 : i32
      %add3A_305 = arith.addi %mul3A_303, %add3A_304 : i32
      %ge3A_306 = arith.constant 3 : i32
      %ge3A_307 = arith.cmpi sge, %add3A_305, %ge3A_306 : i32
      %convert_element_type3A_308 = arith.extui %ge3A_307 : i1 to i32
      %cond3A_309 = arith.constant 0 : i32
      %cond3A_310 = arith.cmpi ne, %convert_element_type3A_308, %cond3A_309 : i32
      scf.if %cond3A_310 {
        %dma_wait3A_378 = arith.constant 192 : i32
        %dma_wait3A_379 = arith.constant 0 : i32
        %dma_wait3A_380 = tpu.memref_slice %arg9[%dma_wait3A_378, %dma_wait3A_379] : memref<256x128xf32, #tpu.memory_space<vmem>> -> memref<64x128xf32, #tpu.memory_space<vmem>>
        %dma_wait3A_381 = arith.constant 0 : i32
        %dma_wait3A_382 = arith.constant 0 : i32
        %dma_wait3A_383 = tpu.memref_slice %arg3[%dma_wait3A_381, %dma_wait3A_382] : memref<10240x128xf32, #tpu.memory_space<hbm>> -> memref<64x128xf32, #tpu.memory_space<hbm>>
        %dma_wait3A_384 = arith.constant 192 : i32
        %dma_wait3A_385 = arith.constant 0 : i32
        %dma_wait3A_386 = tpu.memref_slice %arg9[%dma_wait3A_384, %dma_wait3A_385] : memref<256x128xf32, #tpu.memory_space<vmem>> -> memref<64x128xf32, #tpu.memory_space<vmem>>
        %dma_wait3A_387 = arith.constant 0 : i32
        %dma_wait3A_388 = arith.constant 0 : i32
        %dma_wait3A_389 = tpu.memref_slice %arg3[%dma_wait3A_387, %dma_wait3A_388] : memref<10240x128xf32, #tpu.memory_space<hbm>> -> memref<64x128xf32, #tpu.memory_space<hbm>>
        tpu.wait_dma2 semaphore(%arg15 : memref<!tpu.dma_semaphore, #tpu.memory_space<semaphore_mem>>) src(%dma_wait3A_389 : memref<64x128xf32, #tpu.memory_space<hbm>>) dst(%dma_wait3A_386 : memref<64x128xf32, #tpu.memory_space<vmem>>)
      } else {
      }
      %add3A_311 = arith.constant 1 : i32
      %add3A_312 = arith.addi %add3A_305, %add3A_311 : i32
      %lt3A_313 = arith.constant 160 : i32
      %lt3A_314 = arith.cmpi slt, %add3A_312, %lt3A_313 : i32
      %convert_element_type3A_315 = arith.extui %lt3A_314 : i1 to i32
      %cond3A_316 = arith.constant 0 : i32
      %cond3A_317 = arith.cmpi ne, %convert_element_type3A_315, %cond3A_316 : i32
      scf.if %cond3A_317 {
        %dma_start3A_378 = arith.constant 7 : i32
        %dma_start3A_379 = arith.constant 192 : i32
        %dma_start3A_380 = arith.constant 0 : i32
        %dma_start3A_381 = tpu.memref_slice %arg9[%dma_start3A_379, %dma_start3A_380] : memref<256x128xf32, #tpu.memory_space<vmem>> -> memref<64x128xf32, #tpu.memory_space<vmem>>
        %dma_start3A_382 = arith.constant 0 : i32
        %dma_start3A_383 = tpu.memref_slice %arg7[%rem3A_66, %dma_start3A_378, %dma_start3A_382] : memref<2x8x64xi32, #tpu.memory_space<vmem>> -> memref<1x1x64xi32, #tpu.memory_space<vmem>>
        %dma_start3A_384 = tpu.memref_squeeze %dma_start3A_383 : memref<1x1x64xi32, #tpu.memory_space<vmem>> -> memref<64xi32, #tpu.memory_space<vmem>>
        %dma_start3A_385 = arith.constant 0 : i32
        %dma_start3A_386 = arith.constant 0 : i32
        %dma_start3A_387 = tpu.memref_slice %arg2[%dma_start3A_385, %dma_start3A_386] : memref<10240x128xf32, #tpu.memory_space<hbm>> -> memref<10240x128xf32, #tpu.memory_space<hbm>>
        tpu.enqueue_indirect_dma source(%dma_start3A_387 : memref<10240x128xf32, #tpu.memory_space<hbm>>) target(%dma_start3A_381 : memref<64x128xf32, #tpu.memory_space<vmem>>) offsets(%dma_start3A_384 : memref<64xi32, #tpu.memory_space<vmem>>) semaphore(%arg11 : memref<!tpu.dma_semaphore, #tpu.memory_space<semaphore_mem>>)
      } else {
      }
      %dma_wait3A_318 = arith.constant 128 : i32
      %dma_wait3A_319 = arith.constant 0 : i32
      %dma_wait3A_320 = tpu.memref_slice %arg9[%dma_wait3A_318, %dma_wait3A_319] : memref<256x128xf32, #tpu.memory_space<vmem>> -> memref<64x128xf32, #tpu.memory_space<vmem>>
      %dma_wait3A_321 = arith.constant 0 : i32
      %dma_wait3A_322 = arith.constant 0 : i32
      %dma_wait3A_323 = tpu.memref_slice %arg3[%dma_wait3A_321, %dma_wait3A_322] : memref<10240x128xf32, #tpu.memory_space<hbm>> -> memref<64x128xf32, #tpu.memory_space<hbm>>
      %dma_wait3A_324 = arith.constant 128 : i32
      %dma_wait3A_325 = arith.constant 0 : i32
      %dma_wait3A_326 = tpu.memref_slice %arg9[%dma_wait3A_324, %dma_wait3A_325] : memref<256x128xf32, #tpu.memory_space<vmem>> -> memref<64x128xf32, #tpu.memory_space<vmem>>
      %dma_wait3A_327 = arith.constant 0 : i32
      %dma_wait3A_328 = arith.constant 0 : i32
      %dma_wait3A_329 = tpu.memref_slice %arg3[%dma_wait3A_327, %dma_wait3A_328] : memref<10240x128xf32, #tpu.memory_space<hbm>> -> memref<64x128xf32, #tpu.memory_space<hbm>>
      tpu.wait_dma2 semaphore(%arg11 : memref<!tpu.dma_semaphore, #tpu.memory_space<semaphore_mem>>) src(%dma_wait3A_329 : memref<64x128xf32, #tpu.memory_space<hbm>>) dst(%dma_wait3A_326 : memref<64x128xf32, #tpu.memory_space<vmem>>)
      %dma_start3A_330 = arith.constant 6 : i32
      %dma_start3A_331 = arith.constant 128 : i32
      %dma_start3A_332 = arith.constant 0 : i32
      %dma_start3A_333 = tpu.memref_slice %arg9[%dma_start3A_331, %dma_start3A_332] : memref<256x128xf32, #tpu.memory_space<vmem>> -> memref<64x128xf32, #tpu.memory_space<vmem>>
      %dma_start3A_334 = arith.constant 0 : i32
      %dma_start3A_335 = tpu.memref_slice %arg8[%rem3A_66, %dma_start3A_330, %dma_start3A_334] : memref<2x8x64xi32, #tpu.memory_space<vmem>> -> memref<1x1x64xi32, #tpu.memory_space<vmem>>
      %dma_start3A_336 = tpu.memref_squeeze %dma_start3A_335 : memref<1x1x64xi32, #tpu.memory_space<vmem>> -> memref<64xi32, #tpu.memory_space<vmem>>
      %dma_start3A_337 = arith.constant 0 : i32
      %dma_start3A_338 = arith.constant 0 : i32
      %dma_start3A_339 = tpu.memref_slice %arg10[%dma_start3A_337, %dma_start3A_338] : memref<10240x128xf32, #tpu.memory_space<vmem_shared>> -> memref<10240x128xf32, #tpu.memory_space<vmem_shared>>
      tpu.enqueue_indirect_dma source(%dma_start3A_333 : memref<64x128xf32, #tpu.memory_space<vmem>>) target(%dma_start3A_339 : memref<10240x128xf32, #tpu.memory_space<vmem_shared>>) offsets(%dma_start3A_336 : memref<64xi32, #tpu.memory_space<vmem>>) semaphore(%arg14 : memref<!tpu.dma_semaphore, #tpu.memory_space<semaphore_mem>>) {add = true}
      %mul3A_340 = arith.constant 8 : i32
      %mul3A_341 = arith.muli %scan3A_65, %mul3A_340 : i32
      %add3A_342 = arith.constant 7 : i32
      %add3A_343 = arith.addi %mul3A_341, %add3A_342 : i32
      %ge3A_344 = arith.constant 3 : i32
      %ge3A_345 = arith.cmpi sge, %add3A_343, %ge3A_344 : i32
      %convert_element_type3A_346 = arith.extui %ge3A_345 : i1 to i32
      %cond3A_347 = arith.constant 0 : i32
      %cond3A_348 = arith.cmpi ne, %convert_element_type3A_346, %cond3A_347 : i32
      scf.if %cond3A_348 {
        %dma_wait3A_378 = arith.constant 0 : i32
        %dma_wait3A_379 = arith.constant 0 : i32
        %dma_wait3A_380 = tpu.memref_slice %arg9[%dma_wait3A_378, %dma_wait3A_379] : memref<256x128xf32, #tpu.memory_space<vmem>> -> memref<64x128xf32, #tpu.memory_space<vmem>>
        %dma_wait3A_381 = arith.constant 0 : i32
        %dma_wait3A_382 = arith.constant 0 : i32
        %dma_wait3A_383 = tpu.memref_slice %arg3[%dma_wait3A_381, %dma_wait3A_382] : memref<10240x128xf32, #tpu.memory_space<hbm>> -> memref<64x128xf32, #tpu.memory_space<hbm>>
        %dma_wait3A_384 = arith.constant 0 : i32
        %dma_wait3A_385 = arith.constant 0 : i32
        %dma_wait3A_386 = tpu.memref_slice %arg9[%dma_wait3A_384, %dma_wait3A_385] : memref<256x128xf32, #tpu.memory_space<vmem>> -> memref<64x128xf32, #tpu.memory_space<vmem>>
        %dma_wait3A_387 = arith.constant 0 : i32
        %dma_wait3A_388 = arith.constant 0 : i32
        %dma_wait3A_389 = tpu.memref_slice %arg3[%dma_wait3A_387, %dma_wait3A_388] : memref<10240x128xf32, #tpu.memory_space<hbm>> -> memref<64x128xf32, #tpu.memory_space<hbm>>
        tpu.wait_dma2 semaphore(%arg12 : memref<!tpu.dma_semaphore, #tpu.memory_space<semaphore_mem>>) src(%dma_wait3A_389 : memref<64x128xf32, #tpu.memory_space<hbm>>) dst(%dma_wait3A_386 : memref<64x128xf32, #tpu.memory_space<vmem>>)
      } else {
      }
      %add3A_349 = arith.constant 1 : i32
      %add3A_350 = arith.addi %add3A_343, %add3A_349 : i32
      %lt3A_351 = arith.constant 160 : i32
      %lt3A_352 = arith.cmpi slt, %add3A_350, %lt3A_351 : i32
      %convert_element_type3A_353 = arith.extui %lt3A_352 : i1 to i32
      %cond3A_354 = arith.constant 0 : i32
      %cond3A_355 = arith.cmpi ne, %convert_element_type3A_353, %cond3A_354 : i32
      scf.if %cond3A_355 {
        %dma_start3A_378 = arith.constant 0 : i32
        %dma_start3A_379 = arith.constant 0 : i32
        %dma_start3A_380 = arith.constant 0 : i32
        %dma_start3A_381 = tpu.memref_slice %arg9[%dma_start3A_379, %dma_start3A_380] : memref<256x128xf32, #tpu.memory_space<vmem>> -> memref<64x128xf32, #tpu.memory_space<vmem>>
        %dma_start3A_382 = arith.constant 0 : i32
        %dma_start3A_383 = tpu.memref_slice %arg7[%rem3A_70, %dma_start3A_378, %dma_start3A_382] : memref<2x8x64xi32, #tpu.memory_space<vmem>> -> memref<1x1x64xi32, #tpu.memory_space<vmem>>
        %dma_start3A_384 = tpu.memref_squeeze %dma_start3A_383 : memref<1x1x64xi32, #tpu.memory_space<vmem>> -> memref<64xi32, #tpu.memory_space<vmem>>
        %dma_start3A_385 = arith.constant 0 : i32
        %dma_start3A_386 = arith.constant 0 : i32
        %dma_start3A_387 = tpu.memref_slice %arg2[%dma_start3A_385, %dma_start3A_386] : memref<10240x128xf32, #tpu.memory_space<hbm>> -> memref<10240x128xf32, #tpu.memory_space<hbm>>
        tpu.enqueue_indirect_dma source(%dma_start3A_387 : memref<10240x128xf32, #tpu.memory_space<hbm>>) target(%dma_start3A_381 : memref<64x128xf32, #tpu.memory_space<vmem>>) offsets(%dma_start3A_384 : memref<64xi32, #tpu.memory_space<vmem>>) semaphore(%arg11 : memref<!tpu.dma_semaphore, #tpu.memory_space<semaphore_mem>>)
      } else {
      }
      %dma_wait3A_356 = arith.constant 192 : i32
      %dma_wait3A_357 = arith.constant 0 : i32
      %dma_wait3A_358 = tpu.memref_slice %arg9[%dma_wait3A_356, %dma_wait3A_357] : memref<256x128xf32, #tpu.memory_space<vmem>> -> memref<64x128xf32, #tpu.memory_space<vmem>>
      %dma_wait3A_359 = arith.constant 0 : i32
      %dma_wait3A_360 = arith.constant 0 : i32
      %dma_wait3A_361 = tpu.memref_slice %arg3[%dma_wait3A_359, %dma_wait3A_360] : memref<10240x128xf32, #tpu.memory_space<hbm>> -> memref<64x128xf32, #tpu.memory_space<hbm>>
      %dma_wait3A_362 = arith.constant 192 : i32
      %dma_wait3A_363 = arith.constant 0 : i32
      %dma_wait3A_364 = tpu.memref_slice %arg9[%dma_wait3A_362, %dma_wait3A_363] : memref<256x128xf32, #tpu.memory_space<vmem>> -> memref<64x128xf32, #tpu.memory_space<vmem>>
      %dma_wait3A_365 = arith.constant 0 : i32
      %dma_wait3A_366 = arith.constant 0 : i32
      %dma_wait3A_367 = tpu.memref_slice %arg3[%dma_wait3A_365, %dma_wait3A_366] : memref<10240x128xf32, #tpu.memory_space<hbm>> -> memref<64x128xf32, #tpu.memory_space<hbm>>
      tpu.wait_dma2 semaphore(%arg11 : memref<!tpu.dma_semaphore, #tpu.memory_space<semaphore_mem>>) src(%dma_wait3A_367 : memref<64x128xf32, #tpu.memory_space<hbm>>) dst(%dma_wait3A_364 : memref<64x128xf32, #tpu.memory_space<vmem>>)
      %dma_start3A_368 = arith.constant 7 : i32
      %dma_start3A_369 = arith.constant 192 : i32
      %dma_start3A_370 = arith.constant 0 : i32
      %dma_start3A_371 = tpu.memref_slice %arg9[%dma_start3A_369, %dma_start3A_370] : memref<256x128xf32, #tpu.memory_space<vmem>> -> memref<64x128xf32, #tpu.memory_space<vmem>>
      %dma_start3A_372 = arith.constant 0 : i32
      %dma_start3A_373 = tpu.memref_slice %arg8[%rem3A_66, %dma_start3A_368, %dma_start3A_372] : memref<2x8x64xi32, #tpu.memory_space<vmem>> -> memref<1x1x64xi32, #tpu.memory_space<vmem>>
      %dma_start3A_374 = tpu.memref_squeeze %dma_start3A_373 : memref<1x1x64xi32, #tpu.memory_space<vmem>> -> memref<64xi32, #tpu.memory_space<vmem>>
      %dma_start3A_375 = arith.constant 0 : i32
      %dma_start3A_376 = arith.constant 0 : i32
      %dma_start3A_377 = tpu.memref_slice %arg10[%dma_start3A_375, %dma_start3A_376] : memref<10240x128xf32, #tpu.memory_space<vmem_shared>> -> memref<10240x128xf32, #tpu.memory_space<vmem_shared>>
      tpu.enqueue_indirect_dma source(%dma_start3A_371 : memref<64x128xf32, #tpu.memory_space<vmem>>) target(%dma_start3A_377 : memref<10240x128xf32, #tpu.memory_space<vmem_shared>>) offsets(%dma_start3A_374 : memref<64xi32, #tpu.memory_space<vmem>>) semaphore(%arg15 : memref<!tpu.dma_semaphore, #tpu.memory_space<semaphore_mem>>) {add = true}
    }
    %scan3A_18 = arith.constant 20 : i32
    %dma_wait3A = arith.constant 64 : i32
    %dma_wait3A_19 = arith.constant 0 : i32
    %dma_wait3A_20 = tpu.memref_slice %arg9[%dma_wait3A, %dma_wait3A_19] : memref<256x128xf32, #tpu.memory_space<vmem>> -> memref<64x128xf32, #tpu.memory_space<vmem>>
    %dma_wait3A_21 = arith.constant 0 : i32
    %dma_wait3A_22 = arith.constant 0 : i32
    %dma_wait3A_23 = tpu.memref_slice %arg3[%dma_wait3A_21, %dma_wait3A_22] : memref<10240x128xf32, #tpu.memory_space<hbm>> -> memref<64x128xf32, #tpu.memory_space<hbm>>
    %dma_wait3A_24 = arith.constant 64 : i32
    %dma_wait3A_25 = arith.constant 0 : i32
    %dma_wait3A_26 = tpu.memref_slice %arg9[%dma_wait3A_24, %dma_wait3A_25] : memref<256x128xf32, #tpu.memory_space<vmem>> -> memref<64x128xf32, #tpu.memory_space<vmem>>
    %dma_wait3A_27 = arith.constant 0 : i32
    %dma_wait3A_28 = arith.constant 0 : i32
    %dma_wait3A_29 = tpu.memref_slice %arg3[%dma_wait3A_27, %dma_wait3A_28] : memref<10240x128xf32, #tpu.memory_space<hbm>> -> memref<64x128xf32, #tpu.memory_space<hbm>>
    tpu.wait_dma2 semaphore(%arg13 : memref<!tpu.dma_semaphore, #tpu.memory_space<semaphore_mem>>) src(%dma_wait3A_29 : memref<64x128xf32, #tpu.memory_space<hbm>>) dst(%dma_wait3A_26 : memref<64x128xf32, #tpu.memory_space<vmem>>)
    %dma_wait3A_30 = arith.constant 128 : i32
    %dma_wait3A_31 = arith.constant 0 : i32
    %dma_wait3A_32 = tpu.memref_slice %arg9[%dma_wait3A_30, %dma_wait3A_31] : memref<256x128xf32, #tpu.memory_space<vmem>> -> memref<64x128xf32, #tpu.memory_space<vmem>>
    %dma_wait3A_33 = arith.constant 0 : i32
    %dma_wait3A_34 = arith.constant 0 : i32
    %dma_wait3A_35 = tpu.memref_slice %arg3[%dma_wait3A_33, %dma_wait3A_34] : memref<10240x128xf32, #tpu.memory_space<hbm>> -> memref<64x128xf32, #tpu.memory_space<hbm>>
    %dma_wait3A_36 = arith.constant 128 : i32
    %dma_wait3A_37 = arith.constant 0 : i32
    %dma_wait3A_38 = tpu.memref_slice %arg9[%dma_wait3A_36, %dma_wait3A_37] : memref<256x128xf32, #tpu.memory_space<vmem>> -> memref<64x128xf32, #tpu.memory_space<vmem>>
    %dma_wait3A_39 = arith.constant 0 : i32
    %dma_wait3A_40 = arith.constant 0 : i32
    %dma_wait3A_41 = tpu.memref_slice %arg3[%dma_wait3A_39, %dma_wait3A_40] : memref<10240x128xf32, #tpu.memory_space<hbm>> -> memref<64x128xf32, #tpu.memory_space<hbm>>
    tpu.wait_dma2 semaphore(%arg14 : memref<!tpu.dma_semaphore, #tpu.memory_space<semaphore_mem>>) src(%dma_wait3A_41 : memref<64x128xf32, #tpu.memory_space<hbm>>) dst(%dma_wait3A_38 : memref<64x128xf32, #tpu.memory_space<vmem>>)
    %dma_wait3A_42 = arith.constant 192 : i32
    %dma_wait3A_43 = arith.constant 0 : i32
    %dma_wait3A_44 = tpu.memref_slice %arg9[%dma_wait3A_42, %dma_wait3A_43] : memref<256x128xf32, #tpu.memory_space<vmem>> -> memref<64x128xf32, #tpu.memory_space<vmem>>
    %dma_wait3A_45 = arith.constant 0 : i32
    %dma_wait3A_46 = arith.constant 0 : i32
    %dma_wait3A_47 = tpu.memref_slice %arg3[%dma_wait3A_45, %dma_wait3A_46] : memref<10240x128xf32, #tpu.memory_space<hbm>> -> memref<64x128xf32, #tpu.memory_space<hbm>>
    %dma_wait3A_48 = arith.constant 192 : i32
    %dma_wait3A_49 = arith.constant 0 : i32
    %dma_wait3A_50 = tpu.memref_slice %arg9[%dma_wait3A_48, %dma_wait3A_49] : memref<256x128xf32, #tpu.memory_space<vmem>> -> memref<64x128xf32, #tpu.memory_space<vmem>>
    %dma_wait3A_51 = arith.constant 0 : i32
    %dma_wait3A_52 = arith.constant 0 : i32
    %dma_wait3A_53 = tpu.memref_slice %arg3[%dma_wait3A_51, %dma_wait3A_52] : memref<10240x128xf32, #tpu.memory_space<hbm>> -> memref<64x128xf32, #tpu.memory_space<hbm>>
    tpu.wait_dma2 semaphore(%arg15 : memref<!tpu.dma_semaphore, #tpu.memory_space<semaphore_mem>>) src(%dma_wait3A_53 : memref<64x128xf32, #tpu.memory_space<hbm>>) dst(%dma_wait3A_50 : memref<64x128xf32, #tpu.memory_space<vmem>>)
    %barrier3A_54 = arith.constant 0 : index
    tpu.barrier barrier_id(%barrier3A_54)
    %add3A_55 = arith.constant 0 : i32
    %add3A_56 = arith.addi %mul3A_2, %add3A_55 : i32
    "tpu.region"() ({
      %run_scoped3A_65 = tpu.sem_alloc : memref<!tpu.dma_semaphore, #tpu.memory_space<semaphore_mem>>
      %dma_start3A_66 = arith.constant 0 : i32
      %dma_start3A_67 = tpu.memref_slice %arg6[%arg0, %add3A_56, %dma_start3A_66] : memref<2x10240x128xf32, #tpu.memory_space<hbm>> -> memref<1x128x128xf32, #tpu.memory_space<hbm>>
      %dma_start3A_68 = tpu.memref_squeeze %dma_start3A_67 : memref<1x128x128xf32, #tpu.memory_space<hbm>> -> memref<128x128xf32, #tpu.memory_space<hbm>>
      %dma_start3A_69 = arith.constant 0 : i32
      %dma_start3A_70 = tpu.memref_slice %arg10[%add3A_56, %dma_start3A_69] : memref<10240x128xf32, #tpu.memory_space<vmem_shared>> -> memref<128x128xf32, #tpu.memory_space<vmem_shared>>
      tpu.enqueue_dma source(%dma_start3A_70 : memref<128x128xf32, #tpu.memory_space<vmem_shared>>) target(%dma_start3A_68 : memref<128x128xf32, #tpu.memory_space<hbm>>) target_semaphore(%run_scoped3A_65 : memref<!tpu.dma_semaphore, #tpu.memory_space<semaphore_mem>>)
      %dma_wait3A_71 = arith.constant 0 : i32
      %dma_wait3A_72 = tpu.memref_slice %arg6[%arg0, %add3A_56, %dma_wait3A_71] : memref<2x10240x128xf32, #tpu.memory_space<hbm>> -> memref<1x128x128xf32, #tpu.memory_space<hbm>>
      %dma_wait3A_73 = tpu.memref_squeeze %dma_wait3A_72 : memref<1x128x128xf32, #tpu.memory_space<hbm>> -> memref<128x128xf32, #tpu.memory_space<hbm>>
      %dma_wait3A_74 = arith.constant 0 : i32
      %dma_wait3A_75 = tpu.memref_slice %arg10[%add3A_56, %dma_wait3A_74] : memref<10240x128xf32, #tpu.memory_space<vmem_shared>> -> memref<128x128xf32, #tpu.memory_space<vmem_shared>>
      tpu.wait_dma2 semaphore(%run_scoped3A_65 : memref<!tpu.dma_semaphore, #tpu.memory_space<semaphore_mem>>) src(%dma_wait3A_75 : memref<128x128xf32, #tpu.memory_space<vmem_shared>>) dst(%dma_wait3A_73 : memref<128x128xf32, #tpu.memory_space<hbm>>)
      tpu.yield
    }) : () -> ()
    %add3A_57 = arith.constant 128 : i32
    %add3A_58 = arith.addi %mul3A_2, %add3A_57 : i32
    "tpu.region"() ({
      %run_scoped3A_65 = tpu.sem_alloc : memref<!tpu.dma_semaphore, #tpu.memory_space<semaphore_mem>>
      %dma_start3A_66 = arith.constant 0 : i32
      %dma_start3A_67 = tpu.memref_slice %arg6[%arg0, %add3A_58, %dma_start3A_66] : memref<2x10240x128xf32, #tpu.memory_space<hbm>> -> memref<1x128x128xf32, #tpu.memory_space<hbm>>
      %dma_start3A_68 = tpu.memref_squeeze %dma_start3A_67 : memref<1x128x128xf32, #tpu.memory_space<hbm>> -> memref<128x128xf32, #tpu.memory_space<hbm>>
      %dma_start3A_69 = arith.constant 0 : i32
      %dma_start3A_70 = tpu.memref_slice %arg10[%add3A_58, %dma_start3A_69] : memref<10240x128xf32, #tpu.memory_space<vmem_shared>> -> memref<128x128xf32, #tpu.memory_space<vmem_shared>>
      tpu.enqueue_dma source(%dma_start3A_70 : memref<128x128xf32, #tpu.memory_space<vmem_shared>>) target(%dma_start3A_68 : memref<128x128xf32, #tpu.memory_space<hbm>>) target_semaphore(%run_scoped3A_65 : memref<!tpu.dma_semaphore, #tpu.memory_space<semaphore_mem>>)
      %dma_wait3A_71 = arith.constant 0 : i32
      %dma_wait3A_72 = tpu.memref_slice %arg6[%arg0, %add3A_58, %dma_wait3A_71] : memref<2x10240x128xf32, #tpu.memory_space<hbm>> -> memref<1x128x128xf32, #tpu.memory_space<hbm>>
      %dma_wait3A_73 = tpu.memref_squeeze %dma_wait3A_72 : memref<1x128x128xf32, #tpu.memory_space<hbm>> -> memref<128x128xf32, #tpu.memory_space<hbm>>
      %dma_wait3A_74 = arith.constant 0 : i32
      %dma_wait3A_75 = tpu.memref_slice %arg10[%add3A_58, %dma_wait3A_74] : memref<10240x128xf32, #tpu.memory_space<vmem_shared>> -> memref<128x128xf32, #tpu.memory_space<vmem_shared>>
      tpu.wait_dma2 semaphore(%run_scoped3A_65 : memref<!tpu.dma_semaphore, #tpu.memory_space<semaphore_mem>>) src(%dma_wait3A_75 : memref<128x128xf32, #tpu.memory_space<vmem_shared>>) dst(%dma_wait3A_73 : memref<128x128xf32, #tpu.memory_space<hbm>>)
      tpu.yield
    }) : () -> ()
    %add3A_59 = arith.constant 256 : i32
    %add3A_60 = arith.addi %mul3A_2, %add3A_59 : i32
    "tpu.region"() ({
      %run_scoped3A_65 = tpu.sem_alloc : memref<!tpu.dma_semaphore, #tpu.memory_space<semaphore_mem>>
      %dma_start3A_66 = arith.constant 0 : i32
      %dma_start3A_67 = tpu.memref_slice %arg6[%arg0, %add3A_60, %dma_start3A_66] : memref<2x10240x128xf32, #tpu.memory_space<hbm>> -> memref<1x128x128xf32, #tpu.memory_space<hbm>>
      %dma_start3A_68 = tpu.memref_squeeze %dma_start3A_67 : memref<1x128x128xf32, #tpu.memory_space<hbm>> -> memref<128x128xf32, #tpu.memory_space<hbm>>
      %dma_start3A_69 = arith.constant 0 : i32
      %dma_start3A_70 = tpu.memref_slice %arg10[%add3A_60, %dma_start3A_69] : memref<10240x128xf32, #tpu.memory_space<vmem_shared>> -> memref<128x128xf32, #tpu.memory_space<vmem_shared>>
      tpu.enqueue_dma source(%dma_start3A_70 : memref<128x128xf32, #tpu.memory_space<vmem_shared>>) target(%dma_start3A_68 : memref<128x128xf32, #tpu.memory_space<hbm>>) target_semaphore(%run_scoped3A_65 : memref<!tpu.dma_semaphore, #tpu.memory_space<semaphore_mem>>)
      %dma_wait3A_71 = arith.constant 0 : i32
      %dma_wait3A_72 = tpu.memref_slice %arg6[%arg0, %add3A_60, %dma_wait3A_71] : memref<2x10240x128xf32, #tpu.memory_space<hbm>> -> memref<1x128x128xf32, #tpu.memory_space<hbm>>
      %dma_wait3A_73 = tpu.memref_squeeze %dma_wait3A_72 : memref<1x128x128xf32, #tpu.memory_space<hbm>> -> memref<128x128xf32, #tpu.memory_space<hbm>>
      %dma_wait3A_74 = arith.constant 0 : i32
      %dma_wait3A_75 = tpu.memref_slice %arg10[%add3A_60, %dma_wait3A_74] : memref<10240x128xf32, #tpu.memory_space<vmem_shared>> -> memref<128x128xf32, #tpu.memory_space<vmem_shared>>
      tpu.wait_dma2 semaphore(%run_scoped3A_65 : memref<!tpu.dma_semaphore, #tpu.memory_space<semaphore_mem>>) src(%dma_wait3A_75 : memref<128x128xf32, #tpu.memory_space<vmem_shared>>) dst(%dma_wait3A_73 : memref<128x128xf32, #tpu.memory_space<hbm>>)
      tpu.yield
    }) : () -> ()
    %add3A_61 = arith.constant 384 : i32
    %add3A_62 = arith.addi %mul3A_2, %add3A_61 : i32
    "tpu.region"() ({
      %run_scoped3A_65 = tpu.sem_alloc : memref<!tpu.dma_semaphore, #tpu.memory_space<semaphore_mem>>
      %dma_start3A_66 = arith.constant 0 : i32
      %dma_start3A_67 = tpu.memref_slice %arg6[%arg0, %add3A_62, %dma_start3A_66] : memref<2x10240x128xf32, #tpu.memory_space<hbm>> -> memref<1x128x128xf32, #tpu.memory_space<hbm>>
      %dma_start3A_68 = tpu.memref_squeeze %dma_start3A_67 : memref<1x128x128xf32, #tpu.memory_space<hbm>> -> memref<128x128xf32, #tpu.memory_space<hbm>>
      %dma_start3A_69 = arith.constant 0 : i32
      %dma_start3A_70 = tpu.memref_slice %arg10[%add3A_62, %dma_start3A_69] : memref<10240x128xf32, #tpu.memory_space<vmem_shared>> -> memref<128x128xf32, #tpu.memory_space<vmem_shared>>
      tpu.enqueue_dma source(%dma_start3A_70 : memref<128x128xf32, #tpu.memory_space<vmem_shared>>) target(%dma_start3A_68 : memref<128x128xf32, #tpu.memory_space<hbm>>) target_semaphore(%run_scoped3A_65 : memref<!tpu.dma_semaphore, #tpu.memory_space<semaphore_mem>>)
      %dma_wait3A_71 = arith.constant 0 : i32
      %dma_wait3A_72 = tpu.memref_slice %arg6[%arg0, %add3A_62, %dma_wait3A_71] : memref<2x10240x128xf32, #tpu.memory_space<hbm>> -> memref<1x128x128xf32, #tpu.memory_space<hbm>>
      %dma_wait3A_73 = tpu.memref_squeeze %dma_wait3A_72 : memref<1x128x128xf32, #tpu.memory_space<hbm>> -> memref<128x128xf32, #tpu.memory_space<hbm>>
      %dma_wait3A_74 = arith.constant 0 : i32
      %dma_wait3A_75 = tpu.memref_slice %arg10[%add3A_62, %dma_wait3A_74] : memref<10240x128xf32, #tpu.memory_space<vmem_shared>> -> memref<128x128xf32, #tpu.memory_space<vmem_shared>>
      tpu.wait_dma2 semaphore(%run_scoped3A_65 : memref<!tpu.dma_semaphore, #tpu.memory_space<semaphore_mem>>) src(%dma_wait3A_75 : memref<128x128xf32, #tpu.memory_space<vmem_shared>>) dst(%dma_wait3A_73 : memref<128x128xf32, #tpu.memory_space<hbm>>)
      tpu.yield
    }) : () -> ()
    %add3A_63 = arith.constant 512 : i32
    %add3A_64 = arith.addi %mul3A_2, %add3A_63 : i32
    "tpu.region"() ({
      %run_scoped3A_65 = tpu.sem_alloc : memref<!tpu.dma_semaphore, #tpu.memory_space<semaphore_mem>>
      %dma_start3A_66 = arith.constant 0 : i32
      %dma_start3A_67 = tpu.memref_slice %arg6[%arg0, %add3A_64, %dma_start3A_66] : memref<2x10240x128xf32, #tpu.memory_space<hbm>> -> memref<1x128x128xf32, #tpu.memory_space<hbm>>
      %dma_start3A_68 = tpu.memref_squeeze %dma_start3A_67 : memref<1x128x128xf32, #tpu.memory_space<hbm>> -> memref<128x128xf32, #tpu.memory_space<hbm>>
      %dma_start3A_69 = arith.constant 0 : i32
      %dma_start3A_70 = tpu.memref_slice %arg10[%add3A_64, %dma_start3A_69] : memref<10240x128xf32, #tpu.memory_space<vmem_shared>> -> memref<128x128xf32, #tpu.memory_space<vmem_shared>>
      tpu.enqueue_dma source(%dma_start3A_70 : memref<128x128xf32, #tpu.memory_space<vmem_shared>>) target(%dma_start3A_68 : memref<128x128xf32, #tpu.memory_space<hbm>>) target_semaphore(%run_scoped3A_65 : memref<!tpu.dma_semaphore, #tpu.memory_space<semaphore_mem>>)
      %dma_wait3A_71 = arith.constant 0 : i32
      %dma_wait3A_72 = tpu.memref_slice %arg6[%arg0, %add3A_64, %dma_wait3A_71] : memref<2x10240x128xf32, #tpu.memory_space<hbm>> -> memref<1x128x128xf32, #tpu.memory_space<hbm>>
      %dma_wait3A_73 = tpu.memref_squeeze %dma_wait3A_72 : memref<1x128x128xf32, #tpu.memory_space<hbm>> -> memref<128x128xf32, #tpu.memory_space<hbm>>
      %dma_wait3A_74 = arith.constant 0 : i32
      %dma_wait3A_75 = tpu.memref_slice %arg10[%add3A_64, %dma_wait3A_74] : memref<10240x128xf32, #tpu.memory_space<vmem_shared>> -> memref<128x128xf32, #tpu.memory_space<vmem_shared>>
      tpu.wait_dma2 semaphore(%run_scoped3A_65 : memref<!tpu.dma_semaphore, #tpu.memory_space<semaphore_mem>>) src(%dma_wait3A_75 : memref<128x128xf32, #tpu.memory_space<vmem_shared>>) dst(%dma_wait3A_73 : memref<128x128xf32, #tpu.memory_space<hbm>>)
      tpu.yield
    }) : () -> ()
    return
  }
}

#map = affine_map<(d0, d1) -> (0, 0)>
#map1 = affine_map<(d0, d1) -> (0, 0, 0)>
module attributes {stable_mosaic.version = 14 : i64} {
  func.func @run(%arg0: i32, %arg1: i32, %arg2: memref<10240x128xf32, #tpu.memory_space<hbm>>, %arg3: memref<32x160x64xi32, #tpu.memory_space<hbm>>, %arg4: memref<2x10240x128xf32, #tpu.memory_space<hbm>>, %arg5: memref<2x8x64xi32, #tpu.memory_space<vmem>>, %arg6: memref<64x128xf32, #tpu.memory_space<vmem>>, %arg7: memref<10240x128xf32, #tpu.memory_space<vmem_shared>>, %arg8: memref<!tpu.dma_semaphore, #tpu.memory_space<semaphore_mem>>) attributes {dimension_semantics = [#tpu.dimension_semantics<core_parallel>, #tpu.dimension_semantics<subcore_parallel>], iteration_bounds = array<i64: 2, 16>, scalar_prefetch = 0 : i64, scratch_operands = 4 : i64, tpu.core_type = #tpu.core_type<sc_vector_subcore>, window_params = [{transform_indices = #map}, {transform_indices = #map1}, {transform_indices = #map1}]} {
    %mul3A = arith.constant 16 : i32
    %mul3A_0 = arith.muli %arg0, %mul3A : i32
    %add3A = arith.addi %mul3A_0, %arg1 : i32
    %mul3A_1 = arith.constant 640 : i32
    %mul3A_2 = arith.muli %arg1, %mul3A_1 : i32
    %scan3A = arith.constant 0 : i32
    %scan3A_3 = arith.constant 0 : i32
    %scan3A_4 = arith.constant 64 : i32
    %scan3A_5 = arith.addi %scan3A_3, %scan3A_4 : i32
    %scan3A_6 = arith.constant 1 : i32
    scf.for %scan3A_72 = %scan3A_3 to %scan3A_5 step %scan3A_6  : i32 {
      %broadcast_in_dim3A = arith.constant 1.000000e+00 : f32
      %broadcast_in_dim3A_73 = vector.broadcast %broadcast_in_dim3A : f32 to vector<16xf32>
      %swap3A = arith.index_cast %scan3A_72 : i32 to index
      %swap3A_74 = arith.constant 0 : index
      %swap3A_75 = tpu.vector_load %arg6[%swap3A, %swap3A_74] {strides = array<i32>} : memref<64x128xf32, #tpu.memory_space<vmem>>, vector<1x16xf32>,
      %swap3A_76 = vector.shape_cast %swap3A_75 : vector<1x16xf32> to vector<16xf32>
      %swap3A_77 = vector.shape_cast %broadcast_in_dim3A_73 : vector<16xf32> to vector<1x16xf32>
      tpu.vector_store %arg6[%swap3A, %swap3A_74], %swap3A_77 {strides = array<i32>} : memref<64x128xf32, #tpu.memory_space<vmem>>, vector<1x16xf32>,
      %broadcast_in_dim3A_78 = arith.constant 1.000000e+00 : f32
      %broadcast_in_dim3A_79 = vector.broadcast %broadcast_in_dim3A_78 : f32 to vector<16xf32>
      %swap3A_80 = arith.index_cast %scan3A_72 : i32 to index
      %swap3A_81 = arith.constant 16 : index
      %swap3A_82 = tpu.vector_load %arg6[%swap3A_80, %swap3A_81] {strides = array<i32>} : memref<64x128xf32, #tpu.memory_space<vmem>>, vector<1x16xf32>,
      %swap3A_83 = vector.shape_cast %swap3A_82 : vector<1x16xf32> to vector<16xf32>
      %swap3A_84 = vector.shape_cast %broadcast_in_dim3A_79 : vector<16xf32> to vector<1x16xf32>
      tpu.vector_store %arg6[%swap3A_80, %swap3A_81], %swap3A_84 {strides = array<i32>} : memref<64x128xf32, #tpu.memory_space<vmem>>, vector<1x16xf32>,
      %broadcast_in_dim3A_85 = arith.constant 1.000000e+00 : f32
      %broadcast_in_dim3A_86 = vector.broadcast %broadcast_in_dim3A_85 : f32 to vector<16xf32>
      %swap3A_87 = arith.index_cast %scan3A_72 : i32 to index
      %swap3A_88 = arith.constant 32 : index
      %swap3A_89 = tpu.vector_load %arg6[%swap3A_87, %swap3A_88] {strides = array<i32>} : memref<64x128xf32, #tpu.memory_space<vmem>>, vector<1x16xf32>,
      %swap3A_90 = vector.shape_cast %swap3A_89 : vector<1x16xf32> to vector<16xf32>
      %swap3A_91 = vector.shape_cast %broadcast_in_dim3A_86 : vector<16xf32> to vector<1x16xf32>
      tpu.vector_store %arg6[%swap3A_87, %swap3A_88], %swap3A_91 {strides = array<i32>} : memref<64x128xf32, #tpu.memory_space<vmem>>, vector<1x16xf32>,
      %broadcast_in_dim3A_92 = arith.constant 1.000000e+00 : f32
      %broadcast_in_dim3A_93 = vector.broadcast %broadcast_in_dim3A_92 : f32 to vector<16xf32>
      %swap3A_94 = arith.index_cast %scan3A_72 : i32 to index
      %swap3A_95 = arith.constant 48 : index
      %swap3A_96 = tpu.vector_load %arg6[%swap3A_94, %swap3A_95] {strides = array<i32>} : memref<64x128xf32, #tpu.memory_space<vmem>>, vector<1x16xf32>,
      %swap3A_97 = vector.shape_cast %swap3A_96 : vector<1x16xf32> to vector<16xf32>
      %swap3A_98 = vector.shape_cast %broadcast_in_dim3A_93 : vector<16xf32> to vector<1x16xf32>
      tpu.vector_store %arg6[%swap3A_94, %swap3A_95], %swap3A_98 {strides = array<i32>} : memref<64x128xf32, #tpu.memory_space<vmem>>, vector<1x16xf32>,
      %broadcast_in_dim3A_99 = arith.constant 1.000000e+00 : f32
      %broadcast_in_dim3A_100 = vector.broadcast %broadcast_in_dim3A_99 : f32 to vector<16xf32>
      %swap3A_101 = arith.index_cast %scan3A_72 : i32 to index
      %swap3A_102 = arith.constant 64 : index
      %swap3A_103 = tpu.vector_load %arg6[%swap3A_101, %swap3A_102] {strides = array<i32>} : memref<64x128xf32, #tpu.memory_space<vmem>>, vector<1x16xf32>,
      %swap3A_104 = vector.shape_cast %swap3A_103 : vector<1x16xf32> to vector<16xf32>
      %swap3A_105 = vector.shape_cast %broadcast_in_dim3A_100 : vector<16xf32> to vector<1x16xf32>
      tpu.vector_store %arg6[%swap3A_101, %swap3A_102], %swap3A_105 {strides = array<i32>} : memref<64x128xf32, #tpu.memory_space<vmem>>, vector<1x16xf32>,
      %broadcast_in_dim3A_106 = arith.constant 1.000000e+00 : f32
      %broadcast_in_dim3A_107 = vector.broadcast %broadcast_in_dim3A_106 : f32 to vector<16xf32>
      %swap3A_108 = arith.index_cast %scan3A_72 : i32 to index
      %swap3A_109 = arith.constant 80 : index
      %swap3A_110 = tpu.vector_load %arg6[%swap3A_108, %swap3A_109] {strides = array<i32>} : memref<64x128xf32, #tpu.memory_space<vmem>>, vector<1x16xf32>,
      %swap3A_111 = vector.shape_cast %swap3A_110 : vector<1x16xf32> to vector<16xf32>
      %swap3A_112 = vector.shape_cast %broadcast_in_dim3A_107 : vector<16xf32> to vector<1x16xf32>
      tpu.vector_store %arg6[%swap3A_108, %swap3A_109], %swap3A_112 {strides = array<i32>} : memref<64x128xf32, #tpu.memory_space<vmem>>, vector<1x16xf32>,
      %broadcast_in_dim3A_113 = arith.constant 1.000000e+00 : f32
      %broadcast_in_dim3A_114 = vector.broadcast %broadcast_in_dim3A_113 : f32 to vector<16xf32>
      %swap3A_115 = arith.index_cast %scan3A_72 : i32 to index
      %swap3A_116 = arith.constant 96 : index
      %swap3A_117 = tpu.vector_load %arg6[%swap3A_115, %swap3A_116] {strides = array<i32>} : memref<64x128xf32, #tpu.memory_space<vmem>>, vector<1x16xf32>,
      %swap3A_118 = vector.shape_cast %swap3A_117 : vector<1x16xf32> to vector<16xf32>
      %swap3A_119 = vector.shape_cast %broadcast_in_dim3A_114 : vector<16xf32> to vector<1x16xf32>
      tpu.vector_store %arg6[%swap3A_115, %swap3A_116], %swap3A_119 {strides = array<i32>} : memref<64x128xf32, #tpu.memory_space<vmem>>, vector<1x16xf32>,
      %broadcast_in_dim3A_120 = arith.constant 1.000000e+00 : f32
      %broadcast_in_dim3A_121 = vector.broadcast %broadcast_in_dim3A_120 : f32 to vector<16xf32>
      %swap3A_122 = arith.index_cast %scan3A_72 : i32 to index
      %swap3A_123 = arith.constant 112 : index
      %swap3A_124 = tpu.vector_load %arg6[%swap3A_122, %swap3A_123] {strides = array<i32>} : memref<64x128xf32, #tpu.memory_space<vmem>>, vector<1x16xf32>,
      %swap3A_125 = vector.shape_cast %swap3A_124 : vector<1x16xf32> to vector<16xf32>
      %swap3A_126 = vector.shape_cast %broadcast_in_dim3A_121 : vector<16xf32> to vector<1x16xf32>
      tpu.vector_store %arg6[%swap3A_122, %swap3A_123], %swap3A_126 {strides = array<i32>} : memref<64x128xf32, #tpu.memory_space<vmem>>, vector<1x16xf32>,
    }
    %scan3A_7 = arith.constant 64 : i32
    "tpu.region"() ({
      %run_scoped3A_72 = tpu.sem_alloc : memref<!tpu.dma_semaphore, #tpu.memory_space<semaphore_mem>>
      %dma_start3A = arith.constant 0 : i32
      %dma_start3A_73 = tpu.memref_slice %arg7[%mul3A_2, %dma_start3A] : memref<10240x128xf32, #tpu.memory_space<vmem_shared>> -> memref<640x128xf32, #tpu.memory_space<vmem_shared>>
      %dma_start3A_74 = arith.constant 0 : i32
      %dma_start3A_75 = tpu.memref_slice %arg2[%mul3A_2, %dma_start3A_74] : memref<10240x128xf32, #tpu.memory_space<hbm>> -> memref<640x128xf32, #tpu.memory_space<hbm>>
      tpu.enqueue_dma source(%dma_start3A_75 : memref<640x128xf32, #tpu.memory_space<hbm>>) target(%dma_start3A_73 : memref<640x128xf32, #tpu.memory_space<vmem_shared>>) target_semaphore(%run_scoped3A_72 : memref<!tpu.dma_semaphore, #tpu.memory_space<semaphore_mem>>)
      %dma_wait3A_76 = arith.constant 0 : i32
      %dma_wait3A_77 = tpu.memref_slice %arg7[%mul3A_2, %dma_wait3A_76] : memref<10240x128xf32, #tpu.memory_space<vmem_shared>> -> memref<640x128xf32, #tpu.memory_space<vmem_shared>>
      %dma_wait3A_78 = arith.constant 0 : i32
      %dma_wait3A_79 = tpu.memref_slice %arg2[%mul3A_2, %dma_wait3A_78] : memref<10240x128xf32, #tpu.memory_space<hbm>> -> memref<640x128xf32, #tpu.memory_space<hbm>>
      tpu.wait_dma2 semaphore(%run_scoped3A_72 : memref<!tpu.dma_semaphore, #tpu.memory_space<semaphore_mem>>) src(%dma_wait3A_79 : memref<640x128xf32, #tpu.memory_space<hbm>>) dst(%dma_wait3A_77 : memref<640x128xf32, #tpu.memory_space<vmem_shared>>)
      tpu.yield
    }) : () -> ()
    %barrier3A = arith.constant 0 : index
    tpu.barrier barrier_id(%barrier3A)
    %run_scoped3A = arith.constant 0 : i32
    "tpu.region"() ({
      %run_scoped3A_72 = tpu.sem_alloc : memref<!tpu.dma_semaphore, #tpu.memory_space<semaphore_mem>>
      %dma_start3A = arith.constant 0 : i32
      %dma_start3A_73 = arith.constant 0 : i32
      %dma_start3A_74 = tpu.memref_slice %arg5[%run_scoped3A, %dma_start3A, %dma_start3A_73] : memref<2x8x64xi32, #tpu.memory_space<vmem>> -> memref<1x8x64xi32, #tpu.memory_space<vmem>>
      %dma_start3A_75 = tpu.memref_squeeze %dma_start3A_74 : memref<1x8x64xi32, #tpu.memory_space<vmem>> -> memref<8x64xi32, #tpu.memory_space<vmem>>
      %dma_start3A_76 = arith.constant 0 : i32
      %dma_start3A_77 = arith.constant 0 : i32
      %dma_start3A_78 = tpu.memref_slice %arg3[%add3A, %dma_start3A_76, %dma_start3A_77] : memref<32x160x64xi32, #tpu.memory_space<hbm>> -> memref<1x8x64xi32, #tpu.memory_space<hbm>>
      %dma_start3A_79 = tpu.memref_squeeze %dma_start3A_78 : memref<1x8x64xi32, #tpu.memory_space<hbm>> -> memref<8x64xi32, #tpu.memory_space<hbm>>
      %dma_start3A_80 = arith.constant 0 : i32
      %dma_start3A_81 = arith.constant 0 : i32
      %dma_start3A_82 = tpu.memref_slice %arg5[%run_scoped3A, %dma_start3A_80, %dma_start3A_81] : memref<2x8x64xi32, #tpu.memory_space<vmem>> -> memref<1x8x64xi32, #tpu.memory_space<vmem>>
      %dma_start3A_83 = tpu.memref_squeeze %dma_start3A_82 : memref<1x8x64xi32, #tpu.memory_space<vmem>> -> memref<8x64xi32, #tpu.memory_space<vmem>>
      %dma_start3A_84 = arith.constant 0 : i32
      %dma_start3A_85 = arith.constant 0 : i32
      %dma_start3A_86 = tpu.memref_slice %arg3[%add3A, %dma_start3A_84, %dma_start3A_85] : memref<32x160x64xi32, #tpu.memory_space<hbm>> -> memref<1x8x64xi32, #tpu.memory_space<hbm>>
      %dma_start3A_87 = tpu.memref_squeeze %dma_start3A_86 : memref<1x8x64xi32, #tpu.memory_space<hbm>> -> memref<8x64xi32, #tpu.memory_space<hbm>>
      tpu.enqueue_dma source(%dma_start3A_87 : memref<8x64xi32, #tpu.memory_space<hbm>>) target(%dma_start3A_83 : memref<8x64xi32, #tpu.memory_space<vmem>>) target_semaphore(%run_scoped3A_72 : memref<!tpu.dma_semaphore, #tpu.memory_space<semaphore_mem>>)
      %dma_wait3A_88 = arith.constant 0 : i32
      %dma_wait3A_89 = arith.constant 0 : i32
      %dma_wait3A_90 = tpu.memref_slice %arg5[%run_scoped3A, %dma_wait3A_88, %dma_wait3A_89] : memref<2x8x64xi32, #tpu.memory_space<vmem>> -> memref<1x8x64xi32, #tpu.memory_space<vmem>>
      %dma_wait3A_91 = tpu.memref_squeeze %dma_wait3A_90 : memref<1x8x64xi32, #tpu.memory_space<vmem>> -> memref<8x64xi32, #tpu.memory_space<vmem>>
      %dma_wait3A_92 = arith.constant 0 : i32
      %dma_wait3A_93 = arith.constant 0 : i32
      %dma_wait3A_94 = tpu.memref_slice %arg3[%add3A, %dma_wait3A_92, %dma_wait3A_93] : memref<32x160x64xi32, #tpu.memory_space<hbm>> -> memref<1x8x64xi32, #tpu.memory_space<hbm>>
      %dma_wait3A_95 = tpu.memref_squeeze %dma_wait3A_94 : memref<1x8x64xi32, #tpu.memory_space<hbm>> -> memref<8x64xi32, #tpu.memory_space<hbm>>
      %dma_wait3A_96 = arith.constant 0 : i32
      %dma_wait3A_97 = arith.constant 0 : i32
      %dma_wait3A_98 = tpu.memref_slice %arg5[%run_scoped3A, %dma_wait3A_96, %dma_wait3A_97] : memref<2x8x64xi32, #tpu.memory_space<vmem>> -> memref<1x8x64xi32, #tpu.memory_space<vmem>>
      %dma_wait3A_99 = tpu.memref_squeeze %dma_wait3A_98 : memref<1x8x64xi32, #tpu.memory_space<vmem>> -> memref<8x64xi32, #tpu.memory_space<vmem>>
      %dma_wait3A_100 = arith.constant 0 : i32
      %dma_wait3A_101 = arith.constant 0 : i32
      %dma_wait3A_102 = tpu.memref_slice %arg3[%add3A, %dma_wait3A_100, %dma_wait3A_101] : memref<32x160x64xi32, #tpu.memory_space<hbm>> -> memref<1x8x64xi32, #tpu.memory_space<hbm>>
      %dma_wait3A_103 = tpu.memref_squeeze %dma_wait3A_102 : memref<1x8x64xi32, #tpu.memory_space<hbm>> -> memref<8x64xi32, #tpu.memory_space<hbm>>
      tpu.wait_dma2 semaphore(%run_scoped3A_72 : memref<!tpu.dma_semaphore, #tpu.memory_space<semaphore_mem>>) src(%dma_wait3A_103 : memref<8x64xi32, #tpu.memory_space<hbm>>) dst(%dma_wait3A_99 : memref<8x64xi32, #tpu.memory_space<vmem>>)
      tpu.yield
    }) : () -> ()
    %scan3A_8 = arith.constant 0 : i32
    %scan3A_9 = arith.constant 0 : i32
    %scan3A_10 = arith.constant 20 : i32
    %scan3A_11 = arith.addi %scan3A_9, %scan3A_10 : i32
    %scan3A_12 = arith.constant 1 : i32
    scf.for %scan3A_72 = %scan3A_9 to %scan3A_11 step %scan3A_12  : i32 {
      %rem3A = arith.constant 2 : i32
      %rem3A_73 = arith.remsi %scan3A_72, %rem3A : i32
      %add3A_74 = arith.constant 1 : i32
      %add3A_75 = arith.addi %scan3A_72, %add3A_74 : i32
      %rem3A_76 = arith.constant 2 : i32
      %rem3A_77 = arith.remsi %add3A_75, %rem3A_76 : i32
      %ge3A = arith.constant 1 : i32
      %ge3A_78 = arith.cmpi sge, %scan3A_72, %ge3A : i32
      %convert_element_type3A = arith.extui %ge3A_78 : i1 to i32
      %cond3A = arith.constant 0 : i32
      %cond3A_79 = arith.cmpi ne, %convert_element_type3A, %cond3A : i32
      scf.if %cond3A_79 {
        %dma_wait3A_141 = arith.constant 0 : i32
        %dma_wait3A_142 = arith.constant 0 : i32
        %dma_wait3A_143 = tpu.memref_slice %arg2[%dma_wait3A_141, %dma_wait3A_142] : memref<10240x128xf32, #tpu.memory_space<hbm>> -> memref<64x128xf32, #tpu.memory_space<hbm>>
        %dma_wait3A_144 = arith.constant 0 : i32
        %dma_wait3A_145 = arith.constant 0 : i32
        %dma_wait3A_146 = tpu.memref_slice %arg2[%dma_wait3A_144, %dma_wait3A_145] : memref<10240x128xf32, #tpu.memory_space<hbm>> -> memref<64x128xf32, #tpu.memory_space<hbm>>
        tpu.wait_dma2 semaphore(%arg8 : memref<!tpu.dma_semaphore, #tpu.memory_space<semaphore_mem>>) src(%dma_wait3A_146 : memref<64x128xf32, #tpu.memory_space<hbm>>) dst(%arg6 : memref<64x128xf32, #tpu.memory_space<vmem>>)
        %dma_wait3A_147 = arith.constant 0 : i32
        %dma_wait3A_148 = arith.constant 0 : i32
        %dma_wait3A_149 = tpu.memref_slice %arg2[%dma_wait3A_147, %dma_wait3A_148] : memref<10240x128xf32, #tpu.memory_space<hbm>> -> memref<64x128xf32, #tpu.memory_space<hbm>>
        %dma_wait3A_150 = arith.constant 0 : i32
        %dma_wait3A_151 = arith.constant 0 : i32
        %dma_wait3A_152 = tpu.memref_slice %arg2[%dma_wait3A_150, %dma_wait3A_151] : memref<10240x128xf32, #tpu.memory_space<hbm>> -> memref<64x128xf32, #tpu.memory_space<hbm>>
        tpu.wait_dma2 semaphore(%arg8 : memref<!tpu.dma_semaphore, #tpu.memory_space<semaphore_mem>>) src(%dma_wait3A_152 : memref<64x128xf32, #tpu.memory_space<hbm>>) dst(%arg6 : memref<64x128xf32, #tpu.memory_space<vmem>>)
        %dma_wait3A_153 = arith.constant 0 : i32
        %dma_wait3A_154 = arith.constant 0 : i32
        %dma_wait3A_155 = tpu.memref_slice %arg2[%dma_wait3A_153, %dma_wait3A_154] : memref<10240x128xf32, #tpu.memory_space<hbm>> -> memref<64x128xf32, #tpu.memory_space<hbm>>
        %dma_wait3A_156 = arith.constant 0 : i32
        %dma_wait3A_157 = arith.constant 0 : i32
        %dma_wait3A_158 = tpu.memref_slice %arg2[%dma_wait3A_156, %dma_wait3A_157] : memref<10240x128xf32, #tpu.memory_space<hbm>> -> memref<64x128xf32, #tpu.memory_space<hbm>>
        tpu.wait_dma2 semaphore(%arg8 : memref<!tpu.dma_semaphore, #tpu.memory_space<semaphore_mem>>) src(%dma_wait3A_158 : memref<64x128xf32, #tpu.memory_space<hbm>>) dst(%arg6 : memref<64x128xf32, #tpu.memory_space<vmem>>)
        %dma_wait3A_159 = arith.constant 0 : i32
        %dma_wait3A_160 = arith.constant 0 : i32
        %dma_wait3A_161 = tpu.memref_slice %arg2[%dma_wait3A_159, %dma_wait3A_160] : memref<10240x128xf32, #tpu.memory_space<hbm>> -> memref<64x128xf32, #tpu.memory_space<hbm>>
        %dma_wait3A_162 = arith.constant 0 : i32
        %dma_wait3A_163 = arith.constant 0 : i32
        %dma_wait3A_164 = tpu.memref_slice %arg2[%dma_wait3A_162, %dma_wait3A_163] : memref<10240x128xf32, #tpu.memory_space<hbm>> -> memref<64x128xf32, #tpu.memory_space<hbm>>
        tpu.wait_dma2 semaphore(%arg8 : memref<!tpu.dma_semaphore, #tpu.memory_space<semaphore_mem>>) src(%dma_wait3A_164 : memref<64x128xf32, #tpu.memory_space<hbm>>) dst(%arg6 : memref<64x128xf32, #tpu.memory_space<vmem>>)
        %dma_wait3A_165 = arith.constant 0 : i32
        %dma_wait3A_166 = arith.constant 0 : i32
        %dma_wait3A_167 = tpu.memref_slice %arg2[%dma_wait3A_165, %dma_wait3A_166] : memref<10240x128xf32, #tpu.memory_space<hbm>> -> memref<64x128xf32, #tpu.memory_space<hbm>>
        %dma_wait3A_168 = arith.constant 0 : i32
        %dma_wait3A_169 = arith.constant 0 : i32
        %dma_wait3A_170 = tpu.memref_slice %arg2[%dma_wait3A_168, %dma_wait3A_169] : memref<10240x128xf32, #tpu.memory_space<hbm>> -> memref<64x128xf32, #tpu.memory_space<hbm>>
        tpu.wait_dma2 semaphore(%arg8 : memref<!tpu.dma_semaphore, #tpu.memory_space<semaphore_mem>>) src(%dma_wait3A_170 : memref<64x128xf32, #tpu.memory_space<hbm>>) dst(%arg6 : memref<64x128xf32, #tpu.memory_space<vmem>>)
        %dma_wait3A_171 = arith.constant 0 : i32
        %dma_wait3A_172 = arith.constant 0 : i32
        %dma_wait3A_173 = tpu.memref_slice %arg2[%dma_wait3A_171, %dma_wait3A_172] : memref<10240x128xf32, #tpu.memory_space<hbm>> -> memref<64x128xf32, #tpu.memory_space<hbm>>
        %dma_wait3A_174 = arith.constant 0 : i32
        %dma_wait3A_175 = arith.constant 0 : i32
        %dma_wait3A_176 = tpu.memref_slice %arg2[%dma_wait3A_174, %dma_wait3A_175] : memref<10240x128xf32, #tpu.memory_space<hbm>> -> memref<64x128xf32, #tpu.memory_space<hbm>>
        tpu.wait_dma2 semaphore(%arg8 : memref<!tpu.dma_semaphore, #tpu.memory_space<semaphore_mem>>) src(%dma_wait3A_176 : memref<64x128xf32, #tpu.memory_space<hbm>>) dst(%arg6 : memref<64x128xf32, #tpu.memory_space<vmem>>)
        %dma_wait3A_177 = arith.constant 0 : i32
        %dma_wait3A_178 = arith.constant 0 : i32
        %dma_wait3A_179 = tpu.memref_slice %arg2[%dma_wait3A_177, %dma_wait3A_178] : memref<10240x128xf32, #tpu.memory_space<hbm>> -> memref<64x128xf32, #tpu.memory_space<hbm>>
        %dma_wait3A_180 = arith.constant 0 : i32
        %dma_wait3A_181 = arith.constant 0 : i32
        %dma_wait3A_182 = tpu.memref_slice %arg2[%dma_wait3A_180, %dma_wait3A_181] : memref<10240x128xf32, #tpu.memory_space<hbm>> -> memref<64x128xf32, #tpu.memory_space<hbm>>
        tpu.wait_dma2 semaphore(%arg8 : memref<!tpu.dma_semaphore, #tpu.memory_space<semaphore_mem>>) src(%dma_wait3A_182 : memref<64x128xf32, #tpu.memory_space<hbm>>) dst(%arg6 : memref<64x128xf32, #tpu.memory_space<vmem>>)
        %dma_wait3A_183 = arith.constant 0 : i32
        %dma_wait3A_184 = arith.constant 0 : i32
        %dma_wait3A_185 = tpu.memref_slice %arg2[%dma_wait3A_183, %dma_wait3A_184] : memref<10240x128xf32, #tpu.memory_space<hbm>> -> memref<64x128xf32, #tpu.memory_space<hbm>>
        %dma_wait3A_186 = arith.constant 0 : i32
        %dma_wait3A_187 = arith.constant 0 : i32
        %dma_wait3A_188 = tpu.memref_slice %arg2[%dma_wait3A_186, %dma_wait3A_187] : memref<10240x128xf32, #tpu.memory_space<hbm>> -> memref<64x128xf32, #tpu.memory_space<hbm>>
        tpu.wait_dma2 semaphore(%arg8 : memref<!tpu.dma_semaphore, #tpu.memory_space<semaphore_mem>>) src(%dma_wait3A_188 : memref<64x128xf32, #tpu.memory_space<hbm>>) dst(%arg6 : memref<64x128xf32, #tpu.memory_space<vmem>>)
      } else {
      }
      %add3A_80 = arith.constant 1 : i32
      %add3A_81 = arith.addi %scan3A_72, %add3A_80 : i32
      %lt3A = arith.constant 20 : i32
      %lt3A_82 = arith.cmpi slt, %add3A_81, %lt3A : i32
      %convert_element_type3A_83 = arith.extui %lt3A_82 : i1 to i32
      %cond3A_84 = arith.constant 0 : i32
      %cond3A_85 = arith.cmpi ne, %convert_element_type3A_83, %cond3A_84 : i32
      scf.if %cond3A_85 {
        %add3A_141 = arith.constant 1 : i32
        %add3A_142 = arith.addi %scan3A_72, %add3A_141 : i32
        %mul3A_143 = arith.constant 8 : i32
        %mul3A_144 = arith.muli %add3A_142, %mul3A_143 : i32
        "tpu.region"() ({
          %run_scoped3A_145 = tpu.sem_alloc : memref<!tpu.dma_semaphore, #tpu.memory_space<semaphore_mem>>
          %dma_start3A_146 = arith.constant 0 : i32
          %dma_start3A_147 = arith.constant 0 : i32
          %dma_start3A_148 = tpu.memref_slice %arg5[%rem3A_77, %dma_start3A_146, %dma_start3A_147] : memref<2x8x64xi32, #tpu.memory_space<vmem>> -> memref<1x8x64xi32, #tpu.memory_space<vmem>>
          %dma_start3A_149 = tpu.memref_squeeze %dma_start3A_148 : memref<1x8x64xi32, #tpu.memory_space<vmem>> -> memref<8x64xi32, #tpu.memory_space<vmem>>
          %dma_start3A_150 = arith.constant 0 : i32
          %dma_start3A_151 = tpu.memref_slice %arg3[%add3A, %mul3A_144, %dma_start3A_150] : memref<32x160x64xi32, #tpu.memory_space<hbm>> -> memref<1x8x64xi32, #tpu.memory_space<hbm>>
          %dma_start3A_152 = tpu.memref_squeeze %dma_start3A_151 : memref<1x8x64xi32, #tpu.memory_space<hbm>> -> memref<8x64xi32, #tpu.memory_space<hbm>>
          %dma_start3A_153 = arith.constant 0 : i32
          %dma_start3A_154 = arith.constant 0 : i32
          %dma_start3A_155 = tpu.memref_slice %arg5[%rem3A_77, %dma_start3A_153, %dma_start3A_154] : memref<2x8x64xi32, #tpu.memory_space<vmem>> -> memref<1x8x64xi32, #tpu.memory_space<vmem>>
          %dma_start3A_156 = tpu.memref_squeeze %dma_start3A_155 : memref<1x8x64xi32, #tpu.memory_space<vmem>> -> memref<8x64xi32, #tpu.memory_space<vmem>>
          %dma_start3A_157 = arith.constant 0 : i32
          %dma_start3A_158 = tpu.memref_slice %arg3[%add3A, %mul3A_144, %dma_start3A_157] : memref<32x160x64xi32, #tpu.memory_space<hbm>> -> memref<1x8x64xi32, #tpu.memory_space<hbm>>
          %dma_start3A_159 = tpu.memref_squeeze %dma_start3A_158 : memref<1x8x64xi32, #tpu.memory_space<hbm>> -> memref<8x64xi32, #tpu.memory_space<hbm>>
          tpu.enqueue_dma source(%dma_start3A_159 : memref<8x64xi32, #tpu.memory_space<hbm>>) target(%dma_start3A_156 : memref<8x64xi32, #tpu.memory_space<vmem>>) target_semaphore(%run_scoped3A_145 : memref<!tpu.dma_semaphore, #tpu.memory_space<semaphore_mem>>)
          %dma_wait3A_160 = arith.constant 0 : i32
          %dma_wait3A_161 = arith.constant 0 : i32
          %dma_wait3A_162 = tpu.memref_slice %arg5[%rem3A_77, %dma_wait3A_160, %dma_wait3A_161] : memref<2x8x64xi32, #tpu.memory_space<vmem>> -> memref<1x8x64xi32, #tpu.memory_space<vmem>>
          %dma_wait3A_163 = tpu.memref_squeeze %dma_wait3A_162 : memref<1x8x64xi32, #tpu.memory_space<vmem>> -> memref<8x64xi32, #tpu.memory_space<vmem>>
          %dma_wait3A_164 = arith.constant 0 : i32
          %dma_wait3A_165 = tpu.memref_slice %arg3[%add3A, %mul3A_144, %dma_wait3A_164] : memref<32x160x64xi32, #tpu.memory_space<hbm>> -> memref<1x8x64xi32, #tpu.memory_space<hbm>>
          %dma_wait3A_166 = tpu.memref_squeeze %dma_wait3A_165 : memref<1x8x64xi32, #tpu.memory_space<hbm>> -> memref<8x64xi32, #tpu.memory_space<hbm>>
          %dma_wait3A_167 = arith.constant 0 : i32
          %dma_wait3A_168 = arith.constant 0 : i32
          %dma_wait3A_169 = tpu.memref_slice %arg5[%rem3A_77, %dma_wait3A_167, %dma_wait3A_168] : memref<2x8x64xi32, #tpu.memory_space<vmem>> -> memref<1x8x64xi32, #tpu.memory_space<vmem>>
          %dma_wait3A_170 = tpu.memref_squeeze %dma_wait3A_169 : memref<1x8x64xi32, #tpu.memory_space<vmem>> -> memref<8x64xi32, #tpu.memory_space<vmem>>
          %dma_wait3A_171 = arith.constant 0 : i32
          %dma_wait3A_172 = tpu.memref_slice %arg3[%add3A, %mul3A_144, %dma_wait3A_171] : memref<32x160x64xi32, #tpu.memory_space<hbm>> -> memref<1x8x64xi32, #tpu.memory_space<hbm>>
          %dma_wait3A_173 = tpu.memref_squeeze %dma_wait3A_172 : memref<1x8x64xi32, #tpu.memory_space<hbm>> -> memref<8x64xi32, #tpu.memory_space<hbm>>
          tpu.wait_dma2 semaphore(%run_scoped3A_145 : memref<!tpu.dma_semaphore, #tpu.memory_space<semaphore_mem>>) src(%dma_wait3A_173 : memref<8x64xi32, #tpu.memory_space<hbm>>) dst(%dma_wait3A_170 : memref<8x64xi32, #tpu.memory_space<vmem>>)
          tpu.yield
        }) : () -> ()
      } else {
      }
      %dma_start3A = arith.constant 0 : i32
      %dma_start3A_86 = arith.constant 0 : i32
      %dma_start3A_87 = tpu.memref_slice %arg5[%rem3A_73, %dma_start3A, %dma_start3A_86] : memref<2x8x64xi32, #tpu.memory_space<vmem>> -> memref<1x1x64xi32, #tpu.memory_space<vmem>>
      %dma_start3A_88 = tpu.memref_squeeze %dma_start3A_87 : memref<1x1x64xi32, #tpu.memory_space<vmem>> -> memref<64xi32, #tpu.memory_space<vmem>>
      %dma_start3A_89 = arith.constant 0 : i32
      %dma_start3A_90 = arith.constant 0 : i32
      %dma_start3A_91 = tpu.memref_slice %arg7[%dma_start3A_89, %dma_start3A_90] : memref<10240x128xf32, #tpu.memory_space<vmem_shared>> -> memref<10240x128xf32, #tpu.memory_space<vmem_shared>>
      tpu.enqueue_indirect_dma source(%arg6 : memref<64x128xf32, #tpu.memory_space<vmem>>) target(%dma_start3A_91 : memref<10240x128xf32, #tpu.memory_space<vmem_shared>>) offsets(%dma_start3A_88 : memref<64xi32, #tpu.memory_space<vmem>>) semaphore(%arg8 : memref<!tpu.dma_semaphore, #tpu.memory_space<semaphore_mem>>) {add = true}
      %dma_start3A_92 = arith.constant 1 : i32
      %dma_start3A_93 = arith.constant 0 : i32
      %dma_start3A_94 = tpu.memref_slice %arg5[%rem3A_73, %dma_start3A_92, %dma_start3A_93] : memref<2x8x64xi32, #tpu.memory_space<vmem>> -> memref<1x1x64xi32, #tpu.memory_space<vmem>>
      %dma_start3A_95 = tpu.memref_squeeze %dma_start3A_94 : memref<1x1x64xi32, #tpu.memory_space<vmem>> -> memref<64xi32, #tpu.memory_space<vmem>>
      %dma_start3A_96 = arith.constant 0 : i32
      %dma_start3A_97 = arith.constant 0 : i32
      %dma_start3A_98 = tpu.memref_slice %arg7[%dma_start3A_96, %dma_start3A_97] : memref<10240x128xf32, #tpu.memory_space<vmem_shared>> -> memref<10240x128xf32, #tpu.memory_space<vmem_shared>>
      tpu.enqueue_indirect_dma source(%arg6 : memref<64x128xf32, #tpu.memory_space<vmem>>) target(%dma_start3A_98 : memref<10240x128xf32, #tpu.memory_space<vmem_shared>>) offsets(%dma_start3A_95 : memref<64xi32, #tpu.memory_space<vmem>>) semaphore(%arg8 : memref<!tpu.dma_semaphore, #tpu.memory_space<semaphore_mem>>) {add = true}
      %dma_start3A_99 = arith.constant 2 : i32
      %dma_start3A_100 = arith.constant 0 : i32
      %dma_start3A_101 = tpu.memref_slice %arg5[%rem3A_73, %dma_start3A_99, %dma_start3A_100] : memref<2x8x64xi32, #tpu.memory_space<vmem>> -> memref<1x1x64xi32, #tpu.memory_space<vmem>>
      %dma_start3A_102 = tpu.memref_squeeze %dma_start3A_101 : memref<1x1x64xi32, #tpu.memory_space<vmem>> -> memref<64xi32, #tpu.memory_space<vmem>>
      %dma_start3A_103 = arith.constant 0 : i32
      %dma_start3A_104 = arith.constant 0 : i32
      %dma_start3A_105 = tpu.memref_slice %arg7[%dma_start3A_103, %dma_start3A_104] : memref<10240x128xf32, #tpu.memory_space<vmem_shared>> -> memref<10240x128xf32, #tpu.memory_space<vmem_shared>>
      tpu.enqueue_indirect_dma source(%arg6 : memref<64x128xf32, #tpu.memory_space<vmem>>) target(%dma_start3A_105 : memref<10240x128xf32, #tpu.memory_space<vmem_shared>>) offsets(%dma_start3A_102 : memref<64xi32, #tpu.memory_space<vmem>>) semaphore(%arg8 : memref<!tpu.dma_semaphore, #tpu.memory_space<semaphore_mem>>) {add = true}
      %dma_start3A_106 = arith.constant 3 : i32
      %dma_start3A_107 = arith.constant 0 : i32
      %dma_start3A_108 = tpu.memref_slice %arg5[%rem3A_73, %dma_start3A_106, %dma_start3A_107] : memref<2x8x64xi32, #tpu.memory_space<vmem>> -> memref<1x1x64xi32, #tpu.memory_space<vmem>>
      %dma_start3A_109 = tpu.memref_squeeze %dma_start3A_108 : memref<1x1x64xi32, #tpu.memory_space<vmem>> -> memref<64xi32, #tpu.memory_space<vmem>>
      %dma_start3A_110 = arith.constant 0 : i32
      %dma_start3A_111 = arith.constant 0 : i32
      %dma_start3A_112 = tpu.memref_slice %arg7[%dma_start3A_110, %dma_start3A_111] : memref<10240x128xf32, #tpu.memory_space<vmem_shared>> -> memref<10240x128xf32, #tpu.memory_space<vmem_shared>>
      tpu.enqueue_indirect_dma source(%arg6 : memref<64x128xf32, #tpu.memory_space<vmem>>) target(%dma_start3A_112 : memref<10240x128xf32, #tpu.memory_space<vmem_shared>>) offsets(%dma_start3A_109 : memref<64xi32, #tpu.memory_space<vmem>>) semaphore(%arg8 : memref<!tpu.dma_semaphore, #tpu.memory_space<semaphore_mem>>) {add = true}
      %dma_start3A_113 = arith.constant 4 : i32
      %dma_start3A_114 = arith.constant 0 : i32
      %dma_start3A_115 = tpu.memref_slice %arg5[%rem3A_73, %dma_start3A_113, %dma_start3A_114] : memref<2x8x64xi32, #tpu.memory_space<vmem>> -> memref<1x1x64xi32, #tpu.memory_space<vmem>>
      %dma_start3A_116 = tpu.memref_squeeze %dma_start3A_115 : memref<1x1x64xi32, #tpu.memory_space<vmem>> -> memref<64xi32, #tpu.memory_space<vmem>>
      %dma_start3A_117 = arith.constant 0 : i32
      %dma_start3A_118 = arith.constant 0 : i32
      %dma_start3A_119 = tpu.memref_slice %arg7[%dma_start3A_117, %dma_start3A_118] : memref<10240x128xf32, #tpu.memory_space<vmem_shared>> -> memref<10240x128xf32, #tpu.memory_space<vmem_shared>>
      tpu.enqueue_indirect_dma source(%arg6 : memref<64x128xf32, #tpu.memory_space<vmem>>) target(%dma_start3A_119 : memref<10240x128xf32, #tpu.memory_space<vmem_shared>>) offsets(%dma_start3A_116 : memref<64xi32, #tpu.memory_space<vmem>>) semaphore(%arg8 : memref<!tpu.dma_semaphore, #tpu.memory_space<semaphore_mem>>) {add = true}
      %dma_start3A_120 = arith.constant 5 : i32
      %dma_start3A_121 = arith.constant 0 : i32
      %dma_start3A_122 = tpu.memref_slice %arg5[%rem3A_73, %dma_start3A_120, %dma_start3A_121] : memref<2x8x64xi32, #tpu.memory_space<vmem>> -> memref<1x1x64xi32, #tpu.memory_space<vmem>>
      %dma_start3A_123 = tpu.memref_squeeze %dma_start3A_122 : memref<1x1x64xi32, #tpu.memory_space<vmem>> -> memref<64xi32, #tpu.memory_space<vmem>>
      %dma_start3A_124 = arith.constant 0 : i32
      %dma_start3A_125 = arith.constant 0 : i32
      %dma_start3A_126 = tpu.memref_slice %arg7[%dma_start3A_124, %dma_start3A_125] : memref<10240x128xf32, #tpu.memory_space<vmem_shared>> -> memref<10240x128xf32, #tpu.memory_space<vmem_shared>>
      tpu.enqueue_indirect_dma source(%arg6 : memref<64x128xf32, #tpu.memory_space<vmem>>) target(%dma_start3A_126 : memref<10240x128xf32, #tpu.memory_space<vmem_shared>>) offsets(%dma_start3A_123 : memref<64xi32, #tpu.memory_space<vmem>>) semaphore(%arg8 : memref<!tpu.dma_semaphore, #tpu.memory_space<semaphore_mem>>) {add = true}
      %dma_start3A_127 = arith.constant 6 : i32
      %dma_start3A_128 = arith.constant 0 : i32
      %dma_start3A_129 = tpu.memref_slice %arg5[%rem3A_73, %dma_start3A_127, %dma_start3A_128] : memref<2x8x64xi32, #tpu.memory_space<vmem>> -> memref<1x1x64xi32, #tpu.memory_space<vmem>>
      %dma_start3A_130 = tpu.memref_squeeze %dma_start3A_129 : memref<1x1x64xi32, #tpu.memory_space<vmem>> -> memref<64xi32, #tpu.memory_space<vmem>>
      %dma_start3A_131 = arith.constant 0 : i32
      %dma_start3A_132 = arith.constant 0 : i32
      %dma_start3A_133 = tpu.memref_slice %arg7[%dma_start3A_131, %dma_start3A_132] : memref<10240x128xf32, #tpu.memory_space<vmem_shared>> -> memref<10240x128xf32, #tpu.memory_space<vmem_shared>>
      tpu.enqueue_indirect_dma source(%arg6 : memref<64x128xf32, #tpu.memory_space<vmem>>) target(%dma_start3A_133 : memref<10240x128xf32, #tpu.memory_space<vmem_shared>>) offsets(%dma_start3A_130 : memref<64xi32, #tpu.memory_space<vmem>>) semaphore(%arg8 : memref<!tpu.dma_semaphore, #tpu.memory_space<semaphore_mem>>) {add = true}
      %dma_start3A_134 = arith.constant 7 : i32
      %dma_start3A_135 = arith.constant 0 : i32
      %dma_start3A_136 = tpu.memref_slice %arg5[%rem3A_73, %dma_start3A_134, %dma_start3A_135] : memref<2x8x64xi32, #tpu.memory_space<vmem>> -> memref<1x1x64xi32, #tpu.memory_space<vmem>>
      %dma_start3A_137 = tpu.memref_squeeze %dma_start3A_136 : memref<1x1x64xi32, #tpu.memory_space<vmem>> -> memref<64xi32, #tpu.memory_space<vmem>>
      %dma_start3A_138 = arith.constant 0 : i32
      %dma_start3A_139 = arith.constant 0 : i32
      %dma_start3A_140 = tpu.memref_slice %arg7[%dma_start3A_138, %dma_start3A_139] : memref<10240x128xf32, #tpu.memory_space<vmem_shared>> -> memref<10240x128xf32, #tpu.memory_space<vmem_shared>>
      tpu.enqueue_indirect_dma source(%arg6 : memref<64x128xf32, #tpu.memory_space<vmem>>) target(%dma_start3A_140 : memref<10240x128xf32, #tpu.memory_space<vmem_shared>>) offsets(%dma_start3A_137 : memref<64xi32, #tpu.memory_space<vmem>>) semaphore(%arg8 : memref<!tpu.dma_semaphore, #tpu.memory_space<semaphore_mem>>) {add = true}
    }
    %scan3A_13 = arith.constant 20 : i32
    %dma_wait3A = arith.constant 0 : i32
    %dma_wait3A_14 = arith.constant 0 : i32
    %dma_wait3A_15 = tpu.memref_slice %arg2[%dma_wait3A, %dma_wait3A_14] : memref<10240x128xf32, #tpu.memory_space<hbm>> -> memref<64x128xf32, #tpu.memory_space<hbm>>
    %dma_wait3A_16 = arith.constant 0 : i32
    %dma_wait3A_17 = arith.constant 0 : i32
    %dma_wait3A_18 = tpu.memref_slice %arg2[%dma_wait3A_16, %dma_wait3A_17] : memref<10240x128xf32, #tpu.memory_space<hbm>> -> memref<64x128xf32, #tpu.memory_space<hbm>>
    tpu.wait_dma2 semaphore(%arg8 : memref<!tpu.dma_semaphore, #tpu.memory_space<semaphore_mem>>) src(%dma_wait3A_18 : memref<64x128xf32, #tpu.memory_space<hbm>>) dst(%arg6 : memref<64x128xf32, #tpu.memory_space<vmem>>)
    %dma_wait3A_19 = arith.constant 0 : i32
    %dma_wait3A_20 = arith.constant 0 : i32
    %dma_wait3A_21 = tpu.memref_slice %arg2[%dma_wait3A_19, %dma_wait3A_20] : memref<10240x128xf32, #tpu.memory_space<hbm>> -> memref<64x128xf32, #tpu.memory_space<hbm>>
    %dma_wait3A_22 = arith.constant 0 : i32
    %dma_wait3A_23 = arith.constant 0 : i32
    %dma_wait3A_24 = tpu.memref_slice %arg2[%dma_wait3A_22, %dma_wait3A_23] : memref<10240x128xf32, #tpu.memory_space<hbm>> -> memref<64x128xf32, #tpu.memory_space<hbm>>
    tpu.wait_dma2 semaphore(%arg8 : memref<!tpu.dma_semaphore, #tpu.memory_space<semaphore_mem>>) src(%dma_wait3A_24 : memref<64x128xf32, #tpu.memory_space<hbm>>) dst(%arg6 : memref<64x128xf32, #tpu.memory_space<vmem>>)
    %dma_wait3A_25 = arith.constant 0 : i32
    %dma_wait3A_26 = arith.constant 0 : i32
    %dma_wait3A_27 = tpu.memref_slice %arg2[%dma_wait3A_25, %dma_wait3A_26] : memref<10240x128xf32, #tpu.memory_space<hbm>> -> memref<64x128xf32, #tpu.memory_space<hbm>>
    %dma_wait3A_28 = arith.constant 0 : i32
    %dma_wait3A_29 = arith.constant 0 : i32
    %dma_wait3A_30 = tpu.memref_slice %arg2[%dma_wait3A_28, %dma_wait3A_29] : memref<10240x128xf32, #tpu.memory_space<hbm>> -> memref<64x128xf32, #tpu.memory_space<hbm>>
    tpu.wait_dma2 semaphore(%arg8 : memref<!tpu.dma_semaphore, #tpu.memory_space<semaphore_mem>>) src(%dma_wait3A_30 : memref<64x128xf32, #tpu.memory_space<hbm>>) dst(%arg6 : memref<64x128xf32, #tpu.memory_space<vmem>>)
    %dma_wait3A_31 = arith.constant 0 : i32
    %dma_wait3A_32 = arith.constant 0 : i32
    %dma_wait3A_33 = tpu.memref_slice %arg2[%dma_wait3A_31, %dma_wait3A_32] : memref<10240x128xf32, #tpu.memory_space<hbm>> -> memref<64x128xf32, #tpu.memory_space<hbm>>
    %dma_wait3A_34 = arith.constant 0 : i32
    %dma_wait3A_35 = arith.constant 0 : i32
    %dma_wait3A_36 = tpu.memref_slice %arg2[%dma_wait3A_34, %dma_wait3A_35] : memref<10240x128xf32, #tpu.memory_space<hbm>> -> memref<64x128xf32, #tpu.memory_space<hbm>>
    tpu.wait_dma2 semaphore(%arg8 : memref<!tpu.dma_semaphore, #tpu.memory_space<semaphore_mem>>) src(%dma_wait3A_36 : memref<64x128xf32, #tpu.memory_space<hbm>>) dst(%arg6 : memref<64x128xf32, #tpu.memory_space<vmem>>)
    %dma_wait3A_37 = arith.constant 0 : i32
    %dma_wait3A_38 = arith.constant 0 : i32
    %dma_wait3A_39 = tpu.memref_slice %arg2[%dma_wait3A_37, %dma_wait3A_38] : memref<10240x128xf32, #tpu.memory_space<hbm>> -> memref<64x128xf32, #tpu.memory_space<hbm>>
    %dma_wait3A_40 = arith.constant 0 : i32
    %dma_wait3A_41 = arith.constant 0 : i32
    %dma_wait3A_42 = tpu.memref_slice %arg2[%dma_wait3A_40, %dma_wait3A_41] : memref<10240x128xf32, #tpu.memory_space<hbm>> -> memref<64x128xf32, #tpu.memory_space<hbm>>
    tpu.wait_dma2 semaphore(%arg8 : memref<!tpu.dma_semaphore, #tpu.memory_space<semaphore_mem>>) src(%dma_wait3A_42 : memref<64x128xf32, #tpu.memory_space<hbm>>) dst(%arg6 : memref<64x128xf32, #tpu.memory_space<vmem>>)
    %dma_wait3A_43 = arith.constant 0 : i32
    %dma_wait3A_44 = arith.constant 0 : i32
    %dma_wait3A_45 = tpu.memref_slice %arg2[%dma_wait3A_43, %dma_wait3A_44] : memref<10240x128xf32, #tpu.memory_space<hbm>> -> memref<64x128xf32, #tpu.memory_space<hbm>>
    %dma_wait3A_46 = arith.constant 0 : i32
    %dma_wait3A_47 = arith.constant 0 : i32
    %dma_wait3A_48 = tpu.memref_slice %arg2[%dma_wait3A_46, %dma_wait3A_47] : memref<10240x128xf32, #tpu.memory_space<hbm>> -> memref<64x128xf32, #tpu.memory_space<hbm>>
    tpu.wait_dma2 semaphore(%arg8 : memref<!tpu.dma_semaphore, #tpu.memory_space<semaphore_mem>>) src(%dma_wait3A_48 : memref<64x128xf32, #tpu.memory_space<hbm>>) dst(%arg6 : memref<64x128xf32, #tpu.memory_space<vmem>>)
    %dma_wait3A_49 = arith.constant 0 : i32
    %dma_wait3A_50 = arith.constant 0 : i32
    %dma_wait3A_51 = tpu.memref_slice %arg2[%dma_wait3A_49, %dma_wait3A_50] : memref<10240x128xf32, #tpu.memory_space<hbm>> -> memref<64x128xf32, #tpu.memory_space<hbm>>
    %dma_wait3A_52 = arith.constant 0 : i32
    %dma_wait3A_53 = arith.constant 0 : i32
    %dma_wait3A_54 = tpu.memref_slice %arg2[%dma_wait3A_52, %dma_wait3A_53] : memref<10240x128xf32, #tpu.memory_space<hbm>> -> memref<64x128xf32, #tpu.memory_space<hbm>>
    tpu.wait_dma2 semaphore(%arg8 : memref<!tpu.dma_semaphore, #tpu.memory_space<semaphore_mem>>) src(%dma_wait3A_54 : memref<64x128xf32, #tpu.memory_space<hbm>>) dst(%arg6 : memref<64x128xf32, #tpu.memory_space<vmem>>)
    %dma_wait3A_55 = arith.constant 0 : i32
    %dma_wait3A_56 = arith.constant 0 : i32
    %dma_wait3A_57 = tpu.memref_slice %arg2[%dma_wait3A_55, %dma_wait3A_56] : memref<10240x128xf32, #tpu.memory_space<hbm>> -> memref<64x128xf32, #tpu.memory_space<hbm>>
    %dma_wait3A_58 = arith.constant 0 : i32
    %dma_wait3A_59 = arith.constant 0 : i32
    %dma_wait3A_60 = tpu.memref_slice %arg2[%dma_wait3A_58, %dma_wait3A_59] : memref<10240x128xf32, #tpu.memory_space<hbm>> -> memref<64x128xf32, #tpu.memory_space<hbm>>
    tpu.wait_dma2 semaphore(%arg8 : memref<!tpu.dma_semaphore, #tpu.memory_space<semaphore_mem>>) src(%dma_wait3A_60 : memref<64x128xf32, #tpu.memory_space<hbm>>) dst(%arg6 : memref<64x128xf32, #tpu.memory_space<vmem>>)
    %barrier3A_61 = arith.constant 0 : index
    tpu.barrier barrier_id(%barrier3A_61)
    %add3A_62 = arith.constant 0 : i32
    %add3A_63 = arith.addi %mul3A_2, %add3A_62 : i32
    "tpu.region"() ({
      %run_scoped3A_72 = tpu.sem_alloc : memref<!tpu.dma_semaphore, #tpu.memory_space<semaphore_mem>>
      %dma_start3A = arith.constant 0 : i32
      %dma_start3A_73 = tpu.memref_slice %arg4[%arg0, %add3A_63, %dma_start3A] : memref<2x10240x128xf32, #tpu.memory_space<hbm>> -> memref<1x128x128xf32, #tpu.memory_space<hbm>>
      %dma_start3A_74 = tpu.memref_squeeze %dma_start3A_73 : memref<1x128x128xf32, #tpu.memory_space<hbm>> -> memref<128x128xf32, #tpu.memory_space<hbm>>
      %dma_start3A_75 = arith.constant 0 : i32
      %dma_start3A_76 = tpu.memref_slice %arg7[%add3A_63, %dma_start3A_75] : memref<10240x128xf32, #tpu.memory_space<vmem_shared>> -> memref<128x128xf32, #tpu.memory_space<vmem_shared>>
      tpu.enqueue_dma source(%dma_start3A_76 : memref<128x128xf32, #tpu.memory_space<vmem_shared>>) target(%dma_start3A_74 : memref<128x128xf32, #tpu.memory_space<hbm>>) target_semaphore(%run_scoped3A_72 : memref<!tpu.dma_semaphore, #tpu.memory_space<semaphore_mem>>)
      %dma_wait3A_77 = arith.constant 0 : i32
      %dma_wait3A_78 = tpu.memref_slice %arg4[%arg0, %add3A_63, %dma_wait3A_77] : memref<2x10240x128xf32, #tpu.memory_space<hbm>> -> memref<1x128x128xf32, #tpu.memory_space<hbm>>
      %dma_wait3A_79 = tpu.memref_squeeze %dma_wait3A_78 : memref<1x128x128xf32, #tpu.memory_space<hbm>> -> memref<128x128xf32, #tpu.memory_space<hbm>>
      %dma_wait3A_80 = arith.constant 0 : i32
      %dma_wait3A_81 = tpu.memref_slice %arg7[%add3A_63, %dma_wait3A_80] : memref<10240x128xf32, #tpu.memory_space<vmem_shared>> -> memref<128x128xf32, #tpu.memory_space<vmem_shared>>
      tpu.wait_dma2 semaphore(%run_scoped3A_72 : memref<!tpu.dma_semaphore, #tpu.memory_space<semaphore_mem>>) src(%dma_wait3A_81 : memref<128x128xf32, #tpu.memory_space<vmem_shared>>) dst(%dma_wait3A_79 : memref<128x128xf32, #tpu.memory_space<hbm>>)
      tpu.yield
    }) : () -> ()
    %add3A_64 = arith.constant 128 : i32
    %add3A_65 = arith.addi %mul3A_2, %add3A_64 : i32
    "tpu.region"() ({
      %run_scoped3A_72 = tpu.sem_alloc : memref<!tpu.dma_semaphore, #tpu.memory_space<semaphore_mem>>
      %dma_start3A = arith.constant 0 : i32
      %dma_start3A_73 = tpu.memref_slice %arg4[%arg0, %add3A_65, %dma_start3A] : memref<2x10240x128xf32, #tpu.memory_space<hbm>> -> memref<1x128x128xf32, #tpu.memory_space<hbm>>
      %dma_start3A_74 = tpu.memref_squeeze %dma_start3A_73 : memref<1x128x128xf32, #tpu.memory_space<hbm>> -> memref<128x128xf32, #tpu.memory_space<hbm>>
      %dma_start3A_75 = arith.constant 0 : i32
      %dma_start3A_76 = tpu.memref_slice %arg7[%add3A_65, %dma_start3A_75] : memref<10240x128xf32, #tpu.memory_space<vmem_shared>> -> memref<128x128xf32, #tpu.memory_space<vmem_shared>>
      tpu.enqueue_dma source(%dma_start3A_76 : memref<128x128xf32, #tpu.memory_space<vmem_shared>>) target(%dma_start3A_74 : memref<128x128xf32, #tpu.memory_space<hbm>>) target_semaphore(%run_scoped3A_72 : memref<!tpu.dma_semaphore, #tpu.memory_space<semaphore_mem>>)
      %dma_wait3A_77 = arith.constant 0 : i32
      %dma_wait3A_78 = tpu.memref_slice %arg4[%arg0, %add3A_65, %dma_wait3A_77] : memref<2x10240x128xf32, #tpu.memory_space<hbm>> -> memref<1x128x128xf32, #tpu.memory_space<hbm>>
      %dma_wait3A_79 = tpu.memref_squeeze %dma_wait3A_78 : memref<1x128x128xf32, #tpu.memory_space<hbm>> -> memref<128x128xf32, #tpu.memory_space<hbm>>
      %dma_wait3A_80 = arith.constant 0 : i32
      %dma_wait3A_81 = tpu.memref_slice %arg7[%add3A_65, %dma_wait3A_80] : memref<10240x128xf32, #tpu.memory_space<vmem_shared>> -> memref<128x128xf32, #tpu.memory_space<vmem_shared>>
      tpu.wait_dma2 semaphore(%run_scoped3A_72 : memref<!tpu.dma_semaphore, #tpu.memory_space<semaphore_mem>>) src(%dma_wait3A_81 : memref<128x128xf32, #tpu.memory_space<vmem_shared>>) dst(%dma_wait3A_79 : memref<128x128xf32, #tpu.memory_space<hbm>>)
      tpu.yield
    }) : () -> ()
    %add3A_66 = arith.constant 256 : i32
    %add3A_67 = arith.addi %mul3A_2, %add3A_66 : i32
    "tpu.region"() ({
      %run_scoped3A_72 = tpu.sem_alloc : memref<!tpu.dma_semaphore, #tpu.memory_space<semaphore_mem>>
      %dma_start3A = arith.constant 0 : i32
      %dma_start3A_73 = tpu.memref_slice %arg4[%arg0, %add3A_67, %dma_start3A] : memref<2x10240x128xf32, #tpu.memory_space<hbm>> -> memref<1x128x128xf32, #tpu.memory_space<hbm>>
      %dma_start3A_74 = tpu.memref_squeeze %dma_start3A_73 : memref<1x128x128xf32, #tpu.memory_space<hbm>> -> memref<128x128xf32, #tpu.memory_space<hbm>>
      %dma_start3A_75 = arith.constant 0 : i32
      %dma_start3A_76 = tpu.memref_slice %arg7[%add3A_67, %dma_start3A_75] : memref<10240x128xf32, #tpu.memory_space<vmem_shared>> -> memref<128x128xf32, #tpu.memory_space<vmem_shared>>
      tpu.enqueue_dma source(%dma_start3A_76 : memref<128x128xf32, #tpu.memory_space<vmem_shared>>) target(%dma_start3A_74 : memref<128x128xf32, #tpu.memory_space<hbm>>) target_semaphore(%run_scoped3A_72 : memref<!tpu.dma_semaphore, #tpu.memory_space<semaphore_mem>>)
      %dma_wait3A_77 = arith.constant 0 : i32
      %dma_wait3A_78 = tpu.memref_slice %arg4[%arg0, %add3A_67, %dma_wait3A_77] : memref<2x10240x128xf32, #tpu.memory_space<hbm>> -> memref<1x128x128xf32, #tpu.memory_space<hbm>>
      %dma_wait3A_79 = tpu.memref_squeeze %dma_wait3A_78 : memref<1x128x128xf32, #tpu.memory_space<hbm>> -> memref<128x128xf32, #tpu.memory_space<hbm>>
      %dma_wait3A_80 = arith.constant 0 : i32
      %dma_wait3A_81 = tpu.memref_slice %arg7[%add3A_67, %dma_wait3A_80] : memref<10240x128xf32, #tpu.memory_space<vmem_shared>> -> memref<128x128xf32, #tpu.memory_space<vmem_shared>>
      tpu.wait_dma2 semaphore(%run_scoped3A_72 : memref<!tpu.dma_semaphore, #tpu.memory_space<semaphore_mem>>) src(%dma_wait3A_81 : memref<128x128xf32, #tpu.memory_space<vmem_shared>>) dst(%dma_wait3A_79 : memref<128x128xf32, #tpu.memory_space<hbm>>)
      tpu.yield
    }) : () -> ()
    %add3A_68 = arith.constant 384 : i32
    %add3A_69 = arith.addi %mul3A_2, %add3A_68 : i32
    "tpu.region"() ({
      %run_scoped3A_72 = tpu.sem_alloc : memref<!tpu.dma_semaphore, #tpu.memory_space<semaphore_mem>>
      %dma_start3A = arith.constant 0 : i32
      %dma_start3A_73 = tpu.memref_slice %arg4[%arg0, %add3A_69, %dma_start3A] : memref<2x10240x128xf32, #tpu.memory_space<hbm>> -> memref<1x128x128xf32, #tpu.memory_space<hbm>>
      %dma_start3A_74 = tpu.memref_squeeze %dma_start3A_73 : memref<1x128x128xf32, #tpu.memory_space<hbm>> -> memref<128x128xf32, #tpu.memory_space<hbm>>
      %dma_start3A_75 = arith.constant 0 : i32
      %dma_start3A_76 = tpu.memref_slice %arg7[%add3A_69, %dma_start3A_75] : memref<10240x128xf32, #tpu.memory_space<vmem_shared>> -> memref<128x128xf32, #tpu.memory_space<vmem_shared>>
      tpu.enqueue_dma source(%dma_start3A_76 : memref<128x128xf32, #tpu.memory_space<vmem_shared>>) target(%dma_start3A_74 : memref<128x128xf32, #tpu.memory_space<hbm>>) target_semaphore(%run_scoped3A_72 : memref<!tpu.dma_semaphore, #tpu.memory_space<semaphore_mem>>)
      %dma_wait3A_77 = arith.constant 0 : i32
      %dma_wait3A_78 = tpu.memref_slice %arg4[%arg0, %add3A_69, %dma_wait3A_77] : memref<2x10240x128xf32, #tpu.memory_space<hbm>> -> memref<1x128x128xf32, #tpu.memory_space<hbm>>
      %dma_wait3A_79 = tpu.memref_squeeze %dma_wait3A_78 : memref<1x128x128xf32, #tpu.memory_space<hbm>> -> memref<128x128xf32, #tpu.memory_space<hbm>>
      %dma_wait3A_80 = arith.constant 0 : i32
      %dma_wait3A_81 = tpu.memref_slice %arg7[%add3A_69, %dma_wait3A_80] : memref<10240x128xf32, #tpu.memory_space<vmem_shared>> -> memref<128x128xf32, #tpu.memory_space<vmem_shared>>
      tpu.wait_dma2 semaphore(%run_scoped3A_72 : memref<!tpu.dma_semaphore, #tpu.memory_space<semaphore_mem>>) src(%dma_wait3A_81 : memref<128x128xf32, #tpu.memory_space<vmem_shared>>) dst(%dma_wait3A_79 : memref<128x128xf32, #tpu.memory_space<hbm>>)
      tpu.yield
    }) : () -> ()
    %add3A_70 = arith.constant 512 : i32
    %add3A_71 = arith.addi %mul3A_2, %add3A_70 : i32
    "tpu.region"() ({
      %run_scoped3A_72 = tpu.sem_alloc : memref<!tpu.dma_semaphore, #tpu.memory_space<semaphore_mem>>
      %dma_start3A = arith.constant 0 : i32
      %dma_start3A_73 = tpu.memref_slice %arg4[%arg0, %add3A_71, %dma_start3A] : memref<2x10240x128xf32, #tpu.memory_space<hbm>> -> memref<1x128x128xf32, #tpu.memory_space<hbm>>
      %dma_start3A_74 = tpu.memref_squeeze %dma_start3A_73 : memref<1x128x128xf32, #tpu.memory_space<hbm>> -> memref<128x128xf32, #tpu.memory_space<hbm>>
      %dma_start3A_75 = arith.constant 0 : i32
      %dma_start3A_76 = tpu.memref_slice %arg7[%add3A_71, %dma_start3A_75] : memref<10240x128xf32, #tpu.memory_space<vmem_shared>> -> memref<128x128xf32, #tpu.memory_space<vmem_shared>>
      tpu.enqueue_dma source(%dma_start3A_76 : memref<128x128xf32, #tpu.memory_space<vmem_shared>>) target(%dma_start3A_74 : memref<128x128xf32, #tpu.memory_space<hbm>>) target_semaphore(%run_scoped3A_72 : memref<!tpu.dma_semaphore, #tpu.memory_space<semaphore_mem>>)
      %dma_wait3A_77 = arith.constant 0 : i32
      %dma_wait3A_78 = tpu.memref_slice %arg4[%arg0, %add3A_71, %dma_wait3A_77] : memref<2x10240x128xf32, #tpu.memory_space<hbm>> -> memref<1x128x128xf32, #tpu.memory_space<hbm>>
      %dma_wait3A_79 = tpu.memref_squeeze %dma_wait3A_78 : memref<1x128x128xf32, #tpu.memory_space<hbm>> -> memref<128x128xf32, #tpu.memory_space<hbm>>
      %dma_wait3A_80 = arith.constant 0 : i32
      %dma_wait3A_81 = tpu.memref_slice %arg7[%add3A_71, %dma_wait3A_80] : memref<10240x128xf32, #tpu.memory_space<vmem_shared>> -> memref<128x128xf32, #tpu.memory_space<vmem_shared>>
      tpu.wait_dma2 semaphore(%run_scoped3A_72 : memref<!tpu.dma_semaphore, #tpu.memory_space<semaphore_mem>>) src(%dma_wait3A_81 : memref<128x128xf32, #tpu.memory_space<vmem_shared>>) dst(%dma_wait3A_79 : memref<128x128xf32, #tpu.memory_space<hbm>>)
      tpu.yield
    }) : () -> ()
    return
  }
}

module attributes {stable_mosaic.version = 14 : i64} {
  func.func @_proj_body(%arg0: i32, %arg1: memref<1024x128xf32, #tpu.memory_space<vmem>>, %arg2: memref<128x128xf32, #tpu.memory_space<vmem>>, %arg3: memref<1x128xf32, #tpu.memory_space<vmem>>, %arg4: memref<1024x128xf32, #tpu.memory_space<vmem>>) attributes {dimension_semantics = [#tpu.dimension_semantics<arbitrary>], iteration_bounds = array<i64: 10>, scalar_prefetch = 0 : i64, scratch_operands = 0 : i64, tpu.core_type = #tpu.core_type<tc>, window_params = [{transform_indices = @transform_0, window_bounds = array<i64: 1024, 128>}, {pipeline_mode = #tpu.pipeline_mode<synchronous>, transform_indices = @transform_1, window_bounds = array<i64: 128, 128>}, {pipeline_mode = #tpu.pipeline_mode<synchronous>, transform_indices = @transform_2, window_bounds = array<i64: 1, 128>}, {transform_indices = @transform_3, window_bounds = array<i64: 1024, 128>}]} {
    %get3A = arith.constant 0 : index
    %get3A_0 = arith.constant 0 : index
    %get3A_1 = vector.load %arg1[%get3A, %get3A_0] : memref<1024x128xf32, #tpu.memory_space<vmem>>, vector<1024x128xf32>
    %get3A_2 = arith.constant 0 : index
    %get3A_3 = arith.constant 0 : index
    %get3A_4 = vector.load %arg2[%get3A_2, %get3A_3] : memref<128x128xf32, #tpu.memory_space<vmem>>, vector<128x128xf32>
    %dot_general3A = arith.constant dense<0.000000e+00> : vector<1024x128xf32>
    %dot_general3A_5 = tpu.matmul %get3A_1, %get3A_4, %dot_general3A {dimension_numbers = #tpu.dot_dimension_numbers<[1], [0], [0], [1], [0, 0, 1, 1], [], []>, transpose_lhs_hint = false} : vector<1024x128xf32>, vector<128x128xf32>, vector<1024x128xf32> -> vector<1024x128xf32>
    %get3A_6 = arith.constant 0 : index
    %get3A_7 = arith.constant 0 : index
    %get3A_8 = vector.load %arg3[%get3A_6, %get3A_7] : memref<1x128xf32, #tpu.memory_space<vmem>>, vector<1x128xf32>
    %add3A = vector.broadcast %get3A_8 : vector<1x128xf32> to vector<1024x128xf32>
    %add3A_9 = arith.addf %dot_general3A_5, %add3A : vector<1024x128xf32>
    %max3A = arith.constant 0.000000e+00 : f32
    %max3A_10 = vector.broadcast %max3A : f32 to vector<1024x128xf32>
    %max3A_11 = arith.maximumf %add3A_9, %max3A_10 : vector<1024x128xf32>
    %swap3A = arith.constant 0 : index
    %swap3A_12 = arith.constant 0 : index
    %swap3A_13 = vector.load %arg4[%swap3A, %swap3A_12] : memref<1024x128xf32, #tpu.memory_space<vmem>>, vector<1024x128xf32>
    tpu.vector_store %arg4[%swap3A, %swap3A_12], %max3A_11 {strides = array<i32>} : memref<1024x128xf32, #tpu.memory_space<vmem>>, vector<1024x128xf32>,
    return
  }
  func.func @transform_0(%arg0: i32) -> (i32, i32) {
    %c0_i32 = arith.constant 0 : i32
    %c0_i32_0 = arith.constant 0 : i32
    return %arg0, %c0_i32 : i32, i32
  }
  func.func @transform_1(%arg0: i32) -> (i32, i32) {
    %c0_i32 = arith.constant 0 : i32
    %c0_i32_0 = arith.constant 0 : i32
    %c0_i32_1 = arith.constant 0 : i32
    return %c0_i32, %c0_i32_0 : i32, i32
  }
  func.func @transform_2(%arg0: i32) -> (i32, i32) {
    %c0_i32 = arith.constant 0 : i32
    %c0_i32_0 = arith.constant 0 : i32
    %c0_i32_1 = arith.constant 0 : i32
    return %c0_i32, %c0_i32_0 : i32, i32
  }
  func.func @transform_3(%arg0: i32) -> (i32, i32) {
    %c0_i32 = arith.constant 0 : i32
    %c0_i32_0 = arith.constant 0 : i32
    return %arg0, %c0_i32 : i32, i32
  }
}

module attributes {stable_mosaic.version = 14 : i64} {
  func.func @_sage_body(%arg0: i32, %arg1: memref<2x1024x128xf32, #tpu.memory_space<vmem>>, %arg2: memref<2x1024x128xf32, #tpu.memory_space<vmem>>, %arg3: memref<1024x128xf32, #tpu.memory_space<vmem>>, %arg4: memref<128x128xf32, #tpu.memory_space<vmem>>, %arg5: memref<1x128xf32, #tpu.memory_space<vmem>>, %arg6: memref<128x128xf32, #tpu.memory_space<vmem>>, %arg7: memref<1x128xf32, #tpu.memory_space<vmem>>, %arg8: memref<1x128xf32, #tpu.memory_space<vmem>>, %arg9: memref<1024x128xf32, #tpu.memory_space<vmem>>) attributes {dimension_semantics = [#tpu.dimension_semantics<arbitrary>], iteration_bounds = array<i64: 10>, scalar_prefetch = 0 : i64, scratch_operands = 0 : i64, tpu.core_type = #tpu.core_type<tc>, window_params = [{transform_indices = @transform_0, window_bounds = array<i64: 2, 1024, 128>}, {transform_indices = @transform_1, window_bounds = array<i64: 2, 1024, 128>}, {transform_indices = @transform_2, window_bounds = array<i64: 1024, 128>}, {pipeline_mode = #tpu.pipeline_mode<synchronous>, transform_indices = @transform_3, window_bounds = array<i64: 128, 128>}, {pipeline_mode = #tpu.pipeline_mode<synchronous>, transform_indices = @transform_4, window_bounds = array<i64: 1, 128>}, {pipeline_mode = #tpu.pipeline_mode<synchronous>, transform_indices = @transform_5, window_bounds = array<i64: 128, 128>}, {pipeline_mode = #tpu.pipeline_mode<synchronous>, transform_indices = @transform_6, window_bounds = array<i64: 1, 128>}, {pipeline_mode = #tpu.pipeline_mode<synchronous>, transform_indices = @transform_7, window_bounds = array<i64: 1, 128>}, {transform_indices = @transform_8, window_bounds = array<i64: 1024, 128>}]} {
    %get3A = arith.constant 0 : index
    %get3A_0 = arith.constant 0 : index
    %get3A_1 = arith.constant 0 : index
    %get3A_2 = vector.load %arg1[%get3A, %get3A_0, %get3A_1] : memref<2x1024x128xf32, #tpu.memory_space<vmem>>, vector<1x1024x128xf32>
    %get3A_3 = vector.shape_cast %get3A_2 : vector<1x1024x128xf32> to vector<1024x128xf32>
    %get3A_4 = arith.constant 1 : index
    %get3A_5 = arith.constant 0 : index
    %get3A_6 = arith.constant 0 : index
    %get3A_7 = vector.load %arg1[%get3A_4, %get3A_5, %get3A_6] : memref<2x1024x128xf32, #tpu.memory_space<vmem>>, vector<1x1024x128xf32>
    %get3A_8 = vector.shape_cast %get3A_7 : vector<1x1024x128xf32> to vector<1024x128xf32>
    %add3A = arith.addf %get3A_3, %get3A_8 : vector<1024x128xf32>
    %get3A_9 = arith.constant 0 : index
    %get3A_10 = arith.constant 0 : index
    %get3A_11 = arith.constant 0 : index
    %get3A_12 = vector.load %arg2[%get3A_9, %get3A_10, %get3A_11] : memref<2x1024x128xf32, #tpu.memory_space<vmem>>, vector<1x1024x128xf32>
    %get3A_13 = vector.shape_cast %get3A_12 : vector<1x1024x128xf32> to vector<1024x128xf32>
    %get3A_14 = arith.constant 1 : index
    %get3A_15 = arith.constant 0 : index
    %get3A_16 = arith.constant 0 : index
    %get3A_17 = vector.load %arg2[%get3A_14, %get3A_15, %get3A_16] : memref<2x1024x128xf32, #tpu.memory_space<vmem>>, vector<1x1024x128xf32>
    %get3A_18 = vector.shape_cast %get3A_17 : vector<1x1024x128xf32> to vector<1024x128xf32>
    %add3A_19 = arith.addf %get3A_13, %get3A_18 : vector<1024x128xf32>
    %slice3A = vector.extract_strided_slice %add3A_19 {offsets = [0, 0], sizes = [1024, 1], strides = [1, 1]} : vector<1024x128xf32> to vector<1024x1xf32>
    %max3A = arith.constant 1.000000e+00 : f32
    %max3A_20 = vector.broadcast %max3A : f32 to vector<1024x1xf32>
    %max3A_21 = arith.maximumf %slice3A, %max3A_20 : vector<1024x1xf32>
    %div3A = vector.broadcast %max3A_21 : vector<1024x1xf32> to vector<1024x128xf32>
    %div3A_22 = arith.divf %add3A, %div3A : vector<1024x128xf32>
    %get3A_23 = arith.constant 0 : index
    %get3A_24 = arith.constant 0 : index
    %get3A_25 = vector.load %arg4[%get3A_23, %get3A_24] : memref<128x128xf32, #tpu.memory_space<vmem>>, vector<128x128xf32>
    %dot_general3A = arith.constant dense<0.000000e+00> : vector<1024x128xf32>
    %dot_general3A_26 = tpu.matmul %div3A_22, %get3A_25, %dot_general3A {dimension_numbers = #tpu.dot_dimension_numbers<[1], [0], [0], [1], [0, 0, 1, 1], [], []>, transpose_lhs_hint = false} : vector<1024x128xf32>, vector<128x128xf32>, vector<1024x128xf32> -> vector<1024x128xf32>
    %get3A_27 = arith.constant 0 : index
    %get3A_28 = arith.constant 0 : index
    %get3A_29 = vector.load %arg5[%get3A_27, %get3A_28] : memref<1x128xf32, #tpu.memory_space<vmem>>, vector<1x128xf32>
    %add3A_30 = vector.broadcast %get3A_29 : vector<1x128xf32> to vector<1024x128xf32>
    %add3A_31 = arith.addf %dot_general3A_26, %add3A_30 : vector<1024x128xf32>
    %get3A_32 = arith.constant 0 : index
    %get3A_33 = arith.constant 0 : index
    %get3A_34 = vector.load %arg3[%get3A_32, %get3A_33] : memref<1024x128xf32, #tpu.memory_space<vmem>>, vector<1024x128xf32>
    %get3A_35 = arith.constant 0 : index
    %get3A_36 = arith.constant 0 : index
    %get3A_37 = vector.load %arg6[%get3A_35, %get3A_36] : memref<128x128xf32, #tpu.memory_space<vmem>>, vector<128x128xf32>
    %dot_general3A_38 = arith.constant dense<0.000000e+00> : vector<1024x128xf32>
    %dot_general3A_39 = tpu.matmul %get3A_34, %get3A_37, %dot_general3A_38 {dimension_numbers = #tpu.dot_dimension_numbers<[1], [0], [0], [1], [0, 0, 1, 1], [], []>, transpose_lhs_hint = false} : vector<1024x128xf32>, vector<128x128xf32>, vector<1024x128xf32> -> vector<1024x128xf32>
    %add3A_40 = arith.addf %add3A_31, %dot_general3A_39 : vector<1024x128xf32>
    %reduce_sum3A = arith.constant dense<0.000000e+00> : vector<1024xf32>
    %reduce_sum3A_41 = vector.multi_reduction <add>, %add3A_40, %reduce_sum3A [1] : vector<1024x128xf32> to vector<1024xf32>
    %broadcast_in_dim3A = vector.shape_cast %reduce_sum3A_41 : vector<1024xf32> to vector<1024x1xf32>
    %div3A_42 = arith.constant 1.280000e+02 : f32
    %div3A_43 = vector.broadcast %div3A_42 : f32 to vector<1024x1xf32>
    %div3A_44 = arith.divf %broadcast_in_dim3A, %div3A_43 : vector<1024x1xf32>
    %sub3A = vector.broadcast %div3A_44 : vector<1024x1xf32> to vector<1024x128xf32>
    %sub3A_45 = arith.subf %add3A_40, %sub3A : vector<1024x128xf32>
    %integer_pow3A = arith.mulf %sub3A_45, %sub3A_45 : vector<1024x128xf32>
    %reduce_sum3A_46 = arith.constant dense<0.000000e+00> : vector<1024xf32>
    %reduce_sum3A_47 = vector.multi_reduction <add>, %integer_pow3A, %reduce_sum3A_46 [1] : vector<1024x128xf32> to vector<1024xf32>
    %broadcast_in_dim3A_48 = vector.shape_cast %reduce_sum3A_47 : vector<1024xf32> to vector<1024x1xf32>
    %div3A_49 = arith.constant 1.280000e+02 : f32
    %div3A_50 = vector.broadcast %div3A_49 : f32 to vector<1024x1xf32>
    %div3A_51 = arith.divf %broadcast_in_dim3A_48, %div3A_50 : vector<1024x1xf32>
    %sub3A_52 = vector.broadcast %div3A_44 : vector<1024x1xf32> to vector<1024x128xf32>
    %sub3A_53 = arith.subf %add3A_40, %sub3A_52 : vector<1024x128xf32>
    %add3A_54 = arith.constant 9.99999974E-6 : f32
    %add3A_55 = vector.broadcast %add3A_54 : f32 to vector<1024x1xf32>
    %add3A_56 = arith.addf %div3A_51, %add3A_55 : vector<1024x1xf32>
    %sqrt3A = math.sqrt %add3A_56 : vector<1024x1xf32>
    %div3A_57 = vector.broadcast %sqrt3A : vector<1024x1xf32> to vector<1024x128xf32>
    %div3A_58 = arith.divf %sub3A_53, %div3A_57 : vector<1024x128xf32>
    %get3A_59 = arith.constant 0 : index
    %get3A_60 = arith.constant 0 : index
    %get3A_61 = vector.load %arg7[%get3A_59, %get3A_60] : memref<1x128xf32, #tpu.memory_space<vmem>>, vector<1x128xf32>
    %mul3A = vector.broadcast %get3A_61 : vector<1x128xf32> to vector<1024x128xf32>
    %mul3A_62 = arith.mulf %div3A_58, %mul3A : vector<1024x128xf32>
    %get3A_63 = arith.constant 0 : index
    %get3A_64 = arith.constant 0 : index
    %get3A_65 = vector.load %arg8[%get3A_63, %get3A_64] : memref<1x128xf32, #tpu.memory_space<vmem>>, vector<1x128xf32>
    %add3A_66 = vector.broadcast %get3A_65 : vector<1x128xf32> to vector<1024x128xf32>
    %add3A_67 = arith.addf %mul3A_62, %add3A_66 : vector<1024x128xf32>
    %max3A_68 = arith.constant 0.000000e+00 : f32
    %max3A_69 = vector.broadcast %max3A_68 : f32 to vector<1024x128xf32>
    %max3A_70 = arith.maximumf %add3A_67, %max3A_69 : vector<1024x128xf32>
    %swap3A = arith.constant 0 : index
    %swap3A_71 = arith.constant 0 : index
    %swap3A_72 = vector.load %arg9[%swap3A, %swap3A_71] : memref<1024x128xf32, #tpu.memory_space<vmem>>, vector<1024x128xf32>
    tpu.vector_store %arg9[%swap3A, %swap3A_71], %max3A_70 {strides = array<i32>} : memref<1024x128xf32, #tpu.memory_space<vmem>>, vector<1024x128xf32>,
    return
  }
  func.func @transform_0(%arg0: i32) -> (i32, i32, i32) {
    %c0_i32 = arith.constant 0 : i32
    %c0_i32_0 = arith.constant 0 : i32
    %c0_i32_1 = arith.constant 0 : i32
    return %c0_i32, %arg0, %c0_i32_0 : i32, i32, i32
  }
  func.func @transform_1(%arg0: i32) -> (i32, i32, i32) {
    %c0_i32 = arith.constant 0 : i32
    %c0_i32_0 = arith.constant 0 : i32
    %c0_i32_1 = arith.constant 0 : i32
    return %c0_i32, %arg0, %c0_i32_0 : i32, i32, i32
  }
  func.func @transform_2(%arg0: i32) -> (i32, i32) {
    %c0_i32 = arith.constant 0 : i32
    %c0_i32_0 = arith.constant 0 : i32
    return %arg0, %c0_i32 : i32, i32
  }
  func.func @transform_3(%arg0: i32) -> (i32, i32) {
    %c0_i32 = arith.constant 0 : i32
    %c0_i32_0 = arith.constant 0 : i32
    %c0_i32_1 = arith.constant 0 : i32
    return %c0_i32, %c0_i32_0 : i32, i32
  }
  func.func @transform_4(%arg0: i32) -> (i32, i32) {
    %c0_i32 = arith.constant 0 : i32
    %c0_i32_0 = arith.constant 0 : i32
    %c0_i32_1 = arith.constant 0 : i32
    return %c0_i32, %c0_i32_0 : i32, i32
  }
  func.func @transform_5(%arg0: i32) -> (i32, i32) {
    %c0_i32 = arith.constant 0 : i32
    %c0_i32_0 = arith.constant 0 : i32
    %c0_i32_1 = arith.constant 0 : i32
    return %c0_i32, %c0_i32_0 : i32, i32
  }
  func.func @transform_6(%arg0: i32) -> (i32, i32) {
    %c0_i32 = arith.constant 0 : i32
    %c0_i32_0 = arith.constant 0 : i32
    %c0_i32_1 = arith.constant 0 : i32
    return %c0_i32, %c0_i32_0 : i32, i32
  }
  func.func @transform_7(%arg0: i32) -> (i32, i32) {
    %c0_i32 = arith.constant 0 : i32
    %c0_i32_0 = arith.constant 0 : i32
    %c0_i32_1 = arith.constant 0 : i32
    return %c0_i32, %c0_i32_0 : i32, i32
  }
  func.func @transform_8(%arg0: i32) -> (i32, i32) {
    %c0_i32 = arith.constant 0 : i32
    %c0_i32_0 = arith.constant 0 : i32
    return %arg0, %c0_i32 : i32, i32
  }
}

module attributes {stable_mosaic.version = 14 : i64} {
  func.func @_head_body(%arg0: i32, %arg1: memref<2x1024x128xf32, #tpu.memory_space<vmem>>, %arg2: memref<2x1024x128xf32, #tpu.memory_space<vmem>>, %arg3: memref<1024x128xf32, #tpu.memory_space<vmem>>, %arg4: memref<128x128xf32, #tpu.memory_space<vmem>>, %arg5: memref<1x128xf32, #tpu.memory_space<vmem>>, %arg6: memref<128x128xf32, #tpu.memory_space<vmem>>, %arg7: memref<1x128xf32, #tpu.memory_space<vmem>>, %arg8: memref<1x128xf32, #tpu.memory_space<vmem>>, %arg9: memref<1024x128xf32, #tpu.memory_space<vmem>>, %arg10: memref<128x64xf32, #tpu.memory_space<vmem>>, %arg11: memref<1x64xf32, #tpu.memory_space<vmem>>, %arg12: memref<64x1xf32, #tpu.memory_space<vmem>>, %arg13: memref<1x1xf32, #tpu.memory_space<vmem>>, %arg14: memref<1024x1xf32, #tpu.memory_space<vmem>>) attributes {dimension_semantics = [#tpu.dimension_semantics<arbitrary>], iteration_bounds = array<i64: 10>, scalar_prefetch = 0 : i64, scratch_operands = 0 : i64, tpu.core_type = #tpu.core_type<tc>, window_params = [{transform_indices = @transform_0, window_bounds = array<i64: 2, 1024, 128>}, {transform_indices = @transform_1, window_bounds = array<i64: 2, 1024, 128>}, {transform_indices = @transform_2, window_bounds = array<i64: 1024, 128>}, {pipeline_mode = #tpu.pipeline_mode<synchronous>, transform_indices = @transform_3, window_bounds = array<i64: 128, 128>}, {pipeline_mode = #tpu.pipeline_mode<synchronous>, transform_indices = @transform_4, window_bounds = array<i64: 1, 128>}, {pipeline_mode = #tpu.pipeline_mode<synchronous>, transform_indices = @transform_5, window_bounds = array<i64: 128, 128>}, {pipeline_mode = #tpu.pipeline_mode<synchronous>, transform_indices = @transform_6, window_bounds = array<i64: 1, 128>}, {pipeline_mode = #tpu.pipeline_mode<synchronous>, transform_indices = @transform_7, window_bounds = array<i64: 1, 128>}, {transform_indices = @transform_8, window_bounds = array<i64: 1024, 128>}, {pipeline_mode = #tpu.pipeline_mode<synchronous>, transform_indices = @transform_9, window_bounds = array<i64: 128, 64>}, {pipeline_mode = #tpu.pipeline_mode<synchronous>, transform_indices = @transform_10, window_bounds = array<i64: 1, 64>}, {pipeline_mode = #tpu.pipeline_mode<synchronous>, transform_indices = @transform_11, window_bounds = array<i64: 64, 1>}, {pipeline_mode = #tpu.pipeline_mode<synchronous>, transform_indices = @transform_12, window_bounds = array<i64: 1, 1>}, {transform_indices = @transform_13, window_bounds = array<i64: 1024, 1>}]} {
    %get3A = arith.constant 0 : index
    %get3A_0 = arith.constant 0 : index
    %get3A_1 = arith.constant 0 : index
    %get3A_2 = vector.load %arg1[%get3A, %get3A_0, %get3A_1] : memref<2x1024x128xf32, #tpu.memory_space<vmem>>, vector<1x1024x128xf32>
    %get3A_3 = vector.shape_cast %get3A_2 : vector<1x1024x128xf32> to vector<1024x128xf32>
    %get3A_4 = arith.constant 1 : index
    %get3A_5 = arith.constant 0 : index
    %get3A_6 = arith.constant 0 : index
    %get3A_7 = vector.load %arg1[%get3A_4, %get3A_5, %get3A_6] : memref<2x1024x128xf32, #tpu.memory_space<vmem>>, vector<1x1024x128xf32>
    %get3A_8 = vector.shape_cast %get3A_7 : vector<1x1024x128xf32> to vector<1024x128xf32>
    %add3A = arith.addf %get3A_3, %get3A_8 : vector<1024x128xf32>
    %get3A_9 = arith.constant 0 : index
    %get3A_10 = arith.constant 0 : index
    %get3A_11 = arith.constant 0 : index
    %get3A_12 = vector.load %arg2[%get3A_9, %get3A_10, %get3A_11] : memref<2x1024x128xf32, #tpu.memory_space<vmem>>, vector<1x1024x128xf32>
    %get3A_13 = vector.shape_cast %get3A_12 : vector<1x1024x128xf32> to vector<1024x128xf32>
    %get3A_14 = arith.constant 1 : index
    %get3A_15 = arith.constant 0 : index
    %get3A_16 = arith.constant 0 : index
    %get3A_17 = vector.load %arg2[%get3A_14, %get3A_15, %get3A_16] : memref<2x1024x128xf32, #tpu.memory_space<vmem>>, vector<1x1024x128xf32>
    %get3A_18 = vector.shape_cast %get3A_17 : vector<1x1024x128xf32> to vector<1024x128xf32>
    %add3A_19 = arith.addf %get3A_13, %get3A_18 : vector<1024x128xf32>
    %slice3A = vector.extract_strided_slice %add3A_19 {offsets = [0, 0], sizes = [1024, 1], strides = [1, 1]} : vector<1024x128xf32> to vector<1024x1xf32>
    %max3A = arith.constant 1.000000e+00 : f32
    %max3A_20 = vector.broadcast %max3A : f32 to vector<1024x1xf32>
    %max3A_21 = arith.maximumf %slice3A, %max3A_20 : vector<1024x1xf32>
    %div3A = vector.broadcast %max3A_21 : vector<1024x1xf32> to vector<1024x128xf32>
    %div3A_22 = arith.divf %add3A, %div3A : vector<1024x128xf32>
    %get3A_23 = arith.constant 0 : index
    %get3A_24 = arith.constant 0 : index
    %get3A_25 = vector.load %arg4[%get3A_23, %get3A_24] : memref<128x128xf32, #tpu.memory_space<vmem>>, vector<128x128xf32>
    %dot_general3A = arith.constant dense<0.000000e+00> : vector<1024x128xf32>
    %dot_general3A_26 = tpu.matmul %div3A_22, %get3A_25, %dot_general3A {dimension_numbers = #tpu.dot_dimension_numbers<[1], [0], [0], [1], [0, 0, 1, 1], [], []>, transpose_lhs_hint = false} : vector<1024x128xf32>, vector<128x128xf32>, vector<1024x128xf32> -> vector<1024x128xf32>
    %get3A_27 = arith.constant 0 : index
    %get3A_28 = arith.constant 0 : index
    %get3A_29 = vector.load %arg5[%get3A_27, %get3A_28] : memref<1x128xf32, #tpu.memory_space<vmem>>, vector<1x128xf32>
    %add3A_30 = vector.broadcast %get3A_29 : vector<1x128xf32> to vector<1024x128xf32>
    %add3A_31 = arith.addf %dot_general3A_26, %add3A_30 : vector<1024x128xf32>
    %get3A_32 = arith.constant 0 : index
    %get3A_33 = arith.constant 0 : index
    %get3A_34 = vector.load %arg3[%get3A_32, %get3A_33] : memref<1024x128xf32, #tpu.memory_space<vmem>>, vector<1024x128xf32>
    %get3A_35 = arith.constant 0 : index
    %get3A_36 = arith.constant 0 : index
    %get3A_37 = vector.load %arg6[%get3A_35, %get3A_36] : memref<128x128xf32, #tpu.memory_space<vmem>>, vector<128x128xf32>
    %dot_general3A_38 = arith.constant dense<0.000000e+00> : vector<1024x128xf32>
    %dot_general3A_39 = tpu.matmul %get3A_34, %get3A_37, %dot_general3A_38 {dimension_numbers = #tpu.dot_dimension_numbers<[1], [0], [0], [1], [0, 0, 1, 1], [], []>, transpose_lhs_hint = false} : vector<1024x128xf32>, vector<128x128xf32>, vector<1024x128xf32> -> vector<1024x128xf32>
    %add3A_40 = arith.addf %add3A_31, %dot_general3A_39 : vector<1024x128xf32>
    %reduce_sum3A = arith.constant dense<0.000000e+00> : vector<1024xf32>
    %reduce_sum3A_41 = vector.multi_reduction <add>, %add3A_40, %reduce_sum3A [1] : vector<1024x128xf32> to vector<1024xf32>
    %broadcast_in_dim3A = vector.shape_cast %reduce_sum3A_41 : vector<1024xf32> to vector<1024x1xf32>
    %div3A_42 = arith.constant 1.280000e+02 : f32
    %div3A_43 = vector.broadcast %div3A_42 : f32 to vector<1024x1xf32>
    %div3A_44 = arith.divf %broadcast_in_dim3A, %div3A_43 : vector<1024x1xf32>
    %sub3A = vector.broadcast %div3A_44 : vector<1024x1xf32> to vector<1024x128xf32>
    %sub3A_45 = arith.subf %add3A_40, %sub3A : vector<1024x128xf32>
    %integer_pow3A = arith.mulf %sub3A_45, %sub3A_45 : vector<1024x128xf32>
    %reduce_sum3A_46 = arith.constant dense<0.000000e+00> : vector<1024xf32>
    %reduce_sum3A_47 = vector.multi_reduction <add>, %integer_pow3A, %reduce_sum3A_46 [1] : vector<1024x128xf32> to vector<1024xf32>
    %broadcast_in_dim3A_48 = vector.shape_cast %reduce_sum3A_47 : vector<1024xf32> to vector<1024x1xf32>
    %div3A_49 = arith.constant 1.280000e+02 : f32
    %div3A_50 = vector.broadcast %div3A_49 : f32 to vector<1024x1xf32>
    %div3A_51 = arith.divf %broadcast_in_dim3A_48, %div3A_50 : vector<1024x1xf32>
    %sub3A_52 = vector.broadcast %div3A_44 : vector<1024x1xf32> to vector<1024x128xf32>
    %sub3A_53 = arith.subf %add3A_40, %sub3A_52 : vector<1024x128xf32>
    %add3A_54 = arith.constant 9.99999974E-6 : f32
    %add3A_55 = vector.broadcast %add3A_54 : f32 to vector<1024x1xf32>
    %add3A_56 = arith.addf %div3A_51, %add3A_55 : vector<1024x1xf32>
    %sqrt3A = math.sqrt %add3A_56 : vector<1024x1xf32>
    %div3A_57 = vector.broadcast %sqrt3A : vector<1024x1xf32> to vector<1024x128xf32>
    %div3A_58 = arith.divf %sub3A_53, %div3A_57 : vector<1024x128xf32>
    %get3A_59 = arith.constant 0 : index
    %get3A_60 = arith.constant 0 : index
    %get3A_61 = vector.load %arg7[%get3A_59, %get3A_60] : memref<1x128xf32, #tpu.memory_space<vmem>>, vector<1x128xf32>
    %mul3A = vector.broadcast %get3A_61 : vector<1x128xf32> to vector<1024x128xf32>
    %mul3A_62 = arith.mulf %div3A_58, %mul3A : vector<1024x128xf32>
    %get3A_63 = arith.constant 0 : index
    %get3A_64 = arith.constant 0 : index
    %get3A_65 = vector.load %arg8[%get3A_63, %get3A_64] : memref<1x128xf32, #tpu.memory_space<vmem>>, vector<1x128xf32>
    %add3A_66 = vector.broadcast %get3A_65 : vector<1x128xf32> to vector<1024x128xf32>
    %add3A_67 = arith.addf %mul3A_62, %add3A_66 : vector<1024x128xf32>
    %max3A_68 = arith.constant 0.000000e+00 : f32
    %max3A_69 = vector.broadcast %max3A_68 : f32 to vector<1024x128xf32>
    %max3A_70 = arith.maximumf %add3A_67, %max3A_69 : vector<1024x128xf32>
    %get3A_71 = arith.constant 0 : index
    %get3A_72 = arith.constant 0 : index
    %get3A_73 = vector.load %arg9[%get3A_71, %get3A_72] : memref<1024x128xf32, #tpu.memory_space<vmem>>, vector<1024x128xf32>
    %add3A_74 = arith.addf %max3A_70, %get3A_73 : vector<1024x128xf32>
    %get3A_75 = arith.constant 0 : index
    %get3A_76 = arith.constant 0 : index
    %get3A_77 = vector.load %arg10[%get3A_75, %get3A_76] : memref<128x64xf32, #tpu.memory_space<vmem>>, vector<128x64xf32>
    %dot_general3A_78 = arith.constant dense<0.000000e+00> : vector<1024x64xf32>
    %dot_general3A_79 = tpu.matmul %add3A_74, %get3A_77, %dot_general3A_78 {dimension_numbers = #tpu.dot_dimension_numbers<[1], [0], [0], [1], [0, 0, 1, 1], [], []>, transpose_lhs_hint = false} : vector<1024x128xf32>, vector<128x64xf32>, vector<1024x64xf32> -> vector<1024x64xf32>
    %get3A_80 = arith.constant 0 : index
    %get3A_81 = arith.constant 0 : index
    %get3A_82 = vector.load %arg11[%get3A_80, %get3A_81] : memref<1x64xf32, #tpu.memory_space<vmem>>, vector<1x64xf32>
    %add3A_83 = vector.broadcast %get3A_82 : vector<1x64xf32> to vector<1024x64xf32>
    %add3A_84 = arith.addf %dot_general3A_79, %add3A_83 : vector<1024x64xf32>
    %max3A_85 = arith.constant 0.000000e+00 : f32
    %max3A_86 = vector.broadcast %max3A_85 : f32 to vector<1024x64xf32>
    %max3A_87 = arith.maximumf %add3A_84, %max3A_86 : vector<1024x64xf32>
    %get3A_88 = arith.constant 0 : index
    %get3A_89 = arith.constant 0 : index
    %get3A_90 = vector.load %arg12[%get3A_88, %get3A_89] : memref<64x1xf32, #tpu.memory_space<vmem>>, vector<64x1xf32>
    %dot_general3A_91 = arith.constant dense<0.000000e+00> : vector<1024x1xf32>
    %dot_general3A_92 = tpu.matmul %max3A_87, %get3A_90, %dot_general3A_91 {dimension_numbers = #tpu.dot_dimension_numbers<[1], [0], [0], [1], [0, 0, 1, 1], [], []>, transpose_lhs_hint = false} : vector<1024x64xf32>, vector<64x1xf32>, vector<1024x1xf32> -> vector<1024x1xf32>
    %get3A_93 = arith.constant 0 : index
    %get3A_94 = arith.constant 0 : index
    %get3A_95 = vector.load %arg13[%get3A_93, %get3A_94] : memref<1x1xf32, #tpu.memory_space<vmem>>, vector<1x1xf32>
    %add3A_96 = vector.broadcast %get3A_95 : vector<1x1xf32> to vector<1024x1xf32>
    %add3A_97 = arith.addf %dot_general3A_92, %add3A_96 : vector<1024x1xf32>
    %swap3A = arith.constant 0 : index
    %swap3A_98 = arith.constant 0 : index
    %swap3A_99 = vector.load %arg14[%swap3A, %swap3A_98] : memref<1024x1xf32, #tpu.memory_space<vmem>>, vector<1024x1xf32>
    tpu.vector_store %arg14[%swap3A, %swap3A_98], %add3A_97 {strides = array<i32>} : memref<1024x1xf32, #tpu.memory_space<vmem>>, vector<1024x1xf32>,
    return
  }
  func.func @transform_0(%arg0: i32) -> (i32, i32, i32) {
    %c0_i32 = arith.constant 0 : i32
    %c0_i32_0 = arith.constant 0 : i32
    %c0_i32_1 = arith.constant 0 : i32
    return %c0_i32, %arg0, %c0_i32_0 : i32, i32, i32
  }
  func.func @transform_1(%arg0: i32) -> (i32, i32, i32) {
    %c0_i32 = arith.constant 0 : i32
    %c0_i32_0 = arith.constant 0 : i32
    %c0_i32_1 = arith.constant 0 : i32
    return %c0_i32, %arg0, %c0_i32_0 : i32, i32, i32
  }
  func.func @transform_2(%arg0: i32) -> (i32, i32) {
    %c0_i32 = arith.constant 0 : i32
    %c0_i32_0 = arith.constant 0 : i32
    return %arg0, %c0_i32 : i32, i32
  }
  func.func @transform_3(%arg0: i32) -> (i32, i32) {
    %c0_i32 = arith.constant 0 : i32
    %c0_i32_0 = arith.constant 0 : i32
    %c0_i32_1 = arith.constant 0 : i32
    return %c0_i32, %c0_i32_0 : i32, i32
  }
  func.func @transform_4(%arg0: i32) -> (i32, i32) {
    %c0_i32 = arith.constant 0 : i32
    %c0_i32_0 = arith.constant 0 : i32
    %c0_i32_1 = arith.constant 0 : i32
    return %c0_i32, %c0_i32_0 : i32, i32
  }
  func.func @transform_5(%arg0: i32) -> (i32, i32) {
    %c0_i32 = arith.constant 0 : i32
    %c0_i32_0 = arith.constant 0 : i32
    %c0_i32_1 = arith.constant 0 : i32
    return %c0_i32, %c0_i32_0 : i32, i32
  }
  func.func @transform_6(%arg0: i32) -> (i32, i32) {
    %c0_i32 = arith.constant 0 : i32
    %c0_i32_0 = arith.constant 0 : i32
    %c0_i32_1 = arith.constant 0 : i32
    return %c0_i32, %c0_i32_0 : i32, i32
  }
  func.func @transform_7(%arg0: i32) -> (i32, i32) {
    %c0_i32 = arith.constant 0 : i32
    %c0_i32_0 = arith.constant 0 : i32
    %c0_i32_1 = arith.constant 0 : i32
    return %c0_i32, %c0_i32_0 : i32, i32
  }
  func.func @transform_8(%arg0: i32) -> (i32, i32) {
    %c0_i32 = arith.constant 0 : i32
    %c0_i32_0 = arith.constant 0 : i32
    return %arg0, %c0_i32 : i32, i32
  }
  func.func @transform_9(%arg0: i32) -> (i32, i32) {
    %c0_i32 = arith.constant 0 : i32
    %c0_i32_0 = arith.constant 0 : i32
    %c0_i32_1 = arith.constant 0 : i32
    return %c0_i32, %c0_i32_0 : i32, i32
  }
  func.func @transform_10(%arg0: i32) -> (i32, i32) {
    %c0_i32 = arith.constant 0 : i32
    %c0_i32_0 = arith.constant 0 : i32
    %c0_i32_1 = arith.constant 0 : i32
    return %c0_i32, %c0_i32_0 : i32, i32
  }
  func.func @transform_11(%arg0: i32) -> (i32, i32) {
    %c0_i32 = arith.constant 0 : i32
    %c0_i32_0 = arith.constant 0 : i32
    %c0_i32_1 = arith.constant 0 : i32
    return %c0_i32, %c0_i32_0 : i32, i32
  }
  func.func @transform_12(%arg0: i32) -> (i32, i32) {
    %c0_i32 = arith.constant 0 : i32
    %c0_i32_0 = arith.constant 0 : i32
    %c0_i32_1 = arith.constant 0 : i32
    return %c0_i32, %c0_i32_0 : i32, i32
  }
  func.func @transform_13(%arg0: i32) -> (i32, i32) {
    %c0_i32 = arith.constant 0 : i32
    %c0_i32_0 = arith.constant 0 : i32
    return %arg0, %c0_i32 : i32, i32
  }
}

</mosaic_0001>

<sc_bundles>
// kernel: kernel.11.cloned.1.call-start
scs
__scs_entry_jumppad:
0x0: {  	(pc) =	sbr.rel $0x88, $3  }
0x1: {  	(tag) =	ssettag $0x0;
	lr =	simm.s32 $0x1  }
0x2: {  	[smem:$0x3F8F] =	sst lr;
	_ =	strace $0xD0000000  }
0x3: {  	_ = 	snop  }
0x4: {  	_ = 	snop  }
0x5: {  	_ = 	snop  }
0x6: {  	_ = 	snop  }
0x7: {  	_ = 	snop  }
__scs_overlays_trampoline_lowered:
0x8: {  	[smem:$0x3F9E] =	sst s0  }
0x9: {  	[smem:$0x3F9F] =	sst s1  }
0xa: {  	[smem:$0x3FA0] =	sst s2  }
0xb: {  	[smem:$0x3FA1] =	sst s3  }
0xc: {  	[smem:$0x3FA2] =	sst s4  }
0xd: {  	[smem:$0x3FA3] =	sst s5  }
0xe: {  	[smem:$0x3FA4] =	sst s6  }
0xf: {  	[smem:$0x3FA5] =	sst s7  }
0x10: {  	[smem:$0x3FA6] =	sst s8  }
0x11: {  	[smem:$0x3FA7] =	sst s9;
	s0 =	simm.s32 @!p0 $0x0  }
0x12: {  	s1 =	sld [smem:$0x3F8D];
	s0 =	simm.s32 @p0 $0x1  }
0x13: {  	[smem:$0x3FA8] =	sst s0;
	s0 =	simm.s32 @!p1 $0x0  }
0x14: {  	s2 =	sld [smem:$0x3F8C];
	s0 =	simm.s32 @p1 $0x1  }
0x15: {  	[smem:$0x3FA9] =	sst s0;
	s0 =	simm.s32 @!p2 $0x0  }
0x16: {  	s3 =	sld [smem:$0x3FDB];
	s0 =	simm.s32 @p2 $0x1  }
0x17: {  	s4 =	simm.s32 $0x1BF5;
	[smem:$0x3FAB] =	sst s0  }
0x18: {  	s0 =	sld [smem:$0x3F8E];
	_ =	swait.ge [sflag:s4], $0x0  }
0x19: {  	s7 =	sld [smem:$0x3F8F]  }
0x1a: {  	s8 =	sadd.s32 $0xFFFFE003, lr  }
0x1b: {  	s9 =	sadd.s32 $0xFFFFFEF7, lr;
	s5 =	simm.s32 $0xFFFFFFFF;
	p2 =	slt.u32 s8, $0xFFFFF086  }
0x1c: {  	p1 =	slt.u32 s9, $0xF7A;
	s5 =	simm.s32 @!p2 $0x0  }
0x1d: {  	s5 =	simm.s32 @p1 $0x1;
	p0 =	seq.s32 s7, s2  }
0x1e: {  	s7 =	smul.u32 @!p0 $0xF7A, s2;
	p2 =	seq.s32 @!p0 s5, $0x0  }
0x1f: {  	s9 =	smul.u32 $0xF7A, s1;
	s8 =	simm.s32 @!p0 $0x1BF5;
	p2 =	por !p2, p0  }
0x20: {  	[sflag:s8] =	ssyncset.s32 @!p0 $0xFFFFF086;
	s6 =	sadd.s32 @!p0 s3, s7;
	s7 =	simm.s32 @!p0 $0x108  }
0x21: {  	s3 =	sadd.s32 s3, s9;
	s6 =	sadd.s32 @!p0 $0x88, s6;
	s7 =	simm.s32 @p2 $0x1082  }
0x22: {  	[simem:s7], [sflag:s8] =	dma.local @!p0 [hbm:s6], $0xF7A  }
0x23: {  	s9 =	sor.u32 $0xD0000000, s2;
	s6 =	simm.s32 $0x108;
	_ =	swait.ge @!p0 [sflag:s8], $0x0  }
0x24: {  	s3 =	sadd.s32 $0x88, s3;
	s6 =	simm.s32 @!p1 $0x1082;
	[sflag:s4] =	ssyncset.s32 $0xFFFFF086  }
0x25: {  	[simem:s6], [sflag:s4] =	dma.local [hbm:s3], $0xF7A  }
0x26: {  	[smem:$0x3F8F] =	sst s1;
	(tag) =	ssettag s2;
	_ =	strace s9  }
0x27: {  	s1 =	sld [smem:$0x3F9F]  }
0x28: {  	s2 =	sld [smem:$0x3FA0]  }
0x29: {  	s4 =	sld [smem:$0x3FA2]  }
0x2a: {  	p0 =	seq.s32 s5, $0x0;
	s5 =	sld [smem:$0x3FA3]  }
0x2b: {  	s6 =	sld [smem:$0x3FA4]  }
0x2c: {  	s7 =	sld [smem:$0x3FA5]  }
0x2d: {  	s3 =	simm.s32 $0x108;
	s8 =	sld [smem:$0x3FA6]  }
0x2e: {  	s3 =	simm.s32 @!p0 $0x1082;
	s9 =	sld [smem:$0x3FA7]  }
0x2f: {  	lr =	sadd.s32 s0, s3;
	s0 =	sld [smem:$0x3F9E]  }
0x30: {  	s3 =	sld [smem:$0x3FA1]  }
0x31: {  	[smem:$0x3FAA] =	sst s10  }
0x32: {  	s10 =	sld [smem:$0x3FA8];
	_ =	sdelay $0x3  }
0x33: {  	p0 =	seq.s32 s10, $0x1;
	s10 =	sld [smem:$0x3FAA];
	_ =	sdelay $0x3  }
0x34: {  	[smem:$0x3FAA] =	sst s10  }
0x35: {  	s10 =	sld [smem:$0x3FA9];
	_ =	sdelay $0x3  }
0x36: {  	p1 =	seq.s32 s10, $0x1;
	s10 =	sld [smem:$0x3FAA];
	_ =	sdelay $0x3  }
0x37: {  	[smem:$0x3FAA] =	sst s10  }
0x38: {  	s10 =	sld [smem:$0x3FAB]  }
0x39: {  	_ = 	snop;
	(pc) =	sbr.ind lr, $3  }
0x3a: {  	_ = 	snop  }
0x3b: {  	_ = 	snop  }
0x3c: {  	p2 =	seq.s32 s10, $0x1;
	s10 =	sld [smem:$0x3FAA]  }
0x3d: {  	_ =	shalt  }
0x3e: {  	_ =	shalt  }
0x3f: {  	_ =	shalt  }
0x40: {  	_ =	shalt  }
0x41: {  	_ =	shalt  }
0x42: {  	_ =	shalt  }
0x43: {  	_ =	shalt  }
0x44: {  	_ =	shalt  }
0x45: {  	_ =	shalt  }
0x46: {  	_ =	shalt  }
0x47: {  	_ =	shalt  }
0x48: {  	_ =	shalt  }
0x49: {  	_ =	shalt  }
0x4a: {  	_ =	shalt  }
0x4b: {  	_ =	shalt  }
0x4c: {  	_ =	shalt  }
0x4d: {  	_ =	shalt  }
0x4e: {  	_ =	shalt  }
0x4f: {  	_ =	shalt  }
0x50: {  	_ =	shalt  }
0x51: {  	_ =	shalt  }
0x52: {  	_ =	shalt  }
0x53: {  	_ =	shalt  }
0x54: {  	_ =	shalt  }
0x55: {  	_ =	shalt  }
0x56: {  	_ =	shalt  }
0x57: {  	_ =	shalt  }
0x58: {  	_ =	shalt  }
0x59: {  	_ =	shalt  }
0x5a: {  	_ =	shalt  }
0x5b: {  	_ =	shalt  }
0x5c: {  	_ =	shalt  }
0x5d: {  	_ =	shalt  }
0x5e: {  	_ =	shalt  }
0x5f: {  	_ =	shalt  }
0x60: {  	_ =	shalt  }
0x61: {  	_ =	shalt  }
0x62: {  	_ =	shalt  }
0x63: {  	_ =	shalt  }
0x64: {  	_ =	shalt  }
0x65: {  	_ =	shalt  }
0x66: {  	_ =	shalt  }
0x67: {  	_ =	shalt  }
0x68: {  	_ =	shalt  }
0x69: {  	_ =	shalt  }
0x6a: {  	_ =	shalt  }
0x6b: {  	_ =	shalt  }
0x6c: {  	_ =	shalt  }
0x6d: {  	_ =	shalt  }
0x6e: {  	_ =	shalt  }
0x6f: {  	_ =	shalt  }
0x70: {  	_ =	shalt  }
0x71: {  	_ =	shalt  }
0x72: {  	_ =	shalt  }
0x73: {  	_ =	shalt  }
0x74: {  	_ =	shalt  }
0x75: {  	_ =	shalt  }
0x76: {  	_ =	shalt  }
0x77: {  	_ =	shalt  }
0x78: {  	_ =	shalt  }
0x79: {  	_ =	shalt  }
0x7a: {  	_ =	shalt  }
0x7b: {  	_ =	shalt  }
0x7c: {  	_ =	shalt  }
0x7d: {  	_ =	shalt  }
0x7e: {  	_ =	shalt  }
0x7f: {  	_ =	shalt  }
0x80: {  	_ =	shalt  }
0x81: {  	_ =	shalt  }
0x82: {  	_ =	shalt  }
0x83: {  	_ =	shalt  }
0x84: {  	_ =	shalt  }
0x85: {  	_ =	shalt  }
0x86: {  	_ =	shalt  }
0x87: {  	_ =	shalt  }
.Lfunc_end0:
.L_simem_size_0:
called_computation.1_lowered:
.L_overlay_start_0:
0x88: {  	s2 =	sld [smem:$0x3FD9]  }
0x89: {  	s3 =	sld [smem:$0x3FFE];
	_ =	sdelay $0x1  }
0x8a: {  	s1 =	srdreg.scid  }
0x8b: {  	s0 =	sand.u32 $0x1, s1  }
0x8c: {  	s16 =	sshll.u32 s0, $0xA;
	s2 =	sadd.s32 s3, s2  }
0x8d: {  	s2 =	sadd.s32 s2, s16  }
0x8e: {  	[smem:$0x3FB6] =	sst s2  }
0x8f: {  	_ = 	snop  }
0x90: {  	(tm) =	ssettm $0x1  }
0x91: {  	s17 =	sld [smem:$0x3FFB];
	_ =	sdelay $0x3  }
0x92: {  	_ =	strace s17  }
0x93: {  	s2 =	sld [smem:$0x3FFC];
	_ =	sdelay $0x3  }
0x94: {  	_ =	strace s2  }
0x95: {  	s2 =	sld [smem:$0x3FFD];
	_ =	sdelay $0x3  }
0x96: {  	_ =	strace s2  }
0x97: {  	_ =	strace $0x8FFFFFFF  }
0x98: {  	s18 =	sld [smem:$0x3FDB];
	_ =	sdelay $0x1  }
0x99: {  	s19 =	simm.s32 $_scs_section_size  }
0x9a: {  	s4 =	simm.s32 $_size__tile_overlayer_lowered;
	s5 =	simm.s32 $_tile_overlayer_lowered  }
0x9b: {  	s22 =	simm.s32 $0x1BFF;
	s21 =	sshll.u32 s5, $0x1;
	s2 =	sadd.s32 s19, s18  }
0x9c: {  	s6 =	simm.s32 $0x0;
	s20 =	sshll.u32 s4, $0x1;
	s4 =	sadd.s32 s21, s2  }
0x9d: {  	[timem:s6], [sflag:s22] =	dma.local [hbm:s4], s20  }
0x9e: {  	_ =	swait.ge [sflag:s22], s20  }
0x9f: {  	s3 =	ssub.s32 $0x0, s20;
	[sflag:s22] =	ssyncset.done $0x0  }
0xa0: {  	[sflag:s22] =	ssyncadd.s32 s3;
	_ =	sdelay $0x1  }
0xa1: {  	s23 =	simm.s32 $0x1B8B  }
0xa2: {  	_ =	swait.ge [sflag:s23], $0x1  }
0xa3: {  	[sflag:s23] =	ssyncset.done $0x0  }
0xa4: {  	s25 =	simm.s32 $0x1B8E;
	s24 =	sld [smem:$0x3FFE];
	[sflag:s23] =	ssyncadd.s32 $0xFFFFFFFF  }
0xa5: {  	s26 =	simm.s32 $execute0_lowered;
	[smem:$0x3FD2] =	sst s25  }
0xa6: {  	s4 =	sshll.u32 s26, $0x1;
	_ =	strace $0x80000046;
	[dreg:$0x1] =	wrdreg $0xFFFFFFFF  }
0xa7: {  	s28 =	simm.s32 $_size_execute0_lowered;
	s2 =	sadd.s32 s2, s4;
	[dreg:$0x0] =	wrdreg $0x0  }
0xa8: {  	s4 =	sshll.u32 s28, $0x1;
	[dreg:$0x2] =	wrdreg s2  }
0xa9: {  	[dreg:$0x3] =	wrdreg s4  }
0xaa: {  	[dreg:$0x4] =	wrdreg $0xC0  }
0xab: {  	_ =	task [dreg:s6], $0x5FFFF  }
0xac: {  	[dreg:$0x1] =	wrdreg $0xFFFFFFFF  }
0xad: {  	[dreg:$0x0] =	wrdreg $0x60  }
0xae: {  	[dreg:$0x2] =	wrdreg s24  }
0xaf: {  	[dreg:$0x3] =	wrdreg $0x90000  }
0xb0: {  	[dreg:$0x4] =	wrdreg $0xA  }
0xb1: {  	_ =	task.clear_ibuf [dreg:s6], $0x5FFFF;
	_ =	strace $0x90000046  }
0xb2: {  	s29 =	simm.s32 $0xA;
	_ =	strace $0x80000048  }
0xb3: {  	_ =	swait.ge [sflag:s29], $0x1  }
0xb4: {  	[sflag:s29] =	ssyncadd.s32 $0xFFFFFFFF  }
0xb5: {  	_ =	strace $0x90000048  }
0xb6: {  	_ =	sfence  }
0xb7: {  	s30 =	sld [smem:$0x0];
	_ =	sdelay $0x2  }
0xb8: {  	s31 =	sshll.u32 s1, $0xD;
	s1 =	sshrl.u32 s1, $0x2  }
0xb9: {  	s3 =	sand.u32 $0x4000, s31;
	s1 =	sadd.s32 s1, s30  }
0xba: {  	s0 =	sor.u32 s3, s0;
	s1 =	sshll.u32 s1, $0x11  }
0xbb: {  	s0 =	sor.u32 s1, s0  }
0xbc: {  	s0 =	sadd.s32 $0x8F2B, s0  }
0xbd: {  	[sflag:s0] =	ssyncadd.remote.s32 $0x1  }
0xbe: {  	_ =	sfence.sel $0xFFFF  }
0xbf: {  	[dreg:$0x0] =	wrdreg $0xFFFFFFFF;
	(pc) =	sbr.abs _section_cstart, $3  }
0xc0: {  	[dreg:$0x1] =	wrdreg $0xFFFFFFFF  }
0xc1: {  	_ =	task.clear_ibuf [dreg:s6], $0x2FFFF;
	_ =	strace $0x9FFFFFFF  }
0xc2: {  	(tm) =	ssettm $0x7FFFFFFF  }
0xc3: {  	_ =	shalt  }
tec
execute0_lowered:
.L_overlay_start_1:
0x0: {  	(tag) =	ssettag $0x1  }
0x1: {  	s0 =	rddreg [dreg:$0x0]  }
0x2: {  	s2 =	rddreg [dreg:$0x1];
	s3 =	simm.s32 $0x0;
	s15 =	stileid.u32  }
0x3: {  	s6 =	srdreg.scid;
	s28 =	simm.s32 $0x1;
	s29 =	simm.s32 $0x5000  }
0x4: {  	s30 =	simm.s32 $0x7000;
	s31 =	simm.s32 $0x2;
	[smem:$0x7FF] =	sst s3  }
0x5: {  	s1 =	smul.u32 $0x14000, s15;
	s4 =	sadd.s32 $0x2BA00, s0;
	s8 =	sadd.s32 $0x17A00, s0  }
0x6: {  	s6 =	sand.u32 $0x1, s6;
	s9 =	sadd.s32 $0x3A00, s0;
	s7 =	smul.u32 $0x50000, s15  }
0x7: {  	s25 =	sshll.u32 s15, $0x6;
	s22 =	smul.u32 $0x5000, s15;
	_ =	strace $0x80000047  }
0x8: {  	s10 =	sshll.u32 s6, $0x4;
	s11 =	ssub.s32 $0x2, s6;
	s26 =	smul.u32 $0x140000, s6  }
0x9: {  	s6 =	smul.u32 $0x50000, s6;
	s5 =	sshrl.u32 s1, $0x3;
	s10 =	sor.u32 s15, s10  }
0xa: {  	s12 =	sshrl.u32 s11, $0x1;
	s7 =	sshrl.u32 s7, $0x2;
	s17 =	sadd.s32 $0x4000, s1  }
0xb: {  	s14 =	sadd.s32 $0x8000, s1;
	s21 =	sadd.s32 $0xC000, s1;
	s5 =	sadd.s32 s5, s0  }
0xc: {  	s0 =	sadd.s32 $0x7BA00, s0;
	s10 =	smul.u32 $0x5000, s10;
	s11 =	ssub.s32 s11, s12  }
0xd: {  	s7 =	sadd.s32 s7, s2;
	s18 =	sadd.s32 s1, s26;
	s13 =	sadd.s32 s26, s17  }
0xe: {  	s20 =	sadd.s32 s26, s14;
	s23 =	sadd.s32 s26, s21;
	s1 =	sadd.s32 $0x10000, s1  }
0xf: {  	s6 =	sadd.s32 s22, s6;
	[dreg:$0x3] =	wrdreg s7;
	s5 =	sadd.s32 $0x53A00, s5  }
0x10: {  	s7 =	sor.u32 $0x1C06, s25;
	s13 =	sshrl.u32 s13, $0x3;
	s12 =	sadd.s32 s26, s1  }
0x11: {  	s6 =	sor.u32 $0x400, s6;
	s1 =	sadd.s32 s1, s2;
	s26 =	smax.u32 s11, $0x1  }
0x12: {  	[dreg:$0x4] =	wrdreg s5;
	s10 =	sshrl.u32 s10, $0x3;
	s19 =	sadd.s32 s0, s13  }
0x13: {  	s5 =	sadd.s32 s17, s2;
	s12 =	sshrl.u32 s12, $0x3;
	s25 =	sshrl.u32 s6, $0x3  }
0x14: {  	[dreg:$0xc] =	wrdreg s26;
	s26 =	simm.s32 $0x3000;
	s16 =	sadd.s32 s8, s10  }
0x15: {  	s10 =	sadd.s32 s9, s10;
	[dreg:$0x8] =	wrdreg s19;
	s9 =	sadd.s32 s25, s9  }
0x16: {  	s8 =	sadd.s32 s25, s8;
	s22 =	sshrl.u32 s5, $0x3;
	s25 =	sshrl.u32 s1, $0x3  }
0x17: {  	s1 =	simm.s32 $0x4;
	s19 =	simm.s32 $0x5;
	[dreg:$0x5] =	wrdreg s16  }
0x18: {  	s5 =	simm.s32 $0x0;
	[dreg:$0x6] =	wrdreg s10;
	s10 =	sshrl.u32 s18, $0x3  }
0x19: {  	s16 =	sadd.s32 s14, s2;
	s14 =	sshrl.u32 s23, $0x3;
	s10 =	sadd.s32 s0, s10  }
0x1a: {  	s24 =	sadd.s32 s0, s14;
	[dreg:$0x7] =	wrdreg s10;
	s10 =	sshrl.u32 s20, $0x3  }
0x1b: {  	s18 =	simm.s32 $0x6;
	[dreg:$0xa] =	wrdreg s24;
	s10 =	sadd.s32 s0, s10  }
0x1c: {  	s23 =	sshrl.u32 s16, $0x3;
	s0 =	sadd.s32 s0, s12;
	[dreg:$0x9] =	wrdreg s10  }
0x1d: {  	s20 =	simm.s32 $0x40;
	s10 =	sadd.s32 s21, s2;
	[dreg:$0xb] =	wrdreg s0  }
0x1e: {  	s21 =	simm.s32 $0x1000;
	s0 =	simm.s32 $0x3;
	s24 =	sshrl.u32 s10, $0x3  }
.LBB2_1:
0x1f: {  	s6 =	rddreg [dreg:$0x3]  }
0x20: {  	s10 =	rddreg [dreg:$0x4];
	s6 =	sshrl.u32 s6, $0x3  }
0x21: {  	[spmem:s6], [sflag:s7] =	dma.local [hbm:s10], $0x2800  }
0x22: {  	_ =	swait.ge [sflag:s18], $0x2800  }
0x23: {  	[sflag:s18] =	ssyncset.done $0x0  }
0x24: {  	[sflag:s18] =	ssyncadd.s32 $0xFFFFD800  }
0x25: {  	[bflag:$0x0] =	sbarrier.arrive $0xFFFF  }
0x26: {  	s16 =	rddreg [dreg:$0x5]  }
0x27: {  	[tilespmem:s3], [sflag:$0x6] =	stream.linear.gather [hbm4b:s16+s3], $0x400, $0x38;
	[tilespmem:$0x1D000] =	vst v63  }
0x28: {  	_ =	swait.ge [sflag:s18], $0x400  }
0x29: {  	[sflag:s18] =	ssyncset.done $0x0  }
0x2a: {  	s11 =	simm.s32 $0x800;
	s17 =	rddreg [dreg:$0x6];
	[sflag:s18] =	ssyncadd.s32 $0xFFFFFC00  }
0x2b: {  	[tilespmem:s11], [sflag:$0x6] =	stream.linear.gather [hbm4b:s17+s3], $0x400, $0x38;
	[tilespmem:$0x1D000] =	vst v63  }
0x2c: {  	_ =	swait.ge [sflag:s18], $0x400  }
0x2d: {  	s10 =	simm.s32 $0x0;
	[sflag:s18] =	ssyncset.done $0x0  }
0x2e: {  	s16 =	smov.u32 s9;
	s17 =	smov.u32 s8;
	[sflag:s18] =	ssyncadd.s32 $0xFFFFFC00  }
0x2f: {  	[tilespmem:s21], [sflag:$0x1] =	stream.indirect.gather [hbm4b:s4+s20], $0x80, s3, s20, $0xb8;
	[tilespmem:$0x1D000] =	vst v63  }
.LBB2_2:
0x30: {  	s13 =	sadd.s32 $0x1, s10  }
0x31: {  	p0 =	seq.s32 s10, $0x13;
	s11 =	sand.u32 $0x1, s13  }
0x32: {  	s12 =	simm.s32 @!p0 $0x0;
	s14 =	simm.s32 @!p0 $0x6;
	s11 =	sshll.u32 @!p0 s11, $0xA  }
0x33: {  	[tilespmem:s11], [sflag:$0x6] =	stream.linear.gather @!p0 [hbm4b:s17+s12], $0x400, $0x38;
	[tilespmem:$0x1D000] =	vst v63  }
0x34: {  	_ =	swait.ge @!p0 [sflag:s14], $0x400  }
0x35: {  	[sflag:s14] =	ssyncset.done @!p0 $0x0  }
0x36: {  	s15 =	sor.u32 @!p0 $0x800, s11;
	[sflag:s14] =	ssyncadd.s32 @!p0 $0xFFFFFC00  }
0x37: {  	[tilespmem:s15], [sflag:$0x6] =	stream.linear.gather @!p0 [hbm4b:s16+s12], $0x400, $0x38;
	[tilespmem:$0x1D000] =	vst v63  }
0x38: {  	_ =	swait.ge @!p0 [sflag:s14], $0x400  }
0x39: {  	p1 =	seq.s32 @!p0 s10, $0x0;
	[sflag:s14] =	ssyncset.done @!p0 $0x0  }
0x3a: {  	p1 =	por p0, !p1;
	[sflag:s14] =	ssyncadd.s32 @!p0 $0xFFFFFC00  }
0x3b: {  	s14 =	sand.u32 $0x1, s10;
	_ =	swait.ge @p1 [sflag:s0], $0x2000  }
0x3c: {  	s12 =	sshll.u32 s14, $0xA;
	[sflag:s0] =	ssyncset.done @p1 $0x0  }
0x3d: {  	s15 =	sor.u32 $0x80, s12;
	[sflag:s0] =	ssyncadd.s32 @p1 $0xFFFFE000  }
0x3e: {  	[tilespmem:s26], [sflag:$0x1] =	stream.indirect.gather [hbm4b:s4+s20], $0x80, s15, s20, $0xb8;
	[tilespmem:$0x1D000] =	vst v63  }
0x3f: {  	_ =	swait.ge [sflag:s28], $0x2000  }
0x40: {  	p1 =	seq.s32 s10, $0x0;
	[sflag:s28] =	ssyncset.done $0x0  }
0x41: {  	s15 =	sor.u32 $0x800, s12;
	s10 =	simm.s32 @!p1 $0x4;
	[sflag:s28] =	ssyncadd.s32 $0xFFFFE000  }
0x42: {  	[spmem:s2] =	stream.indirect.scatter.add.f32 [tilespmem:s21], [sflag:$0x2], $0x80, s15, s20, $0xb8;
	[tilespmem:$0x1D000] =	vst v63  }
0x43: {  	_ =	swait.ge @!p1 [sflag:s10], $0x2000  }
0x44: {  	[sflag:s10] =	ssyncset.done @!p1 $0x0  }
0x45: {  	s15 =	sadd.s32 $0x100, s12;
	[sflag:s10] =	ssyncadd.s32 @!p1 $0xFFFFE000  }
0x46: {  	[tilespmem:s29], [sflag:$0x1] =	stream.indirect.gather [hbm4b:s4+s20], $0x80, s15, s20, $0xb8;
	[tilespmem:$0x1D000] =	vst v63  }
0x47: {  	_ =	swait.ge [sflag:s28], $0x2000  }
0x48: {  	[sflag:s28] =	ssyncset.done $0x0  }
0x49: {  	s14 =	sadd.s32 $0x880, s12;
	s10 =	simm.s32 @!p1 $0x5;
	[sflag:s28] =	ssyncadd.s32 $0xFFFFE000  }
0x4a: {  	[spmem:s2] =	stream.indirect.scatter.add.f32 [tilespmem:s26], [sflag:$0x3], $0x80, s14, s20, $0xb8;
	[tilespmem:$0x1D000] =	vst v63  }
0x4b: {  	_ =	swait.ge @!p1 [sflag:s10], $0x2000  }
0x4c: {  	[sflag:s10] =	ssyncset.done @!p1 $0x0  }
0x4d: {  	s15 =	sadd.s32 $0x180, s12;
	[sflag:s10] =	ssyncadd.s32 @!p1 $0xFFFFE000  }
0x4e: {  	[tilespmem:s30], [sflag:$0x1] =	stream.indirect.gather [hbm4b:s4+s20], $0x80, s15, s20, $0xb8;
	[tilespmem:$0x1D000] =	vst v63  }
0x4f: {  	_ =	swait.ge [sflag:s28], $0x2000  }
0x50: {  	[sflag:s28] =	ssyncset.done $0x0  }
0x51: {  	s14 =	sadd.s32 $0x900, s12;
	[sflag:s28] =	ssyncadd.s32 $0xFFFFE000  }
0x52: {  	[spmem:s2] =	stream.indirect.scatter.add.f32 [tilespmem:s29], [sflag:$0x4], $0x80, s14, s20, $0xb8;
	[tilespmem:$0x1D000] =	vst v63  }
0x53: {  	_ =	swait.ge [sflag:s31], $0x2000  }
0x54: {  	[sflag:s31] =	ssyncset.done $0x0  }
0x55: {  	s15 =	sadd.s32 $0x200, s12;
	[sflag:s31] =	ssyncadd.s32 $0xFFFFE000  }
0x56: {  	[tilespmem:s21], [sflag:$0x1] =	stream.indirect.gather [hbm4b:s4+s20], $0x80, s15, s20, $0xb8;
	[tilespmem:$0x1D000] =	vst v63  }
0x57: {  	_ =	swait.ge [sflag:s28], $0x2000  }
0x58: {  	[sflag:s28] =	ssyncset.done $0x0  }
0x59: {  	s14 =	sadd.s32 $0x980, s12;
	[sflag:s28] =	ssyncadd.s32 $0xFFFFE000  }
0x5a: {  	[spmem:s2] =	stream.indirect.scatter.add.f32 [tilespmem:s30], [sflag:$0x5], $0x80, s14, s20, $0xb8;
	[tilespmem:$0x1D000] =	vst v63  }
0x5b: {  	_ =	swait.ge [sflag:s0], $0x2000  }
0x5c: {  	[sflag:s0] =	ssyncset.done $0x0  }
0x5d: {  	s15 =	sadd.s32 $0x280, s12;
	[sflag:s0] =	ssyncadd.s32 $0xFFFFE000  }
0x5e: {  	[tilespmem:s26], [sflag:$0x1] =	stream.indirect.gather [hbm4b:s4+s20], $0x80, s15, s20, $0xb8;
	[tilespmem:$0x1D000] =	vst v63  }
0x5f: {  	_ =	swait.ge [sflag:s28], $0x2000  }
0x60: {  	[sflag:s28] =	ssyncset.done $0x0  }
0x61: {  	s14 =	sadd.s32 $0xA00, s12;
	[sflag:s28] =	ssyncadd.s32 $0xFFFFE000  }
0x62: {  	[spmem:s2] =	stream.indirect.scatter.add.f32 [tilespmem:s21], [sflag:$0x2], $0x80, s14, s20, $0xb8;
	[tilespmem:$0x1D000] =	vst v63  }
0x63: {  	_ =	swait.ge [sflag:s1], $0x2000  }
0x64: {  	[sflag:s1] =	ssyncset.done $0x0  }
0x65: {  	s15 =	sadd.s32 $0x300, s12;
	[sflag:s1] =	ssyncadd.s32 $0xFFFFE000  }
0x66: {  	[tilespmem:s29], [sflag:$0x1] =	stream.indirect.gather [hbm4b:s4+s20], $0x80, s15, s20, $0xb8;
	[tilespmem:$0x1D000] =	vst v63  }
0x67: {  	_ =	swait.ge [sflag:s28], $0x2000  }
0x68: {  	[sflag:s28] =	ssyncset.done $0x0  }
0x69: {  	s14 =	sadd.s32 $0xA80, s12;
	[sflag:s28] =	ssyncadd.s32 $0xFFFFE000  }
0x6a: {  	[spmem:s2] =	stream.indirect.scatter.add.f32 [tilespmem:s26], [sflag:$0x3], $0x80, s14, s20, $0xb8;
	[tilespmem:$0x1D000] =	vst v63  }
0x6b: {  	_ =	swait.ge [sflag:s19], $0x2000  }
0x6c: {  	[sflag:s19] =	ssyncset.done $0x0  }
0x6d: {  	s15 =	sadd.s32 $0x380, s12;
	[sflag:s19] =	ssyncadd.s32 $0xFFFFE000  }
0x6e: {  	[tilespmem:s30], [sflag:$0x1] =	stream.indirect.gather [hbm4b:s4+s20], $0x80, s15, s20, $0xb8;
	[tilespmem:$0x1D000] =	vst v63  }
0x6f: {  	_ =	swait.ge [sflag:s28], $0x2000  }
0x70: {  	[sflag:s28] =	ssyncset.done $0x0  }
0x71: {  	s14 =	sadd.s32 $0xB00, s12;
	[sflag:s28] =	ssyncadd.s32 $0xFFFFE000  }
0x72: {  	[spmem:s2] =	stream.indirect.scatter.add.f32 [tilespmem:s29], [sflag:$0x4], $0x80, s14, s20, $0xb8;
	[tilespmem:$0x1D000] =	vst v63  }
0x73: {  	_ =	swait.ge [sflag:s31], $0x2000  }
0x74: {  	[sflag:s31] =	ssyncset.done $0x0  }
0x75: {  	s10 =	simm.s32 @!p0 $0x40;
	s14 =	simm.s32 @!p0 $0x1000;
	[sflag:s31] =	ssyncadd.s32 $0xFFFFE000  }
0x76: {  	[tilespmem:s14], [sflag:$0x1] =	stream.indirect.gather @!p0 [hbm4b:s4+s10], $0x80, s11, s10, $0xb8;
	[tilespmem:$0x1D000] =	vst v63  }
0x77: {  	p0 =	sne.s32 s13, $0x14  }
.Ltmp0:
0x78: {  	_ = 	snop;
	(pc) =	sbr.rel @p0 .LBB2_2-.Ltmp0, $4  }
0x79: {  	_ =	swait.ge [sflag:s28], $0x2000  }
0x7a: {  	s17 =	sadd.s32 $0x80, s17;
	s16 =	sadd.s32 $0x80, s16;
	[sflag:s28] =	ssyncset.done $0x0  }
0x7b: {  	s15 =	sadd.s32 $0xB80, s12;
	s10 =	smov.u32 s13;
	[sflag:s28] =	ssyncadd.s32 $0xFFFFE000  }
0x7c: {  	[spmem:s2] =	stream.indirect.scatter.add.f32 [tilespmem:s30], [sflag:$0x5], $0x80, s15, s20, $0xb8;
	[tilespmem:$0x1D000] =	vst v63  }
0x7d: {  	_ =	swait.ge [sflag:s0], $0x2000  }
0x7e: {  	[sflag:s0] =	ssyncset.done $0x0  }
0x7f: {  	[sflag:s0] =	ssyncadd.s32 $0xFFFFE000  }
0x80: {  	_ =	swait.ge [sflag:s1], $0x2000  }
0x81: {  	[sflag:s1] =	ssyncset.done $0x0  }
0x82: {  	[sflag:s1] =	ssyncadd.s32 $0xFFFFE000  }
0x83: {  	_ =	swait.ge [sflag:s19], $0x2000  }
0x84: {  	[sflag:s19] =	ssyncset.done $0x0  }
0x85: {  	[sflag:s19] =	ssyncadd.s32 $0xFFFFE000  }
0x86: {  	[bflag:$0x0] =	sbarrier.arrive $0xFFFF  }
0x87: {  	s10 =	rddreg [dreg:$0x7]  }
0x88: {  	[hbm:s10], [sflag:s7] =	dma.local [spmem:s6], $0x800  }
0x89: {  	_ =	swait.ge [sflag:s18], $0x800  }
0x8a: {  	[sflag:s18] =	ssyncset.done $0x0  }
0x8b: {  	s13 =	rddreg [dreg:$0x8];
	[sflag:s18] =	ssyncadd.s32 $0xFFFFF800  }
0x8c: {  	[hbm:s13], [sflag:s7] =	dma.local [spmem:s22], $0x800  }
0x8d: {  	_ =	swait.ge [sflag:s18], $0x800  }
0x8e: {  	[sflag:s18] =	ssyncset.done $0x0  }
0x8f: {  	s14 =	rddreg [dreg:$0x9];
	[sflag:s18] =	ssyncadd.s32 $0xFFFFF800  }
0x90: {  	[hbm:s14], [sflag:s7] =	dma.local [spmem:s23], $0x800  }
0x91: {  	_ =	swait.ge [sflag:s18], $0x800  }
0x92: {  	[sflag:s18] =	ssyncset.done $0x0  }
0x93: {  	s15 =	rddreg [dreg:$0xa];
	[sflag:s18] =	ssyncadd.s32 $0xFFFFF800  }
0x94: {  	[hbm:s15], [sflag:s7] =	dma.local [spmem:s24], $0x800  }
0x95: {  	_ =	swait.ge [sflag:s18], $0x800  }
0x96: {  	[sflag:s18] =	ssyncset.done $0x0  }
0x97: {  	s16 =	rddreg [dreg:$0xb];
	[sflag:s18] =	ssyncadd.s32 $0xFFFFF800  }
0x98: {  	[hbm:s16], [sflag:s7] =	dma.local [spmem:s25], $0x800  }
0x99: {  	_ =	swait.ge [sflag:s18], $0x800  }
0x9a: {  	s5 =	sadd.s32 $0x1, s5;
	s17 =	rddreg [dreg:$0xc]  }
0x9b: {  	p0 =	sne.s32 s5, s17  }
.Ltmp1:
0x9c: {  	_ = 	snop;
	(pc) =	sbr.rel @p0 .LBB2_1-.Ltmp1, $3  }
0x9d: {  	_ =	sdelay $0x1  }
0x9e: {  	[sflag:s18] =	ssyncset.done $0x0  }
0x9f: {  	[sflag:s18] =	ssyncadd.s32 $0xFFFFF800  }
0xa0: {  	_ =	sfence.sel $0x180000  }
0xa1: {  	[bflag:$0x0] =	sbarrier.arrive $0xFFFF  }
0xa2: {  	_ =	strace $0x90000047  }
0xa3: {  	s0 =	stileid.u32;
	[bflag:$0x2] =	sbarrier.arrive $0xFFFF  }
0xa4: {  	p0 =	sne.s32 s0, $0x0;
	s0 =	rddreg [dreg:$0x2]  }
0xa5: {  	s0 =	sadd.s32 @!p0 $0x100000, s0  }
0xa6: {  	[sflag:s0] =	ssyncadd.tile.s32 @!p0 $0x1;
	_ =	shalt  }
.Lfunc_end2:
_tile_overlayer_lowered:
.L_overlay_start_2:
0xa7: {  	(tag) =	ssettag $0x2  }
0xa8: {  	s0 =	rddreg [dreg:$0x0];
	s2 =	stileid.u32  }
0xa9: {  	s1 =	rddreg [dreg:$0x1];
	p0 =	sne.s32 s2, $0x0  }
0xaa: {  	s3 =	rddreg [dreg:$0x2];
	[bflag:$0x3] =	sbarrier.arrive $0xFFFF;
	s2 =	simm.s32 @!p0 $0x1C06  }
0xab: {  	[timem:s3], [sflag:s2] =	dma.local @!p0 [hbm:s0], s1  }
0xac: {  	s0 =	simm.s32 @!p0 $0x6  }
0xad: {  	_ =	swait.ge @!p0 [sflag:s0], s1  }
0xae: {  	s1 =	ssub.s32 @!p0 $0x0, s1;
	[sflag:s0] =	ssyncset.done @!p0 $0x0  }
0xaf: {  	[sflag:s0] =	ssyncadd.s32 @!p0 s1  }
0xb0: {  	[bflag:$0x3] =	sbarrier.arrive $0xFFFF  }
0xb1: {  	_ =	shalt  }

// kernel: kernel.14.cloned.1.call-start
scs
__scs_entry_jumppad:
0x0: {  	(pc) =	sbr.rel $0x88, $3  }
0x1: {  	(tag) =	ssettag $0x0;
	lr =	simm.s32 $0x1  }
0x2: {  	[smem:$0x3F8F] =	sst lr;
	_ =	strace $0xD0000000  }
0x3: {  	_ = 	snop  }
0x4: {  	_ = 	snop  }
0x5: {  	_ = 	snop  }
0x6: {  	_ = 	snop  }
0x7: {  	_ = 	snop  }
__scs_overlays_trampoline_lowered:
0x8: {  	[smem:$0x3F9E] =	sst s0  }
0x9: {  	[smem:$0x3F9F] =	sst s1  }
0xa: {  	[smem:$0x3FA0] =	sst s2  }
0xb: {  	[smem:$0x3FA1] =	sst s3  }
0xc: {  	[smem:$0x3FA2] =	sst s4  }
0xd: {  	[smem:$0x3FA3] =	sst s5  }
0xe: {  	[smem:$0x3FA4] =	sst s6  }
0xf: {  	[smem:$0x3FA5] =	sst s7  }
0x10: {  	[smem:$0x3FA6] =	sst s8  }
0x11: {  	[smem:$0x3FA7] =	sst s9;
	s0 =	simm.s32 @!p0 $0x0  }
0x12: {  	s1 =	sld [smem:$0x3F8D];
	s0 =	simm.s32 @p0 $0x1  }
0x13: {  	[smem:$0x3FA8] =	sst s0;
	s0 =	simm.s32 @!p1 $0x0  }
0x14: {  	s2 =	sld [smem:$0x3F8C];
	s0 =	simm.s32 @p1 $0x1  }
0x15: {  	[smem:$0x3FA9] =	sst s0;
	s0 =	simm.s32 @!p2 $0x0  }
0x16: {  	s3 =	sld [smem:$0x3FDB];
	s0 =	simm.s32 @p2 $0x1  }
0x17: {  	s4 =	simm.s32 $0x1BF5;
	[smem:$0x3FAB] =	sst s0  }
0x18: {  	s0 =	sld [smem:$0x3F8E];
	_ =	swait.ge [sflag:s4], $0x0  }
0x19: {  	s7 =	sld [smem:$0x3F8F]  }
0x1a: {  	s8 =	sadd.s32 $0xFFFFE003, lr  }
0x1b: {  	s9 =	sadd.s32 $0xFFFFFEF7, lr;
	s5 =	simm.s32 $0xFFFFFFFF;
	p2 =	slt.u32 s8, $0xFFFFF086  }
0x1c: {  	p1 =	slt.u32 s9, $0xF7A;
	s5 =	simm.s32 @!p2 $0x0  }
0x1d: {  	s5 =	simm.s32 @p1 $0x1;
	p0 =	seq.s32 s7, s2  }
0x1e: {  	s7 =	smul.u32 @!p0 $0xF7A, s2;
	p2 =	seq.s32 @!p0 s5, $0x0  }
0x1f: {  	s9 =	smul.u32 $0xF7A, s1;
	s8 =	simm.s32 @!p0 $0x1BF5;
	p2 =	por !p2, p0  }
0x20: {  	[sflag:s8] =	ssyncset.s32 @!p0 $0xFFFFF086;
	s6 =	sadd.s32 @!p0 s3, s7;
	s7 =	simm.s32 @!p0 $0x108  }
0x21: {  	s3 =	sadd.s32 s3, s9;
	s6 =	sadd.s32 @!p0 $0x88, s6;
	s7 =	simm.s32 @p2 $0x1082  }
0x22: {  	[simem:s7], [sflag:s8] =	dma.local @!p0 [hbm:s6], $0xF7A  }
0x23: {  	s9 =	sor.u32 $0xD0000000, s2;
	s6 =	simm.s32 $0x108;
	_ =	swait.ge @!p0 [sflag:s8], $0x0  }
0x24: {  	s3 =	sadd.s32 $0x88, s3;
	s6 =	simm.s32 @!p1 $0x1082;
	[sflag:s4] =	ssyncset.s32 $0xFFFFF086  }
0x25: {  	[simem:s6], [sflag:s4] =	dma.local [hbm:s3], $0xF7A  }
0x26: {  	[smem:$0x3F8F] =	sst s1;
	(tag) =	ssettag s2;
	_ =	strace s9  }
0x27: {  	s1 =	sld [smem:$0x3F9F]  }
0x28: {  	s2 =	sld [smem:$0x3FA0]  }
0x29: {  	s4 =	sld [smem:$0x3FA2]  }
0x2a: {  	p0 =	seq.s32 s5, $0x0;
	s5 =	sld [smem:$0x3FA3]  }
0x2b: {  	s6 =	sld [smem:$0x3FA4]  }
0x2c: {  	s7 =	sld [smem:$0x3FA5]  }
0x2d: {  	s3 =	simm.s32 $0x108;
	s8 =	sld [smem:$0x3FA6]  }
0x2e: {  	s3 =	simm.s32 @!p0 $0x1082;
	s9 =	sld [smem:$0x3FA7]  }
0x2f: {  	lr =	sadd.s32 s0, s3;
	s0 =	sld [smem:$0x3F9E]  }
0x30: {  	s3 =	sld [smem:$0x3FA1]  }
0x31: {  	[smem:$0x3FAA] =	sst s10  }
0x32: {  	s10 =	sld [smem:$0x3FA8];
	_ =	sdelay $0x3  }
0x33: {  	p0 =	seq.s32 s10, $0x1;
	s10 =	sld [smem:$0x3FAA];
	_ =	sdelay $0x3  }
0x34: {  	[smem:$0x3FAA] =	sst s10  }
0x35: {  	s10 =	sld [smem:$0x3FA9];
	_ =	sdelay $0x3  }
0x36: {  	p1 =	seq.s32 s10, $0x1;
	s10 =	sld [smem:$0x3FAA];
	_ =	sdelay $0x3  }
0x37: {  	[smem:$0x3FAA] =	sst s10  }
0x38: {  	s10 =	sld [smem:$0x3FAB]  }
0x39: {  	_ = 	snop;
	(pc) =	sbr.ind lr, $3  }
0x3a: {  	_ = 	snop  }
0x3b: {  	_ = 	snop  }
0x3c: {  	p2 =	seq.s32 s10, $0x1;
	s10 =	sld [smem:$0x3FAA]  }
0x3d: {  	_ =	shalt  }
0x3e: {  	_ =	shalt  }
0x3f: {  	_ =	shalt  }
0x40: {  	_ =	shalt  }
0x41: {  	_ =	shalt  }
0x42: {  	_ =	shalt  }
0x43: {  	_ =	shalt  }
0x44: {  	_ =	shalt  }
0x45: {  	_ =	shalt  }
0x46: {  	_ =	shalt  }
0x47: {  	_ =	shalt  }
0x48: {  	_ =	shalt  }
0x49: {  	_ =	shalt  }
0x4a: {  	_ =	shalt  }
0x4b: {  	_ =	shalt  }
0x4c: {  	_ =	shalt  }
0x4d: {  	_ =	shalt  }
0x4e: {  	_ =	shalt  }
0x4f: {  	_ =	shalt  }
0x50: {  	_ =	shalt  }
0x51: {  	_ =	shalt  }
0x52: {  	_ =	shalt  }
0x53: {  	_ =	shalt  }
0x54: {  	_ =	shalt  }
0x55: {  	_ =	shalt  }
0x56: {  	_ =	shalt  }
0x57: {  	_ =	shalt  }
0x58: {  	_ =	shalt  }
0x59: {  	_ =	shalt  }
0x5a: {  	_ =	shalt  }
0x5b: {  	_ =	shalt  }
0x5c: {  	_ =	shalt  }
0x5d: {  	_ =	shalt  }
0x5e: {  	_ =	shalt  }
0x5f: {  	_ =	shalt  }
0x60: {  	_ =	shalt  }
0x61: {  	_ =	shalt  }
0x62: {  	_ =	shalt  }
0x63: {  	_ =	shalt  }
0x64: {  	_ =	shalt  }
0x65: {  	_ =	shalt  }
0x66: {  	_ =	shalt  }
0x67: {  	_ =	shalt  }
0x68: {  	_ =	shalt  }
0x69: {  	_ =	shalt  }
0x6a: {  	_ =	shalt  }
0x6b: {  	_ =	shalt  }
0x6c: {  	_ =	shalt  }
0x6d: {  	_ =	shalt  }
0x6e: {  	_ =	shalt  }
0x6f: {  	_ =	shalt  }
0x70: {  	_ =	shalt  }
0x71: {  	_ =	shalt  }
0x72: {  	_ =	shalt  }
0x73: {  	_ =	shalt  }
0x74: {  	_ =	shalt  }
0x75: {  	_ =	shalt  }
0x76: {  	_ =	shalt  }
0x77: {  	_ =	shalt  }
0x78: {  	_ =	shalt  }
0x79: {  	_ =	shalt  }
0x7a: {  	_ =	shalt  }
0x7b: {  	_ =	shalt  }
0x7c: {  	_ =	shalt  }
0x7d: {  	_ =	shalt  }
0x7e: {  	_ =	shalt  }
0x7f: {  	_ =	shalt  }
0x80: {  	_ =	shalt  }
0x81: {  	_ =	shalt  }
0x82: {  	_ =	shalt  }
0x83: {  	_ =	shalt  }
0x84: {  	_ =	shalt  }
0x85: {  	_ =	shalt  }
0x86: {  	_ =	shalt  }
0x87: {  	_ =	shalt  }
.Lfunc_end0:
.L_simem_size_0:
called_computation.2_lowered:
.L_overlay_start_0:
0x88: {  	s2 =	sld [smem:$0x3FD9]  }
0x89: {  	s3 =	sld [smem:$0x3FFE];
	_ =	sdelay $0x1  }
0x8a: {  	s1 =	srdreg.scid  }
0x8b: {  	s0 =	sand.u32 $0x1, s1  }
0x8c: {  	s16 =	sshll.u32 s0, $0xA;
	s2 =	sadd.s32 s3, s2  }
0x8d: {  	s2 =	sadd.s32 s2, s16  }
0x8e: {  	[smem:$0x3FB6] =	sst s2  }
0x8f: {  	_ = 	snop  }
0x90: {  	(tm) =	ssettm $0x1  }
0x91: {  	s17 =	sld [smem:$0x3FFB];
	_ =	sdelay $0x3  }
0x92: {  	_ =	strace s17  }
0x93: {  	s2 =	sld [smem:$0x3FFC];
	_ =	sdelay $0x3  }
0x94: {  	_ =	strace s2  }
0x95: {  	s2 =	sld [smem:$0x3FFD];
	_ =	sdelay $0x3  }
0x96: {  	_ =	strace s2  }
0x97: {  	_ =	strace $0x8FFFFFFF  }
0x98: {  	s18 =	sld [smem:$0x3FDB];
	_ =	sdelay $0x1  }
0x99: {  	s19 =	simm.s32 $_scs_section_size  }
0x9a: {  	s4 =	simm.s32 $_size__tile_overlayer_lowered;
	s5 =	simm.s32 $_tile_overlayer_lowered  }
0x9b: {  	s22 =	simm.s32 $0x1BFF;
	s21 =	sshll.u32 s5, $0x1;
	s2 =	sadd.s32 s19, s18  }
0x9c: {  	s6 =	simm.s32 $0x0;
	s20 =	sshll.u32 s4, $0x1;
	s4 =	sadd.s32 s21, s2  }
0x9d: {  	[timem:s6], [sflag:s22] =	dma.local [hbm:s4], s20  }
0x9e: {  	_ =	swait.ge [sflag:s22], s20  }
0x9f: {  	s3 =	ssub.s32 $0x0, s20;
	[sflag:s22] =	ssyncset.done $0x0  }
0xa0: {  	[sflag:s22] =	ssyncadd.s32 s3;
	_ =	sdelay $0x1  }
0xa1: {  	s23 =	simm.s32 $0x1B8B  }
0xa2: {  	_ =	swait.ge [sflag:s23], $0x1  }
0xa3: {  	[sflag:s23] =	ssyncset.done $0x0  }
0xa4: {  	s25 =	simm.s32 $0x1B8E;
	s24 =	sld [smem:$0x3FFE];
	[sflag:s23] =	ssyncadd.s32 $0xFFFFFFFF  }
0xa5: {  	s26 =	simm.s32 $execute0_lowered;
	[smem:$0x3FD2] =	sst s25  }
0xa6: {  	s4 =	sshll.u32 s26, $0x1;
	_ =	strace $0x8000004C;
	[dreg:$0x1] =	wrdreg $0xFFFFFFFF  }
0xa7: {  	s28 =	simm.s32 $_size_execute0_lowered;
	s2 =	sadd.s32 s2, s4;
	[dreg:$0x0] =	wrdreg $0x0  }
0xa8: {  	s4 =	sshll.u32 s28, $0x1;
	[dreg:$0x2] =	wrdreg s2  }
0xa9: {  	[dreg:$0x3] =	wrdreg s4  }
0xaa: {  	[dreg:$0x4] =	wrdreg $0xC0  }
0xab: {  	_ =	task [dreg:s6], $0x5FFFF  }
0xac: {  	[dreg:$0x1] =	wrdreg $0xFFFFFFFF  }
0xad: {  	[dreg:$0x0] =	wrdreg $0x60  }
0xae: {  	[dreg:$0x2] =	wrdreg s24  }
0xaf: {  	[dreg:$0x3] =	wrdreg $0x90000  }
0xb0: {  	[dreg:$0x4] =	wrdreg $0x9  }
0xb1: {  	_ =	task.clear_ibuf [dreg:s6], $0x5FFFF;
	_ =	strace $0x9000004C  }
0xb2: {  	s29 =	simm.s32 $0x9;
	_ =	strace $0x8000004E  }
0xb3: {  	_ =	swait.ge [sflag:s29], $0x1  }
0xb4: {  	[sflag:s29] =	ssyncadd.s32 $0xFFFFFFFF  }
0xb5: {  	_ =	strace $0x9000004E  }
0xb6: {  	_ =	sfence  }
0xb7: {  	s30 =	sld [smem:$0x0];
	_ =	sdelay $0x2  }
0xb8: {  	s31 =	sshll.u32 s1, $0xD;
	s1 =	sshrl.u32 s1, $0x2  }
0xb9: {  	s3 =	sand.u32 $0x4000, s31;
	s1 =	sadd.s32 s1, s30  }
0xba: {  	s0 =	sor.u32 s3, s0;
	s1 =	sshll.u32 s1, $0x11  }
0xbb: {  	s0 =	sor.u32 s1, s0  }
0xbc: {  	s0 =	sadd.s32 $0x8F2B, s0  }
0xbd: {  	[sflag:s0] =	ssyncadd.remote.s32 $0x1  }
0xbe: {  	_ =	sfence.sel $0xFFFF  }
0xbf: {  	[dreg:$0x0] =	wrdreg $0xFFFFFFFF;
	(pc) =	sbr.abs _section_cstart, $3  }
0xc0: {  	[dreg:$0x1] =	wrdreg $0xFFFFFFFF  }
0xc1: {  	_ =	task.clear_ibuf [dreg:s6], $0x2FFFF;
	_ =	strace $0x9FFFFFFF  }
0xc2: {  	(tm) =	ssettm $0x7FFFFFFF  }
0xc3: {  	_ =	shalt  }
tec
execute0_lowered:
.L_overlay_start_1:
0x0: {  	(tag) =	ssettag $0x1  }
0x1: {  	s0 =	rddreg [dreg:$0x0]  }
0x2: {  	s2 =	rddreg [dreg:$0x1];
	s3 =	simm.s32 $0x0;
	s15 =	stileid.u32  }
0x3: {  	s6 =	srdreg.scid;
	s28 =	simm.s32 $0x1;
	s29 =	simm.s32 $0x5000  }
0x4: {  	s30 =	simm.s32 $0x7000;
	s31 =	simm.s32 $0x2;
	[smem:$0x7FF] =	sst s3  }
0x5: {  	s1 =	smul.u32 $0x14000, s15;
	s4 =	sadd.s32 $0x2BA00, s0;
	s8 =	sadd.s32 $0x17A00, s0  }
0x6: {  	s6 =	sand.u32 $0x1, s6;
	s9 =	sadd.s32 $0x3A00, s0;
	s7 =	smul.u32 $0x50000, s15  }
0x7: {  	s25 =	sshll.u32 s15, $0x6;
	s22 =	smul.u32 $0x5000, s15;
	_ =	strace $0x8000004D  }
0x8: {  	s10 =	sshll.u32 s6, $0x4;
	s11 =	ssub.s32 $0x2, s6;
	s26 =	smul.u32 $0x140000, s6  }
0x9: {  	s6 =	smul.u32 $0x50000, s6;
	s5 =	sshrl.u32 s1, $0x3;
	s10 =	sor.u32 s15, s10  }
0xa: {  	s12 =	sshrl.u32 s11, $0x1;
	s7 =	sshrl.u32 s7, $0x2;
	s17 =	sadd.s32 $0x4000, s1  }
0xb: {  	s14 =	sadd.s32 $0x8000, s1;
	s21 =	sadd.s32 $0xC000, s1;
	s5 =	sadd.s32 s5, s0  }
0xc: {  	s0 =	sadd.s32 $0x7BA00, s0;
	s10 =	smul.u32 $0x5000, s10;
	s11 =	ssub.s32 s11, s12  }
0xd: {  	s7 =	sadd.s32 s7, s2;
	s18 =	sadd.s32 s1, s26;
	s13 =	sadd.s32 s26, s17  }
0xe: {  	s20 =	sadd.s32 s26, s14;
	s23 =	sadd.s32 s26, s21;
	s1 =	sadd.s32 $0x10000, s1  }
0xf: {  	s6 =	sadd.s32 s22, s6;
	[dreg:$0x3] =	wrdreg s7;
	s5 =	sadd.s32 $0x53A00, s5  }
0x10: {  	s7 =	sor.u32 $0x1C06, s25;
	s13 =	sshrl.u32 s13, $0x3;
	s12 =	sadd.s32 s26, s1  }
0x11: {  	s6 =	sor.u32 $0x400, s6;
	s1 =	sadd.s32 s1, s2;
	s26 =	smax.u32 s11, $0x1  }
0x12: {  	[dreg:$0x4] =	wrdreg s5;
	s10 =	sshrl.u32 s10, $0x3;
	s19 =	sadd.s32 s0, s13  }
0x13: {  	s5 =	sadd.s32 s17, s2;
	s12 =	sshrl.u32 s12, $0x3;
	s25 =	sshrl.u32 s6, $0x3  }
0x14: {  	[dreg:$0xc] =	wrdreg s26;
	s26 =	simm.s32 $0x3000;
	s16 =	sadd.s32 s8, s10  }
0x15: {  	s10 =	sadd.s32 s9, s10;
	[dreg:$0x8] =	wrdreg s19;
	s9 =	sadd.s32 s25, s9  }
0x16: {  	s8 =	sadd.s32 s25, s8;
	s22 =	sshrl.u32 s5, $0x3;
	s25 =	sshrl.u32 s1, $0x3  }
0x17: {  	s1 =	simm.s32 $0x4;
	s19 =	simm.s32 $0x5;
	[dreg:$0x5] =	wrdreg s16  }
0x18: {  	s5 =	simm.s32 $0x0;
	[dreg:$0x6] =	wrdreg s10;
	s10 =	sshrl.u32 s18, $0x3  }
0x19: {  	s16 =	sadd.s32 s14, s2;
	s14 =	sshrl.u32 s23, $0x3;
	s10 =	sadd.s32 s0, s10  }
0x1a: {  	s24 =	sadd.s32 s0, s14;
	[dreg:$0x7] =	wrdreg s10;
	s10 =	sshrl.u32 s20, $0x3  }
0x1b: {  	s18 =	simm.s32 $0x6;
	[dreg:$0xa] =	wrdreg s24;
	s10 =	sadd.s32 s0, s10  }
0x1c: {  	s23 =	sshrl.u32 s16, $0x3;
	s0 =	sadd.s32 s0, s12;
	[dreg:$0x9] =	wrdreg s10  }
0x1d: {  	s20 =	simm.s32 $0x40;
	s10 =	sadd.s32 s21, s2;
	[dreg:$0xb] =	wrdreg s0  }
0x1e: {  	s21 =	simm.s32 $0x1000;
	s0 =	simm.s32 $0x3;
	s24 =	sshrl.u32 s10, $0x3  }
.LBB2_1:
0x1f: {  	s6 =	rddreg [dreg:$0x3]  }
0x20: {  	s10 =	rddreg [dreg:$0x4];
	s6 =	sshrl.u32 s6, $0x3  }
0x21: {  	[spmem:s6], [sflag:s7] =	dma.local [hbm:s10], $0x2800  }
0x22: {  	_ =	swait.ge [sflag:s18], $0x2800  }
0x23: {  	[sflag:s18] =	ssyncset.done $0x0  }
0x24: {  	[sflag:s18] =	ssyncadd.s32 $0xFFFFD800  }
0x25: {  	[bflag:$0x0] =	sbarrier.arrive $0xFFFF  }
0x26: {  	s16 =	rddreg [dreg:$0x5]  }
0x27: {  	[tilespmem:s3], [sflag:$0x6] =	stream.linear.gather [hbm4b:s16+s3], $0x400, $0x38;
	[tilespmem:$0x1D000] =	vst v63  }
0x28: {  	_ =	swait.ge [sflag:s18], $0x400  }
0x29: {  	[sflag:s18] =	ssyncset.done $0x0  }
0x2a: {  	s11 =	simm.s32 $0x800;
	s17 =	rddreg [dreg:$0x6];
	[sflag:s18] =	ssyncadd.s32 $0xFFFFFC00  }
0x2b: {  	[tilespmem:s11], [sflag:$0x6] =	stream.linear.gather [hbm4b:s17+s3], $0x400, $0x38;
	[tilespmem:$0x1D000] =	vst v63  }
0x2c: {  	_ =	swait.ge [sflag:s18], $0x400  }
0x2d: {  	s10 =	simm.s32 $0x0;
	[sflag:s18] =	ssyncset.done $0x0  }
0x2e: {  	s16 =	smov.u32 s9;
	s17 =	smov.u32 s8;
	[sflag:s18] =	ssyncadd.s32 $0xFFFFFC00  }
0x2f: {  	[tilespmem:s21], [sflag:$0x1] =	stream.indirect.gather [hbm4b:s4+s20], $0x80, s3, s20, $0xb8;
	[tilespmem:$0x1D000] =	vst v63  }
.LBB2_2:
0x30: {  	s13 =	sadd.s32 $0x1, s10  }
0x31: {  	p0 =	seq.s32 s10, $0x13;
	s11 =	sand.u32 $0x1, s13  }
0x32: {  	s12 =	simm.s32 @!p0 $0x0;
	s14 =	simm.s32 @!p0 $0x6;
	s11 =	sshll.u32 @!p0 s11, $0xA  }
0x33: {  	[tilespmem:s11], [sflag:$0x6] =	stream.linear.gather @!p0 [hbm4b:s17+s12], $0x400, $0x38;
	[tilespmem:$0x1D000] =	vst v63  }
0x34: {  	_ =	swait.ge @!p0 [sflag:s14], $0x400  }
0x35: {  	[sflag:s14] =	ssyncset.done @!p0 $0x0  }
0x36: {  	s15 =	sor.u32 @!p0 $0x800, s11;
	[sflag:s14] =	ssyncadd.s32 @!p0 $0xFFFFFC00  }
0x37: {  	[tilespmem:s15], [sflag:$0x6] =	stream.linear.gather @!p0 [hbm4b:s16+s12], $0x400, $0x38;
	[tilespmem:$0x1D000] =	vst v63  }
0x38: {  	_ =	swait.ge @!p0 [sflag:s14], $0x400  }
0x39: {  	p1 =	seq.s32 @!p0 s10, $0x0;
	[sflag:s14] =	ssyncset.done @!p0 $0x0  }
0x3a: {  	p1 =	por p0, !p1;
	[sflag:s14] =	ssyncadd.s32 @!p0 $0xFFFFFC00  }
0x3b: {  	s14 =	sand.u32 $0x1, s10;
	_ =	swait.ge @p1 [sflag:s0], $0x2000  }
0x3c: {  	s12 =	sshll.u32 s14, $0xA;
	[sflag:s0] =	ssyncset.done @p1 $0x0  }
0x3d: {  	s15 =	sor.u32 $0x80, s12;
	[sflag:s0] =	ssyncadd.s32 @p1 $0xFFFFE000  }
0x3e: {  	[tilespmem:s26], [sflag:$0x1] =	stream.indirect.gather [hbm4b:s4+s20], $0x80, s15, s20, $0xb8;
	[tilespmem:$0x1D000] =	vst v63  }
0x3f: {  	_ =	swait.ge [sflag:s28], $0x2000  }
0x40: {  	p1 =	seq.s32 s10, $0x0;
	[sflag:s28] =	ssyncset.done $0x0  }
0x41: {  	s15 =	sor.u32 $0x800, s12;
	s10 =	simm.s32 @!p1 $0x4;
	[sflag:s28] =	ssyncadd.s32 $0xFFFFE000  }
0x42: {  	[spmem:s2] =	stream.indirect.scatter.add.f32 [tilespmem:s21], [sflag:$0x2], $0x80, s15, s20, $0xb8;
	[tilespmem:$0x1D000] =	vst v63  }
0x43: {  	_ =	swait.ge @!p1 [sflag:s10], $0x2000  }
0x44: {  	[sflag:s10] =	ssyncset.done @!p1 $0x0  }
0x45: {  	s15 =	sadd.s32 $0x100, s12;
	[sflag:s10] =	ssyncadd.s32 @!p1 $0xFFFFE000  }
0x46: {  	[tilespmem:s29], [sflag:$0x1] =	stream.indirect.gather [hbm4b:s4+s20], $0x80, s15, s20, $0xb8;
	[tilespmem:$0x1D000] =	vst v63  }
0x47: {  	_ =	swait.ge [sflag:s28], $0x2000  }
0x48: {  	[sflag:s28] =	ssyncset.done $0x0  }
0x49: {  	s14 =	sadd.s32 $0x880, s12;
	s10 =	simm.s32 @!p1 $0x5;
	[sflag:s28] =	ssyncadd.s32 $0xFFFFE000  }
0x4a: {  	[spmem:s2] =	stream.indirect.scatter.add.f32 [tilespmem:s26], [sflag:$0x3], $0x80, s14, s20, $0xb8;
	[tilespmem:$0x1D000] =	vst v63  }
0x4b: {  	_ =	swait.ge @!p1 [sflag:s10], $0x2000  }
0x4c: {  	[sflag:s10] =	ssyncset.done @!p1 $0x0  }
0x4d: {  	s15 =	sadd.s32 $0x180, s12;
	[sflag:s10] =	ssyncadd.s32 @!p1 $0xFFFFE000  }
0x4e: {  	[tilespmem:s30], [sflag:$0x1] =	stream.indirect.gather [hbm4b:s4+s20], $0x80, s15, s20, $0xb8;
	[tilespmem:$0x1D000] =	vst v63  }
0x4f: {  	_ =	swait.ge [sflag:s28], $0x2000  }
0x50: {  	[sflag:s28] =	ssyncset.done $0x0  }
0x51: {  	s14 =	sadd.s32 $0x900, s12;
	[sflag:s28] =	ssyncadd.s32 $0xFFFFE000  }
0x52: {  	[spmem:s2] =	stream.indirect.scatter.add.f32 [tilespmem:s29], [sflag:$0x4], $0x80, s14, s20, $0xb8;
	[tilespmem:$0x1D000] =	vst v63  }
0x53: {  	_ =	swait.ge [sflag:s31], $0x2000  }
0x54: {  	[sflag:s31] =	ssyncset.done $0x0  }
0x55: {  	s15 =	sadd.s32 $0x200, s12;
	[sflag:s31] =	ssyncadd.s32 $0xFFFFE000  }
0x56: {  	[tilespmem:s21], [sflag:$0x1] =	stream.indirect.gather [hbm4b:s4+s20], $0x80, s15, s20, $0xb8;
	[tilespmem:$0x1D000] =	vst v63  }
0x57: {  	_ =	swait.ge [sflag:s28], $0x2000  }
0x58: {  	[sflag:s28] =	ssyncset.done $0x0  }
0x59: {  	s14 =	sadd.s32 $0x980, s12;
	[sflag:s28] =	ssyncadd.s32 $0xFFFFE000  }
0x5a: {  	[spmem:s2] =	stream.indirect.scatter.add.f32 [tilespmem:s30], [sflag:$0x5], $0x80, s14, s20, $0xb8;
	[tilespmem:$0x1D000] =	vst v63  }
0x5b: {  	_ =	swait.ge [sflag:s0], $0x2000  }
0x5c: {  	[sflag:s0] =	ssyncset.done $0x0  }
0x5d: {  	s15 =	sadd.s32 $0x280, s12;
	[sflag:s0] =	ssyncadd.s32 $0xFFFFE000  }
0x5e: {  	[tilespmem:s26], [sflag:$0x1] =	stream.indirect.gather [hbm4b:s4+s20], $0x80, s15, s20, $0xb8;
	[tilespmem:$0x1D000] =	vst v63  }
0x5f: {  	_ =	swait.ge [sflag:s28], $0x2000  }
0x60: {  	[sflag:s28] =	ssyncset.done $0x0  }
0x61: {  	s14 =	sadd.s32 $0xA00, s12;
	[sflag:s28] =	ssyncadd.s32 $0xFFFFE000  }
0x62: {  	[spmem:s2] =	stream.indirect.scatter.add.f32 [tilespmem:s21], [sflag:$0x2], $0x80, s14, s20, $0xb8;
	[tilespmem:$0x1D000] =	vst v63  }
0x63: {  	_ =	swait.ge [sflag:s1], $0x2000  }
0x64: {  	[sflag:s1] =	ssyncset.done $0x0  }
0x65: {  	s15 =	sadd.s32 $0x300, s12;
	[sflag:s1] =	ssyncadd.s32 $0xFFFFE000  }
0x66: {  	[tilespmem:s29], [sflag:$0x1] =	stream.indirect.gather [hbm4b:s4+s20], $0x80, s15, s20, $0xb8;
	[tilespmem:$0x1D000] =	vst v63  }
0x67: {  	_ =	swait.ge [sflag:s28], $0x2000  }
0x68: {  	[sflag:s28] =	ssyncset.done $0x0  }
0x69: {  	s14 =	sadd.s32 $0xA80, s12;
	[sflag:s28] =	ssyncadd.s32 $0xFFFFE000  }
0x6a: {  	[spmem:s2] =	stream.indirect.scatter.add.f32 [tilespmem:s26], [sflag:$0x3], $0x80, s14, s20, $0xb8;
	[tilespmem:$0x1D000] =	vst v63  }
0x6b: {  	_ =	swait.ge [sflag:s19], $0x2000  }
0x6c: {  	[sflag:s19] =	ssyncset.done $0x0  }
0x6d: {  	s15 =	sadd.s32 $0x380, s12;
	[sflag:s19] =	ssyncadd.s32 $0xFFFFE000  }
0x6e: {  	[tilespmem:s30], [sflag:$0x1] =	stream.indirect.gather [hbm4b:s4+s20], $0x80, s15, s20, $0xb8;
	[tilespmem:$0x1D000] =	vst v63  }
0x6f: {  	_ =	swait.ge [sflag:s28], $0x2000  }
0x70: {  	[sflag:s28] =	ssyncset.done $0x0  }
0x71: {  	s14 =	sadd.s32 $0xB00, s12;
	[sflag:s28] =	ssyncadd.s32 $0xFFFFE000  }
0x72: {  	[spmem:s2] =	stream.indirect.scatter.add.f32 [tilespmem:s29], [sflag:$0x4], $0x80, s14, s20, $0xb8;
	[tilespmem:$0x1D000] =	vst v63  }
0x73: {  	_ =	swait.ge [sflag:s31], $0x2000  }
0x74: {  	[sflag:s31] =	ssyncset.done $0x0  }
0x75: {  	s10 =	simm.s32 @!p0 $0x40;
	s14 =	simm.s32 @!p0 $0x1000;
	[sflag:s31] =	ssyncadd.s32 $0xFFFFE000  }
0x76: {  	[tilespmem:s14], [sflag:$0x1] =	stream.indirect.gather @!p0 [hbm4b:s4+s10], $0x80, s11, s10, $0xb8;
	[tilespmem:$0x1D000] =	vst v63  }
0x77: {  	p0 =	sne.s32 s13, $0x14  }
.Ltmp0:
0x78: {  	_ = 	snop;
	(pc) =	sbr.rel @p0 .LBB2_2-.Ltmp0, $4  }
0x79: {  	_ =	swait.ge [sflag:s28], $0x2000  }
0x7a: {  	s17 =	sadd.s32 $0x80, s17;
	s16 =	sadd.s32 $0x80, s16;
	[sflag:s28] =	ssyncset.done $0x0  }
0x7b: {  	s15 =	sadd.s32 $0xB80, s12;
	s10 =	smov.u32 s13;
	[sflag:s28] =	ssyncadd.s32 $0xFFFFE000  }
0x7c: {  	[spmem:s2] =	stream.indirect.scatter.add.f32 [tilespmem:s30], [sflag:$0x5], $0x80, s15, s20, $0xb8;
	[tilespmem:$0x1D000] =	vst v63  }
0x7d: {  	_ =	swait.ge [sflag:s0], $0x2000  }
0x7e: {  	[sflag:s0] =	ssyncset.done $0x0  }
0x7f: {  	[sflag:s0] =	ssyncadd.s32 $0xFFFFE000  }
0x80: {  	_ =	swait.ge [sflag:s1], $0x2000  }
0x81: {  	[sflag:s1] =	ssyncset.done $0x0  }
0x82: {  	[sflag:s1] =	ssyncadd.s32 $0xFFFFE000  }
0x83: {  	_ =	swait.ge [sflag:s19], $0x2000  }
0x84: {  	[sflag:s19] =	ssyncset.done $0x0  }
0x85: {  	[sflag:s19] =	ssyncadd.s32 $0xFFFFE000  }
0x86: {  	[bflag:$0x0] =	sbarrier.arrive $0xFFFF  }
0x87: {  	s10 =	rddreg [dreg:$0x7]  }
0x88: {  	[hbm:s10], [sflag:s7] =	dma.local [spmem:s6], $0x800  }
0x89: {  	_ =	swait.ge [sflag:s18], $0x800  }
0x8a: {  	[sflag:s18] =	ssyncset.done $0x0  }
0x8b: {  	s13 =	rddreg [dreg:$0x8];
	[sflag:s18] =	ssyncadd.s32 $0xFFFFF800  }
0x8c: {  	[hbm:s13], [sflag:s7] =	dma.local [spmem:s22], $0x800  }
0x8d: {  	_ =	swait.ge [sflag:s18], $0x800  }
0x8e: {  	[sflag:s18] =	ssyncset.done $0x0  }
0x8f: {  	s14 =	rddreg [dreg:$0x9];
	[sflag:s18] =	ssyncadd.s32 $0xFFFFF800  }
0x90: {  	[hbm:s14], [sflag:s7] =	dma.local [spmem:s23], $0x800  }
0x91: {  	_ =	swait.ge [sflag:s18], $0x800  }
0x92: {  	[sflag:s18] =	ssyncset.done $0x0  }
0x93: {  	s15 =	rddreg [dreg:$0xa];
	[sflag:s18] =	ssyncadd.s32 $0xFFFFF800  }
0x94: {  	[hbm:s15], [sflag:s7] =	dma.local [spmem:s24], $0x800  }
0x95: {  	_ =	swait.ge [sflag:s18], $0x800  }
0x96: {  	[sflag:s18] =	ssyncset.done $0x0  }
0x97: {  	s16 =	rddreg [dreg:$0xb];
	[sflag:s18] =	ssyncadd.s32 $0xFFFFF800  }
0x98: {  	[hbm:s16], [sflag:s7] =	dma.local [spmem:s25], $0x800  }
0x99: {  	_ =	swait.ge [sflag:s18], $0x800  }
0x9a: {  	s5 =	sadd.s32 $0x1, s5;
	s17 =	rddreg [dreg:$0xc]  }
0x9b: {  	p0 =	sne.s32 s5, s17  }
.Ltmp1:
0x9c: {  	_ = 	snop;
	(pc) =	sbr.rel @p0 .LBB2_1-.Ltmp1, $3  }
0x9d: {  	_ =	sdelay $0x1  }
0x9e: {  	[sflag:s18] =	ssyncset.done $0x0  }
0x9f: {  	[sflag:s18] =	ssyncadd.s32 $0xFFFFF800  }
0xa0: {  	_ =	sfence.sel $0x180000  }
0xa1: {  	[bflag:$0x0] =	sbarrier.arrive $0xFFFF  }
0xa2: {  	_ =	strace $0x9000004D  }
0xa3: {  	s0 =	stileid.u32;
	[bflag:$0x2] =	sbarrier.arrive $0xFFFF  }
0xa4: {  	p0 =	sne.s32 s0, $0x0;
	s0 =	rddreg [dreg:$0x2]  }
0xa5: {  	s0 =	sadd.s32 @!p0 $0x100000, s0  }
0xa6: {  	[sflag:s0] =	ssyncadd.tile.s32 @!p0 $0x1;
	_ =	shalt  }
.Lfunc_end2:
_tile_overlayer_lowered:
.L_overlay_start_2:
0xa7: {  	(tag) =	ssettag $0x2  }
0xa8: {  	s0 =	rddreg [dreg:$0x0];
	s2 =	stileid.u32  }
0xa9: {  	s1 =	rddreg [dreg:$0x1];
	p0 =	sne.s32 s2, $0x0  }
0xaa: {  	s3 =	rddreg [dreg:$0x2];
	[bflag:$0x3] =	sbarrier.arrive $0xFFFF;
	s2 =	simm.s32 @!p0 $0x1C06  }
0xab: {  	[timem:s3], [sflag:s2] =	dma.local @!p0 [hbm:s0], s1  }
0xac: {  	s0 =	simm.s32 @!p0 $0x6  }
0xad: {  	_ =	swait.ge @!p0 [sflag:s0], s1  }
0xae: {  	s1 =	ssub.s32 @!p0 $0x0, s1;
	[sflag:s0] =	ssyncset.done @!p0 $0x0  }
0xaf: {  	[sflag:s0] =	ssyncadd.s32 @!p0 s1  }
0xb0: {  	[bflag:$0x3] =	sbarrier.arrive $0xFFFF  }
0xb1: {  	_ =	shalt  }

// kernel: kernel.8.cloned.1.call-start
scs
__scs_entry_jumppad:
0x0: {  	(pc) =	sbr.rel $0x88, $3  }
0x1: {  	(tag) =	ssettag $0x0;
	lr =	simm.s32 $0x1  }
0x2: {  	[smem:$0x3F8F] =	sst lr;
	_ =	strace $0xD0000000  }
0x3: {  	_ = 	snop  }
0x4: {  	_ = 	snop  }
0x5: {  	_ = 	snop  }
0x6: {  	_ = 	snop  }
0x7: {  	_ = 	snop  }
__scs_overlays_trampoline_lowered:
0x8: {  	[smem:$0x3F9E] =	sst s0  }
0x9: {  	[smem:$0x3F9F] =	sst s1  }
0xa: {  	[smem:$0x3FA0] =	sst s2  }
0xb: {  	[smem:$0x3FA1] =	sst s3  }
0xc: {  	[smem:$0x3FA2] =	sst s4  }
0xd: {  	[smem:$0x3FA3] =	sst s5  }
0xe: {  	[smem:$0x3FA4] =	sst s6  }
0xf: {  	[smem:$0x3FA5] =	sst s7  }
0x10: {  	[smem:$0x3FA6] =	sst s8  }
0x11: {  	[smem:$0x3FA7] =	sst s9;
	s0 =	simm.s32 @!p0 $0x0  }
0x12: {  	s1 =	sld [smem:$0x3F8D];
	s0 =	simm.s32 @p0 $0x1  }
0x13: {  	[smem:$0x3FA8] =	sst s0;
	s0 =	simm.s32 @!p1 $0x0  }
0x14: {  	s2 =	sld [smem:$0x3F8C];
	s0 =	simm.s32 @p1 $0x1  }
0x15: {  	[smem:$0x3FA9] =	sst s0;
	s0 =	simm.s32 @!p2 $0x0  }
0x16: {  	s3 =	sld [smem:$0x3FDB];
	s0 =	simm.s32 @p2 $0x1  }
0x17: {  	s4 =	simm.s32 $0x1BF5;
	[smem:$0x3FAB] =	sst s0  }
0x18: {  	s0 =	sld [smem:$0x3F8E];
	_ =	swait.ge [sflag:s4], $0x0  }
0x19: {  	s7 =	sld [smem:$0x3F8F]  }
0x1a: {  	s8 =	sadd.s32 $0xFFFFE003, lr  }
0x1b: {  	s9 =	sadd.s32 $0xFFFFFEF7, lr;
	s5 =	simm.s32 $0xFFFFFFFF;
	p2 =	slt.u32 s8, $0xFFFFF086  }
0x1c: {  	p1 =	slt.u32 s9, $0xF7A;
	s5 =	simm.s32 @!p2 $0x0  }
0x1d: {  	s5 =	simm.s32 @p1 $0x1;
	p0 =	seq.s32 s7, s2  }
0x1e: {  	s7 =	smul.u32 @!p0 $0xF7A, s2;
	p2 =	seq.s32 @!p0 s5, $0x0  }
0x1f: {  	s9 =	smul.u32 $0xF7A, s1;
	s8 =	simm.s32 @!p0 $0x1BF5;
	p2 =	por !p2, p0  }
0x20: {  	[sflag:s8] =	ssyncset.s32 @!p0 $0xFFFFF086;
	s6 =	sadd.s32 @!p0 s3, s7;
	s7 =	simm.s32 @!p0 $0x108  }
0x21: {  	s3 =	sadd.s32 s3, s9;
	s6 =	sadd.s32 @!p0 $0x88, s6;
	s7 =	simm.s32 @p2 $0x1082  }
0x22: {  	[simem:s7], [sflag:s8] =	dma.local @!p0 [hbm:s6], $0xF7A  }
0x23: {  	s9 =	sor.u32 $0xD0000000, s2;
	s6 =	simm.s32 $0x108;
	_ =	swait.ge @!p0 [sflag:s8], $0x0  }
0x24: {  	s3 =	sadd.s32 $0x88, s3;
	s6 =	simm.s32 @!p1 $0x1082;
	[sflag:s4] =	ssyncset.s32 $0xFFFFF086  }
0x25: {  	[simem:s6], [sflag:s4] =	dma.local [hbm:s3], $0xF7A  }
0x26: {  	[smem:$0x3F8F] =	sst s1;
	(tag) =	ssettag s2;
	_ =	strace s9  }
0x27: {  	s1 =	sld [smem:$0x3F9F]  }
0x28: {  	s2 =	sld [smem:$0x3FA0]  }
0x29: {  	s4 =	sld [smem:$0x3FA2]  }
0x2a: {  	p0 =	seq.s32 s5, $0x0;
	s5 =	sld [smem:$0x3FA3]  }
0x2b: {  	s6 =	sld [smem:$0x3FA4]  }
0x2c: {  	s7 =	sld [smem:$0x3FA5]  }
0x2d: {  	s3 =	simm.s32 $0x108;
	s8 =	sld [smem:$0x3FA6]  }
0x2e: {  	s3 =	simm.s32 @!p0 $0x1082;
	s9 =	sld [smem:$0x3FA7]  }
0x2f: {  	lr =	sadd.s32 s0, s3;
	s0 =	sld [smem:$0x3F9E]  }
0x30: {  	s3 =	sld [smem:$0x3FA1]  }
0x31: {  	[smem:$0x3FAA] =	sst s10  }
0x32: {  	s10 =	sld [smem:$0x3FA8];
	_ =	sdelay $0x3  }
0x33: {  	p0 =	seq.s32 s10, $0x1;
	s10 =	sld [smem:$0x3FAA];
	_ =	sdelay $0x3  }
0x34: {  	[smem:$0x3FAA] =	sst s10  }
0x35: {  	s10 =	sld [smem:$0x3FA9];
	_ =	sdelay $0x3  }
0x36: {  	p1 =	seq.s32 s10, $0x1;
	s10 =	sld [smem:$0x3FAA];
	_ =	sdelay $0x3  }
0x37: {  	[smem:$0x3FAA] =	sst s10  }
0x38: {  	s10 =	sld [smem:$0x3FAB]  }
0x39: {  	_ = 	snop;
	(pc) =	sbr.ind lr, $3  }
0x3a: {  	_ = 	snop  }
0x3b: {  	_ = 	snop  }
0x3c: {  	p2 =	seq.s32 s10, $0x1;
	s10 =	sld [smem:$0x3FAA]  }
0x3d: {  	_ =	shalt  }
0x3e: {  	_ =	shalt  }
0x3f: {  	_ =	shalt  }
0x40: {  	_ =	shalt  }
0x41: {  	_ =	shalt  }
0x42: {  	_ =	shalt  }
0x43: {  	_ =	shalt  }
0x44: {  	_ =	shalt  }
0x45: {  	_ =	shalt  }
0x46: {  	_ =	shalt  }
0x47: {  	_ =	shalt  }
0x48: {  	_ =	shalt  }
0x49: {  	_ =	shalt  }
0x4a: {  	_ =	shalt  }
0x4b: {  	_ =	shalt  }
0x4c: {  	_ =	shalt  }
0x4d: {  	_ =	shalt  }
0x4e: {  	_ =	shalt  }
0x4f: {  	_ =	shalt  }
0x50: {  	_ =	shalt  }
0x51: {  	_ =	shalt  }
0x52: {  	_ =	shalt  }
0x53: {  	_ =	shalt  }
0x54: {  	_ =	shalt  }
0x55: {  	_ =	shalt  }
0x56: {  	_ =	shalt  }
0x57: {  	_ =	shalt  }
0x58: {  	_ =	shalt  }
0x59: {  	_ =	shalt  }
0x5a: {  	_ =	shalt  }
0x5b: {  	_ =	shalt  }
0x5c: {  	_ =	shalt  }
0x5d: {  	_ =	shalt  }
0x5e: {  	_ =	shalt  }
0x5f: {  	_ =	shalt  }
0x60: {  	_ =	shalt  }
0x61: {  	_ =	shalt  }
0x62: {  	_ =	shalt  }
0x63: {  	_ =	shalt  }
0x64: {  	_ =	shalt  }
0x65: {  	_ =	shalt  }
0x66: {  	_ =	shalt  }
0x67: {  	_ =	shalt  }
0x68: {  	_ =	shalt  }
0x69: {  	_ =	shalt  }
0x6a: {  	_ =	shalt  }
0x6b: {  	_ =	shalt  }
0x6c: {  	_ =	shalt  }
0x6d: {  	_ =	shalt  }
0x6e: {  	_ =	shalt  }
0x6f: {  	_ =	shalt  }
0x70: {  	_ =	shalt  }
0x71: {  	_ =	shalt  }
0x72: {  	_ =	shalt  }
0x73: {  	_ =	shalt  }
0x74: {  	_ =	shalt  }
0x75: {  	_ =	shalt  }
0x76: {  	_ =	shalt  }
0x77: {  	_ =	shalt  }
0x78: {  	_ =	shalt  }
0x79: {  	_ =	shalt  }
0x7a: {  	_ =	shalt  }
0x7b: {  	_ =	shalt  }
0x7c: {  	_ =	shalt  }
0x7d: {  	_ =	shalt  }
0x7e: {  	_ =	shalt  }
0x7f: {  	_ =	shalt  }
0x80: {  	_ =	shalt  }
0x81: {  	_ =	shalt  }
0x82: {  	_ =	shalt  }
0x83: {  	_ =	shalt  }
0x84: {  	_ =	shalt  }
0x85: {  	_ =	shalt  }
0x86: {  	_ =	shalt  }
0x87: {  	_ =	shalt  }
.Lfunc_end0:
.L_simem_size_0:
called_computation_lowered:
.L_overlay_start_0:
0x88: {  	s2 =	sld [smem:$0x3FD9]  }
0x89: {  	s3 =	sld [smem:$0x3FFE];
	_ =	sdelay $0x1  }
0x8a: {  	s1 =	srdreg.scid  }
0x8b: {  	s0 =	sand.u32 $0x1, s1  }
0x8c: {  	s17 =	sshll.u32 s0, $0xA;
	s2 =	sadd.s32 s3, s2  }
0x8d: {  	s2 =	sadd.s32 s2, s17  }
0x8e: {  	[smem:$0x3FB6] =	sst s2  }
0x8f: {  	_ = 	snop  }
0x90: {  	(tm) =	ssettm $0x1  }
0x91: {  	s18 =	sld [smem:$0x3FFB];
	_ =	sdelay $0x3  }
0x92: {  	_ =	strace s18  }
0x93: {  	s2 =	sld [smem:$0x3FFC];
	_ =	sdelay $0x3  }
0x94: {  	_ =	strace s2  }
0x95: {  	s2 =	sld [smem:$0x3FFD];
	_ =	sdelay $0x3  }
0x96: {  	_ =	strace s2  }
0x97: {  	_ =	strace $0x8FFFFFFF  }
0x98: {  	s19 =	sld [smem:$0x3FDB];
	_ =	sdelay $0x1  }
0x99: {  	s20 =	simm.s32 $_scs_section_size  }
0x9a: {  	s4 =	simm.s32 $_size__tile_overlayer_lowered;
	s5 =	simm.s32 $_tile_overlayer_lowered  }
0x9b: {  	s6 =	simm.s32 $0x1BFF;
	s21 =	sshll.u32 s5, $0x1;
	s3 =	sadd.s32 s20, s19  }
0x9c: {  	s22 =	simm.s32 $0x0;
	s4 =	sshll.u32 s4, $0x1;
	s5 =	sadd.s32 s21, s3  }
0x9d: {  	[timem:s22], [sflag:s6] =	dma.local [hbm:s5], s4  }
0x9e: {  	_ =	swait.ge [sflag:s6], s4  }
0x9f: {  	s4 =	ssub.s32 $0x0, s4;
	[sflag:s6] =	ssyncset.done $0x0  }
0xa0: {  	[sflag:s6] =	ssyncadd.s32 s4;
	_ =	sdelay $0x1  }
0xa1: {  	s23 =	simm.s32 $0x1B8B  }
0xa2: {  	_ =	swait.ge [sflag:s23], $0x1  }
0xa3: {  	[sflag:s23] =	ssyncset.done $0x0  }
0xa4: {  	[sflag:s23] =	ssyncadd.s32 $0xFFFFFFFF  }
0xa5: {  	s4 =	sld [smem:$0x0]  }
0xa6: {  	s5 =	sand.u32 $0xFFFFFFFE, s1  }
0xa7: {  	p0 =	sne.s32 s1, s5  }
0xa8: {  	s5 =	sshll.u32 @p0 s5, $0xE  }
0xa9: {  	s5 =	sadd.s32 @p0 $0x11B8D, s5;
	s6 =	sshll.u32 @p0 s4, $0x11  }
0xaa: {  	s5 =	sor.u32 @p0 s6, s5  }
0xab: {  	[sflag:s5] =	ssyncadd.remote.s32 @p0 $0x1;
	_ =	sdelay $0x1  }
0xac: {  	s5 =	simm.s32 @p0 $0x1B8D  }
0xad: {  	_ =	swait.eq @p0 [sflag:s5], $0x1  }
0xae: {  	[sflag:s5] =	ssyncadd.s32 @p0 $0xFFFFFFFF  }
0xaf: {  	s6 =	sshll.u32 @!p0 s1, $0xE  }
0xb0: {  	s6 =	sor.u32 @!p0 $0x4000, s6;
	s5 =	simm.s32 @!p0 $0x1B8D  }
0xb1: {  	s4 =	sshll.u32 @!p0 s4, $0x11;
	s6 =	sadd.s32 @!p0 $0x11B8D, s6;
	_ =	swait.eq @!p0 [sflag:s5], $0x1  }
0xb2: {  	s4 =	sor.u32 @!p0 s4, s6;
	[sflag:s5] =	ssyncadd.s32 @!p0 $0xFFFFFFFF  }
0xb3: {  	s25 =	simm.s32 $0x1B8E;
	s24 =	sld [smem:$0x3FFE];
	[sflag:s4] =	ssyncadd.remote.s32 @!p0 $0x1  }
0xb4: {  	s26 =	simm.s32 $execute0_lowered;
	[smem:$0x3FD2] =	sst s25  }
0xb5: {  	s5 =	sshll.u32 s26, $0x1;
	_ =	strace $0x80000049;
	[dreg:$0x1] =	wrdreg $0xFFFFFFFF  }
0xb6: {  	s28 =	simm.s32 $_size_execute0_lowered;
	s3 =	sadd.s32 s3, s5;
	[dreg:$0x0] =	wrdreg $0x0  }
0xb7: {  	s5 =	sshll.u32 s28, $0x1;
	[dreg:$0x2] =	wrdreg s3  }
0xb8: {  	[dreg:$0x3] =	wrdreg s5  }
0xb9: {  	[dreg:$0x4] =	wrdreg $0xC0  }
0xba: {  	_ =	task [dreg:s22], $0x5FFFF  }
0xbb: {  	[dreg:$0x1] =	wrdreg $0xFFFFFFFF  }
0xbc: {  	[dreg:$0x0] =	wrdreg $0x60  }
0xbd: {  	[dreg:$0x2] =	wrdreg s24  }
0xbe: {  	[dreg:$0x3] =	wrdreg $0x28000  }
0xbf: {  	[dreg:$0x4] =	wrdreg $0x9  }
0xc0: {  	_ =	task.clear_ibuf [dreg:s22], $0x5FFFF;
	_ =	strace $0x90000049  }
0xc1: {  	s29 =	simm.s32 $0x9;
	_ =	strace $0x8000004B  }
0xc2: {  	_ =	swait.ge [sflag:s29], $0x1  }
0xc3: {  	[sflag:s29] =	ssyncadd.s32 $0xFFFFFFFF  }
0xc4: {  	_ =	strace $0x9000004B  }
0xc5: {  	_ =	sfence  }
0xc6: {  	s30 =	sld [smem:$0x0];
	_ =	sdelay $0x2  }
0xc7: {  	s31 =	sshll.u32 s1, $0xD;
	s1 =	sshrl.u32 s1, $0x2  }
0xc8: {  	s4 =	sand.u32 $0x4000, s31;
	s1 =	sadd.s32 s1, s30  }
0xc9: {  	s0 =	sor.u32 s4, s0;
	s1 =	sshll.u32 s1, $0x11  }
0xca: {  	s0 =	sor.u32 s1, s0  }
0xcb: {  	s0 =	sadd.s32 $0x8F2B, s0  }
0xcc: {  	[sflag:s0] =	ssyncadd.remote.s32 $0x1  }
0xcd: {  	_ =	sfence.sel $0xFFFF  }
0xce: {  	[dreg:$0x0] =	wrdreg $0xFFFFFFFF;
	(pc) =	sbr.abs _section_cstart, $3  }
0xcf: {  	[dreg:$0x1] =	wrdreg $0xFFFFFFFF  }
0xd0: {  	_ =	task.clear_ibuf [dreg:s22], $0x2FFFF;
	_ =	strace $0x9FFFFFFF  }
0xd1: {  	(tm) =	ssettm $0x7FFFFFFF  }
tec
execute0_lowered:
.L_overlay_start_1:
0x0: {  	(tag) =	ssettag $0x1  }
0x1: {  	s0 =	rddreg [dreg:$0x0]  }
0x2: {  	s18 =	stileid.u32;
	s2 =	rddreg [dreg:$0x1];
	s3 =	simm.s32 $0x0  }
0x3: {  	s5 =	srdreg.scid;
	s31 =	simm.s32 $0x1;
	s28 =	simm.s32 $0x700  }
0x4: {  	s29 =	simm.s32 $0x780;
	s30 =	simm.s32 $0x0;
	s1 =	smul.u32 $0x14000, s18  }
0x5: {  	[smem:$0x7FF] =	sst s3;
	s10 =	sand.u32 $0x1, s5;
	s15 =	sadd.s32 $0x3A00, s0  }
0x6: {  	s8 =	smul.u32 $0x50000, s18;
	s20 =	sshll.u32 s18, $0x6;
	_ =	strace $0x8000004A  }
0x7: {  	s16 =	ssub.s32 $0x2, s10;
	s5 =	sshll.u32 s10, $0x4;
	s12 =	smul.u32 $0x140000, s10  }
0x8: {  	s4 =	sshrl.u32 s1, $0x3;
	s7 =	sshrl.u32 s16, $0x1;
	s5 =	sor.u32 s18, s5  }
0x9: {  	s19 =	sshrl.u32 s8, $0x2;
	s11 =	sadd.s32 $0x4000, s1;
	s14 =	sadd.s32 $0x8000, s1  }
0xa: {  	s18 =	smul.u32 $0x5000, s18;
	s6 =	sadd.s32 s4, s0;
	s0 =	sadd.s32 $0xCBA00, s0  }
0xb: {  	s13 =	ssub.s32 s16, s7;
	s17 =	smul.u32 $0x5000, s5;
	s4 =	sadd.s32 s19, s2  }
0xc: {  	s21 =	sadd.s32 s1, s12;
	s9 =	sadd.s32 s12, s11;
	s19 =	sadd.s32 s11, s2  }
0xd: {  	s22 =	sadd.s32 s12, s14;
	s16 =	sadd.s32 $0xC000, s1;
	s1 =	sadd.s32 $0x10000, s1  }
0xe: {  	s5 =	sadd.s32 $0x53A00, s6;
	s6 =	sor.u32 $0x1C02, s20;
	s8 =	sshrl.u32 s21, $0x3  }
0xf: {  	s9 =	sshrl.u32 s9, $0x3;
	s11 =	sshrl.u32 s22, $0x3;
	s23 =	sadd.s32 s12, s16  }
0x10: {  	s20 =	sadd.s32 s14, s2;
	s12 =	sadd.s32 s12, s1;
	s21 =	sadd.s32 s16, s2  }
0x11: {  	s25 =	sadd.s32 s1, s2;
	s13 =	smax.u32 s13, $0x1;
	s16 =	simm.s32 $0x2  }
0x12: {  	s22 =	sshrl.u32 s19, $0x3;
	s7 =	sshrl.u32 s17, $0x3;
	s8 =	sadd.s32 s0, s8  }
0x13: {  	s9 =	sadd.s32 s0, s9;
	s17 =	smul.u32 $0x50000, s10;
	s10 =	sadd.s32 s0, s11  }
0x14: {  	s11 =	sshrl.u32 s23, $0x3;
	s12 =	sshrl.u32 s12, $0x3;
	s23 =	sshrl.u32 s20, $0x3  }
0x15: {  	s25 =	sshrl.u32 s25, $0x3;
	s7 =	sadd.s32 s15, s7;
	s24 =	sadd.s32 s18, s17  }
0x16: {  	s11 =	sadd.s32 s0, s11;
	s12 =	sadd.s32 s0, s12;
	s14 =	sor.u32 $0x800, s24  }
0x17: {  	s17 =	simm.s32 $0x40;
	s18 =	simm.s32 $0x800;
	s26 =	sshrl.u32 s14, $0x3  }
0x18: {  	v0 =	vimm.f32 $1.000000000e+00;
	s24 =	sshrl.u32 s21, $0x3;
	s14 =	sadd.s32 $0x80, s7;
	s15 =	sadd.s32 s26, s15  }
.LBB2_1:
0x19: {  	s0 =	simm.s32 $0x0;
	s1 =	simm.s32 $0x200  }
.LBB2_2:
0x1a: {  	p0 =	sne.s32 s1, $0x7E00;
	[tilespmem:s0+$0x870] =	vst v0  }
0x1b: {  	[tilespmem:s0+$0x800] =	vst v0  }
0x1c: {  	[tilespmem:s0+$0x810] =	vst v0  }
.Ltmp0:
0x1d: {  	[tilespmem:s0+$0x820] =	vst v0;
	(pc) =	sbr.rel @p0 .LBB2_2-.Ltmp0, $4  }
0x1e: {  	[tilespmem:s0+$0x830] =	vst v0  }
0x1f: {  	[tilespmem:s0+$0x840] =	vst v0  }
0x20: {  	[tilespmem:s0+$0x850] =	vst v0  }
0x21: {  	[tilespmem:s0+$0x860] =	vst v0;
	s0 =	sshra.s32 s1, $0x2;
	s1 =	sadd.s32 $0x200, s1  }
0x22: {  	[tilespmem:s0+$0x870] =	vst v0  }
0x23: {  	[tilespmem:s0+$0x800] =	vst v0  }
0x24: {  	[tilespmem:s0+$0x810] =	vst v0  }
0x25: {  	[tilespmem:s0+$0x820] =	vst v0  }
0x26: {  	[tilespmem:s0+$0x830] =	vst v0  }
0x27: {  	[tilespmem:s0+$0x840] =	vst v0  }
0x28: {  	[tilespmem:s0+$0x850] =	vst v0  }
0x29: {  	[tilespmem:s0+$0x860] =	vst v0;
	s1 =	sshrl.u32 s4, $0x3  }
0x2a: {  	[spmem:s1], [sflag:s6] =	dma.local [hbm:s5], $0x2800  }
0x2b: {  	_ =	swait.ge [sflag:s16], $0x2800  }
0x2c: {  	[sflag:s16] =	ssyncset.done $0x0  }
0x2d: {  	[sflag:s16] =	ssyncadd.s32 $0xFFFFD800  }
0x2e: {  	[bflag:$0x0] =	sbarrier.arrive $0xFFFF  }
0x2f: {  	[tilespmem:s3], [sflag:$0x2] =	stream.linear.gather [hbm4b:s7+s3], $0x400, $0x38;
	[tilespmem:$0x16800] =	vst v63  }
0x30: {  	_ =	swait.ge [sflag:s16], $0x400  }
0x31: {  	[sflag:s16] =	ssyncset.done $0x0  }
0x32: {  	s0 =	simm.s32 $0x400;
	[sflag:s16] =	ssyncadd.s32 $0xFFFFFC00  }
0x33: {  	[tilespmem:s0], [sflag:$0x2] =	stream.linear.gather [hbm4b:s14+s3], $0x400, $0x38;
	[tilespmem:$0x16800] =	vst v63  }
0x34: {  	_ =	swait.ge [sflag:s16], $0x400  }
0x35: {  	[sflag:s16] =	ssyncset.done $0x0  }
0x36: {  	[sflag:s16] =	ssyncadd.s32 $0xFFFFFC00  }
0x37: {  	[spmem:s2] =	stream.indirect.scatter.add.f32 [tilespmem:s18], [sflag:$0x1], $0x80, s3, s17, $0xb8;
	[tilespmem:$0x16800] =	vst v63  }
0x38: {  	s19 =	simm.s32 $0x80  }
0x39: {  	[spmem:s2] =	stream.indirect.scatter.add.f32 [tilespmem:s18], [sflag:$0x1], $0x80, s19, s17, $0xb8;
	[tilespmem:$0x16800] =	vst v63  }
0x3a: {  	s20 =	simm.s32 $0x100  }
0x3b: {  	[spmem:s2] =	stream.indirect.scatter.add.f32 [tilespmem:s18], [sflag:$0x1], $0x80, s20, s17, $0xb8;
	[tilespmem:$0x16800] =	vst v63  }
0x3c: {  	s21 =	simm.s32 $0x180  }
0x3d: {  	[spmem:s2] =	stream.indirect.scatter.add.f32 [tilespmem:s18], [sflag:$0x1], $0x80, s21, s17, $0xb8;
	[tilespmem:$0x16800] =	vst v63  }
0x3e: {  	s26 =	simm.s32 $0x200  }
0x3f: {  	[spmem:s2] =	stream.indirect.scatter.add.f32 [tilespmem:s18], [sflag:$0x1], $0x80, s26, s17, $0xb8;
	[tilespmem:$0x16800] =	vst v63  }
0x40: {  	s20 =	simm.s32 $0x280  }
0x41: {  	[spmem:s2] =	stream.indirect.scatter.add.f32 [tilespmem:s18], [sflag:$0x1], $0x80, s20, s17, $0xb8;
	[tilespmem:$0x16800] =	vst v63  }
0x42: {  	s21 =	simm.s32 $0x300  }
0x43: {  	[spmem:s2] =	stream.indirect.scatter.add.f32 [tilespmem:s18], [sflag:$0x1], $0x80, s21, s17, $0xb8;
	[tilespmem:$0x16800] =	vst v63  }
0x44: {  	s26 =	simm.s32 $0x380  }
0x45: {  	[spmem:s2] =	stream.indirect.scatter.add.f32 [tilespmem:s18], [sflag:$0x1], $0x80, s26, s17, $0xb8;
	[tilespmem:$0x16800] =	vst v63  }
0x46: {  	_ =	swait.ge [sflag:s31], $0x2000  }
0x47: {  	[sflag:s31] =	ssyncset.done $0x0  }
0x48: {  	[sflag:s31] =	ssyncadd.s32 $0xFFFFE000  }
0x49: {  	_ =	swait.ge [sflag:s31], $0x2000  }
0x4a: {  	[sflag:s31] =	ssyncset.done $0x0  }
0x4b: {  	[sflag:s31] =	ssyncadd.s32 $0xFFFFE000  }
0x4c: {  	_ =	swait.ge [sflag:s31], $0x2000  }
0x4d: {  	[sflag:s31] =	ssyncset.done $0x0  }
0x4e: {  	[sflag:s31] =	ssyncadd.s32 $0xFFFFE000  }
0x4f: {  	_ =	swait.ge [sflag:s31], $0x2000  }
0x50: {  	[sflag:s31] =	ssyncset.done $0x0  }
0x51: {  	[sflag:s31] =	ssyncadd.s32 $0xFFFFE000  }
0x52: {  	_ =	swait.ge [sflag:s31], $0x2000  }
0x53: {  	[sflag:s31] =	ssyncset.done $0x0  }
0x54: {  	[sflag:s31] =	ssyncadd.s32 $0xFFFFE000  }
0x55: {  	_ =	swait.ge [sflag:s31], $0x2000  }
0x56: {  	[sflag:s31] =	ssyncset.done $0x0  }
0x57: {  	[sflag:s31] =	ssyncadd.s32 $0xFFFFE000  }
0x58: {  	_ =	swait.ge [sflag:s31], $0x2000  }
0x59: {  	[sflag:s31] =	ssyncset.done $0x0  }
0x5a: {  	[sflag:s31] =	ssyncadd.s32 $0xFFFFE000  }
0x5b: {  	s20 =	simm.s32 $0x2000;
	_ =	swait.ge [sflag:s31], $0x2000  }
0x5c: {  	s19 =	sand.u32 $0x1000, s20;
	[sflag:s31] =	ssyncset.done $0x0  }
0x5d: {  	s19 =	sshrl.u32 s19, $0x2;
	[sflag:s31] =	ssyncadd.s32 $0xFFFFE000  }
0x5e: {  	[tilespmem:s19], [sflag:$0x2] =	stream.linear.gather [hbm4b:s15+s3], $0x400, $0x38;
	[tilespmem:$0x16800] =	vst v63  }
0x5f: {  	_ =	swait.ge [sflag:s16], $0x400  }
0x60: {  	[sflag:s16] =	ssyncset.done $0x0  }
0x61: {  	s19 =	sand.u32 $0x400, s0;
	[sflag:s16] =	ssyncadd.s32 $0xFFFFFC00  }
0x62: {  	[spmem:s2] =	stream.indirect.scatter.add.f32 [tilespmem:s18], [sflag:$0x1], $0x80, s19, s17, $0xb8;
	[tilespmem:$0x16800] =	vst v63  }
0x63: {  	s0 =	sor.u32 $0x80, s19  }
0x64: {  	[spmem:s2] =	stream.indirect.scatter.add.f32 [tilespmem:s18], [sflag:$0x1], $0x80, s0, s17, $0xb8;
	[tilespmem:$0x16800] =	vst v63  }
0x65: {  	s21 =	sor.u32 $0x100, s19  }
0x66: {  	[spmem:s2] =	stream.indirect.scatter.add.f32 [tilespmem:s18], [sflag:$0x1], $0x80, s21, s17, $0xb8;
	[tilespmem:$0x16800] =	vst v63  }
0x67: {  	s26 =	sor.u32 $0x180, s19  }
0x68: {  	[spmem:s2] =	stream.indirect.scatter.add.f32 [tilespmem:s18], [sflag:$0x1], $0x80, s26, s17, $0xb8;
	[tilespmem:$0x16800] =	vst v63  }
0x69: {  	s20 =	sor.u32 $0x200, s19  }
0x6a: {  	[spmem:s2] =	stream.indirect.scatter.add.f32 [tilespmem:s18], [sflag:$0x1], $0x80, s20, s17, $0xb8;
	[tilespmem:$0x16800] =	vst v63  }
0x6b: {  	s0 =	simm.s32 $0x800;
	s21 =	sor.u32 $0x280, s19;
	s26 =	sor.u32 $0x300, s19  }
0x6c: {  	[spmem:s2] =	stream.indirect.scatter.add.f32 [tilespmem:s18], [sflag:$0x1], $0x80, s21, s17, $0xb8;
	[tilespmem:$0x16800] =	vst v63  }
0x6d: {  	s20 =	simm.s32 $0x3000;
	s21 =	sor.u32 $0x380, s19;
	s19 =	sadd.s32 $0x80, s15  }
0x6e: {  	[spmem:s2] =	stream.indirect.scatter.add.f32 [tilespmem:s18], [sflag:$0x1], $0x80, s26, s17, $0xb8;
	[tilespmem:$0x16800] =	vst v63  }
.LBB2_4:
0x6f: {  	[spmem:s2] =	stream.indirect.scatter.add.f32 [tilespmem:s18], [sflag:$0x1], $0x80, s21, s17, $0xb8;
	[tilespmem:$0x16800] =	vst v63  }
0x70: {  	s21 =	smov.u32 s0  }
0x71: {  	p0 =	sne.s32 s0, $0x4800;
	s0 =	sadd.s32 $0x400, s0;
	_ =	swait.ge [sflag:s31], $0x2000  }
0x72: {  	[sflag:s31] =	ssyncset.done $0x0  }
0x73: {  	[sflag:s31] =	ssyncadd.s32 $0xFFFFE000  }
0x74: {  	_ =	swait.ge [sflag:s31], $0x2000  }
0x75: {  	[sflag:s31] =	ssyncset.done $0x0  }
0x76: {  	[sflag:s31] =	ssyncadd.s32 $0xFFFFE000  }
0x77: {  	_ =	swait.ge [sflag:s31], $0x2000  }
0x78: {  	[sflag:s31] =	ssyncset.done $0x0  }
0x79: {  	[sflag:s31] =	ssyncadd.s32 $0xFFFFE000  }
0x7a: {  	_ =	swait.ge [sflag:s31], $0x2000  }
0x7b: {  	[sflag:s31] =	ssyncset.done $0x0  }
0x7c: {  	[sflag:s31] =	ssyncadd.s32 $0xFFFFE000  }
0x7d: {  	_ =	swait.ge [sflag:s31], $0x2000  }
0x7e: {  	[sflag:s31] =	ssyncset.done $0x0  }
0x7f: {  	[sflag:s31] =	ssyncadd.s32 $0xFFFFE000  }
0x80: {  	_ =	swait.ge [sflag:s31], $0x2000  }
0x81: {  	[sflag:s31] =	ssyncset.done $0x0  }
0x82: {  	[sflag:s31] =	ssyncadd.s32 $0xFFFFE000  }
0x83: {  	_ =	swait.ge [sflag:s31], $0x2000  }
0x84: {  	[sflag:s31] =	ssyncset.done $0x0  }
0x85: {  	[sflag:s31] =	ssyncadd.s32 $0xFFFFE000  }
0x86: {  	_ =	swait.ge [sflag:s31], $0x2000  }
0x87: {  	s26 =	sand.u32 $0x1000, s20;
	[sflag:s31] =	ssyncset.done $0x0  }
0x88: {  	s26 =	sshrl.u32 s26, $0x2;
	[sflag:s31] =	ssyncadd.s32 $0xFFFFE000  }
0x89: {  	[tilespmem:s26], [sflag:$0x2] =	stream.linear.gather [hbm4b:s19+s3], $0x400, $0x38;
	[tilespmem:$0x16800] =	vst v63  }
0x8a: {  	_ =	swait.ge [sflag:s16], $0x400  }
0x8b: {  	[sflag:s16] =	ssyncset.done $0x0  }
0x8c: {  	s21 =	sand.u32 $0x400, s21;
	[sflag:s16] =	ssyncadd.s32 $0xFFFFFC00  }
0x8d: {  	[spmem:s2] =	stream.indirect.scatter.add.f32 [tilespmem:s18], [sflag:$0x1], $0x80, s21, s17, $0xb8;
	[tilespmem:$0x16800] =	vst v63  }
0x8e: {  	s26 =	sor.u32 $0x80, s21  }
0x8f: {  	[spmem:s2] =	stream.indirect.scatter.add.f32 [tilespmem:s18], [sflag:$0x1], $0x80, s26, s17, $0xb8;
	[tilespmem:$0x16800] =	vst v63  }
0x90: {  	s26 =	sor.u32 $0x100, s21  }
0x91: {  	[spmem:s2] =	stream.indirect.scatter.add.f32 [tilespmem:s18], [sflag:$0x1], $0x80, s26, s17, $0xb8;
	[tilespmem:$0x16800] =	vst v63  }
0x92: {  	s26 =	sor.u32 $0x180, s21  }
0x93: {  	[spmem:s2] =	stream.indirect.scatter.add.f32 [tilespmem:s18], [sflag:$0x1], $0x80, s26, s17, $0xb8;
	[tilespmem:$0x16800] =	vst v63  }
0x94: {  	s26 =	sor.u32 $0x200, s21  }
0x95: {  	[spmem:s2] =	stream.indirect.scatter.add.f32 [tilespmem:s18], [sflag:$0x1], $0x80, s26, s17, $0xb8;
	[tilespmem:$0x16800] =	vst v63  }
.Ltmp1:
0x96: {  	s26 =	sor.u32 $0x280, s21;
	(pc) =	sbr.rel @p0 .LBB2_4-.Ltmp1, $4  }
0x97: {  	[spmem:s2] =	stream.indirect.scatter.add.f32 [tilespmem:s18], [sflag:$0x1], $0x80, s26, s17, $0xb8;
	[tilespmem:$0x16800] =	vst v63  }
0x98: {  	s26 =	sor.u32 $0x300, s21  }
0x99: {  	[spmem:s2] =	stream.indirect.scatter.add.f32 [tilespmem:s18], [sflag:$0x1], $0x80, s26, s17, $0xb8;
	[tilespmem:$0x16800] =	vst v63  }
0x9a: {  	s20 =	sadd.s32 $0x1000, s20;
	s19 =	sadd.s32 $0x80, s19;
	s21 =	sor.u32 $0x380, s21  }
0x9b: {  	[spmem:s2] =	stream.indirect.scatter.add.f32 [tilespmem:s18], [sflag:$0x1], $0x80, s21, s17, $0xb8;
	[tilespmem:$0x16800] =	vst v63  }
0x9c: {  	_ =	swait.ge [sflag:s31], $0x2000  }
0x9d: {  	[sflag:s31] =	ssyncset.done $0x0  }
0x9e: {  	[sflag:s31] =	ssyncadd.s32 $0xFFFFE000  }
0x9f: {  	_ =	swait.ge [sflag:s31], $0x2000  }
0xa0: {  	[sflag:s31] =	ssyncset.done $0x0  }
0xa1: {  	[sflag:s31] =	ssyncadd.s32 $0xFFFFE000  }
0xa2: {  	_ =	swait.ge [sflag:s31], $0x2000  }
0xa3: {  	[sflag:s31] =	ssyncset.done $0x0  }
0xa4: {  	[sflag:s31] =	ssyncadd.s32 $0xFFFFE000  }
0xa5: {  	_ =	swait.ge [sflag:s31], $0x2000  }
0xa6: {  	[sflag:s31] =	ssyncset.done $0x0  }
0xa7: {  	[sflag:s31] =	ssyncadd.s32 $0xFFFFE000  }
0xa8: {  	_ =	swait.ge [sflag:s31], $0x2000  }
0xa9: {  	[sflag:s31] =	ssyncset.done $0x0  }
0xaa: {  	[sflag:s31] =	ssyncadd.s32 $0xFFFFE000  }
0xab: {  	_ =	swait.ge [sflag:s31], $0x2000  }
0xac: {  	[sflag:s31] =	ssyncset.done $0x0  }
0xad: {  	[sflag:s31] =	ssyncadd.s32 $0xFFFFE000  }
0xae: {  	_ =	swait.ge [sflag:s31], $0x2000  }
0xaf: {  	[sflag:s31] =	ssyncset.done $0x0  }
0xb0: {  	[sflag:s31] =	ssyncadd.s32 $0xFFFFE000  }
0xb1: {  	_ =	swait.ge [sflag:s31], $0x2000  }
0xb2: {  	[sflag:s31] =	ssyncset.done $0x0  }
0xb3: {  	s0 =	simm.s32 $0x400;
	[sflag:s31] =	ssyncadd.s32 $0xFFFFE000  }
0xb4: {  	[spmem:s2] =	stream.indirect.scatter.add.f32 [tilespmem:s18], [sflag:$0x1], $0x80, s0, s17, $0xb8;
	[tilespmem:$0x16800] =	vst v63  }
0xb5: {  	s26 =	simm.s32 $0x480  }
0xb6: {  	[spmem:s2] =	stream.indirect.scatter.add.f32 [tilespmem:s18], [sflag:$0x1], $0x80, s26, s17, $0xb8;
	[tilespmem:$0x16800] =	vst v63  }
0xb7: {  	s19 =	simm.s32 $0x500  }
0xb8: {  	[spmem:s2] =	stream.indirect.scatter.add.f32 [tilespmem:s18], [sflag:$0x1], $0x80, s19, s17, $0xb8;
	[tilespmem:$0x16800] =	vst v63  }
0xb9: {  	s20 =	simm.s32 $0x580  }
0xba: {  	[spmem:s2] =	stream.indirect.scatter.add.f32 [tilespmem:s18], [sflag:$0x1], $0x80, s20, s17, $0xb8;
	[tilespmem:$0x16800] =	vst v63  }
0xbb: {  	s21 =	simm.s32 $0x600  }
0xbc: {  	[spmem:s2] =	stream.indirect.scatter.add.f32 [tilespmem:s18], [sflag:$0x1], $0x80, s21, s17, $0xb8;
	[tilespmem:$0x16800] =	vst v63  }
0xbd: {  	s26 =	simm.s32 $0x680  }
0xbe: {  	[spmem:s2] =	stream.indirect.scatter.add.f32 [tilespmem:s18], [sflag:$0x1], $0x80, s26, s17, $0xb8;
	[tilespmem:$0x16800] =	vst v63  }
0xbf: {  	_ = 	snop  }
0xc0: {  	[spmem:s2] =	stream.indirect.scatter.add.f32 [tilespmem:s18], [sflag:$0x1], $0x80, s28, s17, $0xb8;
	[tilespmem:$0x16800] =	vst v63  }
0xc1: {  	_ = 	snop  }
0xc2: {  	[spmem:s2] =	stream.indirect.scatter.add.f32 [tilespmem:s18], [sflag:$0x1], $0x80, s29, s17, $0xb8;
	[tilespmem:$0x16800] =	vst v63  }
0xc3: {  	_ =	swait.ge [sflag:s31], $0x2000  }
0xc4: {  	[sflag:s31] =	ssyncset.done $0x0  }
0xc5: {  	[sflag:s31] =	ssyncadd.s32 $0xFFFFE000  }
0xc6: {  	_ =	swait.ge [sflag:s31], $0x2000  }
0xc7: {  	[sflag:s31] =	ssyncset.done $0x0  }
0xc8: {  	[sflag:s31] =	ssyncadd.s32 $0xFFFFE000  }
0xc9: {  	_ =	swait.ge [sflag:s31], $0x2000  }
0xca: {  	[sflag:s31] =	ssyncset.done $0x0  }
0xcb: {  	[sflag:s31] =	ssyncadd.s32 $0xFFFFE000  }
0xcc: {  	_ =	swait.ge [sflag:s31], $0x2000  }
0xcd: {  	[sflag:s31] =	ssyncset.done $0x0  }
0xce: {  	[sflag:s31] =	ssyncadd.s32 $0xFFFFE000  }
0xcf: {  	_ =	swait.ge [sflag:s31], $0x2000  }
0xd0: {  	[sflag:s31] =	ssyncset.done $0x0  }
0xd1: {  	[sflag:s31] =	ssyncadd.s32 $0xFFFFE000  }
0xd2: {  	_ =	swait.ge [sflag:s31], $0x2000  }
0xd3: {  	[sflag:s31] =	ssyncset.done $0x0  }
0xd4: {  	[sflag:s31] =	ssyncadd.s32 $0xFFFFE000  }
0xd5: {  	_ =	swait.ge [sflag:s31], $0x2000  }
0xd6: {  	[sflag:s31] =	ssyncset.done $0x0  }
0xd7: {  	[sflag:s31] =	ssyncadd.s32 $0xFFFFE000  }
0xd8: {  	_ =	swait.ge [sflag:s31], $0x2000  }
0xd9: {  	[sflag:s31] =	ssyncset.done $0x0  }
0xda: {  	[sflag:s31] =	ssyncadd.s32 $0xFFFFE000  }
0xdb: {  	[bflag:$0x0] =	sbarrier.arrive $0xFFFF  }
0xdc: {  	[hbm:s8], [sflag:s6] =	dma.local [spmem:s1], $0x800  }
0xdd: {  	_ =	swait.ge [sflag:s16], $0x800  }
0xde: {  	[sflag:s16] =	ssyncset.done $0x0  }
0xdf: {  	[sflag:s16] =	ssyncadd.s32 $0xFFFFF800  }
0xe0: {  	[hbm:s9], [sflag:s6] =	dma.local [spmem:s22], $0x800  }
0xe1: {  	_ =	swait.ge [sflag:s16], $0x800  }
0xe2: {  	[sflag:s16] =	ssyncset.done $0x0  }
0xe3: {  	[sflag:s16] =	ssyncadd.s32 $0xFFFFF800  }
0xe4: {  	[hbm:s10], [sflag:s6] =	dma.local [spmem:s23], $0x800  }
0xe5: {  	_ =	swait.ge [sflag:s16], $0x800  }
0xe6: {  	[sflag:s16] =	ssyncset.done $0x0  }
0xe7: {  	[sflag:s16] =	ssyncadd.s32 $0xFFFFF800  }
0xe8: {  	[hbm:s11], [sflag:s6] =	dma.local [spmem:s24], $0x800  }
0xe9: {  	s30 =	sadd.s32 $0x1, s30;
	_ =	swait.ge [sflag:s16], $0x800  }
0xea: {  	p0 =	sne.s32 s30, s13;
	[sflag:s16] =	ssyncset.done $0x0  }
.Ltmp2:
0xeb: {  	[sflag:s16] =	ssyncadd.s32 $0xFFFFF800;
	(pc) =	sbr.rel @p0 .LBB2_1-.Ltmp2, $4  }
0xec: {  	[hbm:s12], [sflag:s6] =	dma.local [spmem:s25], $0x800  }
0xed: {  	_ =	swait.ge [sflag:s16], $0x800  }
0xee: {  	[sflag:s16] =	ssyncset.done $0x0  }
0xef: {  	[sflag:s16] =	ssyncadd.s32 $0xFFFFF800  }
0xf0: {  	_ =	sfence.sel $0x180000  }
0xf1: {  	[bflag:$0x0] =	sbarrier.arrive $0xFFFF  }
0xf2: {  	_ =	strace $0x9000004A  }
0xf3: {  	s0 =	stileid.u32;
	[bflag:$0x2] =	sbarrier.arrive $0xFFFF  }
0xf4: {  	p0 =	sne.s32 s0, $0x0;
	s0 =	rddreg [dreg:$0x2]  }
0xf5: {  	s0 =	sadd.s32 @!p0 $0x100000, s0  }
0xf6: {  	[sflag:s0] =	ssyncadd.tile.s32 @!p0 $0x1;
	_ =	shalt  }
.Lfunc_end2:
_tile_overlayer_lowered:
.L_overlay_start_2:
0xf7: {  	(tag) =	ssettag $0x2  }
0xf8: {  	s0 =	rddreg [dreg:$0x0];
	s2 =	stileid.u32  }
0xf9: {  	s1 =	rddreg [dreg:$0x1];
	p0 =	sne.s32 s2, $0x0  }
0xfa: {  	s3 =	rddreg [dreg:$0x2];
	[bflag:$0x3] =	sbarrier.arrive $0xFFFF;
	s2 =	simm.s32 @!p0 $0x1C02  }
0xfb: {  	[timem:s3], [sflag:s2] =	dma.local @!p0 [hbm:s0], s1  }
0xfc: {  	s0 =	simm.s32 @!p0 $0x2  }
0xfd: {  	_ =	swait.ge @!p0 [sflag:s0], s1  }
0xfe: {  	s1 =	ssub.s32 @!p0 $0x0, s1;
	[sflag:s0] =	ssyncset.done @!p0 $0x0  }
0xff: {  	[sflag:s0] =	ssyncadd.s32 @!p0 s1  }
0x100: {  	[bflag:$0x3] =	sbarrier.arrive $0xFFFF  }
0x101: {  	_ =	shalt  }

</sc_bundles>
